<compile_context>
chip_gen: v7x
topology: tpu7x:2x2x1
jax: 0.10.2.dev20260603
libtpu: 0.0.44.dev20260713+nightly
codegen_flags: <defaults>
</compile_context>

<pallas_src>
import functools

import jax
import jax.numpy as jnp
from jax import lax
from jax.experimental import pallas as pl
from jax.experimental.pallas import tpu as pltpu
from jax.experimental.pallas import tpu_sc as plsc

N = 10000
D = 128
H = 128
E = 320000
EP = E + N
NS = 16
EPT = 21504
EBLK = 1024
NBLK = EPT // EBLK
NCH = EBLK // 128
EPAD = EPT * NS
ROWS_PT = 640
NPAD = ROWS_PT * NS
RCH = ROWS_PT // 16

RB = 1000


def _dense_body(g_ref, wt_ref, ap_ref, h_ref, ea_ref):
    gb = g_ref[...]
    h = jnp.dot(gb, wt_ref[0], preferred_element_type=jnp.float32)
    h_ref[0] = h
    ea_ref[0] = jnp.dot(h, ap_ref[0], preferred_element_type=jnp.float32)


def _dense(g, WT, AP):
    return pl.pallas_call(
        _dense_body,
        grid=(2, N // RB),
        in_specs=[
            pl.BlockSpec((RB, D), lambda i, j: (j, 0)),
            pl.BlockSpec((1, D, H), lambda i, j: (i, 0, 0)),
            pl.BlockSpec((1, H, H), lambda i, j: (i, 0, 0)),
        ],
        out_specs=[
            pl.BlockSpec((1, RB, H), lambda i, j: (i, j, 0)),
            pl.BlockSpec((1, RB, H), lambda i, j: (i, j, 0)),
        ],
        out_shape=[
            jax.ShapeDtypeStruct((2, N, H), jnp.float32),
            jax.ShapeDtypeStruct((2, N, H), jnp.float32),
        ],
    )(g, WT, AP)


def _rsqrt16(x):
    xi = plsc.bitcast(x, jnp.int32)
    y = plsc.bitcast(jnp.int32(0x5F3759DF) - (xi >> 1), jnp.float32)
    for _ in range(4):
        y = y * (1.5 - 0.5 * x * y * y)
    return y


def _sc_body(h1, h2, as1, ad1, as2, ad2, srcp, dstp, p1, p2,
             s_out, y_out,
             out_sp, den_sp, stat_sp, asrc_sp, adst_sp,
             par_v, sidx_v, didx_v, exv_v, asv_v, adv_v,
             rows_v, rb_v, denv_v, yv_v, st_v, mi_v, wf_v,
             lsem, dsem, gsem0, gsem1, ssem0, ssem1):
    c = lax.axis_index("c")
    sid = lax.axis_index("s")
    rbase = sid * ROWS_PT

    @pl.when(c == 0)
    def _():
        pltpu.sync_copy(as1.at[pl.ds(rbase, ROWS_PT)],
                        asrc_sp.at[pl.ds(rbase, ROWS_PT)])
        pltpu.sync_copy(ad1.at[pl.ds(rbase, ROWS_PT)],
                        adst_sp.at[pl.ds(rbase, ROWS_PT)])
        pltpu.sync_copy(p1, par_v)

    @pl.when(c == 1)
    def _():
        pltpu.sync_copy(as2.at[pl.ds(rbase, ROWS_PT)],
                        asrc_sp.at[pl.ds(rbase, ROWS_PT)])
        pltpu.sync_copy(ad2.at[pl.ds(rbase, ROWS_PT)],
                        adst_sp.at[pl.ds(rbase, ROWS_PT)])
        pltpu.sync_copy(p2, par_v)

    zf = jnp.zeros((16,), jnp.float32)

    @pl.loop(0, 16)
    def _(i):
        for cc in range(8):
            rb_v[i, pl.ds(cc * 16, 16)] = zf

    @pl.loop(0, RCH)
    def _(k):
        yv_v[pl.ds(k * 16, 16)] = zf

        @pl.when(rbase + k * 16 < N)
        def _():
            pltpu.sync_copy(rb_v, out_sp.at[pl.ds(rbase + k * 16, 16)])

    pltpu.sync_copy(yv_v, den_sp.at[pl.ds(sid * ROWS_PT, ROWS_PT)])
    plsc.subcore_barrier()

    lane = lax.iota(jnp.int32, 16)

    def _issue_gather(kk, buf):
        srow = sidx_v.at[kk]

        @pl.when((buf == 0) & (c == 0))
        def _():
            pltpu.async_copy(h1.at[srow], rows_v.at[0], gsem0)

        @pl.when((buf == 0) & (c == 1))
        def _():
            pltpu.async_copy(h2.at[srow], rows_v.at[0], gsem0)

        @pl.when((buf == 1) & (c == 0))
        def _():
            pltpu.async_copy(h1.at[srow], rows_v.at[1], gsem1)

        @pl.when((buf == 1) & (c == 1))
        def _():
            pltpu.async_copy(h2.at[srow], rows_v.at[1], gsem1)

    def _wait_gather(kk, buf):
        @pl.when(buf == 0)
        def _():
            pltpu.make_async_copy(h1.at[sidx_v.at[kk]], rows_v.at[0], gsem0).wait()

        @pl.when(buf == 1)
        def _():
            pltpu.make_async_copy(h1.at[sidx_v.at[kk]], rows_v.at[1], gsem1).wait()

    def _wait_scatter(kk, buf):
        @pl.when(buf == 0)
        def _():
            pltpu.make_async_copy(rows_v.at[0], out_sp.at[didx_v.at[kk]], ssem0).wait()

        @pl.when(buf == 1)
        def _():
            pltpu.make_async_copy(rows_v.at[1], out_sp.at[didx_v.at[kk]], ssem1).wait()

    @pl.loop(0, NBLK)
    def _(b):
        boff = sid * (EPT // 128) + b * NCH
        eoff = sid * EPT + b * EBLK
        pltpu.sync_copy(srcp.at[pl.ds(boff, NCH)], sidx_v)
        pltpu.sync_copy(dstp.at[pl.ds(boff, NCH)], didx_v)

        @pl.loop(0, NCH)
        def _(kk):
            pltpu.async_copy(asrc_sp.at[sidx_v.at[kk]], asv_v.at[kk], lsem)
            pltpu.async_copy(adst_sp.at[didx_v.at[kk]], adv_v.at[kk], lsem)

        @pl.loop(0, NCH)
        def _(kk):
            pltpu.make_async_copy(asrc_sp.at[sidx_v.at[kk]], asv_v.at[kk], lsem).wait()
            pltpu.make_async_copy(adst_sp.at[didx_v.at[kk]], adv_v.at[kk], lsem).wait()

        @pl.loop(0, NCH)
        def _(kk):
            for gi in range(8):
                sl = pl.ds(gi * 16, 16)
                ev = asv_v[kk, sl] + adv_v[kk, sl]
                ev = jnp.where(ev > 0, ev, 0.2 * ev)
                ex = jnp.exp(ev)
                gidx = eoff + kk * 128 + gi * 16 + lane
                exv_v[kk, sl] = jnp.where(gidx < EP, ex, 0.0)
            pltpu.sync_copy(exv_v.at[kk], den_sp.at[didx_v.at[kk]], add=True)

        _issue_gather(0, 0)

        @pl.loop(0, NCH)
        def _(kk):
            buf = kk & 1
            _wait_gather(kk, buf)

            @pl.when(kk + 1 < NCH)
            def _():
                @pl.when(kk >= 1)
                def _():
                    _wait_scatter(kk - 1, 1 - buf)

                _issue_gather(kk + 1, 1 - buf)

            @pl.loop(0, 128)
            def _(j):
                w = plsc.load_gather(
                    exv_v, [jnp.full((16,), kk, jnp.int32),
                            jnp.full((16,), j, jnp.int32)])
                for cc in range(8):
                    sl = pl.ds(cc * 16, 16)
                    rows_v[buf, j, sl] = rows_v[buf, j, sl] * w

            @pl.when(buf == 0)
            def _():
                pltpu.async_copy(rows_v.at[0], out_sp.at[didx_v.at[kk]], ssem0, add=True)

            @pl.when(buf == 1)
            def _():
                pltpu.async_copy(rows_v.at[1], out_sp.at[didx_v.at[kk]], ssem1, add=True)

        _wait_scatter(NCH - 2, 0)
        _wait_scatter(NCH - 1, 1)

    plsc.subcore_barrier()
    plsc.subcore_barrier()

    pltpu.sync_copy(den_sp.at[pl.ds(sid * ROWS_PT, ROWS_PT)], denv_v)
    for cc in range(8):
        st_v[0, pl.ds(cc * 16, 16)] = zf
        st_v[1, pl.ds(cc * 16, 16)] = zf

    @pl.loop(0, RCH)
    def _(k):
        @pl.when(rbase + k * 16 < N)
        def _():
            pltpu.sync_copy(out_sp.at[pl.ds(rbase + k * 16, 16)], rb_v)

            @pl.loop(0, 16)
            def _(j):
                d = plsc.load_gather(
                    denv_v, [jnp.full((16,), k * 16 + j, jnp.int32)])
                dinv = 1.0 / d
                for cc in range(8):
                    sl = pl.ds(cc * 16, 16)
                    v = rb_v[j, sl] * dinv + par_v[pl.ds(cc * 16, 16)]
                    v = jnp.maximum(v, 0.0)
                    rb_v[j, sl] = v
                    st_v[0, sl] = st_v[0, sl] + v
                    st_v[1, sl] = st_v[1, sl] + v * v

            pltpu.sync_copy(rb_v, out_sp.at[pl.ds(rbase + k * 16, 16)])

    pltpu.sync_copy(st_v.at[0], stat_sp.at[0, sid])
    pltpu.sync_copy(st_v.at[1], stat_sp.at[1, sid])
    plsc.subcore_barrier()
    inv_n = 1.0 / N
    pltpu.sync_copy(stat_sp.at[0], rb_v)
    for cc in range(8):
        sl = pl.ds(cc * 16, 16)
        acc = jnp.zeros((16,), jnp.float32)
        for t in range(NS):
            acc = acc + rb_v[t, sl]
        mi_v[0, sl] = acc * inv_n
    pltpu.sync_copy(stat_sp.at[1], rb_v)
    for cc in range(8):
        sl = pl.ds(cc * 16, 16)
        acc = jnp.zeros((16,), jnp.float32)
        for t in range(NS):
            acc = acc + rb_v[t, sl]
        mean = mi_v[0, sl]
        var = acc * inv_n - mean * mean
        mi_v[1, sl] = _rsqrt16(var + 1e-5)

    @pl.when(c == 0)
    def _():
        @pl.loop(0, RCH)
        def _(k):
            @pl.when(rbase + k * 16 < N)
            def _():
                pltpu.sync_copy(out_sp.at[pl.ds(rbase + k * 16, 16)], rb_v)

                @pl.loop(0, 16)
                def _(j):
                    for cc in range(8):
                        sl = pl.ds(cc * 16, 16)
                        gm = par_v[pl.ds(128 + cc * 16, 16)]
                        bt = par_v[pl.ds(256 + cc * 16, 16)]
                        v = (rb_v[j, sl] - mi_v[0, sl]) * mi_v[1, sl]
                        rb_v[j, sl] = v * gm + bt

                pltpu.sync_copy(rb_v, s_out.at[pl.ds(rbase + k * 16, 16)])

    @pl.when(c == 1)
    def _():
        cacc = jnp.zeros((16,), jnp.float32)
        for cc in range(8):
            sl = pl.ds(cc * 16, 16)
            gm = par_v[pl.ds(128 + cc * 16, 16)]
            bt = par_v[pl.ds(256 + cc * 16, 16)]
            wc = par_v[pl.ds(384 + cc * 16, 16)]
            gi = gm * mi_v[1, sl]
            wf_v[pl.ds(cc * 16, 16)] = gi * wc
            cacc = cacc + (bt - mi_v[0, sl] * gi) * wc
        cconst = jnp.sum(cacc) + par_v[pl.ds(512, 16)][0]

        @pl.loop(0, RCH)
        def _(k):
            @pl.when(rbase + k * 16 < N)
            def _():
                pltpu.sync_copy(out_sp.at[pl.ds(rbase + k * 16, 16)], rb_v)

                @pl.loop(0, 16)
                def _(j):
                    acc = jnp.zeros((16,), jnp.float32)
                    for cc in range(8):
                        acc = acc + rb_v[j, pl.ds(cc * 16, 16)] * wf_v[pl.ds(cc * 16, 16)]
                    yj = jnp.sum(acc) + cconst
                    plsc.store_scatter(
                        yv_v, [jnp.full((16,), k * 16 + j, jnp.int32)],
                        jnp.full((16,), yj, jnp.float32),
                        mask=lane == 0)

        pltpu.sync_copy(yv_v, y_out.at[pl.ds(sid * ROWS_PT, ROWS_PT)])


_sc_call = pl.kernel(
    _sc_body,
    out_type=(
        jax.ShapeDtypeStruct((N, H), jnp.float32),
        jax.ShapeDtypeStruct((NPAD,), jnp.float32),
    ),
    mesh=plsc.VectorSubcoreMesh(core_axis_name="c", subcore_axis_name="s"),
    compiler_params=pltpu.CompilerParams(needs_layout_passes=False),
    scratch_types=[
        pltpu.VMEM_SHARED((N, H), jnp.float32),
        pltpu.VMEM_SHARED((NPAD,), jnp.float32),
        pltpu.VMEM_SHARED((2, NS, H), jnp.float32),
        pltpu.VMEM_SHARED((NPAD,), jnp.float32),
        pltpu.VMEM_SHARED((NPAD,), jnp.float32),
        pltpu.VMEM((640,), jnp.float32),
        pltpu.VMEM((NCH, 128), jnp.int32),
        pltpu.VMEM((NCH, 128), jnp.int32),
        pltpu.VMEM((NCH, 128), jnp.float32),
        pltpu.VMEM((NCH, 128), jnp.float32),
        pltpu.VMEM((NCH, 128), jnp.float32),
        pltpu.VMEM((2, 128, H), jnp.float32),
        pltpu.VMEM((16, H), jnp.float32),
        pltpu.VMEM((ROWS_PT,), jnp.float32),
        pltpu.VMEM((ROWS_PT,), jnp.float32),
        pltpu.VMEM((2, H), jnp.float32),
        pltpu.VMEM((2, H), jnp.float32),
        pltpu.VMEM((H,), jnp.float32),
        pltpu.SemaphoreType.DMA,
        pltpu.SemaphoreType.DMA,
        pltpu.SemaphoreType.DMA,
        pltpu.SemaphoreType.DMA,
        pltpu.SemaphoreType.DMA,
        pltpu.SemaphoreType.DMA,
    ],
)


def kernel(g, x, W1, a_src1, a_dst1, b1, gamma1, beta1,
           W2, a_src2, a_dst2, b2, gamma2, beta2, Wc, bc):
    WT = jnp.stack([W1.T, W2.T])
    zc = jnp.zeros((H, 126), jnp.float32)
    A1 = jnp.concatenate([a_src1[:, None], a_dst1[:, None], zc], axis=1)
    A2 = jnp.concatenate([a_src2[:, None], a_dst2[:, None], zc], axis=1)
    AP = jnp.stack([A1, A2])

    hb, eab = _dense(g, WT, AP)
    h1 = hb[0]
    h2 = hb[1]
    padn = ((0, NPAD - N),)
    as1 = jnp.pad(eab[0, :, 0], padn)
    ad1 = jnp.pad(eab[0, :, 1], padn)
    as2 = jnp.pad(eab[1, :, 0], padn)
    ad2 = jnp.pad(eab[1, :, 1], padn)

    loops = jnp.arange(N, dtype=x.dtype)
    npad = EPAD - EP
    padi = (jnp.arange(npad, dtype=x.dtype) * 997) % N
    srcp = jnp.concatenate([x[0], loops, padi]).reshape(EPAD // 128, 128)
    dstp = jnp.concatenate([x[1], loops, padi]).reshape(EPAD // 128, 128)

    zh = jnp.zeros((H,), jnp.float32)
    p1 = jnp.concatenate([b1, gamma1, beta1, zh, zh])
    p2 = jnp.concatenate([b2, gamma2, beta2, Wc[0], jnp.full((H,), bc[0])])

    s, ypad = _sc_call(h1, h2, as1, ad1, as2, ad2, srcp, dstp, p1, p2)
    y = ypad[:N].reshape(N, 1)
    return (y, s)

# --- scband reference (transcript-rebuilt; emitter-appended) ---
"""Pipeline reference for scband-fair-gnn-3-38740605010064 (READ-ONLY COPY).

The authoritative reference and input builder live on the scoring server;
editing this copy changes nothing except your own understanding.
"""

import jax, jax.numpy as jnp
import numpy as np

N = 10000
E = 320000
D = 128
H = 128


def gat_conv(x, src, dst, W, a_src, a_dst, b):
    # x: [N, D], W: [H, D], a_src/a_dst: [H], b: [H]
    h = x @ W.T  # [N, H]
    alpha_src = h @ a_src  # [N]
    alpha_dst = h @ a_dst  # [N]
    e = alpha_src[src] + alpha_dst[dst]
    e = jnp.where(e > 0, e, 0.2 * e)  # LeakyReLU(0.2)
    emax = jax.ops.segment_max(e, dst, num_segments=N)
    ex = jnp.exp(e - emax[dst])
    denom = jax.ops.segment_sum(ex, dst, num_segments=N)
    alpha = ex / denom[dst]
    out = jax.ops.segment_sum(alpha[:, None] * h[src], dst, num_segments=N)
    return out + b


def gat_block(x, edge_index, W, a_src, a_dst, b, gamma, beta):
    # add self loops (PyG GATConv default)
    loops = jnp.arange(N, dtype=edge_index.dtype)
    src = jnp.concatenate([edge_index[0], loops])
    dst = jnp.concatenate([edge_index[1], loops])
    out = gat_conv(x, src, dst, W, a_src, a_dst, b)
    # flatten(start_dim=1) is identity for heads=1
    # transition: ReLU -> BatchNorm1d (training-mode batch stats) -> Dropout (identity)
    out = jnp.maximum(out, 0.0)
    mean = jnp.mean(out, axis=0)
    var = jnp.var(out, axis=0)
    out = (out - mean) / jnp.sqrt(var + 1e-5)
    out = out * gamma + beta
    return out


def setup_inputs(seed: int = 0) -> dict:
    key = jax.random.key(seed)
    ks = jax.random.split(key, 16)
    g = jax.random.normal(ks[0], (N, D), dtype=jnp.float32)
    x = jax.random.randint(ks[1], (2, E), 0, N)
    s1 = 1.0 / np.sqrt(D)
    W1 = jax.random.normal(ks[2], (H, D), dtype=jnp.float32) * s1
    a_src1 = jax.random.normal(ks[3], (H,), dtype=jnp.float32) * 0.1
    a_dst1 = jax.random.normal(ks[4], (H,), dtype=jnp.float32) * 0.1
    b1 = jnp.zeros((H,), dtype=jnp.float32)
    gamma1 = jnp.ones((H,), dtype=jnp.float32)
    beta1 = jnp.zeros((H,), dtype=jnp.float32)
    W2 = jax.random.normal(ks[5], (H, D), dtype=jnp.float32) * s1
    a_src2 = jax.random.normal(ks[6], (H,), dtype=jnp.float32) * 0.1
    a_dst2 = jax.random.normal(ks[7], (H,), dtype=jnp.float32) * 0.1
    b2 = jnp.zeros((H,), dtype=jnp.float32)
    gamma2 = jnp.ones((H,), dtype=jnp.float32)
    beta2 = jnp.zeros((H,), dtype=jnp.float32)
    Wc = jax.random.normal(ks[8], (1, H), dtype=jnp.float32) * (1.0 / np.sqrt(H))
    bc = jnp.zeros((1,), dtype=jnp.float32)
    return {"g": g, "x": x, "W1": W1, "a_src1": a_src1, "a_dst1": a_dst1, "b1": b1,
            "gamma1": gamma1, "beta1": beta1, "W2": W2, "a_src2": a_src2,
            "a_dst2": a_dst2, "b2": b2, "gamma2": gamma2, "beta2": beta2,
            "Wc": Wc, "bc": bc}


def reference(g, x, W1, a_src1, a_dst1, b1, gamma1, beta1,
              W2, a_src2, a_dst2, b2, gamma2, beta2, Wc, bc):
    # FairGNN_3.forward(g, x): s = estimator(g, x); z = GNN(g, x); y = classifier(z)
    s = gat_block(g, x, W1, a_src1, a_dst1, b1, gamma1, beta1)
    z = gat_block(g, x, W2, a_src2, a_dst2, b2, gamma2, beta2)
    y = z @ Wc.T + bc
    return (y, s)

if __name__ == "__main__":
    import jax
    _d = setup_inputs()
    print(jax.jit(kernel)(*tuple(_d.values())))

</pallas_src>

<mosaic_0001>
#map = affine_map<(d0, d1) -> (0, 0)>
#map1 = affine_map<(d0, d1) -> (0)>
module attributes {stable_mosaic.version = 14 : i64} {
  func.func @_sc_body(%arg0: i32, %arg1: i32, %arg2: memref<10000x128xf32, #tpu.memory_space<hbm>>, %arg3: memref<10000x128xf32, #tpu.memory_space<hbm>>, %arg4: memref<10240xf32, #tpu.memory_space<hbm>>, %arg5: memref<10240xf32, #tpu.memory_space<hbm>>, %arg6: memref<10240xf32, #tpu.memory_space<hbm>>, %arg7: memref<10240xf32, #tpu.memory_space<hbm>>, %arg8: memref<2688x128xi32, #tpu.memory_space<hbm>>, %arg9: memref<2688x128xi32, #tpu.memory_space<hbm>>, %arg10: memref<640xf32, #tpu.memory_space<hbm>>, %arg11: memref<640xf32, #tpu.memory_space<hbm>>, %arg12: memref<10000x128xf32, #tpu.memory_space<hbm>>, %arg13: memref<10240xf32, #tpu.memory_space<hbm>>, %arg14: memref<10000x128xf32, #tpu.memory_space<vmem_shared>>, %arg15: memref<10240xf32, #tpu.memory_space<vmem_shared>>, %arg16: memref<2x16x128xf32, #tpu.memory_space<vmem_shared>>, %arg17: memref<10240xf32, #tpu.memory_space<vmem_shared>>, %arg18: memref<10240xf32, #tpu.memory_space<vmem_shared>>, %arg19: memref<640xf32, #tpu.memory_space<vmem>>, %arg20: memref<8x128xi32, #tpu.memory_space<vmem>>, %arg21: memref<8x128xi32, #tpu.memory_space<vmem>>, %arg22: memref<8x128xf32, #tpu.memory_space<vmem>>, %arg23: memref<8x128xf32, #tpu.memory_space<vmem>>, %arg24: memref<8x128xf32, #tpu.memory_space<vmem>>, %arg25: memref<2x128x128xf32, #tpu.memory_space<vmem>>, %arg26: memref<16x128xf32, #tpu.memory_space<vmem>>, %arg27: memref<640xf32, #tpu.memory_space<vmem>>, %arg28: memref<640xf32, #tpu.memory_space<vmem>>, %arg29: memref<2x128xf32, #tpu.memory_space<vmem>>, %arg30: memref<2x128xf32, #tpu.memory_space<vmem>>, %arg31: memref<128xf32, #tpu.memory_space<vmem>>, %arg32: memref<!tpu.dma_semaphore, #tpu.memory_space<semaphore_mem>>, %arg33: memref<!tpu.dma_semaphore, #tpu.memory_space<semaphore_mem>>, %arg34: memref<!tpu.dma_semaphore, #tpu.memory_space<semaphore_mem>>, %arg35: memref<!tpu.dma_semaphore, #tpu.memory_space<semaphore_mem>>, %arg36: memref<!tpu.dma_semaphore, #tpu.memory_space<semaphore_mem>>, %arg37: memref<!tpu.dma_semaphore, #tpu.memory_space<semaphore_mem>>) attributes {dimension_semantics = [#tpu.dimension_semantics<core_parallel>, #tpu.dimension_semantics<subcore_parallel>], iteration_bounds = array<i64: 2, 16>, scalar_prefetch = 0 : i64, scratch_operands = 24 : i64, tpu.core_type = #tpu.core_type<sc_vector_subcore>, window_params = [{transform_indices = #map}, {transform_indices = #map}, {transform_indices = #map1}, {transform_indices = #map1}, {transform_indices = #map1}, {transform_indices = #map1}, {transform_indices = #map}, {transform_indices = #map}, {transform_indices = #map1}, {transform_indices = #map1}, {transform_indices = #map}, {transform_indices = #map1}]} {
    %mul3A = arith.constant 640 : i32
    %mul3A_0 = arith.muli %arg1, %mul3A : i32
    %eq3A = arith.constant 0 : i32
    %eq3A_1 = arith.cmpi eq, %arg0, %eq3A : i32
    %convert_element_type3A = arith.extui %eq3A_1 : i1 to i32
    %cond3A = arith.constant 0 : i32
    %cond3A_2 = arith.cmpi ne, %convert_element_type3A, %cond3A : i32
    scf.if %cond3A_2 {
      "tpu.region"() ({
        %run_scoped3A_1956 = tpu.sem_alloc : memref<!tpu.dma_semaphore, #tpu.memory_space<semaphore_mem>>
        %dma_start3A = tpu.memref_slice %arg17[%mul3A_0] : memref<10240xf32, #tpu.memory_space<vmem_shared>> -> memref<640xf32, #tpu.memory_space<vmem_shared>>
        %dma_start3A_1957 = tpu.memref_slice %arg4[%mul3A_0] : memref<10240xf32, #tpu.memory_space<hbm>> -> memref<640xf32, #tpu.memory_space<hbm>>
        tpu.enqueue_dma source(%dma_start3A_1957 : memref<640xf32, #tpu.memory_space<hbm>>) target(%dma_start3A : memref<640xf32, #tpu.memory_space<vmem_shared>>) target_semaphore(%run_scoped3A_1956 : memref<!tpu.dma_semaphore, #tpu.memory_space<semaphore_mem>>)
        %dma_wait3A = tpu.memref_slice %arg17[%mul3A_0] : memref<10240xf32, #tpu.memory_space<vmem_shared>> -> memref<640xf32, #tpu.memory_space<vmem_shared>>
        %dma_wait3A_1958 = tpu.memref_slice %arg4[%mul3A_0] : memref<10240xf32, #tpu.memory_space<hbm>> -> memref<640xf32, #tpu.memory_space<hbm>>
        tpu.wait_dma2 semaphore(%run_scoped3A_1956 : memref<!tpu.dma_semaphore, #tpu.memory_space<semaphore_mem>>) src(%dma_wait3A_1958 : memref<640xf32, #tpu.memory_space<hbm>>) dst(%dma_wait3A : memref<640xf32, #tpu.memory_space<vmem_shared>>)
        tpu.yield
      }) : () -> ()
      "tpu.region"() ({
        %run_scoped3A_1956 = tpu.sem_alloc : memref<!tpu.dma_semaphore, #tpu.memory_space<semaphore_mem>>
        %dma_start3A = tpu.memref_slice %arg18[%mul3A_0] : memref<10240xf32, #tpu.memory_space<vmem_shared>> -> memref<640xf32, #tpu.memory_space<vmem_shared>>
        %dma_start3A_1957 = tpu.memref_slice %arg5[%mul3A_0] : memref<10240xf32, #tpu.memory_space<hbm>> -> memref<640xf32, #tpu.memory_space<hbm>>
        tpu.enqueue_dma source(%dma_start3A_1957 : memref<640xf32, #tpu.memory_space<hbm>>) target(%dma_start3A : memref<640xf32, #tpu.memory_space<vmem_shared>>) target_semaphore(%run_scoped3A_1956 : memref<!tpu.dma_semaphore, #tpu.memory_space<semaphore_mem>>)
        %dma_wait3A = tpu.memref_slice %arg18[%mul3A_0] : memref<10240xf32, #tpu.memory_space<vmem_shared>> -> memref<640xf32, #tpu.memory_space<vmem_shared>>
        %dma_wait3A_1958 = tpu.memref_slice %arg5[%mul3A_0] : memref<10240xf32, #tpu.memory_space<hbm>> -> memref<640xf32, #tpu.memory_space<hbm>>
        tpu.wait_dma2 semaphore(%run_scoped3A_1956 : memref<!tpu.dma_semaphore, #tpu.memory_space<semaphore_mem>>) src(%dma_wait3A_1958 : memref<640xf32, #tpu.memory_space<hbm>>) dst(%dma_wait3A : memref<640xf32, #tpu.memory_space<vmem_shared>>)
        tpu.yield
      }) : () -> ()
      "tpu.region"() ({
        %run_scoped3A_1956 = tpu.sem_alloc : memref<!tpu.dma_semaphore, #tpu.memory_space<semaphore_mem>>
        tpu.enqueue_dma source(%arg10 : memref<640xf32, #tpu.memory_space<hbm>>) target(%arg19 : memref<640xf32, #tpu.memory_space<vmem>>) target_semaphore(%run_scoped3A_1956 : memref<!tpu.dma_semaphore, #tpu.memory_space<semaphore_mem>>)
        tpu.wait_dma2 semaphore(%run_scoped3A_1956 : memref<!tpu.dma_semaphore, #tpu.memory_space<semaphore_mem>>) src(%arg10 : memref<640xf32, #tpu.memory_space<hbm>>) dst(%arg19 : memref<640xf32, #tpu.memory_space<vmem>>)
        tpu.yield
      }) : () -> ()
    } else {
    }
    %eq3A_3 = arith.constant 1 : i32
    %eq3A_4 = arith.cmpi eq, %arg0, %eq3A_3 : i32
    %convert_element_type3A_5 = arith.extui %eq3A_4 : i1 to i32
    %cond3A_6 = arith.constant 0 : i32
    %cond3A_7 = arith.cmpi ne, %convert_element_type3A_5, %cond3A_6 : i32
    scf.if %cond3A_7 {
      "tpu.region"() ({
        %run_scoped3A_1956 = tpu.sem_alloc : memref<!tpu.dma_semaphore, #tpu.memory_space<semaphore_mem>>
        %dma_start3A = tpu.memref_slice %arg17[%mul3A_0] : memref<10240xf32, #tpu.memory_space<vmem_shared>> -> memref<640xf32, #tpu.memory_space<vmem_shared>>
        %dma_start3A_1957 = tpu.memref_slice %arg6[%mul3A_0] : memref<10240xf32, #tpu.memory_space<hbm>> -> memref<640xf32, #tpu.memory_space<hbm>>
        tpu.enqueue_dma source(%dma_start3A_1957 : memref<640xf32, #tpu.memory_space<hbm>>) target(%dma_start3A : memref<640xf32, #tpu.memory_space<vmem_shared>>) target_semaphore(%run_scoped3A_1956 : memref<!tpu.dma_semaphore, #tpu.memory_space<semaphore_mem>>)
        %dma_wait3A = tpu.memref_slice %arg17[%mul3A_0] : memref<10240xf32, #tpu.memory_space<vmem_shared>> -> memref<640xf32, #tpu.memory_space<vmem_shared>>
        %dma_wait3A_1958 = tpu.memref_slice %arg6[%mul3A_0] : memref<10240xf32, #tpu.memory_space<hbm>> -> memref<640xf32, #tpu.memory_space<hbm>>
        tpu.wait_dma2 semaphore(%run_scoped3A_1956 : memref<!tpu.dma_semaphore, #tpu.memory_space<semaphore_mem>>) src(%dma_wait3A_1958 : memref<640xf32, #tpu.memory_space<hbm>>) dst(%dma_wait3A : memref<640xf32, #tpu.memory_space<vmem_shared>>)
        tpu.yield
      }) : () -> ()
      "tpu.region"() ({
        %run_scoped3A_1956 = tpu.sem_alloc : memref<!tpu.dma_semaphore, #tpu.memory_space<semaphore_mem>>
        %dma_start3A = tpu.memref_slice %arg18[%mul3A_0] : memref<10240xf32, #tpu.memory_space<vmem_shared>> -> memref<640xf32, #tpu.memory_space<vmem_shared>>
        %dma_start3A_1957 = tpu.memref_slice %arg7[%mul3A_0] : memref<10240xf32, #tpu.memory_space<hbm>> -> memref<640xf32, #tpu.memory_space<hbm>>
        tpu.enqueue_dma source(%dma_start3A_1957 : memref<640xf32, #tpu.memory_space<hbm>>) target(%dma_start3A : memref<640xf32, #tpu.memory_space<vmem_shared>>) target_semaphore(%run_scoped3A_1956 : memref<!tpu.dma_semaphore, #tpu.memory_space<semaphore_mem>>)
        %dma_wait3A = tpu.memref_slice %arg18[%mul3A_0] : memref<10240xf32, #tpu.memory_space<vmem_shared>> -> memref<640xf32, #tpu.memory_space<vmem_shared>>
        %dma_wait3A_1958 = tpu.memref_slice %arg7[%mul3A_0] : memref<10240xf32, #tpu.memory_space<hbm>> -> memref<640xf32, #tpu.memory_space<hbm>>
        tpu.wait_dma2 semaphore(%run_scoped3A_1956 : memref<!tpu.dma_semaphore, #tpu.memory_space<semaphore_mem>>) src(%dma_wait3A_1958 : memref<640xf32, #tpu.memory_space<hbm>>) dst(%dma_wait3A : memref<640xf32, #tpu.memory_space<vmem_shared>>)
        tpu.yield
      }) : () -> ()
      "tpu.region"() ({
        %run_scoped3A_1956 = tpu.sem_alloc : memref<!tpu.dma_semaphore, #tpu.memory_space<semaphore_mem>>
        tpu.enqueue_dma source(%arg11 : memref<640xf32, #tpu.memory_space<hbm>>) target(%arg19 : memref<640xf32, #tpu.memory_space<vmem>>) target_semaphore(%run_scoped3A_1956 : memref<!tpu.dma_semaphore, #tpu.memory_space<semaphore_mem>>)
        tpu.wait_dma2 semaphore(%run_scoped3A_1956 : memref<!tpu.dma_semaphore, #tpu.memory_space<semaphore_mem>>) src(%arg11 : memref<640xf32, #tpu.memory_space<hbm>>) dst(%arg19 : memref<640xf32, #tpu.memory_space<vmem>>)
        tpu.yield
      }) : () -> ()
    } else {
    }
    %broadcast_in_dim3A = arith.constant 0.000000e+00 : f32
    %broadcast_in_dim3A_8 = vector.broadcast %broadcast_in_dim3A : f32 to vector<16xf32>
    %scan3A = arith.constant 0 : i32
    %scan3A_9 = arith.constant 16 : i32
    %scan3A_10 = arith.addi %scan3A, %scan3A_9 : i32
    %scan3A_11 = arith.constant 1 : i32
    scf.for %scan3A_1956 = %scan3A to %scan3A_10 step %scan3A_11  : i32 {
      %mul3A_1957 = arith.constant 1 : i32
      %mul3A_1958 = arith.muli %scan3A_1956, %mul3A_1957 : i32
      %add3A_1959 = arith.constant 0 : i32
      %add3A_1960 = arith.addi %add3A_1959, %mul3A_1958 : i32
      %swap3A_1961 = arith.index_cast %add3A_1960 : i32 to index
      %swap3A_1962 = arith.constant 0 : index
      %swap3A_1963 = tpu.vector_load %arg26[%swap3A_1961, %swap3A_1962] {strides = array<i32>} : memref<16x128xf32, #tpu.memory_space<vmem>>, vector<16xf32>,
      tpu.vector_store %arg26[%swap3A_1961, %swap3A_1962], %broadcast_in_dim3A_8 {strides = array<i32>} : memref<16x128xf32, #tpu.memory_space<vmem>>, vector<16xf32>,
      %swap3A_1964 = arith.index_cast %add3A_1960 : i32 to index
      %swap3A_1965 = arith.constant 16 : index
      %swap3A_1966 = tpu.vector_load %arg26[%swap3A_1964, %swap3A_1965] {strides = array<i32>} : memref<16x128xf32, #tpu.memory_space<vmem>>, vector<16xf32>,
      tpu.vector_store %arg26[%swap3A_1964, %swap3A_1965], %broadcast_in_dim3A_8 {strides = array<i32>} : memref<16x128xf32, #tpu.memory_space<vmem>>, vector<16xf32>,
      %swap3A_1967 = arith.index_cast %add3A_1960 : i32 to index
      %swap3A_1968 = arith.constant 32 : index
      %swap3A_1969 = tpu.vector_load %arg26[%swap3A_1967, %swap3A_1968] {strides = array<i32>} : memref<16x128xf32, #tpu.memory_space<vmem>>, vector<16xf32>,
      tpu.vector_store %arg26[%swap3A_1967, %swap3A_1968], %broadcast_in_dim3A_8 {strides = array<i32>} : memref<16x128xf32, #tpu.memory_space<vmem>>, vector<16xf32>,
      %swap3A_1970 = arith.index_cast %add3A_1960 : i32 to index
      %swap3A_1971 = arith.constant 48 : index
      %swap3A_1972 = tpu.vector_load %arg26[%swap3A_1970, %swap3A_1971] {strides = array<i32>} : memref<16x128xf32, #tpu.memory_space<vmem>>, vector<16xf32>,
      tpu.vector_store %arg26[%swap3A_1970, %swap3A_1971], %broadcast_in_dim3A_8 {strides = array<i32>} : memref<16x128xf32, #tpu.memory_space<vmem>>, vector<16xf32>,
      %swap3A_1973 = arith.index_cast %add3A_1960 : i32 to index
      %swap3A_1974 = arith.constant 64 : index
      %swap3A_1975 = tpu.vector_load %arg26[%swap3A_1973, %swap3A_1974] {strides = array<i32>} : memref<16x128xf32, #tpu.memory_space<vmem>>, vector<16xf32>,
      tpu.vector_store %arg26[%swap3A_1973, %swap3A_1974], %broadcast_in_dim3A_8 {strides = array<i32>} : memref<16x128xf32, #tpu.memory_space<vmem>>, vector<16xf32>,
      %swap3A_1976 = arith.index_cast %add3A_1960 : i32 to index
      %swap3A_1977 = arith.constant 80 : index
      %swap3A_1978 = tpu.vector_load %arg26[%swap3A_1976, %swap3A_1977] {strides = array<i32>} : memref<16x128xf32, #tpu.memory_space<vmem>>, vector<16xf32>,
      tpu.vector_store %arg26[%swap3A_1976, %swap3A_1977], %broadcast_in_dim3A_8 {strides = array<i32>} : memref<16x128xf32, #tpu.memory_space<vmem>>, vector<16xf32>,
      %swap3A_1979 = arith.index_cast %add3A_1960 : i32 to index
      %swap3A_1980 = arith.constant 96 : index
      %swap3A_1981 = tpu.vector_load %arg26[%swap3A_1979, %swap3A_1980] {strides = array<i32>} : memref<16x128xf32, #tpu.memory_space<vmem>>, vector<16xf32>,
      tpu.vector_store %arg26[%swap3A_1979, %swap3A_1980], %broadcast_in_dim3A_8 {strides = array<i32>} : memref<16x128xf32, #tpu.memory_space<vmem>>, vector<16xf32>,
      %swap3A_1982 = arith.index_cast %add3A_1960 : i32 to index
      %swap3A_1983 = arith.constant 112 : index
      %swap3A_1984 = tpu.vector_load %arg26[%swap3A_1982, %swap3A_1983] {strides = array<i32>} : memref<16x128xf32, #tpu.memory_space<vmem>>, vector<16xf32>,
      tpu.vector_store %arg26[%swap3A_1982, %swap3A_1983], %broadcast_in_dim3A_8 {strides = array<i32>} : memref<16x128xf32, #tpu.memory_space<vmem>>, vector<16xf32>,
    }
    %scan3A_12 = arith.constant 16 : i32
    %scan3A_13 = arith.constant 0 : i32
    %scan3A_14 = arith.constant 40 : i32
    %scan3A_15 = arith.addi %scan3A_13, %scan3A_14 : i32
    %scan3A_16 = arith.constant 1 : i32
    scf.for %scan3A_1956 = %scan3A_13 to %scan3A_15 step %scan3A_16  : i32 {
      %mul3A_1957 = arith.constant 1 : i32
      %mul3A_1958 = arith.muli %scan3A_1956, %mul3A_1957 : i32
      %add3A_1959 = arith.constant 0 : i32
      %add3A_1960 = arith.addi %add3A_1959, %mul3A_1958 : i32
      %mul3A_1961 = arith.constant 16 : i32
      %mul3A_1962 = arith.muli %add3A_1960, %mul3A_1961 : i32
      %swap3A_1963 = arith.index_cast %mul3A_1962 : i32 to index
      %swap3A_1964 = tpu.vector_load %arg28[%swap3A_1963] {strides = array<i32>} : memref<640xf32, #tpu.memory_space<vmem>>, vector<16xf32>,
      tpu.vector_store %arg28[%swap3A_1963], %broadcast_in_dim3A_8 {strides = array<i32>} : memref<640xf32, #tpu.memory_space<vmem>>, vector<16xf32>,
      %mul3A_1965 = arith.constant 16 : i32
      %mul3A_1966 = arith.muli %add3A_1960, %mul3A_1965 : i32
      %add3A_1967 = arith.addi %mul3A_0, %mul3A_1966 : i32
      %lt3A = arith.constant 10000 : i32
      %lt3A_1968 = arith.cmpi slt, %add3A_1967, %lt3A : i32
      %convert_element_type3A_1969 = arith.extui %lt3A_1968 : i1 to i32
      %cond3A_1970 = arith.constant 0 : i32
      %cond3A_1971 = arith.cmpi ne, %convert_element_type3A_1969, %cond3A_1970 : i32
      scf.if %cond3A_1971 {
        %mul3A_1972 = arith.constant 16 : i32
        %mul3A_1973 = arith.muli %add3A_1960, %mul3A_1972 : i32
        %add3A_1974 = arith.addi %mul3A_0, %mul3A_1973 : i32
        "tpu.region"() ({
          %run_scoped3A_1975 = tpu.sem_alloc : memref<!tpu.dma_semaphore, #tpu.memory_space<semaphore_mem>>
          %dma_start3A = arith.constant 0 : i32
          %dma_start3A_1976 = tpu.memref_slice %arg14[%add3A_1974, %dma_start3A] : memref<10000x128xf32, #tpu.memory_space<vmem_shared>> -> memref<16x128xf32, #tpu.memory_space<vmem_shared>>
          %dma_start3A_1977 = arith.constant 0 : i32
          %dma_start3A_1978 = tpu.memref_slice %arg14[%add3A_1974, %dma_start3A_1977] : memref<10000x128xf32, #tpu.memory_space<vmem_shared>> -> memref<16x128xf32, #tpu.memory_space<vmem_shared>>
          tpu.enqueue_dma source(%arg26 : memref<16x128xf32, #tpu.memory_space<vmem>>) target(%dma_start3A_1978 : memref<16x128xf32, #tpu.memory_space<vmem_shared>>) target_semaphore(%run_scoped3A_1975 : memref<!tpu.dma_semaphore, #tpu.memory_space<semaphore_mem>>)
          %dma_wait3A = arith.constant 0 : i32
          %dma_wait3A_1979 = tpu.memref_slice %arg14[%add3A_1974, %dma_wait3A] : memref<10000x128xf32, #tpu.memory_space<vmem_shared>> -> memref<16x128xf32, #tpu.memory_space<vmem_shared>>
          %dma_wait3A_1980 = arith.constant 0 : i32
          %dma_wait3A_1981 = tpu.memref_slice %arg14[%add3A_1974, %dma_wait3A_1980] : memref<10000x128xf32, #tpu.memory_space<vmem_shared>> -> memref<16x128xf32, #tpu.memory_space<vmem_shared>>
          tpu.wait_dma2 semaphore(%run_scoped3A_1975 : memref<!tpu.dma_semaphore, #tpu.memory_space<semaphore_mem>>) src(%arg26 : memref<16x128xf32, #tpu.memory_space<vmem>>) dst(%dma_wait3A_1981 : memref<16x128xf32, #tpu.memory_space<vmem_shared>>)
          tpu.yield
        }) : () -> ()
      } else {
      }
    }
    %scan3A_17 = arith.constant 40 : i32
    %mul3A_18 = arith.constant 640 : i32
    %mul3A_19 = arith.muli %arg1, %mul3A_18 : i32
    "tpu.region"() ({
      %run_scoped3A_1956 = tpu.sem_alloc : memref<!tpu.dma_semaphore, #tpu.memory_space<semaphore_mem>>
      %dma_start3A = tpu.memref_slice %arg15[%mul3A_19] : memref<10240xf32, #tpu.memory_space<vmem_shared>> -> memref<640xf32, #tpu.memory_space<vmem_shared>>
      %dma_start3A_1957 = tpu.memref_slice %arg15[%mul3A_19] : memref<10240xf32, #tpu.memory_space<vmem_shared>> -> memref<640xf32, #tpu.memory_space<vmem_shared>>
      tpu.enqueue_dma source(%arg28 : memref<640xf32, #tpu.memory_space<vmem>>) target(%dma_start3A_1957 : memref<640xf32, #tpu.memory_space<vmem_shared>>) target_semaphore(%run_scoped3A_1956 : memref<!tpu.dma_semaphore, #tpu.memory_space<semaphore_mem>>)
      %dma_wait3A = tpu.memref_slice %arg15[%mul3A_19] : memref<10240xf32, #tpu.memory_space<vmem_shared>> -> memref<640xf32, #tpu.memory_space<vmem_shared>>
      %dma_wait3A_1958 = tpu.memref_slice %arg15[%mul3A_19] : memref<10240xf32, #tpu.memory_space<vmem_shared>> -> memref<640xf32, #tpu.memory_space<vmem_shared>>
      tpu.wait_dma2 semaphore(%run_scoped3A_1956 : memref<!tpu.dma_semaphore, #tpu.memory_space<semaphore_mem>>) src(%arg28 : memref<640xf32, #tpu.memory_space<vmem>>) dst(%dma_wait3A_1958 : memref<640xf32, #tpu.memory_space<vmem_shared>>)
      tpu.yield
    }) : () -> ()
    %barrier3A = arith.constant 0 : index
    tpu.barrier barrier_id(%barrier3A)
    %iota3A = tpu.iota {dimensions = array<i32: 0>} : vector<16xi32>
    %scan3A_20 = arith.constant 0 : i32
    %scan3A_21 = arith.constant 21 : i32
    %scan3A_22 = arith.addi %scan3A_20, %scan3A_21 : i32
    %scan3A_23 = arith.constant 1 : i32
    scf.for %scan3A_1956 = %scan3A_20 to %scan3A_22 step %scan3A_23  : i32 {
      %mul3A_1957 = arith.constant 1 : i32
      %mul3A_1958 = arith.muli %scan3A_1956, %mul3A_1957 : i32
      %add3A_1959 = arith.constant 0 : i32
      %add3A_1960 = arith.addi %add3A_1959, %mul3A_1958 : i32
      %mul3A_1961 = arith.constant 168 : i32
      %mul3A_1962 = arith.muli %arg1, %mul3A_1961 : i32
      %mul3A_1963 = arith.constant 8 : i32
      %mul3A_1964 = arith.muli %add3A_1960, %mul3A_1963 : i32
      %add3A_1965 = arith.addi %mul3A_1962, %mul3A_1964 : i32
      %mul3A_1966 = arith.constant 21504 : i32
      %mul3A_1967 = arith.muli %arg1, %mul3A_1966 : i32
      %mul3A_1968 = arith.constant 1024 : i32
      %mul3A_1969 = arith.muli %add3A_1960, %mul3A_1968 : i32
      %add3A_1970 = arith.addi %mul3A_1967, %mul3A_1969 : i32
      "tpu.region"() ({
        %run_scoped3A_2045 = tpu.sem_alloc : memref<!tpu.dma_semaphore, #tpu.memory_space<semaphore_mem>>
        %dma_start3A = arith.constant 0 : i32
        %dma_start3A_2046 = tpu.memref_slice %arg8[%add3A_1965, %dma_start3A] : memref<2688x128xi32, #tpu.memory_space<hbm>> -> memref<8x128xi32, #tpu.memory_space<hbm>>
        %dma_start3A_2047 = arith.constant 0 : i32
        %dma_start3A_2048 = tpu.memref_slice %arg8[%add3A_1965, %dma_start3A_2047] : memref<2688x128xi32, #tpu.memory_space<hbm>> -> memref<8x128xi32, #tpu.memory_space<hbm>>
        tpu.enqueue_dma source(%dma_start3A_2048 : memref<8x128xi32, #tpu.memory_space<hbm>>) target(%arg20 : memref<8x128xi32, #tpu.memory_space<vmem>>) target_semaphore(%run_scoped3A_2045 : memref<!tpu.dma_semaphore, #tpu.memory_space<semaphore_mem>>)
        %dma_wait3A_2049 = arith.constant 0 : i32
        %dma_wait3A_2050 = tpu.memref_slice %arg8[%add3A_1965, %dma_wait3A_2049] : memref<2688x128xi32, #tpu.memory_space<hbm>> -> memref<8x128xi32, #tpu.memory_space<hbm>>
        %dma_wait3A_2051 = arith.constant 0 : i32
        %dma_wait3A_2052 = tpu.memref_slice %arg8[%add3A_1965, %dma_wait3A_2051] : memref<2688x128xi32, #tpu.memory_space<hbm>> -> memref<8x128xi32, #tpu.memory_space<hbm>>
        tpu.wait_dma2 semaphore(%run_scoped3A_2045 : memref<!tpu.dma_semaphore, #tpu.memory_space<semaphore_mem>>) src(%dma_wait3A_2052 : memref<8x128xi32, #tpu.memory_space<hbm>>) dst(%arg20 : memref<8x128xi32, #tpu.memory_space<vmem>>)
        tpu.yield
      }) : () -> ()
      "tpu.region"() ({
        %run_scoped3A_2045 = tpu.sem_alloc : memref<!tpu.dma_semaphore, #tpu.memory_space<semaphore_mem>>
        %dma_start3A = arith.constant 0 : i32
        %dma_start3A_2046 = tpu.memref_slice %arg9[%add3A_1965, %dma_start3A] : memref<2688x128xi32, #tpu.memory_space<hbm>> -> memref<8x128xi32, #tpu.memory_space<hbm>>
        %dma_start3A_2047 = arith.constant 0 : i32
        %dma_start3A_2048 = tpu.memref_slice %arg9[%add3A_1965, %dma_start3A_2047] : memref<2688x128xi32, #tpu.memory_space<hbm>> -> memref<8x128xi32, #tpu.memory_space<hbm>>
        tpu.enqueue_dma source(%dma_start3A_2048 : memref<8x128xi32, #tpu.memory_space<hbm>>) target(%arg21 : memref<8x128xi32, #tpu.memory_space<vmem>>) target_semaphore(%run_scoped3A_2045 : memref<!tpu.dma_semaphore, #tpu.memory_space<semaphore_mem>>)
        %dma_wait3A_2049 = arith.constant 0 : i32
        %dma_wait3A_2050 = tpu.memref_slice %arg9[%add3A_1965, %dma_wait3A_2049] : memref<2688x128xi32, #tpu.memory_space<hbm>> -> memref<8x128xi32, #tpu.memory_space<hbm>>
        %dma_wait3A_2051 = arith.constant 0 : i32
        %dma_wait3A_2052 = tpu.memref_slice %arg9[%add3A_1965, %dma_wait3A_2051] : memref<2688x128xi32, #tpu.memory_space<hbm>> -> memref<8x128xi32, #tpu.memory_space<hbm>>
        tpu.wait_dma2 semaphore(%run_scoped3A_2045 : memref<!tpu.dma_semaphore, #tpu.memory_space<semaphore_mem>>) src(%dma_wait3A_2052 : memref<8x128xi32, #tpu.memory_space<hbm>>) dst(%arg21 : memref<8x128xi32, #tpu.memory_space<vmem>>)
        tpu.yield
      }) : () -> ()
      %scan3A_1971 = arith.constant 0 : i32
      %scan3A_1972 = arith.constant 8 : i32
      %scan3A_1973 = arith.addi %scan3A_1971, %scan3A_1972 : i32
      %scan3A_1974 = arith.constant 1 : i32
      scf.for %scan3A_2045 = %scan3A_1971 to %scan3A_1973 step %scan3A_1974  : i32 {
        %mul3A_2046 = arith.constant 1 : i32
        %mul3A_2047 = arith.muli %scan3A_2045, %mul3A_2046 : i32
        %add3A_2048 = arith.constant 0 : i32
        %add3A_2049 = arith.addi %add3A_2048, %mul3A_2047 : i32
        %dma_start3A = arith.constant 0 : i32
        %dma_start3A_2050 = tpu.memref_slice %arg23[%add3A_2049, %dma_start3A] : memref<8x128xf32, #tpu.memory_space<vmem>> -> memref<1x128xf32, #tpu.memory_space<vmem>>
        %dma_start3A_2051 = tpu.memref_squeeze %dma_start3A_2050 : memref<1x128xf32, #tpu.memory_space<vmem>> -> memref<128xf32, #tpu.memory_space<vmem>>
        %dma_start3A_2052 = arith.constant 0 : i32
        %dma_start3A_2053 = tpu.memref_slice %arg20[%add3A_2049, %dma_start3A_2052] : memref<8x128xi32, #tpu.memory_space<vmem>> -> memref<1x128xi32, #tpu.memory_space<vmem>>
        %dma_start3A_2054 = tpu.memref_squeeze %dma_start3A_2053 : memref<1x128xi32, #tpu.memory_space<vmem>> -> memref<128xi32, #tpu.memory_space<vmem>>
        %dma_start3A_2055 = arith.constant 0 : i32
        %dma_start3A_2056 = tpu.memref_slice %arg17[%dma_start3A_2055] : memref<10240xf32, #tpu.memory_space<vmem_shared>> -> memref<10240xf32, #tpu.memory_space<vmem_shared>>
        tpu.enqueue_indirect_dma source(%dma_start3A_2056 : memref<10240xf32, #tpu.memory_space<vmem_shared>>) target(%dma_start3A_2051 : memref<128xf32, #tpu.memory_space<vmem>>) offsets(%dma_start3A_2054 : memref<128xi32, #tpu.memory_space<vmem>>) semaphore(%arg32 : memref<!tpu.dma_semaphore, #tpu.memory_space<semaphore_mem>>)
        %dma_start3A_2057 = arith.constant 0 : i32
        %dma_start3A_2058 = tpu.memref_slice %arg24[%add3A_2049, %dma_start3A_2057] : memref<8x128xf32, #tpu.memory_space<vmem>> -> memref<1x128xf32, #tpu.memory_space<vmem>>
        %dma_start3A_2059 = tpu.memref_squeeze %dma_start3A_2058 : memref<1x128xf32, #tpu.memory_space<vmem>> -> memref<128xf32, #tpu.memory_space<vmem>>
        %dma_start3A_2060 = arith.constant 0 : i32
        %dma_start3A_2061 = tpu.memref_slice %arg21[%add3A_2049, %dma_start3A_2060] : memref<8x128xi32, #tpu.memory_space<vmem>> -> memref<1x128xi32, #tpu.memory_space<vmem>>
        %dma_start3A_2062 = tpu.memref_squeeze %dma_start3A_2061 : memref<1x128xi32, #tpu.memory_space<vmem>> -> memref<128xi32, #tpu.memory_space<vmem>>
        %dma_start3A_2063 = arith.constant 0 : i32
        %dma_start3A_2064 = tpu.memref_slice %arg18[%dma_start3A_2063] : memref<10240xf32, #tpu.memory_space<vmem_shared>> -> memref<10240xf32, #tpu.memory_space<vmem_shared>>
        tpu.enqueue_indirect_dma source(%dma_start3A_2064 : memref<10240xf32, #tpu.memory_space<vmem_shared>>) target(%dma_start3A_2059 : memref<128xf32, #tpu.memory_space<vmem>>) offsets(%dma_start3A_2062 : memref<128xi32, #tpu.memory_space<vmem>>) semaphore(%arg32 : memref<!tpu.dma_semaphore, #tpu.memory_space<semaphore_mem>>)
      }
      %scan3A_1975 = arith.constant 8 : i32
      %scan3A_1976 = arith.constant 0 : i32
      %scan3A_1977 = arith.constant 8 : i32
      %scan3A_1978 = arith.addi %scan3A_1976, %scan3A_1977 : i32
      %scan3A_1979 = arith.constant 1 : i32
      scf.for %scan3A_2045 = %scan3A_1976 to %scan3A_1978 step %scan3A_1979  : i32 {
        %mul3A_2046 = arith.constant 1 : i32
        %mul3A_2047 = arith.muli %scan3A_2045, %mul3A_2046 : i32
        %add3A_2048 = arith.constant 0 : i32
        %add3A_2049 = arith.addi %add3A_2048, %mul3A_2047 : i32
        %dma_wait3A_2050 = arith.constant 0 : i32
        %dma_wait3A_2051 = tpu.memref_slice %arg23[%add3A_2049, %dma_wait3A_2050] : memref<8x128xf32, #tpu.memory_space<vmem>> -> memref<1x128xf32, #tpu.memory_space<vmem>>
        %dma_wait3A_2052 = tpu.memref_squeeze %dma_wait3A_2051 : memref<1x128xf32, #tpu.memory_space<vmem>> -> memref<128xf32, #tpu.memory_space<vmem>>
        %dma_wait3A_2053 = arith.constant 0 : i32
        %dma_wait3A_2054 = tpu.memref_slice %arg20[%add3A_2049, %dma_wait3A_2053] : memref<8x128xi32, #tpu.memory_space<vmem>> -> memref<1x128xi32, #tpu.memory_space<vmem>>
        %dma_wait3A_2055 = tpu.memref_squeeze %dma_wait3A_2054 : memref<1x128xi32, #tpu.memory_space<vmem>> -> memref<128xi32, #tpu.memory_space<vmem>>
        %dma_wait3A_2056 = arith.constant 0 : i32
        %dma_wait3A_2057 = tpu.memref_slice %arg17[%dma_wait3A_2056] : memref<10240xf32, #tpu.memory_space<vmem_shared>> -> memref<10240xf32, #tpu.memory_space<vmem_shared>>
        tpu.wait_indirect_dma semaphore(%arg32 : memref<!tpu.dma_semaphore, #tpu.memory_space<semaphore_mem>>) src(%dma_wait3A_2057 : memref<10240xf32, #tpu.memory_space<vmem_shared>>) dst(%dma_wait3A_2052 : memref<128xf32, #tpu.memory_space<vmem>>)
        %dma_wait3A_2058 = arith.constant 0 : i32
        %dma_wait3A_2059 = tpu.memref_slice %arg24[%add3A_2049, %dma_wait3A_2058] : memref<8x128xf32, #tpu.memory_space<vmem>> -> memref<1x128xf32, #tpu.memory_space<vmem>>
        %dma_wait3A_2060 = tpu.memref_squeeze %dma_wait3A_2059 : memref<1x128xf32, #tpu.memory_space<vmem>> -> memref<128xf32, #tpu.memory_space<vmem>>
        %dma_wait3A_2061 = arith.constant 0 : i32
        %dma_wait3A_2062 = tpu.memref_slice %arg21[%add3A_2049, %dma_wait3A_2061] : memref<8x128xi32, #tpu.memory_space<vmem>> -> memref<1x128xi32, #tpu.memory_space<vmem>>
        %dma_wait3A_2063 = tpu.memref_squeeze %dma_wait3A_2062 : memref<1x128xi32, #tpu.memory_space<vmem>> -> memref<128xi32, #tpu.memory_space<vmem>>
        %dma_wait3A_2064 = arith.constant 0 : i32
        %dma_wait3A_2065 = tpu.memref_slice %arg18[%dma_wait3A_2064] : memref<10240xf32, #tpu.memory_space<vmem_shared>> -> memref<10240xf32, #tpu.memory_space<vmem_shared>>
        tpu.wait_indirect_dma semaphore(%arg32 : memref<!tpu.dma_semaphore, #tpu.memory_space<semaphore_mem>>) src(%dma_wait3A_2065 : memref<10240xf32, #tpu.memory_space<vmem_shared>>) dst(%dma_wait3A_2060 : memref<128xf32, #tpu.memory_space<vmem>>)
      }
      %scan3A_1980 = arith.constant 8 : i32
      %scan3A_1981 = arith.constant 0 : i32
      %scan3A_1982 = arith.constant 8 : i32
      %scan3A_1983 = arith.addi %scan3A_1981, %scan3A_1982 : i32
      %scan3A_1984 = arith.constant 1 : i32
      scf.for %scan3A_2045 = %scan3A_1981 to %scan3A_1983 step %scan3A_1984  : i32 {
        %mul3A_2046 = arith.constant 1 : i32
        %mul3A_2047 = arith.muli %scan3A_2045, %mul3A_2046 : i32
        %add3A_2048 = arith.constant 0 : i32
        %add3A_2049 = arith.addi %add3A_2048, %mul3A_2047 : i32
        %get3A_2050 = arith.index_cast %add3A_2049 : i32 to index
        %get3A_2051 = arith.constant 0 : index
        %get3A_2052 = tpu.vector_load %arg23[%get3A_2050, %get3A_2051] {strides = array<i32>} : memref<8x128xf32, #tpu.memory_space<vmem>>, vector<16xf32>,
        %get3A_2053 = arith.index_cast %add3A_2049 : i32 to index
        %get3A_2054 = arith.constant 0 : index
        %get3A_2055 = tpu.vector_load %arg24[%get3A_2053, %get3A_2054] {strides = array<i32>} : memref<8x128xf32, #tpu.memory_space<vmem>>, vector<16xf32>,
        %add3A_2056 = arith.addf %get3A_2052, %get3A_2055 : vector<16xf32>
        %gt3A = arith.constant 0.000000e+00 : f32
        %gt3A_2057 = vector.broadcast %gt3A : f32 to vector<16xf32>
        %gt3A_2058 = arith.cmpf ogt, %add3A_2056, %gt3A_2057 : vector<16xf32>
        %mul3A_2059 = arith.constant 2.000000e-01 : f32
        %mul3A_2060 = vector.broadcast %mul3A_2059 : f32 to vector<16xf32>
        %mul3A_2061 = arith.mulf %mul3A_2060, %add3A_2056 : vector<16xf32>
        %select_n3A = arith.select %gt3A_2058, %add3A_2056, %mul3A_2061 : vector<16xi1>, vector<16xf32>
        %exp3A = math.exp %select_n3A : vector<16xf32>
        %mul3A_2062 = arith.constant 128 : i32
        %mul3A_2063 = arith.muli %add3A_2049, %mul3A_2062 : i32
        %add3A_2064 = arith.addi %add3A_1970, %mul3A_2063 : i32
        %add3A_2065 = arith.constant 0 : i32
        %add3A_2066 = arith.addi %add3A_2064, %add3A_2065 : i32
        %add3A_2067 = vector.broadcast %add3A_2066 : i32 to vector<16xi32>
        %add3A_2068 = arith.addi %add3A_2067, %iota3A : vector<16xi32>
        %lt3A = arith.constant 330000 : i32
        %lt3A_2069 = vector.broadcast %lt3A : i32 to vector<16xi32>
        %lt3A_2070 = arith.cmpi slt, %add3A_2068, %lt3A_2069 : vector<16xi32>
        %jit3A = arith.constant 0.000000e+00 : f32
        %broadcast_in_dim3A_2071 = vector.broadcast %jit3A : f32 to vector<16xf32>
        %select_n3A_2072 = arith.select %lt3A_2070, %exp3A, %broadcast_in_dim3A_2071 : vector<16xi1>, vector<16xf32>
        %swap3A_2073 = arith.index_cast %add3A_2049 : i32 to index
        %swap3A_2074 = arith.constant 0 : index
        %swap3A_2075 = tpu.vector_load %arg22[%swap3A_2073, %swap3A_2074] {strides = array<i32>} : memref<8x128xf32, #tpu.memory_space<vmem>>, vector<16xf32>,
        tpu.vector_store %arg22[%swap3A_2073, %swap3A_2074], %select_n3A_2072 {strides = array<i32>} : memref<8x128xf32, #tpu.memory_space<vmem>>, vector<16xf32>,
        %get3A_2076 = arith.index_cast %add3A_2049 : i32 to index
        %get3A_2077 = arith.constant 16 : index
        %get3A_2078 = tpu.vector_load %arg23[%get3A_2076, %get3A_2077] {strides = array<i32>} : memref<8x128xf32, #tpu.memory_space<vmem>>, vector<16xf32>,
        %get3A_2079 = arith.index_cast %add3A_2049 : i32 to index
        %get3A_2080 = arith.constant 16 : index
        %get3A_2081 = tpu.vector_load %arg24[%get3A_2079, %get3A_2080] {strides = array<i32>} : memref<8x128xf32, #tpu.memory_space<vmem>>, vector<16xf32>,
        %add3A_2082 = arith.addf %get3A_2078, %get3A_2081 : vector<16xf32>
        %gt3A_2083 = arith.constant 0.000000e+00 : f32
        %gt3A_2084 = vector.broadcast %gt3A_2083 : f32 to vector<16xf32>
        %gt3A_2085 = arith.cmpf ogt, %add3A_2082, %gt3A_2084 : vector<16xf32>
        %mul3A_2086 = arith.constant 2.000000e-01 : f32
        %mul3A_2087 = vector.broadcast %mul3A_2086 : f32 to vector<16xf32>
        %mul3A_2088 = arith.mulf %mul3A_2087, %add3A_2082 : vector<16xf32>
        %select_n3A_2089 = arith.select %gt3A_2085, %add3A_2082, %mul3A_2088 : vector<16xi1>, vector<16xf32>
        %exp3A_2090 = math.exp %select_n3A_2089 : vector<16xf32>
        %mul3A_2091 = arith.constant 128 : i32
        %mul3A_2092 = arith.muli %add3A_2049, %mul3A_2091 : i32
        %add3A_2093 = arith.addi %add3A_1970, %mul3A_2092 : i32
        %add3A_2094 = arith.constant 16 : i32
        %add3A_2095 = arith.addi %add3A_2093, %add3A_2094 : i32
        %add3A_2096 = vector.broadcast %add3A_2095 : i32 to vector<16xi32>
        %add3A_2097 = arith.addi %add3A_2096, %iota3A : vector<16xi32>
        %lt3A_2098 = arith.constant 330000 : i32
        %lt3A_2099 = vector.broadcast %lt3A_2098 : i32 to vector<16xi32>
        %lt3A_2100 = arith.cmpi slt, %add3A_2097, %lt3A_2099 : vector<16xi32>
        %jit3A_2101 = arith.constant 0.000000e+00 : f32
        %broadcast_in_dim3A_2102 = vector.broadcast %jit3A_2101 : f32 to vector<16xf32>
        %select_n3A_2103 = arith.select %lt3A_2100, %exp3A_2090, %broadcast_in_dim3A_2102 : vector<16xi1>, vector<16xf32>
        %swap3A_2104 = arith.index_cast %add3A_2049 : i32 to index
        %swap3A_2105 = arith.constant 16 : index
        %swap3A_2106 = tpu.vector_load %arg22[%swap3A_2104, %swap3A_2105] {strides = array<i32>} : memref<8x128xf32, #tpu.memory_space<vmem>>, vector<16xf32>,
        tpu.vector_store %arg22[%swap3A_2104, %swap3A_2105], %select_n3A_2103 {strides = array<i32>} : memref<8x128xf32, #tpu.memory_space<vmem>>, vector<16xf32>,
        %get3A_2107 = arith.index_cast %add3A_2049 : i32 to index
        %get3A_2108 = arith.constant 32 : index
        %get3A_2109 = tpu.vector_load %arg23[%get3A_2107, %get3A_2108] {strides = array<i32>} : memref<8x128xf32, #tpu.memory_space<vmem>>, vector<16xf32>,
        %get3A_2110 = arith.index_cast %add3A_2049 : i32 to index
        %get3A_2111 = arith.constant 32 : index
        %get3A_2112 = tpu.vector_load %arg24[%get3A_2110, %get3A_2111] {strides = array<i32>} : memref<8x128xf32, #tpu.memory_space<vmem>>, vector<16xf32>,
        %add3A_2113 = arith.addf %get3A_2109, %get3A_2112 : vector<16xf32>
        %gt3A_2114 = arith.constant 0.000000e+00 : f32
        %gt3A_2115 = vector.broadcast %gt3A_2114 : f32 to vector<16xf32>
        %gt3A_2116 = arith.cmpf ogt, %add3A_2113, %gt3A_2115 : vector<16xf32>
        %mul3A_2117 = arith.constant 2.000000e-01 : f32
        %mul3A_2118 = vector.broadcast %mul3A_2117 : f32 to vector<16xf32>
        %mul3A_2119 = arith.mulf %mul3A_2118, %add3A_2113 : vector<16xf32>
        %select_n3A_2120 = arith.select %gt3A_2116, %add3A_2113, %mul3A_2119 : vector<16xi1>, vector<16xf32>
        %exp3A_2121 = math.exp %select_n3A_2120 : vector<16xf32>
        %mul3A_2122 = arith.constant 128 : i32
        %mul3A_2123 = arith.muli %add3A_2049, %mul3A_2122 : i32
        %add3A_2124 = arith.addi %add3A_1970, %mul3A_2123 : i32
        %add3A_2125 = arith.constant 32 : i32
        %add3A_2126 = arith.addi %add3A_2124, %add3A_2125 : i32
        %add3A_2127 = vector.broadcast %add3A_2126 : i32 to vector<16xi32>
        %add3A_2128 = arith.addi %add3A_2127, %iota3A : vector<16xi32>
        %lt3A_2129 = arith.constant 330000 : i32
        %lt3A_2130 = vector.broadcast %lt3A_2129 : i32 to vector<16xi32>
        %lt3A_2131 = arith.cmpi slt, %add3A_2128, %lt3A_2130 : vector<16xi32>
        %jit3A_2132 = arith.constant 0.000000e+00 : f32
        %broadcast_in_dim3A_2133 = vector.broadcast %jit3A_2132 : f32 to vector<16xf32>
        %select_n3A_2134 = arith.select %lt3A_2131, %exp3A_2121, %broadcast_in_dim3A_2133 : vector<16xi1>, vector<16xf32>
        %swap3A_2135 = arith.index_cast %add3A_2049 : i32 to index
        %swap3A_2136 = arith.constant 32 : index
        %swap3A_2137 = tpu.vector_load %arg22[%swap3A_2135, %swap3A_2136] {strides = array<i32>} : memref<8x128xf32, #tpu.memory_space<vmem>>, vector<16xf32>,
        tpu.vector_store %arg22[%swap3A_2135, %swap3A_2136], %select_n3A_2134 {strides = array<i32>} : memref<8x128xf32, #tpu.memory_space<vmem>>, vector<16xf32>,
        %get3A_2138 = arith.index_cast %add3A_2049 : i32 to index
        %get3A_2139 = arith.constant 48 : index
        %get3A_2140 = tpu.vector_load %arg23[%get3A_2138, %get3A_2139] {strides = array<i32>} : memref<8x128xf32, #tpu.memory_space<vmem>>, vector<16xf32>,
        %get3A_2141 = arith.index_cast %add3A_2049 : i32 to index
        %get3A_2142 = arith.constant 48 : index
        %get3A_2143 = tpu.vector_load %arg24[%get3A_2141, %get3A_2142] {strides = array<i32>} : memref<8x128xf32, #tpu.memory_space<vmem>>, vector<16xf32>,
        %add3A_2144 = arith.addf %get3A_2140, %get3A_2143 : vector<16xf32>
        %gt3A_2145 = arith.constant 0.000000e+00 : f32
        %gt3A_2146 = vector.broadcast %gt3A_2145 : f32 to vector<16xf32>
        %gt3A_2147 = arith.cmpf ogt, %add3A_2144, %gt3A_2146 : vector<16xf32>
        %mul3A_2148 = arith.constant 2.000000e-01 : f32
        %mul3A_2149 = vector.broadcast %mul3A_2148 : f32 to vector<16xf32>
        %mul3A_2150 = arith.mulf %mul3A_2149, %add3A_2144 : vector<16xf32>
        %select_n3A_2151 = arith.select %gt3A_2147, %add3A_2144, %mul3A_2150 : vector<16xi1>, vector<16xf32>
        %exp3A_2152 = math.exp %select_n3A_2151 : vector<16xf32>
        %mul3A_2153 = arith.constant 128 : i32
        %mul3A_2154 = arith.muli %add3A_2049, %mul3A_2153 : i32
        %add3A_2155 = arith.addi %add3A_1970, %mul3A_2154 : i32
        %add3A_2156 = arith.constant 48 : i32
        %add3A_2157 = arith.addi %add3A_2155, %add3A_2156 : i32
        %add3A_2158 = vector.broadcast %add3A_2157 : i32 to vector<16xi32>
        %add3A_2159 = arith.addi %add3A_2158, %iota3A : vector<16xi32>
        %lt3A_2160 = arith.constant 330000 : i32
        %lt3A_2161 = vector.broadcast %lt3A_2160 : i32 to vector<16xi32>
        %lt3A_2162 = arith.cmpi slt, %add3A_2159, %lt3A_2161 : vector<16xi32>
        %jit3A_2163 = arith.constant 0.000000e+00 : f32
        %broadcast_in_dim3A_2164 = vector.broadcast %jit3A_2163 : f32 to vector<16xf32>
        %select_n3A_2165 = arith.select %lt3A_2162, %exp3A_2152, %broadcast_in_dim3A_2164 : vector<16xi1>, vector<16xf32>
        %swap3A_2166 = arith.index_cast %add3A_2049 : i32 to index
        %swap3A_2167 = arith.constant 48 : index
        %swap3A_2168 = tpu.vector_load %arg22[%swap3A_2166, %swap3A_2167] {strides = array<i32>} : memref<8x128xf32, #tpu.memory_space<vmem>>, vector<16xf32>,
        tpu.vector_store %arg22[%swap3A_2166, %swap3A_2167], %select_n3A_2165 {strides = array<i32>} : memref<8x128xf32, #tpu.memory_space<vmem>>, vector<16xf32>,
        %get3A_2169 = arith.index_cast %add3A_2049 : i32 to index
        %get3A_2170 = arith.constant 64 : index
        %get3A_2171 = tpu.vector_load %arg23[%get3A_2169, %get3A_2170] {strides = array<i32>} : memref<8x128xf32, #tpu.memory_space<vmem>>, vector<16xf32>,
        %get3A_2172 = arith.index_cast %add3A_2049 : i32 to index
        %get3A_2173 = arith.constant 64 : index
        %get3A_2174 = tpu.vector_load %arg24[%get3A_2172, %get3A_2173] {strides = array<i32>} : memref<8x128xf32, #tpu.memory_space<vmem>>, vector<16xf32>,
        %add3A_2175 = arith.addf %get3A_2171, %get3A_2174 : vector<16xf32>
        %gt3A_2176 = arith.constant 0.000000e+00 : f32
        %gt3A_2177 = vector.broadcast %gt3A_2176 : f32 to vector<16xf32>
        %gt3A_2178 = arith.cmpf ogt, %add3A_2175, %gt3A_2177 : vector<16xf32>
        %mul3A_2179 = arith.constant 2.000000e-01 : f32
        %mul3A_2180 = vector.broadcast %mul3A_2179 : f32 to vector<16xf32>
        %mul3A_2181 = arith.mulf %mul3A_2180, %add3A_2175 : vector<16xf32>
        %select_n3A_2182 = arith.select %gt3A_2178, %add3A_2175, %mul3A_2181 : vector<16xi1>, vector<16xf32>
        %exp3A_2183 = math.exp %select_n3A_2182 : vector<16xf32>
        %mul3A_2184 = arith.constant 128 : i32
        %mul3A_2185 = arith.muli %add3A_2049, %mul3A_2184 : i32
        %add3A_2186 = arith.addi %add3A_1970, %mul3A_2185 : i32
        %add3A_2187 = arith.constant 64 : i32
        %add3A_2188 = arith.addi %add3A_2186, %add3A_2187 : i32
        %add3A_2189 = vector.broadcast %add3A_2188 : i32 to vector<16xi32>
        %add3A_2190 = arith.addi %add3A_2189, %iota3A : vector<16xi32>
        %lt3A_2191 = arith.constant 330000 : i32
        %lt3A_2192 = vector.broadcast %lt3A_2191 : i32 to vector<16xi32>
        %lt3A_2193 = arith.cmpi slt, %add3A_2190, %lt3A_2192 : vector<16xi32>
        %jit3A_2194 = arith.constant 0.000000e+00 : f32
        %broadcast_in_dim3A_2195 = vector.broadcast %jit3A_2194 : f32 to vector<16xf32>
        %select_n3A_2196 = arith.select %lt3A_2193, %exp3A_2183, %broadcast_in_dim3A_2195 : vector<16xi1>, vector<16xf32>
        %swap3A_2197 = arith.index_cast %add3A_2049 : i32 to index
        %swap3A_2198 = arith.constant 64 : index
        %swap3A_2199 = tpu.vector_load %arg22[%swap3A_2197, %swap3A_2198] {strides = array<i32>} : memref<8x128xf32, #tpu.memory_space<vmem>>, vector<16xf32>,
        tpu.vector_store %arg22[%swap3A_2197, %swap3A_2198], %select_n3A_2196 {strides = array<i32>} : memref<8x128xf32, #tpu.memory_space<vmem>>, vector<16xf32>,
        %get3A_2200 = arith.index_cast %add3A_2049 : i32 to index
        %get3A_2201 = arith.constant 80 : index
        %get3A_2202 = tpu.vector_load %arg23[%get3A_2200, %get3A_2201] {strides = array<i32>} : memref<8x128xf32, #tpu.memory_space<vmem>>, vector<16xf32>,
        %get3A_2203 = arith.index_cast %add3A_2049 : i32 to index
        %get3A_2204 = arith.constant 80 : index
        %get3A_2205 = tpu.vector_load %arg24[%get3A_2203, %get3A_2204] {strides = array<i32>} : memref<8x128xf32, #tpu.memory_space<vmem>>, vector<16xf32>,
        %add3A_2206 = arith.addf %get3A_2202, %get3A_2205 : vector<16xf32>
        %gt3A_2207 = arith.constant 0.000000e+00 : f32
        %gt3A_2208 = vector.broadcast %gt3A_2207 : f32 to vector<16xf32>
        %gt3A_2209 = arith.cmpf ogt, %add3A_2206, %gt3A_2208 : vector<16xf32>
        %mul3A_2210 = arith.constant 2.000000e-01 : f32
        %mul3A_2211 = vector.broadcast %mul3A_2210 : f32 to vector<16xf32>
        %mul3A_2212 = arith.mulf %mul3A_2211, %add3A_2206 : vector<16xf32>
        %select_n3A_2213 = arith.select %gt3A_2209, %add3A_2206, %mul3A_2212 : vector<16xi1>, vector<16xf32>
        %exp3A_2214 = math.exp %select_n3A_2213 : vector<16xf32>
        %mul3A_2215 = arith.constant 128 : i32
        %mul3A_2216 = arith.muli %add3A_2049, %mul3A_2215 : i32
        %add3A_2217 = arith.addi %add3A_1970, %mul3A_2216 : i32
        %add3A_2218 = arith.constant 80 : i32
        %add3A_2219 = arith.addi %add3A_2217, %add3A_2218 : i32
        %add3A_2220 = vector.broadcast %add3A_2219 : i32 to vector<16xi32>
        %add3A_2221 = arith.addi %add3A_2220, %iota3A : vector<16xi32>
        %lt3A_2222 = arith.constant 330000 : i32
        %lt3A_2223 = vector.broadcast %lt3A_2222 : i32 to vector<16xi32>
        %lt3A_2224 = arith.cmpi slt, %add3A_2221, %lt3A_2223 : vector<16xi32>
        %jit3A_2225 = arith.constant 0.000000e+00 : f32
        %broadcast_in_dim3A_2226 = vector.broadcast %jit3A_2225 : f32 to vector<16xf32>
        %select_n3A_2227 = arith.select %lt3A_2224, %exp3A_2214, %broadcast_in_dim3A_2226 : vector<16xi1>, vector<16xf32>
        %swap3A_2228 = arith.index_cast %add3A_2049 : i32 to index
        %swap3A_2229 = arith.constant 80 : index
        %swap3A_2230 = tpu.vector_load %arg22[%swap3A_2228, %swap3A_2229] {strides = array<i32>} : memref<8x128xf32, #tpu.memory_space<vmem>>, vector<16xf32>,
        tpu.vector_store %arg22[%swap3A_2228, %swap3A_2229], %select_n3A_2227 {strides = array<i32>} : memref<8x128xf32, #tpu.memory_space<vmem>>, vector<16xf32>,
        %get3A_2231 = arith.index_cast %add3A_2049 : i32 to index
        %get3A_2232 = arith.constant 96 : index
        %get3A_2233 = tpu.vector_load %arg23[%get3A_2231, %get3A_2232] {strides = array<i32>} : memref<8x128xf32, #tpu.memory_space<vmem>>, vector<16xf32>,
        %get3A_2234 = arith.index_cast %add3A_2049 : i32 to index
        %get3A_2235 = arith.constant 96 : index
        %get3A_2236 = tpu.vector_load %arg24[%get3A_2234, %get3A_2235] {strides = array<i32>} : memref<8x128xf32, #tpu.memory_space<vmem>>, vector<16xf32>,
        %add3A_2237 = arith.addf %get3A_2233, %get3A_2236 : vector<16xf32>
        %gt3A_2238 = arith.constant 0.000000e+00 : f32
        %gt3A_2239 = vector.broadcast %gt3A_2238 : f32 to vector<16xf32>
        %gt3A_2240 = arith.cmpf ogt, %add3A_2237, %gt3A_2239 : vector<16xf32>
        %mul3A_2241 = arith.constant 2.000000e-01 : f32
        %mul3A_2242 = vector.broadcast %mul3A_2241 : f32 to vector<16xf32>
        %mul3A_2243 = arith.mulf %mul3A_2242, %add3A_2237 : vector<16xf32>
        %select_n3A_2244 = arith.select %gt3A_2240, %add3A_2237, %mul3A_2243 : vector<16xi1>, vector<16xf32>
        %exp3A_2245 = math.exp %select_n3A_2244 : vector<16xf32>
        %mul3A_2246 = arith.constant 128 : i32
        %mul3A_2247 = arith.muli %add3A_2049, %mul3A_2246 : i32
        %add3A_2248 = arith.addi %add3A_1970, %mul3A_2247 : i32
        %add3A_2249 = arith.constant 96 : i32
        %add3A_2250 = arith.addi %add3A_2248, %add3A_2249 : i32
        %add3A_2251 = vector.broadcast %add3A_2250 : i32 to vector<16xi32>
        %add3A_2252 = arith.addi %add3A_2251, %iota3A : vector<16xi32>
        %lt3A_2253 = arith.constant 330000 : i32
        %lt3A_2254 = vector.broadcast %lt3A_2253 : i32 to vector<16xi32>
        %lt3A_2255 = arith.cmpi slt, %add3A_2252, %lt3A_2254 : vector<16xi32>
        %jit3A_2256 = arith.constant 0.000000e+00 : f32
        %broadcast_in_dim3A_2257 = vector.broadcast %jit3A_2256 : f32 to vector<16xf32>
        %select_n3A_2258 = arith.select %lt3A_2255, %exp3A_2245, %broadcast_in_dim3A_2257 : vector<16xi1>, vector<16xf32>
        %swap3A_2259 = arith.index_cast %add3A_2049 : i32 to index
        %swap3A_2260 = arith.constant 96 : index
        %swap3A_2261 = tpu.vector_load %arg22[%swap3A_2259, %swap3A_2260] {strides = array<i32>} : memref<8x128xf32, #tpu.memory_space<vmem>>, vector<16xf32>,
        tpu.vector_store %arg22[%swap3A_2259, %swap3A_2260], %select_n3A_2258 {strides = array<i32>} : memref<8x128xf32, #tpu.memory_space<vmem>>, vector<16xf32>,
        %get3A_2262 = arith.index_cast %add3A_2049 : i32 to index
        %get3A_2263 = arith.constant 112 : index
        %get3A_2264 = tpu.vector_load %arg23[%get3A_2262, %get3A_2263] {strides = array<i32>} : memref<8x128xf32, #tpu.memory_space<vmem>>, vector<16xf32>,
        %get3A_2265 = arith.index_cast %add3A_2049 : i32 to index
        %get3A_2266 = arith.constant 112 : index
        %get3A_2267 = tpu.vector_load %arg24[%get3A_2265, %get3A_2266] {strides = array<i32>} : memref<8x128xf32, #tpu.memory_space<vmem>>, vector<16xf32>,
        %add3A_2268 = arith.addf %get3A_2264, %get3A_2267 : vector<16xf32>
        %gt3A_2269 = arith.constant 0.000000e+00 : f32
        %gt3A_2270 = vector.broadcast %gt3A_2269 : f32 to vector<16xf32>
        %gt3A_2271 = arith.cmpf ogt, %add3A_2268, %gt3A_2270 : vector<16xf32>
        %mul3A_2272 = arith.constant 2.000000e-01 : f32
        %mul3A_2273 = vector.broadcast %mul3A_2272 : f32 to vector<16xf32>
        %mul3A_2274 = arith.mulf %mul3A_2273, %add3A_2268 : vector<16xf32>
        %select_n3A_2275 = arith.select %gt3A_2271, %add3A_2268, %mul3A_2274 : vector<16xi1>, vector<16xf32>
        %exp3A_2276 = math.exp %select_n3A_2275 : vector<16xf32>
        %mul3A_2277 = arith.constant 128 : i32
        %mul3A_2278 = arith.muli %add3A_2049, %mul3A_2277 : i32
        %add3A_2279 = arith.addi %add3A_1970, %mul3A_2278 : i32
        %add3A_2280 = arith.constant 112 : i32
        %add3A_2281 = arith.addi %add3A_2279, %add3A_2280 : i32
        %add3A_2282 = vector.broadcast %add3A_2281 : i32 to vector<16xi32>
        %add3A_2283 = arith.addi %add3A_2282, %iota3A : vector<16xi32>
        %lt3A_2284 = arith.constant 330000 : i32
        %lt3A_2285 = vector.broadcast %lt3A_2284 : i32 to vector<16xi32>
        %lt3A_2286 = arith.cmpi slt, %add3A_2283, %lt3A_2285 : vector<16xi32>
        %jit3A_2287 = arith.constant 0.000000e+00 : f32
        %broadcast_in_dim3A_2288 = vector.broadcast %jit3A_2287 : f32 to vector<16xf32>
        %select_n3A_2289 = arith.select %lt3A_2286, %exp3A_2276, %broadcast_in_dim3A_2288 : vector<16xi1>, vector<16xf32>
        %swap3A_2290 = arith.index_cast %add3A_2049 : i32 to index
        %swap3A_2291 = arith.constant 112 : index
        %swap3A_2292 = tpu.vector_load %arg22[%swap3A_2290, %swap3A_2291] {strides = array<i32>} : memref<8x128xf32, #tpu.memory_space<vmem>>, vector<16xf32>,
        tpu.vector_store %arg22[%swap3A_2290, %swap3A_2291], %select_n3A_2289 {strides = array<i32>} : memref<8x128xf32, #tpu.memory_space<vmem>>, vector<16xf32>,
        "tpu.region"() ({
          %run_scoped3A_2293 = tpu.sem_alloc : memref<!tpu.dma_semaphore, #tpu.memory_space<semaphore_mem>>
          %dma_start3A = arith.constant 0 : i32
          %dma_start3A_2294 = tpu.memref_slice %arg22[%add3A_2049, %dma_start3A] : memref<8x128xf32, #tpu.memory_space<vmem>> -> memref<1x128xf32, #tpu.memory_space<vmem>>
          %dma_start3A_2295 = tpu.memref_squeeze %dma_start3A_2294 : memref<1x128xf32, #tpu.memory_space<vmem>> -> memref<128xf32, #tpu.memory_space<vmem>>
          %dma_start3A_2296 = arith.constant 0 : i32
          %dma_start3A_2297 = tpu.memref_slice %arg21[%add3A_2049, %dma_start3A_2296] : memref<8x128xi32, #tpu.memory_space<vmem>> -> memref<1x128xi32, #tpu.memory_space<vmem>>
          %dma_start3A_2298 = tpu.memref_squeeze %dma_start3A_2297 : memref<1x128xi32, #tpu.memory_space<vmem>> -> memref<128xi32, #tpu.memory_space<vmem>>
          %dma_start3A_2299 = arith.constant 0 : i32
          %dma_start3A_2300 = tpu.memref_slice %arg15[%dma_start3A_2299] : memref<10240xf32, #tpu.memory_space<vmem_shared>> -> memref<10240xf32, #tpu.memory_space<vmem_shared>>
          tpu.enqueue_indirect_dma source(%dma_start3A_2295 : memref<128xf32, #tpu.memory_space<vmem>>) target(%dma_start3A_2300 : memref<10240xf32, #tpu.memory_space<vmem_shared>>) offsets(%dma_start3A_2298 : memref<128xi32, #tpu.memory_space<vmem>>) semaphore(%run_scoped3A_2293 : memref<!tpu.dma_semaphore, #tpu.memory_space<semaphore_mem>>) {add = true}
          %dma_wait3A_2301 = arith.constant 0 : i32
          %dma_wait3A_2302 = tpu.memref_slice %arg22[%add3A_2049, %dma_wait3A_2301] : memref<8x128xf32, #tpu.memory_space<vmem>> -> memref<1x128xf32, #tpu.memory_space<vmem>>
          %dma_wait3A_2303 = tpu.memref_squeeze %dma_wait3A_2302 : memref<1x128xf32, #tpu.memory_space<vmem>> -> memref<128xf32, #tpu.memory_space<vmem>>
          %dma_wait3A_2304 = arith.constant 0 : i32
          %dma_wait3A_2305 = tpu.memref_slice %arg21[%add3A_2049, %dma_wait3A_2304] : memref<8x128xi32, #tpu.memory_space<vmem>> -> memref<1x128xi32, #tpu.memory_space<vmem>>
          %dma_wait3A_2306 = tpu.memref_squeeze %dma_wait3A_2305 : memref<1x128xi32, #tpu.memory_space<vmem>> -> memref<128xi32, #tpu.memory_space<vmem>>
          %dma_wait3A_2307 = arith.constant 0 : i32
          %dma_wait3A_2308 = tpu.memref_slice %arg15[%dma_wait3A_2307] : memref<10240xf32, #tpu.memory_space<vmem_shared>> -> memref<10240xf32, #tpu.memory_space<vmem_shared>>
          tpu.wait_indirect_dma semaphore(%run_scoped3A_2293 : memref<!tpu.dma_semaphore, #tpu.memory_space<semaphore_mem>>) src(%dma_wait3A_2303 : memref<128xf32, #tpu.memory_space<vmem>>) dst(%dma_wait3A_2308 : memref<10240xf32, #tpu.memory_space<vmem_shared>>)
          tpu.yield
        }) : () -> ()
      }
      %scan3A_1985 = arith.constant 8 : i32
      %eq3A_1986 = arith.constant 0 : i32
      %eq3A_1987 = arith.cmpi eq, %arg0, %eq3A_1986 : i32
      %and3A = arith.constant true
      %and3A_1988 = arith.andi %and3A, %eq3A_1987 : i1
      %convert_element_type3A_1989 = arith.extui %and3A_1988 : i1 to i32
      %cond3A_1990 = arith.constant 0 : i32
      %cond3A_1991 = arith.constant 0 : i32
      %cond3A_1992 = arith.cmpi ne, %convert_element_type3A_1989, %cond3A_1991 : i32
      scf.if %cond3A_1992 {
        %dma_start3A = arith.constant 0 : i32
        %dma_start3A_2045 = arith.constant 0 : i32
        %dma_start3A_2046 = arith.constant 0 : i32
        %dma_start3A_2047 = tpu.memref_slice %arg25[%dma_start3A, %dma_start3A_2045, %dma_start3A_2046] : memref<2x128x128xf32, #tpu.memory_space<vmem>> -> memref<1x128x128xf32, #tpu.memory_space<vmem>>
        %dma_start3A_2048 = tpu.memref_squeeze %dma_start3A_2047 : memref<1x128x128xf32, #tpu.memory_space<vmem>> -> memref<128x128xf32, #tpu.memory_space<vmem>>
        %dma_start3A_2049 = arith.constant 0 : i32
        %dma_start3A_2050 = tpu.memref_slice %arg20[%cond3A_1990, %dma_start3A_2049] : memref<8x128xi32, #tpu.memory_space<vmem>> -> memref<1x128xi32, #tpu.memory_space<vmem>>
        %dma_start3A_2051 = tpu.memref_squeeze %dma_start3A_2050 : memref<1x128xi32, #tpu.memory_space<vmem>> -> memref<128xi32, #tpu.memory_space<vmem>>
        %dma_start3A_2052 = arith.constant 0 : i32
        %dma_start3A_2053 = arith.constant 0 : i32
        %dma_start3A_2054 = tpu.memref_slice %arg2[%dma_start3A_2052, %dma_start3A_2053] : memref<10000x128xf32, #tpu.memory_space<hbm>> -> memref<10000x128xf32, #tpu.memory_space<hbm>>
        tpu.enqueue_indirect_dma source(%dma_start3A_2054 : memref<10000x128xf32, #tpu.memory_space<hbm>>) target(%dma_start3A_2048 : memref<128x128xf32, #tpu.memory_space<vmem>>) offsets(%dma_start3A_2051 : memref<128xi32, #tpu.memory_space<vmem>>) semaphore(%arg34 : memref<!tpu.dma_semaphore, #tpu.memory_space<semaphore_mem>>)
      } else {
      }
      %eq3A_1993 = arith.constant 1 : i32
      %eq3A_1994 = arith.cmpi eq, %arg0, %eq3A_1993 : i32
      %and3A_1995 = arith.constant true
      %and3A_1996 = arith.andi %and3A_1995, %eq3A_1994 : i1
      %convert_element_type3A_1997 = arith.extui %and3A_1996 : i1 to i32
      %cond3A_1998 = arith.constant 0 : i32
      %cond3A_1999 = arith.constant 0 : i32
      %cond3A_2000 = arith.cmpi ne, %convert_element_type3A_1997, %cond3A_1999 : i32
      scf.if %cond3A_2000 {
        %dma_start3A = arith.constant 0 : i32
        %dma_start3A_2045 = arith.constant 0 : i32
        %dma_start3A_2046 = arith.constant 0 : i32
        %dma_start3A_2047 = tpu.memref_slice %arg25[%dma_start3A, %dma_start3A_2045, %dma_start3A_2046] : memref<2x128x128xf32, #tpu.memory_space<vmem>> -> memref<1x128x128xf32, #tpu.memory_space<vmem>>
        %dma_start3A_2048 = tpu.memref_squeeze %dma_start3A_2047 : memref<1x128x128xf32, #tpu.memory_space<vmem>> -> memref<128x128xf32, #tpu.memory_space<vmem>>
        %dma_start3A_2049 = arith.constant 0 : i32
        %dma_start3A_2050 = tpu.memref_slice %arg20[%cond3A_1998, %dma_start3A_2049] : memref<8x128xi32, #tpu.memory_space<vmem>> -> memref<1x128xi32, #tpu.memory_space<vmem>>
        %dma_start3A_2051 = tpu.memref_squeeze %dma_start3A_2050 : memref<1x128xi32, #tpu.memory_space<vmem>> -> memref<128xi32, #tpu.memory_space<vmem>>
        %dma_start3A_2052 = arith.constant 0 : i32
        %dma_start3A_2053 = arith.constant 0 : i32
        %dma_start3A_2054 = tpu.memref_slice %arg3[%dma_start3A_2052, %dma_start3A_2053] : memref<10000x128xf32, #tpu.memory_space<hbm>> -> memref<10000x128xf32, #tpu.memory_space<hbm>>
        tpu.enqueue_indirect_dma source(%dma_start3A_2054 : memref<10000x128xf32, #tpu.memory_space<hbm>>) target(%dma_start3A_2048 : memref<128x128xf32, #tpu.memory_space<vmem>>) offsets(%dma_start3A_2051 : memref<128xi32, #tpu.memory_space<vmem>>) semaphore(%arg34 : memref<!tpu.dma_semaphore, #tpu.memory_space<semaphore_mem>>)
      } else {
      }
      %eq3A_2001 = arith.constant 0 : i32
      %eq3A_2002 = arith.cmpi eq, %arg0, %eq3A_2001 : i32
      %and3A_2003 = arith.constant false
      %and3A_2004 = arith.andi %and3A_2003, %eq3A_2002 : i1
      %convert_element_type3A_2005 = arith.extui %and3A_2004 : i1 to i32
      %cond3A_2006 = arith.constant 0 : i32
      %cond3A_2007 = arith.constant 0 : i32
      %cond3A_2008 = arith.cmpi ne, %convert_element_type3A_2005, %cond3A_2007 : i32
      scf.if %cond3A_2008 {
        %dma_start3A = arith.constant 1 : i32
        %dma_start3A_2045 = arith.constant 0 : i32
        %dma_start3A_2046 = arith.constant 0 : i32
        %dma_start3A_2047 = tpu.memref_slice %arg25[%dma_start3A, %dma_start3A_2045, %dma_start3A_2046] : memref<2x128x128xf32, #tpu.memory_space<vmem>> -> memref<1x128x128xf32, #tpu.memory_space<vmem>>
        %dma_start3A_2048 = tpu.memref_squeeze %dma_start3A_2047 : memref<1x128x128xf32, #tpu.memory_space<vmem>> -> memref<128x128xf32, #tpu.memory_space<vmem>>
        %dma_start3A_2049 = arith.constant 0 : i32
        %dma_start3A_2050 = tpu.memref_slice %arg20[%cond3A_2006, %dma_start3A_2049] : memref<8x128xi32, #tpu.memory_space<vmem>> -> memref<1x128xi32, #tpu.memory_space<vmem>>
        %dma_start3A_2051 = tpu.memref_squeeze %dma_start3A_2050 : memref<1x128xi32, #tpu.memory_space<vmem>> -> memref<128xi32, #tpu.memory_space<vmem>>
        %dma_start3A_2052 = arith.constant 0 : i32
        %dma_start3A_2053 = arith.constant 0 : i32
        %dma_start3A_2054 = tpu.memref_slice %arg2[%dma_start3A_2052, %dma_start3A_2053] : memref<10000x128xf32, #tpu.memory_space<hbm>> -> memref<10000x128xf32, #tpu.memory_space<hbm>>
        tpu.enqueue_indirect_dma source(%dma_start3A_2054 : memref<10000x128xf32, #tpu.memory_space<hbm>>) target(%dma_start3A_2048 : memref<128x128xf32, #tpu.memory_space<vmem>>) offsets(%dma_start3A_2051 : memref<128xi32, #tpu.memory_space<vmem>>) semaphore(%arg35 : memref<!tpu.dma_semaphore, #tpu.memory_space<semaphore_mem>>)
      } else {
      }
      %eq3A_2009 = arith.constant 1 : i32
      %eq3A_2010 = arith.cmpi eq, %arg0, %eq3A_2009 : i32
      %and3A_2011 = arith.constant false
      %and3A_2012 = arith.andi %and3A_2011, %eq3A_2010 : i1
      %convert_element_type3A_2013 = arith.extui %and3A_2012 : i1 to i32
      %cond3A_2014 = arith.constant 0 : i32
      %cond3A_2015 = arith.constant 0 : i32
      %cond3A_2016 = arith.cmpi ne, %convert_element_type3A_2013, %cond3A_2015 : i32
      scf.if %cond3A_2016 {
        %dma_start3A = arith.constant 1 : i32
        %dma_start3A_2045 = arith.constant 0 : i32
        %dma_start3A_2046 = arith.constant 0 : i32
        %dma_start3A_2047 = tpu.memref_slice %arg25[%dma_start3A, %dma_start3A_2045, %dma_start3A_2046] : memref<2x128x128xf32, #tpu.memory_space<vmem>> -> memref<1x128x128xf32, #tpu.memory_space<vmem>>
        %dma_start3A_2048 = tpu.memref_squeeze %dma_start3A_2047 : memref<1x128x128xf32, #tpu.memory_space<vmem>> -> memref<128x128xf32, #tpu.memory_space<vmem>>
        %dma_start3A_2049 = arith.constant 0 : i32
        %dma_start3A_2050 = tpu.memref_slice %arg20[%cond3A_2014, %dma_start3A_2049] : memref<8x128xi32, #tpu.memory_space<vmem>> -> memref<1x128xi32, #tpu.memory_space<vmem>>
        %dma_start3A_2051 = tpu.memref_squeeze %dma_start3A_2050 : memref<1x128xi32, #tpu.memory_space<vmem>> -> memref<128xi32, #tpu.memory_space<vmem>>
        %dma_start3A_2052 = arith.constant 0 : i32
        %dma_start3A_2053 = arith.constant 0 : i32
        %dma_start3A_2054 = tpu.memref_slice %arg3[%dma_start3A_2052, %dma_start3A_2053] : memref<10000x128xf32, #tpu.memory_space<hbm>> -> memref<10000x128xf32, #tpu.memory_space<hbm>>
        tpu.enqueue_indirect_dma source(%dma_start3A_2054 : memref<10000x128xf32, #tpu.memory_space<hbm>>) target(%dma_start3A_2048 : memref<128x128xf32, #tpu.memory_space<vmem>>) offsets(%dma_start3A_2051 : memref<128xi32, #tpu.memory_space<vmem>>) semaphore(%arg35 : memref<!tpu.dma_semaphore, #tpu.memory_space<semaphore_mem>>)
      } else {
      }
      %scan3A_2017 = arith.constant 0 : i32
      %scan3A_2018 = arith.constant 8 : i32
      %scan3A_2019 = arith.addi %scan3A_2017, %scan3A_2018 : i32
      %scan3A_2020 = arith.constant 1 : i32
      scf.for %scan3A_2045 = %scan3A_2017 to %scan3A_2019 step %scan3A_2020  : i32 {
        %mul3A_2046 = arith.constant 1 : i32
        %mul3A_2047 = arith.muli %scan3A_2045, %mul3A_2046 : i32
        %add3A_2048 = arith.constant 0 : i32
        %add3A_2049 = arith.addi %add3A_2048, %mul3A_2047 : i32
        %and3A_2050 = arith.constant 1 : i32
        %and3A_2051 = arith.andi %add3A_2049, %and3A_2050 : i32
        %eq3A_2052 = arith.constant 0 : i32
        %eq3A_2053 = arith.cmpi eq, %and3A_2051, %eq3A_2052 : i32
        %convert_element_type3A_2054 = arith.extui %eq3A_2053 : i1 to i32
        %cond3A_2055 = arith.constant 0 : i32
        %cond3A_2056 = arith.cmpi ne, %convert_element_type3A_2054, %cond3A_2055 : i32
        scf.if %cond3A_2056 {
          %dma_wait3A_2083 = arith.constant 0 : i32
          %dma_wait3A_2084 = arith.constant 0 : i32
          %dma_wait3A_2085 = arith.constant 0 : i32
          %dma_wait3A_2086 = tpu.memref_slice %arg25[%dma_wait3A_2083, %dma_wait3A_2084, %dma_wait3A_2085] : memref<2x128x128xf32, #tpu.memory_space<vmem>> -> memref<1x128x128xf32, #tpu.memory_space<vmem>>
          %dma_wait3A_2087 = tpu.memref_squeeze %dma_wait3A_2086 : memref<1x128x128xf32, #tpu.memory_space<vmem>> -> memref<128x128xf32, #tpu.memory_space<vmem>>
          %dma_wait3A_2088 = arith.constant 0 : i32
          %dma_wait3A_2089 = tpu.memref_slice %arg20[%add3A_2049, %dma_wait3A_2088] : memref<8x128xi32, #tpu.memory_space<vmem>> -> memref<1x128xi32, #tpu.memory_space<vmem>>
          %dma_wait3A_2090 = tpu.memref_squeeze %dma_wait3A_2089 : memref<1x128xi32, #tpu.memory_space<vmem>> -> memref<128xi32, #tpu.memory_space<vmem>>
          %dma_wait3A_2091 = arith.constant 0 : i32
          %dma_wait3A_2092 = arith.constant 0 : i32
          %dma_wait3A_2093 = tpu.memref_slice %arg2[%dma_wait3A_2091, %dma_wait3A_2092] : memref<10000x128xf32, #tpu.memory_space<hbm>> -> memref<10000x128xf32, #tpu.memory_space<hbm>>
          tpu.wait_indirect_dma semaphore(%arg34 : memref<!tpu.dma_semaphore, #tpu.memory_space<semaphore_mem>>) src(%dma_wait3A_2093 : memref<10000x128xf32, #tpu.memory_space<hbm>>) dst(%dma_wait3A_2087 : memref<128x128xf32, #tpu.memory_space<vmem>>)
        } else {
        }
        %eq3A_2057 = arith.constant 1 : i32
        %eq3A_2058 = arith.cmpi eq, %and3A_2051, %eq3A_2057 : i32
        %convert_element_type3A_2059 = arith.extui %eq3A_2058 : i1 to i32
        %cond3A_2060 = arith.constant 0 : i32
        %cond3A_2061 = arith.cmpi ne, %convert_element_type3A_2059, %cond3A_2060 : i32
        scf.if %cond3A_2061 {
          %dma_wait3A_2083 = arith.constant 1 : i32
          %dma_wait3A_2084 = arith.constant 0 : i32
          %dma_wait3A_2085 = arith.constant 0 : i32
          %dma_wait3A_2086 = tpu.memref_slice %arg25[%dma_wait3A_2083, %dma_wait3A_2084, %dma_wait3A_2085] : memref<2x128x128xf32, #tpu.memory_space<vmem>> -> memref<1x128x128xf32, #tpu.memory_space<vmem>>
          %dma_wait3A_2087 = tpu.memref_squeeze %dma_wait3A_2086 : memref<1x128x128xf32, #tpu.memory_space<vmem>> -> memref<128x128xf32, #tpu.memory_space<vmem>>
          %dma_wait3A_2088 = arith.constant 0 : i32
          %dma_wait3A_2089 = tpu.memref_slice %arg20[%add3A_2049, %dma_wait3A_2088] : memref<8x128xi32, #tpu.memory_space<vmem>> -> memref<1x128xi32, #tpu.memory_space<vmem>>
          %dma_wait3A_2090 = tpu.memref_squeeze %dma_wait3A_2089 : memref<1x128xi32, #tpu.memory_space<vmem>> -> memref<128xi32, #tpu.memory_space<vmem>>
          %dma_wait3A_2091 = arith.constant 0 : i32
          %dma_wait3A_2092 = arith.constant 0 : i32
          %dma_wait3A_2093 = tpu.memref_slice %arg2[%dma_wait3A_2091, %dma_wait3A_2092] : memref<10000x128xf32, #tpu.memory_space<hbm>> -> memref<10000x128xf32, #tpu.memory_space<hbm>>
          tpu.wait_indirect_dma semaphore(%arg35 : memref<!tpu.dma_semaphore, #tpu.memory_space<semaphore_mem>>) src(%dma_wait3A_2093 : memref<10000x128xf32, #tpu.memory_space<hbm>>) dst(%dma_wait3A_2087 : memref<128x128xf32, #tpu.memory_space<vmem>>)
        } else {
        }
        %add3A_2062 = arith.constant 1 : i32
        %add3A_2063 = arith.addi %add3A_2049, %add3A_2062 : i32
        %lt3A = arith.constant 8 : i32
        %lt3A_2064 = arith.cmpi slt, %add3A_2063, %lt3A : i32
        %convert_element_type3A_2065 = arith.extui %lt3A_2064 : i1 to i32
        %cond3A_2066 = arith.constant 0 : i32
        %cond3A_2067 = arith.cmpi ne, %convert_element_type3A_2065, %cond3A_2066 : i32
        scf.if %cond3A_2067 {
          %ge3A = arith.constant 1 : i32
          %ge3A_2083 = arith.cmpi sge, %add3A_2049, %ge3A : i32
          %convert_element_type3A_2084 = arith.extui %ge3A_2083 : i1 to i32
          %cond3A_2085 = arith.constant 0 : i32
          %cond3A_2086 = arith.cmpi ne, %convert_element_type3A_2084, %cond3A_2085 : i32
          scf.if %cond3A_2086 {
            %sub3A_2123 = arith.constant 1 : i32
            %sub3A_2124 = arith.subi %add3A_2049, %sub3A_2123 : i32
            %sub3A_2125 = arith.constant 1 : i32
            %sub3A_2126 = arith.subi %sub3A_2125, %and3A_2051 : i32
            %eq3A_2127 = arith.constant 0 : i32
            %eq3A_2128 = arith.cmpi eq, %sub3A_2126, %eq3A_2127 : i32
            %convert_element_type3A_2129 = arith.extui %eq3A_2128 : i1 to i32
            %cond3A_2130 = arith.constant 0 : i32
            %cond3A_2131 = arith.cmpi ne, %convert_element_type3A_2129, %cond3A_2130 : i32
            scf.if %cond3A_2131 {
              %dma_wait3A_2137 = arith.constant 0 : i32
              %dma_wait3A_2138 = arith.constant 0 : i32
              %dma_wait3A_2139 = arith.constant 0 : i32
              %dma_wait3A_2140 = tpu.memref_slice %arg25[%dma_wait3A_2137, %dma_wait3A_2138, %dma_wait3A_2139] : memref<2x128x128xf32, #tpu.memory_space<vmem>> -> memref<1x128x128xf32, #tpu.memory_space<vmem>>
              %dma_wait3A_2141 = tpu.memref_squeeze %dma_wait3A_2140 : memref<1x128x128xf32, #tpu.memory_space<vmem>> -> memref<128x128xf32, #tpu.memory_space<vmem>>
              %dma_wait3A_2142 = arith.constant 0 : i32
              %dma_wait3A_2143 = tpu.memref_slice %arg21[%sub3A_2124, %dma_wait3A_2142] : memref<8x128xi32, #tpu.memory_space<vmem>> -> memref<1x128xi32, #tpu.memory_space<vmem>>
              %dma_wait3A_2144 = tpu.memref_squeeze %dma_wait3A_2143 : memref<1x128xi32, #tpu.memory_space<vmem>> -> memref<128xi32, #tpu.memory_space<vmem>>
              %dma_wait3A_2145 = arith.constant 0 : i32
              %dma_wait3A_2146 = arith.constant 0 : i32
              %dma_wait3A_2147 = tpu.memref_slice %arg14[%dma_wait3A_2145, %dma_wait3A_2146] : memref<10000x128xf32, #tpu.memory_space<vmem_shared>> -> memref<10000x128xf32, #tpu.memory_space<vmem_shared>>
              tpu.wait_indirect_dma semaphore(%arg36 : memref<!tpu.dma_semaphore, #tpu.memory_space<semaphore_mem>>) src(%dma_wait3A_2141 : memref<128x128xf32, #tpu.memory_space<vmem>>) dst(%dma_wait3A_2147 : memref<10000x128xf32, #tpu.memory_space<vmem_shared>>)
            } else {
            }
            %eq3A_2132 = arith.constant 1 : i32
            %eq3A_2133 = arith.cmpi eq, %sub3A_2126, %eq3A_2132 : i32
            %convert_element_type3A_2134 = arith.extui %eq3A_2133 : i1 to i32
            %cond3A_2135 = arith.constant 0 : i32
            %cond3A_2136 = arith.cmpi ne, %convert_element_type3A_2134, %cond3A_2135 : i32
            scf.if %cond3A_2136 {
              %dma_wait3A_2137 = arith.constant 1 : i32
              %dma_wait3A_2138 = arith.constant 0 : i32
              %dma_wait3A_2139 = arith.constant 0 : i32
              %dma_wait3A_2140 = tpu.memref_slice %arg25[%dma_wait3A_2137, %dma_wait3A_2138, %dma_wait3A_2139] : memref<2x128x128xf32, #tpu.memory_space<vmem>> -> memref<1x128x128xf32, #tpu.memory_space<vmem>>
              %dma_wait3A_2141 = tpu.memref_squeeze %dma_wait3A_2140 : memref<1x128x128xf32, #tpu.memory_space<vmem>> -> memref<128x128xf32, #tpu.memory_space<vmem>>
              %dma_wait3A_2142 = arith.constant 0 : i32
              %dma_wait3A_2143 = tpu.memref_slice %arg21[%sub3A_2124, %dma_wait3A_2142] : memref<8x128xi32, #tpu.memory_space<vmem>> -> memref<1x128xi32, #tpu.memory_space<vmem>>
              %dma_wait3A_2144 = tpu.memref_squeeze %dma_wait3A_2143 : memref<1x128xi32, #tpu.memory_space<vmem>> -> memref<128xi32, #tpu.memory_space<vmem>>
              %dma_wait3A_2145 = arith.constant 0 : i32
              %dma_wait3A_2146 = arith.constant 0 : i32
              %dma_wait3A_2147 = tpu.memref_slice %arg14[%dma_wait3A_2145, %dma_wait3A_2146] : memref<10000x128xf32, #tpu.memory_space<vmem_shared>> -> memref<10000x128xf32, #tpu.memory_space<vmem_shared>>
              tpu.wait_indirect_dma semaphore(%arg37 : memref<!tpu.dma_semaphore, #tpu.memory_space<semaphore_mem>>) src(%dma_wait3A_2141 : memref<128x128xf32, #tpu.memory_space<vmem>>) dst(%dma_wait3A_2147 : memref<10000x128xf32, #tpu.memory_space<vmem_shared>>)
            } else {
            }
          } else {
          }
          %add3A_2087 = arith.constant 1 : i32
          %add3A_2088 = arith.addi %add3A_2049, %add3A_2087 : i32
          %sub3A_2089 = arith.constant 1 : i32
          %sub3A_2090 = arith.subi %sub3A_2089, %and3A_2051 : i32
          %eq3A_2091 = arith.constant 0 : i32
          %eq3A_2092 = arith.cmpi eq, %sub3A_2090, %eq3A_2091 : i32
          %eq3A_2093 = arith.constant 0 : i32
          %eq3A_2094 = arith.cmpi eq, %arg0, %eq3A_2093 : i32
          %and3A_2095 = arith.andi %eq3A_2092, %eq3A_2094 : i1
          %convert_element_type3A_2096 = arith.extui %and3A_2095 : i1 to i32
          %cond3A_2097 = arith.constant 0 : i32
          %cond3A_2098 = arith.cmpi ne, %convert_element_type3A_2096, %cond3A_2097 : i32
          scf.if %cond3A_2098 {
            %dma_start3A = arith.constant 0 : i32
            %dma_start3A_2123 = arith.constant 0 : i32
            %dma_start3A_2124 = arith.constant 0 : i32
            %dma_start3A_2125 = tpu.memref_slice %arg25[%dma_start3A, %dma_start3A_2123, %dma_start3A_2124] : memref<2x128x128xf32, #tpu.memory_space<vmem>> -> memref<1x128x128xf32, #tpu.memory_space<vmem>>
            %dma_start3A_2126 = tpu.memref_squeeze %dma_start3A_2125 : memref<1x128x128xf32, #tpu.memory_space<vmem>> -> memref<128x128xf32, #tpu.memory_space<vmem>>
            %dma_start3A_2127 = arith.constant 0 : i32
            %dma_start3A_2128 = tpu.memref_slice %arg20[%add3A_2088, %dma_start3A_2127] : memref<8x128xi32, #tpu.memory_space<vmem>> -> memref<1x128xi32, #tpu.memory_space<vmem>>
            %dma_start3A_2129 = tpu.memref_squeeze %dma_start3A_2128 : memref<1x128xi32, #tpu.memory_space<vmem>> -> memref<128xi32, #tpu.memory_space<vmem>>
            %dma_start3A_2130 = arith.constant 0 : i32
            %dma_start3A_2131 = arith.constant 0 : i32
            %dma_start3A_2132 = tpu.memref_slice %arg2[%dma_start3A_2130, %dma_start3A_2131] : memref<10000x128xf32, #tpu.memory_space<hbm>> -> memref<10000x128xf32, #tpu.memory_space<hbm>>
            tpu.enqueue_indirect_dma source(%dma_start3A_2132 : memref<10000x128xf32, #tpu.memory_space<hbm>>) target(%dma_start3A_2126 : memref<128x128xf32, #tpu.memory_space<vmem>>) offsets(%dma_start3A_2129 : memref<128xi32, #tpu.memory_space<vmem>>) semaphore(%arg34 : memref<!tpu.dma_semaphore, #tpu.memory_space<semaphore_mem>>)
          } else {
          }
          %eq3A_2099 = arith.constant 0 : i32
          %eq3A_2100 = arith.cmpi eq, %sub3A_2090, %eq3A_2099 : i32
          %eq3A_2101 = arith.constant 1 : i32
          %eq3A_2102 = arith.cmpi eq, %arg0, %eq3A_2101 : i32
          %and3A_2103 = arith.andi %eq3A_2100, %eq3A_2102 : i1
          %convert_element_type3A_2104 = arith.extui %and3A_2103 : i1 to i32
          %cond3A_2105 = arith.constant 0 : i32
          %cond3A_2106 = arith.cmpi ne, %convert_element_type3A_2104, %cond3A_2105 : i32
          scf.if %cond3A_2106 {
            %dma_start3A = arith.constant 0 : i32
            %dma_start3A_2123 = arith.constant 0 : i32
            %dma_start3A_2124 = arith.constant 0 : i32
            %dma_start3A_2125 = tpu.memref_slice %arg25[%dma_start3A, %dma_start3A_2123, %dma_start3A_2124] : memref<2x128x128xf32, #tpu.memory_space<vmem>> -> memref<1x128x128xf32, #tpu.memory_space<vmem>>
            %dma_start3A_2126 = tpu.memref_squeeze %dma_start3A_2125 : memref<1x128x128xf32, #tpu.memory_space<vmem>> -> memref<128x128xf32, #tpu.memory_space<vmem>>
            %dma_start3A_2127 = arith.constant 0 : i32
            %dma_start3A_2128 = tpu.memref_slice %arg20[%add3A_2088, %dma_start3A_2127] : memref<8x128xi32, #tpu.memory_space<vmem>> -> memref<1x128xi32, #tpu.memory_space<vmem>>
            %dma_start3A_2129 = tpu.memref_squeeze %dma_start3A_2128 : memref<1x128xi32, #tpu.memory_space<vmem>> -> memref<128xi32, #tpu.memory_space<vmem>>
            %dma_start3A_2130 = arith.constant 0 : i32
            %dma_start3A_2131 = arith.constant 0 : i32
            %dma_start3A_2132 = tpu.memref_slice %arg3[%dma_start3A_2130, %dma_start3A_2131] : memref<10000x128xf32, #tpu.memory_space<hbm>> -> memref<10000x128xf32, #tpu.memory_space<hbm>>
            tpu.enqueue_indirect_dma source(%dma_start3A_2132 : memref<10000x128xf32, #tpu.memory_space<hbm>>) target(%dma_start3A_2126 : memref<128x128xf32, #tpu.memory_space<vmem>>) offsets(%dma_start3A_2129 : memref<128xi32, #tpu.memory_space<vmem>>) semaphore(%arg34 : memref<!tpu.dma_semaphore, #tpu.memory_space<semaphore_mem>>)
          } else {
          }
          %eq3A_2107 = arith.constant 1 : i32
          %eq3A_2108 = arith.cmpi eq, %sub3A_2090, %eq3A_2107 : i32
          %eq3A_2109 = arith.constant 0 : i32
          %eq3A_2110 = arith.cmpi eq, %arg0, %eq3A_2109 : i32
          %and3A_2111 = arith.andi %eq3A_2108, %eq3A_2110 : i1
          %convert_element_type3A_2112 = arith.extui %and3A_2111 : i1 to i32
          %cond3A_2113 = arith.constant 0 : i32
          %cond3A_2114 = arith.cmpi ne, %convert_element_type3A_2112, %cond3A_2113 : i32
          scf.if %cond3A_2114 {
            %dma_start3A = arith.constant 1 : i32
            %dma_start3A_2123 = arith.constant 0 : i32
            %dma_start3A_2124 = arith.constant 0 : i32
            %dma_start3A_2125 = tpu.memref_slice %arg25[%dma_start3A, %dma_start3A_2123, %dma_start3A_2124] : memref<2x128x128xf32, #tpu.memory_space<vmem>> -> memref<1x128x128xf32, #tpu.memory_space<vmem>>
            %dma_start3A_2126 = tpu.memref_squeeze %dma_start3A_2125 : memref<1x128x128xf32, #tpu.memory_space<vmem>> -> memref<128x128xf32, #tpu.memory_space<vmem>>
            %dma_start3A_2127 = arith.constant 0 : i32
            %dma_start3A_2128 = tpu.memref_slice %arg20[%add3A_2088, %dma_start3A_2127] : memref<8x128xi32, #tpu.memory_space<vmem>> -> memref<1x128xi32, #tpu.memory_space<vmem>>
            %dma_start3A_2129 = tpu.memref_squeeze %dma_start3A_2128 : memref<1x128xi32, #tpu.memory_space<vmem>> -> memref<128xi32, #tpu.memory_space<vmem>>
            %dma_start3A_2130 = arith.constant 0 : i32
            %dma_start3A_2131 = arith.constant 0 : i32
            %dma_start3A_2132 = tpu.memref_slice %arg2[%dma_start3A_2130, %dma_start3A_2131] : memref<10000x128xf32, #tpu.memory_space<hbm>> -> memref<10000x128xf32, #tpu.memory_space<hbm>>
            tpu.enqueue_indirect_dma source(%dma_start3A_2132 : memref<10000x128xf32, #tpu.memory_space<hbm>>) target(%dma_start3A_2126 : memref<128x128xf32, #tpu.memory_space<vmem>>) offsets(%dma_start3A_2129 : memref<128xi32, #tpu.memory_space<vmem>>) semaphore(%arg35 : memref<!tpu.dma_semaphore, #tpu.memory_space<semaphore_mem>>)
          } else {
          }
          %eq3A_2115 = arith.constant 1 : i32
          %eq3A_2116 = arith.cmpi eq, %sub3A_2090, %eq3A_2115 : i32
          %eq3A_2117 = arith.constant 1 : i32
          %eq3A_2118 = arith.cmpi eq, %arg0, %eq3A_2117 : i32
          %and3A_2119 = arith.andi %eq3A_2116, %eq3A_2118 : i1
          %convert_element_type3A_2120 = arith.extui %and3A_2119 : i1 to i32
          %cond3A_2121 = arith.constant 0 : i32
          %cond3A_2122 = arith.cmpi ne, %convert_element_type3A_2120, %cond3A_2121 : i32
          scf.if %cond3A_2122 {
            %dma_start3A = arith.constant 1 : i32
            %dma_start3A_2123 = arith.constant 0 : i32
            %dma_start3A_2124 = arith.constant 0 : i32
            %dma_start3A_2125 = tpu.memref_slice %arg25[%dma_start3A, %dma_start3A_2123, %dma_start3A_2124] : memref<2x128x128xf32, #tpu.memory_space<vmem>> -> memref<1x128x128xf32, #tpu.memory_space<vmem>>
            %dma_start3A_2126 = tpu.memref_squeeze %dma_start3A_2125 : memref<1x128x128xf32, #tpu.memory_space<vmem>> -> memref<128x128xf32, #tpu.memory_space<vmem>>
            %dma_start3A_2127 = arith.constant 0 : i32
            %dma_start3A_2128 = tpu.memref_slice %arg20[%add3A_2088, %dma_start3A_2127] : memref<8x128xi32, #tpu.memory_space<vmem>> -> memref<1x128xi32, #tpu.memory_space<vmem>>
            %dma_start3A_2129 = tpu.memref_squeeze %dma_start3A_2128 : memref<1x128xi32, #tpu.memory_space<vmem>> -> memref<128xi32, #tpu.memory_space<vmem>>
            %dma_start3A_2130 = arith.constant 0 : i32
            %dma_start3A_2131 = arith.constant 0 : i32
            %dma_start3A_2132 = tpu.memref_slice %arg3[%dma_start3A_2130, %dma_start3A_2131] : memref<10000x128xf32, #tpu.memory_space<hbm>> -> memref<10000x128xf32, #tpu.memory_space<hbm>>
            tpu.enqueue_indirect_dma source(%dma_start3A_2132 : memref<10000x128xf32, #tpu.memory_space<hbm>>) target(%dma_start3A_2126 : memref<128x128xf32, #tpu.memory_space<vmem>>) offsets(%dma_start3A_2129 : memref<128xi32, #tpu.memory_space<vmem>>) semaphore(%arg35 : memref<!tpu.dma_semaphore, #tpu.memory_space<semaphore_mem>>)
          } else {
          }
        } else {
        }
        %scan3A_2068 = arith.constant 0 : i32
        %scan3A_2069 = arith.constant 128 : i32
        %scan3A_2070 = arith.addi %scan3A_2068, %scan3A_2069 : i32
        %scan3A_2071 = arith.constant 1 : i32
        scf.for %scan3A_2083 = %scan3A_2068 to %scan3A_2070 step %scan3A_2071  : i32 {
          %mul3A_2084 = arith.constant 1 : i32
          %mul3A_2085 = arith.muli %scan3A_2083, %mul3A_2084 : i32
          %add3A_2086 = arith.constant 0 : i32
          %add3A_2087 = arith.addi %add3A_2086, %mul3A_2085 : i32
          %broadcast_in_dim3A_2088 = vector.broadcast %add3A_2049 : i32 to vector<16xi32>
          %broadcast_in_dim3A_2089 = vector.broadcast %add3A_2087 : i32 to vector<16xi32>
          %gather3A = tpu.vector_load_idx %arg22[%broadcast_in_dim3A_2088, %broadcast_in_dim3A_2089] : memref<8x128xf32, #tpu.memory_space<vmem>>[vector<16xi32>, vector<16xi32>], vector<16xf32>,
          %get3A_2090 = arith.index_cast %and3A_2051 : i32 to index
          %get3A_2091 = arith.index_cast %add3A_2087 : i32 to index
          %get3A_2092 = arith.constant 0 : index
          %get3A_2093 = tpu.vector_load %arg25[%get3A_2090, %get3A_2091, %get3A_2092] {strides = array<i32>} : memref<2x128x128xf32, #tpu.memory_space<vmem>>, vector<16xf32>,
          %mul3A_2094 = arith.mulf %get3A_2093, %gather3A : vector<16xf32>
          %swap3A_2095 = arith.index_cast %and3A_2051 : i32 to index
          %swap3A_2096 = arith.index_cast %add3A_2087 : i32 to index
          %swap3A_2097 = arith.constant 0 : index
          %swap3A_2098 = tpu.vector_load %arg25[%swap3A_2095, %swap3A_2096, %swap3A_2097] {strides = array<i32>} : memref<2x128x128xf32, #tpu.memory_space<vmem>>, vector<16xf32>,
          tpu.vector_store %arg25[%swap3A_2095, %swap3A_2096, %swap3A_2097], %mul3A_2094 {strides = array<i32>} : memref<2x128x128xf32, #tpu.memory_space<vmem>>, vector<16xf32>,
          %get3A_2099 = arith.index_cast %and3A_2051 : i32 to index
          %get3A_2100 = arith.index_cast %add3A_2087 : i32 to index
          %get3A_2101 = arith.constant 16 : index
          %get3A_2102 = tpu.vector_load %arg25[%get3A_2099, %get3A_2100, %get3A_2101] {strides = array<i32>} : memref<2x128x128xf32, #tpu.memory_space<vmem>>, vector<16xf32>,
          %mul3A_2103 = arith.mulf %get3A_2102, %gather3A : vector<16xf32>
          %swap3A_2104 = arith.index_cast %and3A_2051 : i32 to index
          %swap3A_2105 = arith.index_cast %add3A_2087 : i32 to index
          %swap3A_2106 = arith.constant 16 : index
          %swap3A_2107 = tpu.vector_load %arg25[%swap3A_2104, %swap3A_2105, %swap3A_2106] {strides = array<i32>} : memref<2x128x128xf32, #tpu.memory_space<vmem>>, vector<16xf32>,
          tpu.vector_store %arg25[%swap3A_2104, %swap3A_2105, %swap3A_2106], %mul3A_2103 {strides = array<i32>} : memref<2x128x128xf32, #tpu.memory_space<vmem>>, vector<16xf32>,
          %get3A_2108 = arith.index_cast %and3A_2051 : i32 to index
          %get3A_2109 = arith.index_cast %add3A_2087 : i32 to index
          %get3A_2110 = arith.constant 32 : index
          %get3A_2111 = tpu.vector_load %arg25[%get3A_2108, %get3A_2109, %get3A_2110] {strides = array<i32>} : memref<2x128x128xf32, #tpu.memory_space<vmem>>, vector<16xf32>,
          %mul3A_2112 = arith.mulf %get3A_2111, %gather3A : vector<16xf32>
          %swap3A_2113 = arith.index_cast %and3A_2051 : i32 to index
          %swap3A_2114 = arith.index_cast %add3A_2087 : i32 to index
          %swap3A_2115 = arith.constant 32 : index
          %swap3A_2116 = tpu.vector_load %arg25[%swap3A_2113, %swap3A_2114, %swap3A_2115] {strides = array<i32>} : memref<2x128x128xf32, #tpu.memory_space<vmem>>, vector<16xf32>,
          tpu.vector_store %arg25[%swap3A_2113, %swap3A_2114, %swap3A_2115], %mul3A_2112 {strides = array<i32>} : memref<2x128x128xf32, #tpu.memory_space<vmem>>, vector<16xf32>,
          %get3A_2117 = arith.index_cast %and3A_2051 : i32 to index
          %get3A_2118 = arith.index_cast %add3A_2087 : i32 to index
          %get3A_2119 = arith.constant 48 : index
          %get3A_2120 = tpu.vector_load %arg25[%get3A_2117, %get3A_2118, %get3A_2119] {strides = array<i32>} : memref<2x128x128xf32, #tpu.memory_space<vmem>>, vector<16xf32>,
          %mul3A_2121 = arith.mulf %get3A_2120, %gather3A : vector<16xf32>
          %swap3A_2122 = arith.index_cast %and3A_2051 : i32 to index
          %swap3A_2123 = arith.index_cast %add3A_2087 : i32 to index
          %swap3A_2124 = arith.constant 48 : index
          %swap3A_2125 = tpu.vector_load %arg25[%swap3A_2122, %swap3A_2123, %swap3A_2124] {strides = array<i32>} : memref<2x128x128xf32, #tpu.memory_space<vmem>>, vector<16xf32>,
          tpu.vector_store %arg25[%swap3A_2122, %swap3A_2123, %swap3A_2124], %mul3A_2121 {strides = array<i32>} : memref<2x128x128xf32, #tpu.memory_space<vmem>>, vector<16xf32>,
          %get3A_2126 = arith.index_cast %and3A_2051 : i32 to index
          %get3A_2127 = arith.index_cast %add3A_2087 : i32 to index
          %get3A_2128 = arith.constant 64 : index
          %get3A_2129 = tpu.vector_load %arg25[%get3A_2126, %get3A_2127, %get3A_2128] {strides = array<i32>} : memref<2x128x128xf32, #tpu.memory_space<vmem>>, vector<16xf32>,
          %mul3A_2130 = arith.mulf %get3A_2129, %gather3A : vector<16xf32>
          %swap3A_2131 = arith.index_cast %and3A_2051 : i32 to index
          %swap3A_2132 = arith.index_cast %add3A_2087 : i32 to index
          %swap3A_2133 = arith.constant 64 : index
          %swap3A_2134 = tpu.vector_load %arg25[%swap3A_2131, %swap3A_2132, %swap3A_2133] {strides = array<i32>} : memref<2x128x128xf32, #tpu.memory_space<vmem>>, vector<16xf32>,
          tpu.vector_store %arg25[%swap3A_2131, %swap3A_2132, %swap3A_2133], %mul3A_2130 {strides = array<i32>} : memref<2x128x128xf32, #tpu.memory_space<vmem>>, vector<16xf32>,
          %get3A_2135 = arith.index_cast %and3A_2051 : i32 to index
          %get3A_2136 = arith.index_cast %add3A_2087 : i32 to index
          %get3A_2137 = arith.constant 80 : index
          %get3A_2138 = tpu.vector_load %arg25[%get3A_2135, %get3A_2136, %get3A_2137] {strides = array<i32>} : memref<2x128x128xf32, #tpu.memory_space<vmem>>, vector<16xf32>,
          %mul3A_2139 = arith.mulf %get3A_2138, %gather3A : vector<16xf32>
          %swap3A_2140 = arith.index_cast %and3A_2051 : i32 to index
          %swap3A_2141 = arith.index_cast %add3A_2087 : i32 to index
          %swap3A_2142 = arith.constant 80 : index
          %swap3A_2143 = tpu.vector_load %arg25[%swap3A_2140, %swap3A_2141, %swap3A_2142] {strides = array<i32>} : memref<2x128x128xf32, #tpu.memory_space<vmem>>, vector<16xf32>,
          tpu.vector_store %arg25[%swap3A_2140, %swap3A_2141, %swap3A_2142], %mul3A_2139 {strides = array<i32>} : memref<2x128x128xf32, #tpu.memory_space<vmem>>, vector<16xf32>,
          %get3A_2144 = arith.index_cast %and3A_2051 : i32 to index
          %get3A_2145 = arith.index_cast %add3A_2087 : i32 to index
          %get3A_2146 = arith.constant 96 : index
          %get3A_2147 = tpu.vector_load %arg25[%get3A_2144, %get3A_2145, %get3A_2146] {strides = array<i32>} : memref<2x128x128xf32, #tpu.memory_space<vmem>>, vector<16xf32>,
          %mul3A_2148 = arith.mulf %get3A_2147, %gather3A : vector<16xf32>
          %swap3A_2149 = arith.index_cast %and3A_2051 : i32 to index
          %swap3A_2150 = arith.index_cast %add3A_2087 : i32 to index
          %swap3A_2151 = arith.constant 96 : index
          %swap3A_2152 = tpu.vector_load %arg25[%swap3A_2149, %swap3A_2150, %swap3A_2151] {strides = array<i32>} : memref<2x128x128xf32, #tpu.memory_space<vmem>>, vector<16xf32>,
          tpu.vector_store %arg25[%swap3A_2149, %swap3A_2150, %swap3A_2151], %mul3A_2148 {strides = array<i32>} : memref<2x128x128xf32, #tpu.memory_space<vmem>>, vector<16xf32>,
          %get3A_2153 = arith.index_cast %and3A_2051 : i32 to index
          %get3A_2154 = arith.index_cast %add3A_2087 : i32 to index
          %get3A_2155 = arith.constant 112 : index
          %get3A_2156 = tpu.vector_load %arg25[%get3A_2153, %get3A_2154, %get3A_2155] {strides = array<i32>} : memref<2x128x128xf32, #tpu.memory_space<vmem>>, vector<16xf32>,
          %mul3A_2157 = arith.mulf %get3A_2156, %gather3A : vector<16xf32>
          %swap3A_2158 = arith.index_cast %and3A_2051 : i32 to index
          %swap3A_2159 = arith.index_cast %add3A_2087 : i32 to index
          %swap3A_2160 = arith.constant 112 : index
          %swap3A_2161 = tpu.vector_load %arg25[%swap3A_2158, %swap3A_2159, %swap3A_2160] {strides = array<i32>} : memref<2x128x128xf32, #tpu.memory_space<vmem>>, vector<16xf32>,
          tpu.vector_store %arg25[%swap3A_2158, %swap3A_2159, %swap3A_2160], %mul3A_2157 {strides = array<i32>} : memref<2x128x128xf32, #tpu.memory_space<vmem>>, vector<16xf32>,
        }
        %scan3A_2072 = arith.constant 128 : i32
        %eq3A_2073 = arith.constant 0 : i32
        %eq3A_2074 = arith.cmpi eq, %and3A_2051, %eq3A_2073 : i32
        %convert_element_type3A_2075 = arith.extui %eq3A_2074 : i1 to i32
        %cond3A_2076 = arith.constant 0 : i32
        %cond3A_2077 = arith.cmpi ne, %convert_element_type3A_2075, %cond3A_2076 : i32
        scf.if %cond3A_2077 {
          %dma_start3A = arith.constant 0 : i32
          %dma_start3A_2083 = arith.constant 0 : i32
          %dma_start3A_2084 = arith.constant 0 : i32
          %dma_start3A_2085 = tpu.memref_slice %arg25[%dma_start3A, %dma_start3A_2083, %dma_start3A_2084] : memref<2x128x128xf32, #tpu.memory_space<vmem>> -> memref<1x128x128xf32, #tpu.memory_space<vmem>>
          %dma_start3A_2086 = tpu.memref_squeeze %dma_start3A_2085 : memref<1x128x128xf32, #tpu.memory_space<vmem>> -> memref<128x128xf32, #tpu.memory_space<vmem>>
          %dma_start3A_2087 = arith.constant 0 : i32
          %dma_start3A_2088 = tpu.memref_slice %arg21[%add3A_2049, %dma_start3A_2087] : memref<8x128xi32, #tpu.memory_space<vmem>> -> memref<1x128xi32, #tpu.memory_space<vmem>>
          %dma_start3A_2089 = tpu.memref_squeeze %dma_start3A_2088 : memref<1x128xi32, #tpu.memory_space<vmem>> -> memref<128xi32, #tpu.memory_space<vmem>>
          %dma_start3A_2090 = arith.constant 0 : i32
          %dma_start3A_2091 = arith.constant 0 : i32
          %dma_start3A_2092 = tpu.memref_slice %arg14[%dma_start3A_2090, %dma_start3A_2091] : memref<10000x128xf32, #tpu.memory_space<vmem_shared>> -> memref<10000x128xf32, #tpu.memory_space<vmem_shared>>
          tpu.enqueue_indirect_dma source(%dma_start3A_2086 : memref<128x128xf32, #tpu.memory_space<vmem>>) target(%dma_start3A_2092 : memref<10000x128xf32, #tpu.memory_space<vmem_shared>>) offsets(%dma_start3A_2089 : memref<128xi32, #tpu.memory_space<vmem>>) semaphore(%arg36 : memref<!tpu.dma_semaphore, #tpu.memory_space<semaphore_mem>>) {add = true}
        } else {
        }
        %eq3A_2078 = arith.constant 1 : i32
        %eq3A_2079 = arith.cmpi eq, %and3A_2051, %eq3A_2078 : i32
        %convert_element_type3A_2080 = arith.extui %eq3A_2079 : i1 to i32
        %cond3A_2081 = arith.constant 0 : i32
        %cond3A_2082 = arith.cmpi ne, %convert_element_type3A_2080, %cond3A_2081 : i32
        scf.if %cond3A_2082 {
          %dma_start3A = arith.constant 1 : i32
          %dma_start3A_2083 = arith.constant 0 : i32
          %dma_start3A_2084 = arith.constant 0 : i32
          %dma_start3A_2085 = tpu.memref_slice %arg25[%dma_start3A, %dma_start3A_2083, %dma_start3A_2084] : memref<2x128x128xf32, #tpu.memory_space<vmem>> -> memref<1x128x128xf32, #tpu.memory_space<vmem>>
          %dma_start3A_2086 = tpu.memref_squeeze %dma_start3A_2085 : memref<1x128x128xf32, #tpu.memory_space<vmem>> -> memref<128x128xf32, #tpu.memory_space<vmem>>
          %dma_start3A_2087 = arith.constant 0 : i32
          %dma_start3A_2088 = tpu.memref_slice %arg21[%add3A_2049, %dma_start3A_2087] : memref<8x128xi32, #tpu.memory_space<vmem>> -> memref<1x128xi32, #tpu.memory_space<vmem>>
          %dma_start3A_2089 = tpu.memref_squeeze %dma_start3A_2088 : memref<1x128xi32, #tpu.memory_space<vmem>> -> memref<128xi32, #tpu.memory_space<vmem>>
          %dma_start3A_2090 = arith.constant 0 : i32
          %dma_start3A_2091 = arith.constant 0 : i32
          %dma_start3A_2092 = tpu.memref_slice %arg14[%dma_start3A_2090, %dma_start3A_2091] : memref<10000x128xf32, #tpu.memory_space<vmem_shared>> -> memref<10000x128xf32, #tpu.memory_space<vmem_shared>>
          tpu.enqueue_indirect_dma source(%dma_start3A_2086 : memref<128x128xf32, #tpu.memory_space<vmem>>) target(%dma_start3A_2092 : memref<10000x128xf32, #tpu.memory_space<vmem_shared>>) offsets(%dma_start3A_2089 : memref<128xi32, #tpu.memory_space<vmem>>) semaphore(%arg37 : memref<!tpu.dma_semaphore, #tpu.memory_space<semaphore_mem>>) {add = true}
        } else {
        }
      }
      %scan3A_2021 = arith.constant 8 : i32
      %dma_wait3A = arith.constant 0 : i32
      %dma_wait3A_2022 = arith.constant 6 : i32
      %dma_wait3A_2023 = arith.constant 0 : i32
      %dma_wait3A_2024 = arith.constant 0 : i32
      %dma_wait3A_2025 = tpu.memref_slice %arg25[%dma_wait3A, %dma_wait3A_2023, %dma_wait3A_2024] : memref<2x128x128xf32, #tpu.memory_space<vmem>> -> memref<1x128x128xf32, #tpu.memory_space<vmem>>
      %dma_wait3A_2026 = tpu.memref_squeeze %dma_wait3A_2025 : memref<1x128x128xf32, #tpu.memory_space<vmem>> -> memref<128x128xf32, #tpu.memory_space<vmem>>
      %dma_wait3A_2027 = arith.constant 0 : i32
      %dma_wait3A_2028 = tpu.memref_slice %arg21[%dma_wait3A_2022, %dma_wait3A_2027] : memref<8x128xi32, #tpu.memory_space<vmem>> -> memref<1x128xi32, #tpu.memory_space<vmem>>
      %dma_wait3A_2029 = tpu.memref_squeeze %dma_wait3A_2028 : memref<1x128xi32, #tpu.memory_space<vmem>> -> memref<128xi32, #tpu.memory_space<vmem>>
      %dma_wait3A_2030 = arith.constant 0 : i32
      %dma_wait3A_2031 = arith.constant 0 : i32
      %dma_wait3A_2032 = tpu.memref_slice %arg14[%dma_wait3A_2030, %dma_wait3A_2031] : memref<10000x128xf32, #tpu.memory_space<vmem_shared>> -> memref<10000x128xf32, #tpu.memory_space<vmem_shared>>
      tpu.wait_indirect_dma semaphore(%arg36 : memref<!tpu.dma_semaphore, #tpu.memory_space<semaphore_mem>>) src(%dma_wait3A_2026 : memref<128x128xf32, #tpu.memory_space<vmem>>) dst(%dma_wait3A_2032 : memref<10000x128xf32, #tpu.memory_space<vmem_shared>>)
      %dma_wait3A_2033 = arith.constant 1 : i32
      %dma_wait3A_2034 = arith.constant 7 : i32
      %dma_wait3A_2035 = arith.constant 0 : i32
      %dma_wait3A_2036 = arith.constant 0 : i32
      %dma_wait3A_2037 = tpu.memref_slice %arg25[%dma_wait3A_2033, %dma_wait3A_2035, %dma_wait3A_2036] : memref<2x128x128xf32, #tpu.memory_space<vmem>> -> memref<1x128x128xf32, #tpu.memory_space<vmem>>
      %dma_wait3A_2038 = tpu.memref_squeeze %dma_wait3A_2037 : memref<1x128x128xf32, #tpu.memory_space<vmem>> -> memref<128x128xf32, #tpu.memory_space<vmem>>
      %dma_wait3A_2039 = arith.constant 0 : i32
      %dma_wait3A_2040 = tpu.memref_slice %arg21[%dma_wait3A_2034, %dma_wait3A_2039] : memref<8x128xi32, #tpu.memory_space<vmem>> -> memref<1x128xi32, #tpu.memory_space<vmem>>
      %dma_wait3A_2041 = tpu.memref_squeeze %dma_wait3A_2040 : memref<1x128xi32, #tpu.memory_space<vmem>> -> memref<128xi32, #tpu.memory_space<vmem>>
      %dma_wait3A_2042 = arith.constant 0 : i32
      %dma_wait3A_2043 = arith.constant 0 : i32
      %dma_wait3A_2044 = tpu.memref_slice %arg14[%dma_wait3A_2042, %dma_wait3A_2043] : memref<10000x128xf32, #tpu.memory_space<vmem_shared>> -> memref<10000x128xf32, #tpu.memory_space<vmem_shared>>
      tpu.wait_indirect_dma semaphore(%arg37 : memref<!tpu.dma_semaphore, #tpu.memory_space<semaphore_mem>>) src(%dma_wait3A_2038 : memref<128x128xf32, #tpu.memory_space<vmem>>) dst(%dma_wait3A_2044 : memref<10000x128xf32, #tpu.memory_space<vmem_shared>>)
    }
    %scan3A_24 = arith.constant 21 : i32
    %barrier3A_25 = arith.constant 0 : index
    tpu.barrier barrier_id(%barrier3A_25)
    %barrier3A_26 = arith.constant 0 : index
    tpu.barrier barrier_id(%barrier3A_26)
    %mul3A_27 = arith.constant 640 : i32
    %mul3A_28 = arith.muli %arg1, %mul3A_27 : i32
    "tpu.region"() ({
      %run_scoped3A_1956 = tpu.sem_alloc : memref<!tpu.dma_semaphore, #tpu.memory_space<semaphore_mem>>
      %dma_start3A = tpu.memref_slice %arg15[%mul3A_28] : memref<10240xf32, #tpu.memory_space<vmem_shared>> -> memref<640xf32, #tpu.memory_space<vmem_shared>>
      %dma_start3A_1957 = tpu.memref_slice %arg15[%mul3A_28] : memref<10240xf32, #tpu.memory_space<vmem_shared>> -> memref<640xf32, #tpu.memory_space<vmem_shared>>
      tpu.enqueue_dma source(%dma_start3A_1957 : memref<640xf32, #tpu.memory_space<vmem_shared>>) target(%arg27 : memref<640xf32, #tpu.memory_space<vmem>>) target_semaphore(%run_scoped3A_1956 : memref<!tpu.dma_semaphore, #tpu.memory_space<semaphore_mem>>)
      %dma_wait3A = tpu.memref_slice %arg15[%mul3A_28] : memref<10240xf32, #tpu.memory_space<vmem_shared>> -> memref<640xf32, #tpu.memory_space<vmem_shared>>
      %dma_wait3A_1958 = tpu.memref_slice %arg15[%mul3A_28] : memref<10240xf32, #tpu.memory_space<vmem_shared>> -> memref<640xf32, #tpu.memory_space<vmem_shared>>
      tpu.wait_dma2 semaphore(%run_scoped3A_1956 : memref<!tpu.dma_semaphore, #tpu.memory_space<semaphore_mem>>) src(%dma_wait3A_1958 : memref<640xf32, #tpu.memory_space<vmem_shared>>) dst(%arg27 : memref<640xf32, #tpu.memory_space<vmem>>)
      tpu.yield
    }) : () -> ()
    %swap3A = arith.constant 0 : i32
    %swap3A_29 = arith.index_cast %swap3A : i32 to index
    %swap3A_30 = arith.constant 0 : index
    %swap3A_31 = tpu.vector_load %arg29[%swap3A_29, %swap3A_30] {strides = array<i32>} : memref<2x128xf32, #tpu.memory_space<vmem>>, vector<16xf32>,
    tpu.vector_store %arg29[%swap3A_29, %swap3A_30], %broadcast_in_dim3A_8 {strides = array<i32>} : memref<2x128xf32, #tpu.memory_space<vmem>>, vector<16xf32>,
    %swap3A_32 = arith.constant 1 : i32
    %swap3A_33 = arith.index_cast %swap3A_32 : i32 to index
    %swap3A_34 = arith.constant 0 : index
    %swap3A_35 = tpu.vector_load %arg29[%swap3A_33, %swap3A_34] {strides = array<i32>} : memref<2x128xf32, #tpu.memory_space<vmem>>, vector<16xf32>,
    tpu.vector_store %arg29[%swap3A_33, %swap3A_34], %broadcast_in_dim3A_8 {strides = array<i32>} : memref<2x128xf32, #tpu.memory_space<vmem>>, vector<16xf32>,
    %swap3A_36 = arith.constant 0 : i32
    %swap3A_37 = arith.index_cast %swap3A_36 : i32 to index
    %swap3A_38 = arith.constant 16 : index
    %swap3A_39 = tpu.vector_load %arg29[%swap3A_37, %swap3A_38] {strides = array<i32>} : memref<2x128xf32, #tpu.memory_space<vmem>>, vector<16xf32>,
    tpu.vector_store %arg29[%swap3A_37, %swap3A_38], %broadcast_in_dim3A_8 {strides = array<i32>} : memref<2x128xf32, #tpu.memory_space<vmem>>, vector<16xf32>,
    %swap3A_40 = arith.constant 1 : i32
    %swap3A_41 = arith.index_cast %swap3A_40 : i32 to index
    %swap3A_42 = arith.constant 16 : index
    %swap3A_43 = tpu.vector_load %arg29[%swap3A_41, %swap3A_42] {strides = array<i32>} : memref<2x128xf32, #tpu.memory_space<vmem>>, vector<16xf32>,
    tpu.vector_store %arg29[%swap3A_41, %swap3A_42], %broadcast_in_dim3A_8 {strides = array<i32>} : memref<2x128xf32, #tpu.memory_space<vmem>>, vector<16xf32>,
    %swap3A_44 = arith.constant 0 : i32
    %swap3A_45 = arith.index_cast %swap3A_44 : i32 to index
    %swap3A_46 = arith.constant 32 : index
    %swap3A_47 = tpu.vector_load %arg29[%swap3A_45, %swap3A_46] {strides = array<i32>} : memref<2x128xf32, #tpu.memory_space<vmem>>, vector<16xf32>,
    tpu.vector_store %arg29[%swap3A_45, %swap3A_46], %broadcast_in_dim3A_8 {strides = array<i32>} : memref<2x128xf32, #tpu.memory_space<vmem>>, vector<16xf32>,
    %swap3A_48 = arith.constant 1 : i32
    %swap3A_49 = arith.index_cast %swap3A_48 : i32 to index
    %swap3A_50 = arith.constant 32 : index
    %swap3A_51 = tpu.vector_load %arg29[%swap3A_49, %swap3A_50] {strides = array<i32>} : memref<2x128xf32, #tpu.memory_space<vmem>>, vector<16xf32>,
    tpu.vector_store %arg29[%swap3A_49, %swap3A_50], %broadcast_in_dim3A_8 {strides = array<i32>} : memref<2x128xf32, #tpu.memory_space<vmem>>, vector<16xf32>,
    %swap3A_52 = arith.constant 0 : i32
    %swap3A_53 = arith.index_cast %swap3A_52 : i32 to index
    %swap3A_54 = arith.constant 48 : index
    %swap3A_55 = tpu.vector_load %arg29[%swap3A_53, %swap3A_54] {strides = array<i32>} : memref<2x128xf32, #tpu.memory_space<vmem>>, vector<16xf32>,
    tpu.vector_store %arg29[%swap3A_53, %swap3A_54], %broadcast_in_dim3A_8 {strides = array<i32>} : memref<2x128xf32, #tpu.memory_space<vmem>>, vector<16xf32>,
    %swap3A_56 = arith.constant 1 : i32
    %swap3A_57 = arith.index_cast %swap3A_56 : i32 to index
    %swap3A_58 = arith.constant 48 : index
    %swap3A_59 = tpu.vector_load %arg29[%swap3A_57, %swap3A_58] {strides = array<i32>} : memref<2x128xf32, #tpu.memory_space<vmem>>, vector<16xf32>,
    tpu.vector_store %arg29[%swap3A_57, %swap3A_58], %broadcast_in_dim3A_8 {strides = array<i32>} : memref<2x128xf32, #tpu.memory_space<vmem>>, vector<16xf32>,
    %swap3A_60 = arith.constant 0 : i32
    %swap3A_61 = arith.index_cast %swap3A_60 : i32 to index
    %swap3A_62 = arith.constant 64 : index
    %swap3A_63 = tpu.vector_load %arg29[%swap3A_61, %swap3A_62] {strides = array<i32>} : memref<2x128xf32, #tpu.memory_space<vmem>>, vector<16xf32>,
    tpu.vector_store %arg29[%swap3A_61, %swap3A_62], %broadcast_in_dim3A_8 {strides = array<i32>} : memref<2x128xf32, #tpu.memory_space<vmem>>, vector<16xf32>,
    %swap3A_64 = arith.constant 1 : i32
    %swap3A_65 = arith.index_cast %swap3A_64 : i32 to index
    %swap3A_66 = arith.constant 64 : index
    %swap3A_67 = tpu.vector_load %arg29[%swap3A_65, %swap3A_66] {strides = array<i32>} : memref<2x128xf32, #tpu.memory_space<vmem>>, vector<16xf32>,
    tpu.vector_store %arg29[%swap3A_65, %swap3A_66], %broadcast_in_dim3A_8 {strides = array<i32>} : memref<2x128xf32, #tpu.memory_space<vmem>>, vector<16xf32>,
    %swap3A_68 = arith.constant 0 : i32
    %swap3A_69 = arith.index_cast %swap3A_68 : i32 to index
    %swap3A_70 = arith.constant 80 : index
    %swap3A_71 = tpu.vector_load %arg29[%swap3A_69, %swap3A_70] {strides = array<i32>} : memref<2x128xf32, #tpu.memory_space<vmem>>, vector<16xf32>,
    tpu.vector_store %arg29[%swap3A_69, %swap3A_70], %broadcast_in_dim3A_8 {strides = array<i32>} : memref<2x128xf32, #tpu.memory_space<vmem>>, vector<16xf32>,
    %swap3A_72 = arith.constant 1 : i32
    %swap3A_73 = arith.index_cast %swap3A_72 : i32 to index
    %swap3A_74 = arith.constant 80 : index
    %swap3A_75 = tpu.vector_load %arg29[%swap3A_73, %swap3A_74] {strides = array<i32>} : memref<2x128xf32, #tpu.memory_space<vmem>>, vector<16xf32>,
    tpu.vector_store %arg29[%swap3A_73, %swap3A_74], %broadcast_in_dim3A_8 {strides = array<i32>} : memref<2x128xf32, #tpu.memory_space<vmem>>, vector<16xf32>,
    %swap3A_76 = arith.constant 0 : i32
    %swap3A_77 = arith.index_cast %swap3A_76 : i32 to index
    %swap3A_78 = arith.constant 96 : index
    %swap3A_79 = tpu.vector_load %arg29[%swap3A_77, %swap3A_78] {strides = array<i32>} : memref<2x128xf32, #tpu.memory_space<vmem>>, vector<16xf32>,
    tpu.vector_store %arg29[%swap3A_77, %swap3A_78], %broadcast_in_dim3A_8 {strides = array<i32>} : memref<2x128xf32, #tpu.memory_space<vmem>>, vector<16xf32>,
    %swap3A_80 = arith.constant 1 : i32
    %swap3A_81 = arith.index_cast %swap3A_80 : i32 to index
    %swap3A_82 = arith.constant 96 : index
    %swap3A_83 = tpu.vector_load %arg29[%swap3A_81, %swap3A_82] {strides = array<i32>} : memref<2x128xf32, #tpu.memory_space<vmem>>, vector<16xf32>,
    tpu.vector_store %arg29[%swap3A_81, %swap3A_82], %broadcast_in_dim3A_8 {strides = array<i32>} : memref<2x128xf32, #tpu.memory_space<vmem>>, vector<16xf32>,
    %swap3A_84 = arith.constant 0 : i32
    %swap3A_85 = arith.index_cast %swap3A_84 : i32 to index
    %swap3A_86 = arith.constant 112 : index
    %swap3A_87 = tpu.vector_load %arg29[%swap3A_85, %swap3A_86] {strides = array<i32>} : memref<2x128xf32, #tpu.memory_space<vmem>>, vector<16xf32>,
    tpu.vector_store %arg29[%swap3A_85, %swap3A_86], %broadcast_in_dim3A_8 {strides = array<i32>} : memref<2x128xf32, #tpu.memory_space<vmem>>, vector<16xf32>,
    %swap3A_88 = arith.constant 1 : i32
    %swap3A_89 = arith.index_cast %swap3A_88 : i32 to index
    %swap3A_90 = arith.constant 112 : index
    %swap3A_91 = tpu.vector_load %arg29[%swap3A_89, %swap3A_90] {strides = array<i32>} : memref<2x128xf32, #tpu.memory_space<vmem>>, vector<16xf32>,
    tpu.vector_store %arg29[%swap3A_89, %swap3A_90], %broadcast_in_dim3A_8 {strides = array<i32>} : memref<2x128xf32, #tpu.memory_space<vmem>>, vector<16xf32>,
    %scan3A_92 = arith.constant 0 : i32
    %scan3A_93 = arith.constant 40 : i32
    %scan3A_94 = arith.addi %scan3A_92, %scan3A_93 : i32
    %scan3A_95 = arith.constant 1 : i32
    scf.for %scan3A_1956 = %scan3A_92 to %scan3A_94 step %scan3A_95  : i32 {
      %mul3A_1957 = arith.constant 1 : i32
      %mul3A_1958 = arith.muli %scan3A_1956, %mul3A_1957 : i32
      %add3A_1959 = arith.constant 0 : i32
      %add3A_1960 = arith.addi %add3A_1959, %mul3A_1958 : i32
      %mul3A_1961 = arith.constant 16 : i32
      %mul3A_1962 = arith.muli %add3A_1960, %mul3A_1961 : i32
      %add3A_1963 = arith.addi %mul3A_0, %mul3A_1962 : i32
      %lt3A = arith.constant 10000 : i32
      %lt3A_1964 = arith.cmpi slt, %add3A_1963, %lt3A : i32
      %convert_element_type3A_1965 = arith.extui %lt3A_1964 : i1 to i32
      %cond3A_1966 = arith.constant 0 : i32
      %cond3A_1967 = arith.cmpi ne, %convert_element_type3A_1965, %cond3A_1966 : i32
      scf.if %cond3A_1967 {
        %mul3A_1968 = arith.constant 16 : i32
        %mul3A_1969 = arith.muli %add3A_1960, %mul3A_1968 : i32
        %add3A_1970 = arith.addi %mul3A_0, %mul3A_1969 : i32
        "tpu.region"() ({
          %run_scoped3A_1979 = tpu.sem_alloc : memref<!tpu.dma_semaphore, #tpu.memory_space<semaphore_mem>>
          %dma_start3A = arith.constant 0 : i32
          %dma_start3A_1980 = tpu.memref_slice %arg14[%add3A_1970, %dma_start3A] : memref<10000x128xf32, #tpu.memory_space<vmem_shared>> -> memref<16x128xf32, #tpu.memory_space<vmem_shared>>
          %dma_start3A_1981 = arith.constant 0 : i32
          %dma_start3A_1982 = tpu.memref_slice %arg14[%add3A_1970, %dma_start3A_1981] : memref<10000x128xf32, #tpu.memory_space<vmem_shared>> -> memref<16x128xf32, #tpu.memory_space<vmem_shared>>
          tpu.enqueue_dma source(%dma_start3A_1982 : memref<16x128xf32, #tpu.memory_space<vmem_shared>>) target(%arg26 : memref<16x128xf32, #tpu.memory_space<vmem>>) target_semaphore(%run_scoped3A_1979 : memref<!tpu.dma_semaphore, #tpu.memory_space<semaphore_mem>>)
          %dma_wait3A = arith.constant 0 : i32
          %dma_wait3A_1983 = tpu.memref_slice %arg14[%add3A_1970, %dma_wait3A] : memref<10000x128xf32, #tpu.memory_space<vmem_shared>> -> memref<16x128xf32, #tpu.memory_space<vmem_shared>>
          %dma_wait3A_1984 = arith.constant 0 : i32
          %dma_wait3A_1985 = tpu.memref_slice %arg14[%add3A_1970, %dma_wait3A_1984] : memref<10000x128xf32, #tpu.memory_space<vmem_shared>> -> memref<16x128xf32, #tpu.memory_space<vmem_shared>>
          tpu.wait_dma2 semaphore(%run_scoped3A_1979 : memref<!tpu.dma_semaphore, #tpu.memory_space<semaphore_mem>>) src(%dma_wait3A_1985 : memref<16x128xf32, #tpu.memory_space<vmem_shared>>) dst(%arg26 : memref<16x128xf32, #tpu.memory_space<vmem>>)
          tpu.yield
        }) : () -> ()
        %scan3A_1971 = arith.constant 0 : i32
        %scan3A_1972 = arith.constant 16 : i32
        %scan3A_1973 = arith.addi %scan3A_1971, %scan3A_1972 : i32
        %scan3A_1974 = arith.constant 1 : i32
        scf.for %scan3A_1979 = %scan3A_1971 to %scan3A_1973 step %scan3A_1974  : i32 {
          %mul3A_1980 = arith.constant 1 : i32
          %mul3A_1981 = arith.muli %scan3A_1979, %mul3A_1980 : i32
          %add3A_1982 = arith.constant 0 : i32
          %add3A_1983 = arith.addi %add3A_1982, %mul3A_1981 : i32
          %mul3A_1984 = arith.constant 16 : i32
          %mul3A_1985 = arith.muli %add3A_1960, %mul3A_1984 : i32
          %add3A_1986 = arith.addi %mul3A_1985, %add3A_1983 : i32
          %broadcast_in_dim3A_1987 = vector.broadcast %add3A_1986 : i32 to vector<16xi32>
          %gather3A = tpu.vector_load_idx %arg27[%broadcast_in_dim3A_1987] : memref<640xf32, #tpu.memory_space<vmem>>[vector<16xi32>], vector<16xf32>,
          %div3A = arith.constant 1.000000e+00 : f32
          %div3A_1988 = vector.broadcast %div3A : f32 to vector<16xf32>
          %div3A_1989 = arith.divf %div3A_1988, %gather3A : vector<16xf32>
          %get3A_1990 = arith.index_cast %add3A_1983 : i32 to index
          %get3A_1991 = arith.constant 0 : index
          %get3A_1992 = tpu.vector_load %arg26[%get3A_1990, %get3A_1991] {strides = array<i32>} : memref<16x128xf32, #tpu.memory_space<vmem>>, vector<16xf32>,
          %mul3A_1993 = arith.mulf %get3A_1992, %div3A_1989 : vector<16xf32>
          %get3A_1994 = arith.constant 0 : index
          %get3A_1995 = tpu.vector_load %arg19[%get3A_1994] {strides = array<i32>} : memref<640xf32, #tpu.memory_space<vmem>>, vector<16xf32>,
          %add3A_1996 = arith.addf %mul3A_1993, %get3A_1995 : vector<16xf32>
          %max3A = arith.constant 0.000000e+00 : f32
          %max3A_1997 = vector.broadcast %max3A : f32 to vector<16xf32>
          %max3A_1998 = arith.maximumf %add3A_1996, %max3A_1997 : vector<16xf32>
          %swap3A_1999 = arith.index_cast %add3A_1983 : i32 to index
          %swap3A_2000 = arith.constant 0 : index
          %swap3A_2001 = tpu.vector_load %arg26[%swap3A_1999, %swap3A_2000] {strides = array<i32>} : memref<16x128xf32, #tpu.memory_space<vmem>>, vector<16xf32>,
          tpu.vector_store %arg26[%swap3A_1999, %swap3A_2000], %max3A_1998 {strides = array<i32>} : memref<16x128xf32, #tpu.memory_space<vmem>>, vector<16xf32>,
          %get3A_2002 = arith.constant 0 : i32
          %get3A_2003 = arith.index_cast %get3A_2002 : i32 to index
          %get3A_2004 = arith.constant 0 : index
          %get3A_2005 = tpu.vector_load %arg29[%get3A_2003, %get3A_2004] {strides = array<i32>} : memref<2x128xf32, #tpu.memory_space<vmem>>, vector<16xf32>,
          %add3A_2006 = arith.addf %get3A_2005, %max3A_1998 : vector<16xf32>
          %swap3A_2007 = arith.constant 0 : i32
          %swap3A_2008 = arith.index_cast %swap3A_2007 : i32 to index
          %swap3A_2009 = arith.constant 0 : index
          %swap3A_2010 = tpu.vector_load %arg29[%swap3A_2008, %swap3A_2009] {strides = array<i32>} : memref<2x128xf32, #tpu.memory_space<vmem>>, vector<16xf32>,
          tpu.vector_store %arg29[%swap3A_2008, %swap3A_2009], %add3A_2006 {strides = array<i32>} : memref<2x128xf32, #tpu.memory_space<vmem>>, vector<16xf32>,
          %get3A_2011 = arith.constant 1 : i32
          %get3A_2012 = arith.index_cast %get3A_2011 : i32 to index
          %get3A_2013 = arith.constant 0 : index
          %get3A_2014 = tpu.vector_load %arg29[%get3A_2012, %get3A_2013] {strides = array<i32>} : memref<2x128xf32, #tpu.memory_space<vmem>>, vector<16xf32>,
          %mul3A_2015 = arith.mulf %max3A_1998, %max3A_1998 : vector<16xf32>
          %add3A_2016 = arith.addf %get3A_2014, %mul3A_2015 : vector<16xf32>
          %swap3A_2017 = arith.constant 1 : i32
          %swap3A_2018 = arith.index_cast %swap3A_2017 : i32 to index
          %swap3A_2019 = arith.constant 0 : index
          %swap3A_2020 = tpu.vector_load %arg29[%swap3A_2018, %swap3A_2019] {strides = array<i32>} : memref<2x128xf32, #tpu.memory_space<vmem>>, vector<16xf32>,
          tpu.vector_store %arg29[%swap3A_2018, %swap3A_2019], %add3A_2016 {strides = array<i32>} : memref<2x128xf32, #tpu.memory_space<vmem>>, vector<16xf32>,
          %get3A_2021 = arith.index_cast %add3A_1983 : i32 to index
          %get3A_2022 = arith.constant 16 : index
          %get3A_2023 = tpu.vector_load %arg26[%get3A_2021, %get3A_2022] {strides = array<i32>} : memref<16x128xf32, #tpu.memory_space<vmem>>, vector<16xf32>,
          %mul3A_2024 = arith.mulf %get3A_2023, %div3A_1989 : vector<16xf32>
          %get3A_2025 = arith.constant 16 : index
          %get3A_2026 = tpu.vector_load %arg19[%get3A_2025] {strides = array<i32>} : memref<640xf32, #tpu.memory_space<vmem>>, vector<16xf32>,
          %add3A_2027 = arith.addf %mul3A_2024, %get3A_2026 : vector<16xf32>
          %max3A_2028 = arith.constant 0.000000e+00 : f32
          %max3A_2029 = vector.broadcast %max3A_2028 : f32 to vector<16xf32>
          %max3A_2030 = arith.maximumf %add3A_2027, %max3A_2029 : vector<16xf32>
          %swap3A_2031 = arith.index_cast %add3A_1983 : i32 to index
          %swap3A_2032 = arith.constant 16 : index
          %swap3A_2033 = tpu.vector_load %arg26[%swap3A_2031, %swap3A_2032] {strides = array<i32>} : memref<16x128xf32, #tpu.memory_space<vmem>>, vector<16xf32>,
          tpu.vector_store %arg26[%swap3A_2031, %swap3A_2032], %max3A_2030 {strides = array<i32>} : memref<16x128xf32, #tpu.memory_space<vmem>>, vector<16xf32>,
          %get3A_2034 = arith.constant 0 : i32
          %get3A_2035 = arith.index_cast %get3A_2034 : i32 to index
          %get3A_2036 = arith.constant 16 : index
          %get3A_2037 = tpu.vector_load %arg29[%get3A_2035, %get3A_2036] {strides = array<i32>} : memref<2x128xf32, #tpu.memory_space<vmem>>, vector<16xf32>,
          %add3A_2038 = arith.addf %get3A_2037, %max3A_2030 : vector<16xf32>
          %swap3A_2039 = arith.constant 0 : i32
          %swap3A_2040 = arith.index_cast %swap3A_2039 : i32 to index
          %swap3A_2041 = arith.constant 16 : index
          %swap3A_2042 = tpu.vector_load %arg29[%swap3A_2040, %swap3A_2041] {strides = array<i32>} : memref<2x128xf32, #tpu.memory_space<vmem>>, vector<16xf32>,
          tpu.vector_store %arg29[%swap3A_2040, %swap3A_2041], %add3A_2038 {strides = array<i32>} : memref<2x128xf32, #tpu.memory_space<vmem>>, vector<16xf32>,
          %get3A_2043 = arith.constant 1 : i32
          %get3A_2044 = arith.index_cast %get3A_2043 : i32 to index
          %get3A_2045 = arith.constant 16 : index
          %get3A_2046 = tpu.vector_load %arg29[%get3A_2044, %get3A_2045] {strides = array<i32>} : memref<2x128xf32, #tpu.memory_space<vmem>>, vector<16xf32>,
          %mul3A_2047 = arith.mulf %max3A_2030, %max3A_2030 : vector<16xf32>
          %add3A_2048 = arith.addf %get3A_2046, %mul3A_2047 : vector<16xf32>
          %swap3A_2049 = arith.constant 1 : i32
          %swap3A_2050 = arith.index_cast %swap3A_2049 : i32 to index
          %swap3A_2051 = arith.constant 16 : index
          %swap3A_2052 = tpu.vector_load %arg29[%swap3A_2050, %swap3A_2051] {strides = array<i32>} : memref<2x128xf32, #tpu.memory_space<vmem>>, vector<16xf32>,
          tpu.vector_store %arg29[%swap3A_2050, %swap3A_2051], %add3A_2048 {strides = array<i32>} : memref<2x128xf32, #tpu.memory_space<vmem>>, vector<16xf32>,
          %get3A_2053 = arith.index_cast %add3A_1983 : i32 to index
          %get3A_2054 = arith.constant 32 : index
          %get3A_2055 = tpu.vector_load %arg26[%get3A_2053, %get3A_2054] {strides = array<i32>} : memref<16x128xf32, #tpu.memory_space<vmem>>, vector<16xf32>,
          %mul3A_2056 = arith.mulf %get3A_2055, %div3A_1989 : vector<16xf32>
          %get3A_2057 = arith.constant 32 : index
          %get3A_2058 = tpu.vector_load %arg19[%get3A_2057] {strides = array<i32>} : memref<640xf32, #tpu.memory_space<vmem>>, vector<16xf32>,
          %add3A_2059 = arith.addf %mul3A_2056, %get3A_2058 : vector<16xf32>
          %max3A_2060 = arith.constant 0.000000e+00 : f32
          %max3A_2061 = vector.broadcast %max3A_2060 : f32 to vector<16xf32>
          %max3A_2062 = arith.maximumf %add3A_2059, %max3A_2061 : vector<16xf32>
          %swap3A_2063 = arith.index_cast %add3A_1983 : i32 to index
          %swap3A_2064 = arith.constant 32 : index
          %swap3A_2065 = tpu.vector_load %arg26[%swap3A_2063, %swap3A_2064] {strides = array<i32>} : memref<16x128xf32, #tpu.memory_space<vmem>>, vector<16xf32>,
          tpu.vector_store %arg26[%swap3A_2063, %swap3A_2064], %max3A_2062 {strides = array<i32>} : memref<16x128xf32, #tpu.memory_space<vmem>>, vector<16xf32>,
          %get3A_2066 = arith.constant 0 : i32
          %get3A_2067 = arith.index_cast %get3A_2066 : i32 to index
          %get3A_2068 = arith.constant 32 : index
          %get3A_2069 = tpu.vector_load %arg29[%get3A_2067, %get3A_2068] {strides = array<i32>} : memref<2x128xf32, #tpu.memory_space<vmem>>, vector<16xf32>,
          %add3A_2070 = arith.addf %get3A_2069, %max3A_2062 : vector<16xf32>
          %swap3A_2071 = arith.constant 0 : i32
          %swap3A_2072 = arith.index_cast %swap3A_2071 : i32 to index
          %swap3A_2073 = arith.constant 32 : index
          %swap3A_2074 = tpu.vector_load %arg29[%swap3A_2072, %swap3A_2073] {strides = array<i32>} : memref<2x128xf32, #tpu.memory_space<vmem>>, vector<16xf32>,
          tpu.vector_store %arg29[%swap3A_2072, %swap3A_2073], %add3A_2070 {strides = array<i32>} : memref<2x128xf32, #tpu.memory_space<vmem>>, vector<16xf32>,
          %get3A_2075 = arith.constant 1 : i32
          %get3A_2076 = arith.index_cast %get3A_2075 : i32 to index
          %get3A_2077 = arith.constant 32 : index
          %get3A_2078 = tpu.vector_load %arg29[%get3A_2076, %get3A_2077] {strides = array<i32>} : memref<2x128xf32, #tpu.memory_space<vmem>>, vector<16xf32>,
          %mul3A_2079 = arith.mulf %max3A_2062, %max3A_2062 : vector<16xf32>
          %add3A_2080 = arith.addf %get3A_2078, %mul3A_2079 : vector<16xf32>
          %swap3A_2081 = arith.constant 1 : i32
          %swap3A_2082 = arith.index_cast %swap3A_2081 : i32 to index
          %swap3A_2083 = arith.constant 32 : index
          %swap3A_2084 = tpu.vector_load %arg29[%swap3A_2082, %swap3A_2083] {strides = array<i32>} : memref<2x128xf32, #tpu.memory_space<vmem>>, vector<16xf32>,
          tpu.vector_store %arg29[%swap3A_2082, %swap3A_2083], %add3A_2080 {strides = array<i32>} : memref<2x128xf32, #tpu.memory_space<vmem>>, vector<16xf32>,
          %get3A_2085 = arith.index_cast %add3A_1983 : i32 to index
          %get3A_2086 = arith.constant 48 : index
          %get3A_2087 = tpu.vector_load %arg26[%get3A_2085, %get3A_2086] {strides = array<i32>} : memref<16x128xf32, #tpu.memory_space<vmem>>, vector<16xf32>,
          %mul3A_2088 = arith.mulf %get3A_2087, %div3A_1989 : vector<16xf32>
          %get3A_2089 = arith.constant 48 : index
          %get3A_2090 = tpu.vector_load %arg19[%get3A_2089] {strides = array<i32>} : memref<640xf32, #tpu.memory_space<vmem>>, vector<16xf32>,
          %add3A_2091 = arith.addf %mul3A_2088, %get3A_2090 : vector<16xf32>
          %max3A_2092 = arith.constant 0.000000e+00 : f32
          %max3A_2093 = vector.broadcast %max3A_2092 : f32 to vector<16xf32>
          %max3A_2094 = arith.maximumf %add3A_2091, %max3A_2093 : vector<16xf32>
          %swap3A_2095 = arith.index_cast %add3A_1983 : i32 to index
          %swap3A_2096 = arith.constant 48 : index
          %swap3A_2097 = tpu.vector_load %arg26[%swap3A_2095, %swap3A_2096] {strides = array<i32>} : memref<16x128xf32, #tpu.memory_space<vmem>>, vector<16xf32>,
          tpu.vector_store %arg26[%swap3A_2095, %swap3A_2096], %max3A_2094 {strides = array<i32>} : memref<16x128xf32, #tpu.memory_space<vmem>>, vector<16xf32>,
          %get3A_2098 = arith.constant 0 : i32
          %get3A_2099 = arith.index_cast %get3A_2098 : i32 to index
          %get3A_2100 = arith.constant 48 : index
          %get3A_2101 = tpu.vector_load %arg29[%get3A_2099, %get3A_2100] {strides = array<i32>} : memref<2x128xf32, #tpu.memory_space<vmem>>, vector<16xf32>,
          %add3A_2102 = arith.addf %get3A_2101, %max3A_2094 : vector<16xf32>
          %swap3A_2103 = arith.constant 0 : i32
          %swap3A_2104 = arith.index_cast %swap3A_2103 : i32 to index
          %swap3A_2105 = arith.constant 48 : index
          %swap3A_2106 = tpu.vector_load %arg29[%swap3A_2104, %swap3A_2105] {strides = array<i32>} : memref<2x128xf32, #tpu.memory_space<vmem>>, vector<16xf32>,
          tpu.vector_store %arg29[%swap3A_2104, %swap3A_2105], %add3A_2102 {strides = array<i32>} : memref<2x128xf32, #tpu.memory_space<vmem>>, vector<16xf32>,
          %get3A_2107 = arith.constant 1 : i32
          %get3A_2108 = arith.index_cast %get3A_2107 : i32 to index
          %get3A_2109 = arith.constant 48 : index
          %get3A_2110 = tpu.vector_load %arg29[%get3A_2108, %get3A_2109] {strides = array<i32>} : memref<2x128xf32, #tpu.memory_space<vmem>>, vector<16xf32>,
          %mul3A_2111 = arith.mulf %max3A_2094, %max3A_2094 : vector<16xf32>
          %add3A_2112 = arith.addf %get3A_2110, %mul3A_2111 : vector<16xf32>
          %swap3A_2113 = arith.constant 1 : i32
          %swap3A_2114 = arith.index_cast %swap3A_2113 : i32 to index
          %swap3A_2115 = arith.constant 48 : index
          %swap3A_2116 = tpu.vector_load %arg29[%swap3A_2114, %swap3A_2115] {strides = array<i32>} : memref<2x128xf32, #tpu.memory_space<vmem>>, vector<16xf32>,
          tpu.vector_store %arg29[%swap3A_2114, %swap3A_2115], %add3A_2112 {strides = array<i32>} : memref<2x128xf32, #tpu.memory_space<vmem>>, vector<16xf32>,
          %get3A_2117 = arith.index_cast %add3A_1983 : i32 to index
          %get3A_2118 = arith.constant 64 : index
          %get3A_2119 = tpu.vector_load %arg26[%get3A_2117, %get3A_2118] {strides = array<i32>} : memref<16x128xf32, #tpu.memory_space<vmem>>, vector<16xf32>,
          %mul3A_2120 = arith.mulf %get3A_2119, %div3A_1989 : vector<16xf32>
          %get3A_2121 = arith.constant 64 : index
          %get3A_2122 = tpu.vector_load %arg19[%get3A_2121] {strides = array<i32>} : memref<640xf32, #tpu.memory_space<vmem>>, vector<16xf32>,
          %add3A_2123 = arith.addf %mul3A_2120, %get3A_2122 : vector<16xf32>
          %max3A_2124 = arith.constant 0.000000e+00 : f32
          %max3A_2125 = vector.broadcast %max3A_2124 : f32 to vector<16xf32>
          %max3A_2126 = arith.maximumf %add3A_2123, %max3A_2125 : vector<16xf32>
          %swap3A_2127 = arith.index_cast %add3A_1983 : i32 to index
          %swap3A_2128 = arith.constant 64 : index
          %swap3A_2129 = tpu.vector_load %arg26[%swap3A_2127, %swap3A_2128] {strides = array<i32>} : memref<16x128xf32, #tpu.memory_space<vmem>>, vector<16xf32>,
          tpu.vector_store %arg26[%swap3A_2127, %swap3A_2128], %max3A_2126 {strides = array<i32>} : memref<16x128xf32, #tpu.memory_space<vmem>>, vector<16xf32>,
          %get3A_2130 = arith.constant 0 : i32
          %get3A_2131 = arith.index_cast %get3A_2130 : i32 to index
          %get3A_2132 = arith.constant 64 : index
          %get3A_2133 = tpu.vector_load %arg29[%get3A_2131, %get3A_2132] {strides = array<i32>} : memref<2x128xf32, #tpu.memory_space<vmem>>, vector<16xf32>,
          %add3A_2134 = arith.addf %get3A_2133, %max3A_2126 : vector<16xf32>
          %swap3A_2135 = arith.constant 0 : i32
          %swap3A_2136 = arith.index_cast %swap3A_2135 : i32 to index
          %swap3A_2137 = arith.constant 64 : index
          %swap3A_2138 = tpu.vector_load %arg29[%swap3A_2136, %swap3A_2137] {strides = array<i32>} : memref<2x128xf32, #tpu.memory_space<vmem>>, vector<16xf32>,
          tpu.vector_store %arg29[%swap3A_2136, %swap3A_2137], %add3A_2134 {strides = array<i32>} : memref<2x128xf32, #tpu.memory_space<vmem>>, vector<16xf32>,
          %get3A_2139 = arith.constant 1 : i32
          %get3A_2140 = arith.index_cast %get3A_2139 : i32 to index
          %get3A_2141 = arith.constant 64 : index
          %get3A_2142 = tpu.vector_load %arg29[%get3A_2140, %get3A_2141] {strides = array<i32>} : memref<2x128xf32, #tpu.memory_space<vmem>>, vector<16xf32>,
          %mul3A_2143 = arith.mulf %max3A_2126, %max3A_2126 : vector<16xf32>
          %add3A_2144 = arith.addf %get3A_2142, %mul3A_2143 : vector<16xf32>
          %swap3A_2145 = arith.constant 1 : i32
          %swap3A_2146 = arith.index_cast %swap3A_2145 : i32 to index
          %swap3A_2147 = arith.constant 64 : index
          %swap3A_2148 = tpu.vector_load %arg29[%swap3A_2146, %swap3A_2147] {strides = array<i32>} : memref<2x128xf32, #tpu.memory_space<vmem>>, vector<16xf32>,
          tpu.vector_store %arg29[%swap3A_2146, %swap3A_2147], %add3A_2144 {strides = array<i32>} : memref<2x128xf32, #tpu.memory_space<vmem>>, vector<16xf32>,
          %get3A_2149 = arith.index_cast %add3A_1983 : i32 to index
          %get3A_2150 = arith.constant 80 : index
          %get3A_2151 = tpu.vector_load %arg26[%get3A_2149, %get3A_2150] {strides = array<i32>} : memref<16x128xf32, #tpu.memory_space<vmem>>, vector<16xf32>,
          %mul3A_2152 = arith.mulf %get3A_2151, %div3A_1989 : vector<16xf32>
          %get3A_2153 = arith.constant 80 : index
          %get3A_2154 = tpu.vector_load %arg19[%get3A_2153] {strides = array<i32>} : memref<640xf32, #tpu.memory_space<vmem>>, vector<16xf32>,
          %add3A_2155 = arith.addf %mul3A_2152, %get3A_2154 : vector<16xf32>
          %max3A_2156 = arith.constant 0.000000e+00 : f32
          %max3A_2157 = vector.broadcast %max3A_2156 : f32 to vector<16xf32>
          %max3A_2158 = arith.maximumf %add3A_2155, %max3A_2157 : vector<16xf32>
          %swap3A_2159 = arith.index_cast %add3A_1983 : i32 to index
          %swap3A_2160 = arith.constant 80 : index
          %swap3A_2161 = tpu.vector_load %arg26[%swap3A_2159, %swap3A_2160] {strides = array<i32>} : memref<16x128xf32, #tpu.memory_space<vmem>>, vector<16xf32>,
          tpu.vector_store %arg26[%swap3A_2159, %swap3A_2160], %max3A_2158 {strides = array<i32>} : memref<16x128xf32, #tpu.memory_space<vmem>>, vector<16xf32>,
          %get3A_2162 = arith.constant 0 : i32
          %get3A_2163 = arith.index_cast %get3A_2162 : i32 to index
          %get3A_2164 = arith.constant 80 : index
          %get3A_2165 = tpu.vector_load %arg29[%get3A_2163, %get3A_2164] {strides = array<i32>} : memref<2x128xf32, #tpu.memory_space<vmem>>, vector<16xf32>,
          %add3A_2166 = arith.addf %get3A_2165, %max3A_2158 : vector<16xf32>
          %swap3A_2167 = arith.constant 0 : i32
          %swap3A_2168 = arith.index_cast %swap3A_2167 : i32 to index
          %swap3A_2169 = arith.constant 80 : index
          %swap3A_2170 = tpu.vector_load %arg29[%swap3A_2168, %swap3A_2169] {strides = array<i32>} : memref<2x128xf32, #tpu.memory_space<vmem>>, vector<16xf32>,
          tpu.vector_store %arg29[%swap3A_2168, %swap3A_2169], %add3A_2166 {strides = array<i32>} : memref<2x128xf32, #tpu.memory_space<vmem>>, vector<16xf32>,
          %get3A_2171 = arith.constant 1 : i32
          %get3A_2172 = arith.index_cast %get3A_2171 : i32 to index
          %get3A_2173 = arith.constant 80 : index
          %get3A_2174 = tpu.vector_load %arg29[%get3A_2172, %get3A_2173] {strides = array<i32>} : memref<2x128xf32, #tpu.memory_space<vmem>>, vector<16xf32>,
          %mul3A_2175 = arith.mulf %max3A_2158, %max3A_2158 : vector<16xf32>
          %add3A_2176 = arith.addf %get3A_2174, %mul3A_2175 : vector<16xf32>
          %swap3A_2177 = arith.constant 1 : i32
          %swap3A_2178 = arith.index_cast %swap3A_2177 : i32 to index
          %swap3A_2179 = arith.constant 80 : index
          %swap3A_2180 = tpu.vector_load %arg29[%swap3A_2178, %swap3A_2179] {strides = array<i32>} : memref<2x128xf32, #tpu.memory_space<vmem>>, vector<16xf32>,
          tpu.vector_store %arg29[%swap3A_2178, %swap3A_2179], %add3A_2176 {strides = array<i32>} : memref<2x128xf32, #tpu.memory_space<vmem>>, vector<16xf32>,
          %get3A_2181 = arith.index_cast %add3A_1983 : i32 to index
          %get3A_2182 = arith.constant 96 : index
          %get3A_2183 = tpu.vector_load %arg26[%get3A_2181, %get3A_2182] {strides = array<i32>} : memref<16x128xf32, #tpu.memory_space<vmem>>, vector<16xf32>,
          %mul3A_2184 = arith.mulf %get3A_2183, %div3A_1989 : vector<16xf32>
          %get3A_2185 = arith.constant 96 : index
          %get3A_2186 = tpu.vector_load %arg19[%get3A_2185] {strides = array<i32>} : memref<640xf32, #tpu.memory_space<vmem>>, vector<16xf32>,
          %add3A_2187 = arith.addf %mul3A_2184, %get3A_2186 : vector<16xf32>
          %max3A_2188 = arith.constant 0.000000e+00 : f32
          %max3A_2189 = vector.broadcast %max3A_2188 : f32 to vector<16xf32>
          %max3A_2190 = arith.maximumf %add3A_2187, %max3A_2189 : vector<16xf32>
          %swap3A_2191 = arith.index_cast %add3A_1983 : i32 to index
          %swap3A_2192 = arith.constant 96 : index
          %swap3A_2193 = tpu.vector_load %arg26[%swap3A_2191, %swap3A_2192] {strides = array<i32>} : memref<16x128xf32, #tpu.memory_space<vmem>>, vector<16xf32>,
          tpu.vector_store %arg26[%swap3A_2191, %swap3A_2192], %max3A_2190 {strides = array<i32>} : memref<16x128xf32, #tpu.memory_space<vmem>>, vector<16xf32>,
          %get3A_2194 = arith.constant 0 : i32
          %get3A_2195 = arith.index_cast %get3A_2194 : i32 to index
          %get3A_2196 = arith.constant 96 : index
          %get3A_2197 = tpu.vector_load %arg29[%get3A_2195, %get3A_2196] {strides = array<i32>} : memref<2x128xf32, #tpu.memory_space<vmem>>, vector<16xf32>,
          %add3A_2198 = arith.addf %get3A_2197, %max3A_2190 : vector<16xf32>
          %swap3A_2199 = arith.constant 0 : i32
          %swap3A_2200 = arith.index_cast %swap3A_2199 : i32 to index
          %swap3A_2201 = arith.constant 96 : index
          %swap3A_2202 = tpu.vector_load %arg29[%swap3A_2200, %swap3A_2201] {strides = array<i32>} : memref<2x128xf32, #tpu.memory_space<vmem>>, vector<16xf32>,
          tpu.vector_store %arg29[%swap3A_2200, %swap3A_2201], %add3A_2198 {strides = array<i32>} : memref<2x128xf32, #tpu.memory_space<vmem>>, vector<16xf32>,
          %get3A_2203 = arith.constant 1 : i32
          %get3A_2204 = arith.index_cast %get3A_2203 : i32 to index
          %get3A_2205 = arith.constant 96 : index
          %get3A_2206 = tpu.vector_load %arg29[%get3A_2204, %get3A_2205] {strides = array<i32>} : memref<2x128xf32, #tpu.memory_space<vmem>>, vector<16xf32>,
          %mul3A_2207 = arith.mulf %max3A_2190, %max3A_2190 : vector<16xf32>
          %add3A_2208 = arith.addf %get3A_2206, %mul3A_2207 : vector<16xf32>
          %swap3A_2209 = arith.constant 1 : i32
          %swap3A_2210 = arith.index_cast %swap3A_2209 : i32 to index
          %swap3A_2211 = arith.constant 96 : index
          %swap3A_2212 = tpu.vector_load %arg29[%swap3A_2210, %swap3A_2211] {strides = array<i32>} : memref<2x128xf32, #tpu.memory_space<vmem>>, vector<16xf32>,
          tpu.vector_store %arg29[%swap3A_2210, %swap3A_2211], %add3A_2208 {strides = array<i32>} : memref<2x128xf32, #tpu.memory_space<vmem>>, vector<16xf32>,
          %get3A_2213 = arith.index_cast %add3A_1983 : i32 to index
          %get3A_2214 = arith.constant 112 : index
          %get3A_2215 = tpu.vector_load %arg26[%get3A_2213, %get3A_2214] {strides = array<i32>} : memref<16x128xf32, #tpu.memory_space<vmem>>, vector<16xf32>,
          %mul3A_2216 = arith.mulf %get3A_2215, %div3A_1989 : vector<16xf32>
          %get3A_2217 = arith.constant 112 : index
          %get3A_2218 = tpu.vector_load %arg19[%get3A_2217] {strides = array<i32>} : memref<640xf32, #tpu.memory_space<vmem>>, vector<16xf32>,
          %add3A_2219 = arith.addf %mul3A_2216, %get3A_2218 : vector<16xf32>
          %max3A_2220 = arith.constant 0.000000e+00 : f32
          %max3A_2221 = vector.broadcast %max3A_2220 : f32 to vector<16xf32>
          %max3A_2222 = arith.maximumf %add3A_2219, %max3A_2221 : vector<16xf32>
          %swap3A_2223 = arith.index_cast %add3A_1983 : i32 to index
          %swap3A_2224 = arith.constant 112 : index
          %swap3A_2225 = tpu.vector_load %arg26[%swap3A_2223, %swap3A_2224] {strides = array<i32>} : memref<16x128xf32, #tpu.memory_space<vmem>>, vector<16xf32>,
          tpu.vector_store %arg26[%swap3A_2223, %swap3A_2224], %max3A_2222 {strides = array<i32>} : memref<16x128xf32, #tpu.memory_space<vmem>>, vector<16xf32>,
          %get3A_2226 = arith.constant 0 : i32
          %get3A_2227 = arith.index_cast %get3A_2226 : i32 to index
          %get3A_2228 = arith.constant 112 : index
          %get3A_2229 = tpu.vector_load %arg29[%get3A_2227, %get3A_2228] {strides = array<i32>} : memref<2x128xf32, #tpu.memory_space<vmem>>, vector<16xf32>,
          %add3A_2230 = arith.addf %get3A_2229, %max3A_2222 : vector<16xf32>
          %swap3A_2231 = arith.constant 0 : i32
          %swap3A_2232 = arith.index_cast %swap3A_2231 : i32 to index
          %swap3A_2233 = arith.constant 112 : index
          %swap3A_2234 = tpu.vector_load %arg29[%swap3A_2232, %swap3A_2233] {strides = array<i32>} : memref<2x128xf32, #tpu.memory_space<vmem>>, vector<16xf32>,
          tpu.vector_store %arg29[%swap3A_2232, %swap3A_2233], %add3A_2230 {strides = array<i32>} : memref<2x128xf32, #tpu.memory_space<vmem>>, vector<16xf32>,
          %get3A_2235 = arith.constant 1 : i32
          %get3A_2236 = arith.index_cast %get3A_2235 : i32 to index
          %get3A_2237 = arith.constant 112 : index
          %get3A_2238 = tpu.vector_load %arg29[%get3A_2236, %get3A_2237] {strides = array<i32>} : memref<2x128xf32, #tpu.memory_space<vmem>>, vector<16xf32>,
          %mul3A_2239 = arith.mulf %max3A_2222, %max3A_2222 : vector<16xf32>
          %add3A_2240 = arith.addf %get3A_2238, %mul3A_2239 : vector<16xf32>
          %swap3A_2241 = arith.constant 1 : i32
          %swap3A_2242 = arith.index_cast %swap3A_2241 : i32 to index
          %swap3A_2243 = arith.constant 112 : index
          %swap3A_2244 = tpu.vector_load %arg29[%swap3A_2242, %swap3A_2243] {strides = array<i32>} : memref<2x128xf32, #tpu.memory_space<vmem>>, vector<16xf32>,
          tpu.vector_store %arg29[%swap3A_2242, %swap3A_2243], %add3A_2240 {strides = array<i32>} : memref<2x128xf32, #tpu.memory_space<vmem>>, vector<16xf32>,
        }
        %scan3A_1975 = arith.constant 16 : i32
        %mul3A_1976 = arith.constant 16 : i32
        %mul3A_1977 = arith.muli %add3A_1960, %mul3A_1976 : i32
        %add3A_1978 = arith.addi %mul3A_0, %mul3A_1977 : i32
        "tpu.region"() ({
          %run_scoped3A_1979 = tpu.sem_alloc : memref<!tpu.dma_semaphore, #tpu.memory_space<semaphore_mem>>
          %dma_start3A = arith.constant 0 : i32
          %dma_start3A_1980 = tpu.memref_slice %arg14[%add3A_1978, %dma_start3A] : memref<10000x128xf32, #tpu.memory_space<vmem_shared>> -> memref<16x128xf32, #tpu.memory_space<vmem_shared>>
          %dma_start3A_1981 = arith.constant 0 : i32
          %dma_start3A_1982 = tpu.memref_slice %arg14[%add3A_1978, %dma_start3A_1981] : memref<10000x128xf32, #tpu.memory_space<vmem_shared>> -> memref<16x128xf32, #tpu.memory_space<vmem_shared>>
          tpu.enqueue_dma source(%arg26 : memref<16x128xf32, #tpu.memory_space<vmem>>) target(%dma_start3A_1982 : memref<16x128xf32, #tpu.memory_space<vmem_shared>>) target_semaphore(%run_scoped3A_1979 : memref<!tpu.dma_semaphore, #tpu.memory_space<semaphore_mem>>)
          %dma_wait3A = arith.constant 0 : i32
          %dma_wait3A_1983 = tpu.memref_slice %arg14[%add3A_1978, %dma_wait3A] : memref<10000x128xf32, #tpu.memory_space<vmem_shared>> -> memref<16x128xf32, #tpu.memory_space<vmem_shared>>
          %dma_wait3A_1984 = arith.constant 0 : i32
          %dma_wait3A_1985 = tpu.memref_slice %arg14[%add3A_1978, %dma_wait3A_1984] : memref<10000x128xf32, #tpu.memory_space<vmem_shared>> -> memref<16x128xf32, #tpu.memory_space<vmem_shared>>
          tpu.wait_dma2 semaphore(%run_scoped3A_1979 : memref<!tpu.dma_semaphore, #tpu.memory_space<semaphore_mem>>) src(%arg26 : memref<16x128xf32, #tpu.memory_space<vmem>>) dst(%dma_wait3A_1985 : memref<16x128xf32, #tpu.memory_space<vmem_shared>>)
          tpu.yield
        }) : () -> ()
      } else {
      }
    }
    %scan3A_96 = arith.constant 40 : i32
    %run_scoped3A = arith.constant 0 : i32
    %run_scoped3A_97 = arith.constant 0 : i32
    "tpu.region"() ({
      %run_scoped3A_1956 = tpu.sem_alloc : memref<!tpu.dma_semaphore, #tpu.memory_space<semaphore_mem>>
      %dma_start3A = arith.constant 0 : i32
      %dma_start3A_1957 = tpu.memref_slice %arg29[%run_scoped3A, %dma_start3A] : memref<2x128xf32, #tpu.memory_space<vmem>> -> memref<1x128xf32, #tpu.memory_space<vmem>>
      %dma_start3A_1958 = tpu.memref_squeeze %dma_start3A_1957 : memref<1x128xf32, #tpu.memory_space<vmem>> -> memref<128xf32, #tpu.memory_space<vmem>>
      %dma_start3A_1959 = arith.constant 0 : i32
      %dma_start3A_1960 = tpu.memref_slice %arg16[%run_scoped3A_97, %arg1, %dma_start3A_1959] : memref<2x16x128xf32, #tpu.memory_space<vmem_shared>> -> memref<1x1x128xf32, #tpu.memory_space<vmem_shared>>
      %dma_start3A_1961 = tpu.memref_squeeze %dma_start3A_1960 : memref<1x1x128xf32, #tpu.memory_space<vmem_shared>> -> memref<128xf32, #tpu.memory_space<vmem_shared>>
      %dma_start3A_1962 = arith.constant 0 : i32
      %dma_start3A_1963 = tpu.memref_slice %arg16[%run_scoped3A_97, %arg1, %dma_start3A_1962] : memref<2x16x128xf32, #tpu.memory_space<vmem_shared>> -> memref<1x1x128xf32, #tpu.memory_space<vmem_shared>>
      %dma_start3A_1964 = tpu.memref_squeeze %dma_start3A_1963 : memref<1x1x128xf32, #tpu.memory_space<vmem_shared>> -> memref<128xf32, #tpu.memory_space<vmem_shared>>
      %dma_start3A_1965 = arith.constant 0 : i32
      %dma_start3A_1966 = tpu.memref_slice %arg29[%run_scoped3A, %dma_start3A_1965] : memref<2x128xf32, #tpu.memory_space<vmem>> -> memref<1x128xf32, #tpu.memory_space<vmem>>
      %dma_start3A_1967 = tpu.memref_squeeze %dma_start3A_1966 : memref<1x128xf32, #tpu.memory_space<vmem>> -> memref<128xf32, #tpu.memory_space<vmem>>
      tpu.enqueue_dma source(%dma_start3A_1967 : memref<128xf32, #tpu.memory_space<vmem>>) target(%dma_start3A_1964 : memref<128xf32, #tpu.memory_space<vmem_shared>>) target_semaphore(%run_scoped3A_1956 : memref<!tpu.dma_semaphore, #tpu.memory_space<semaphore_mem>>)
      %dma_wait3A = arith.constant 0 : i32
      %dma_wait3A_1968 = tpu.memref_slice %arg29[%run_scoped3A, %dma_wait3A] : memref<2x128xf32, #tpu.memory_space<vmem>> -> memref<1x128xf32, #tpu.memory_space<vmem>>
      %dma_wait3A_1969 = tpu.memref_squeeze %dma_wait3A_1968 : memref<1x128xf32, #tpu.memory_space<vmem>> -> memref<128xf32, #tpu.memory_space<vmem>>
      %dma_wait3A_1970 = arith.constant 0 : i32
      %dma_wait3A_1971 = tpu.memref_slice %arg16[%run_scoped3A_97, %arg1, %dma_wait3A_1970] : memref<2x16x128xf32, #tpu.memory_space<vmem_shared>> -> memref<1x1x128xf32, #tpu.memory_space<vmem_shared>>
      %dma_wait3A_1972 = tpu.memref_squeeze %dma_wait3A_1971 : memref<1x1x128xf32, #tpu.memory_space<vmem_shared>> -> memref<128xf32, #tpu.memory_space<vmem_shared>>
      %dma_wait3A_1973 = arith.constant 0 : i32
      %dma_wait3A_1974 = tpu.memref_slice %arg16[%run_scoped3A_97, %arg1, %dma_wait3A_1973] : memref<2x16x128xf32, #tpu.memory_space<vmem_shared>> -> memref<1x1x128xf32, #tpu.memory_space<vmem_shared>>
      %dma_wait3A_1975 = tpu.memref_squeeze %dma_wait3A_1974 : memref<1x1x128xf32, #tpu.memory_space<vmem_shared>> -> memref<128xf32, #tpu.memory_space<vmem_shared>>
      %dma_wait3A_1976 = arith.constant 0 : i32
      %dma_wait3A_1977 = tpu.memref_slice %arg29[%run_scoped3A, %dma_wait3A_1976] : memref<2x128xf32, #tpu.memory_space<vmem>> -> memref<1x128xf32, #tpu.memory_space<vmem>>
      %dma_wait3A_1978 = tpu.memref_squeeze %dma_wait3A_1977 : memref<1x128xf32, #tpu.memory_space<vmem>> -> memref<128xf32, #tpu.memory_space<vmem>>
      tpu.wait_dma2 semaphore(%run_scoped3A_1956 : memref<!tpu.dma_semaphore, #tpu.memory_space<semaphore_mem>>) src(%dma_wait3A_1978 : memref<128xf32, #tpu.memory_space<vmem>>) dst(%dma_wait3A_1975 : memref<128xf32, #tpu.memory_space<vmem_shared>>)
      tpu.yield
    }) : () -> ()
    %run_scoped3A_98 = arith.constant 1 : i32
    %run_scoped3A_99 = arith.constant 1 : i32
    "tpu.region"() ({
      %run_scoped3A_1956 = tpu.sem_alloc : memref<!tpu.dma_semaphore, #tpu.memory_space<semaphore_mem>>
      %dma_start3A = arith.constant 0 : i32
      %dma_start3A_1957 = tpu.memref_slice %arg29[%run_scoped3A_98, %dma_start3A] : memref<2x128xf32, #tpu.memory_space<vmem>> -> memref<1x128xf32, #tpu.memory_space<vmem>>
      %dma_start3A_1958 = tpu.memref_squeeze %dma_start3A_1957 : memref<1x128xf32, #tpu.memory_space<vmem>> -> memref<128xf32, #tpu.memory_space<vmem>>
      %dma_start3A_1959 = arith.constant 0 : i32
      %dma_start3A_1960 = tpu.memref_slice %arg16[%run_scoped3A_99, %arg1, %dma_start3A_1959] : memref<2x16x128xf32, #tpu.memory_space<vmem_shared>> -> memref<1x1x128xf32, #tpu.memory_space<vmem_shared>>
      %dma_start3A_1961 = tpu.memref_squeeze %dma_start3A_1960 : memref<1x1x128xf32, #tpu.memory_space<vmem_shared>> -> memref<128xf32, #tpu.memory_space<vmem_shared>>
      %dma_start3A_1962 = arith.constant 0 : i32
      %dma_start3A_1963 = tpu.memref_slice %arg16[%run_scoped3A_99, %arg1, %dma_start3A_1962] : memref<2x16x128xf32, #tpu.memory_space<vmem_shared>> -> memref<1x1x128xf32, #tpu.memory_space<vmem_shared>>
      %dma_start3A_1964 = tpu.memref_squeeze %dma_start3A_1963 : memref<1x1x128xf32, #tpu.memory_space<vmem_shared>> -> memref<128xf32, #tpu.memory_space<vmem_shared>>
      %dma_start3A_1965 = arith.constant 0 : i32
      %dma_start3A_1966 = tpu.memref_slice %arg29[%run_scoped3A_98, %dma_start3A_1965] : memref<2x128xf32, #tpu.memory_space<vmem>> -> memref<1x128xf32, #tpu.memory_space<vmem>>
      %dma_start3A_1967 = tpu.memref_squeeze %dma_start3A_1966 : memref<1x128xf32, #tpu.memory_space<vmem>> -> memref<128xf32, #tpu.memory_space<vmem>>
      tpu.enqueue_dma source(%dma_start3A_1967 : memref<128xf32, #tpu.memory_space<vmem>>) target(%dma_start3A_1964 : memref<128xf32, #tpu.memory_space<vmem_shared>>) target_semaphore(%run_scoped3A_1956 : memref<!tpu.dma_semaphore, #tpu.memory_space<semaphore_mem>>)
      %dma_wait3A = arith.constant 0 : i32
      %dma_wait3A_1968 = tpu.memref_slice %arg29[%run_scoped3A_98, %dma_wait3A] : memref<2x128xf32, #tpu.memory_space<vmem>> -> memref<1x128xf32, #tpu.memory_space<vmem>>
      %dma_wait3A_1969 = tpu.memref_squeeze %dma_wait3A_1968 : memref<1x128xf32, #tpu.memory_space<vmem>> -> memref<128xf32, #tpu.memory_space<vmem>>
      %dma_wait3A_1970 = arith.constant 0 : i32
      %dma_wait3A_1971 = tpu.memref_slice %arg16[%run_scoped3A_99, %arg1, %dma_wait3A_1970] : memref<2x16x128xf32, #tpu.memory_space<vmem_shared>> -> memref<1x1x128xf32, #tpu.memory_space<vmem_shared>>
      %dma_wait3A_1972 = tpu.memref_squeeze %dma_wait3A_1971 : memref<1x1x128xf32, #tpu.memory_space<vmem_shared>> -> memref<128xf32, #tpu.memory_space<vmem_shared>>
      %dma_wait3A_1973 = arith.constant 0 : i32
      %dma_wait3A_1974 = tpu.memref_slice %arg16[%run_scoped3A_99, %arg1, %dma_wait3A_1973] : memref<2x16x128xf32, #tpu.memory_space<vmem_shared>> -> memref<1x1x128xf32, #tpu.memory_space<vmem_shared>>
      %dma_wait3A_1975 = tpu.memref_squeeze %dma_wait3A_1974 : memref<1x1x128xf32, #tpu.memory_space<vmem_shared>> -> memref<128xf32, #tpu.memory_space<vmem_shared>>
      %dma_wait3A_1976 = arith.constant 0 : i32
      %dma_wait3A_1977 = tpu.memref_slice %arg29[%run_scoped3A_98, %dma_wait3A_1976] : memref<2x128xf32, #tpu.memory_space<vmem>> -> memref<1x128xf32, #tpu.memory_space<vmem>>
      %dma_wait3A_1978 = tpu.memref_squeeze %dma_wait3A_1977 : memref<1x128xf32, #tpu.memory_space<vmem>> -> memref<128xf32, #tpu.memory_space<vmem>>
      tpu.wait_dma2 semaphore(%run_scoped3A_1956 : memref<!tpu.dma_semaphore, #tpu.memory_space<semaphore_mem>>) src(%dma_wait3A_1978 : memref<128xf32, #tpu.memory_space<vmem>>) dst(%dma_wait3A_1975 : memref<128xf32, #tpu.memory_space<vmem_shared>>)
      tpu.yield
    }) : () -> ()
    %barrier3A_100 = arith.constant 0 : index
    tpu.barrier barrier_id(%barrier3A_100)
    %run_scoped3A_101 = arith.constant 0 : i32
    "tpu.region"() ({
      %run_scoped3A_1956 = tpu.sem_alloc : memref<!tpu.dma_semaphore, #tpu.memory_space<semaphore_mem>>
      %dma_start3A = arith.constant 0 : i32
      %dma_start3A_1957 = arith.constant 0 : i32
      %dma_start3A_1958 = tpu.memref_slice %arg16[%run_scoped3A_101, %dma_start3A, %dma_start3A_1957] : memref<2x16x128xf32, #tpu.memory_space<vmem_shared>> -> memref<1x16x128xf32, #tpu.memory_space<vmem_shared>>
      %dma_start3A_1959 = tpu.memref_squeeze %dma_start3A_1958 : memref<1x16x128xf32, #tpu.memory_space<vmem_shared>> -> memref<16x128xf32, #tpu.memory_space<vmem_shared>>
      %dma_start3A_1960 = arith.constant 0 : i32
      %dma_start3A_1961 = arith.constant 0 : i32
      %dma_start3A_1962 = tpu.memref_slice %arg16[%run_scoped3A_101, %dma_start3A_1960, %dma_start3A_1961] : memref<2x16x128xf32, #tpu.memory_space<vmem_shared>> -> memref<1x16x128xf32, #tpu.memory_space<vmem_shared>>
      %dma_start3A_1963 = tpu.memref_squeeze %dma_start3A_1962 : memref<1x16x128xf32, #tpu.memory_space<vmem_shared>> -> memref<16x128xf32, #tpu.memory_space<vmem_shared>>
      tpu.enqueue_dma source(%dma_start3A_1963 : memref<16x128xf32, #tpu.memory_space<vmem_shared>>) target(%arg26 : memref<16x128xf32, #tpu.memory_space<vmem>>) target_semaphore(%run_scoped3A_1956 : memref<!tpu.dma_semaphore, #tpu.memory_space<semaphore_mem>>)
      %dma_wait3A = arith.constant 0 : i32
      %dma_wait3A_1964 = arith.constant 0 : i32
      %dma_wait3A_1965 = tpu.memref_slice %arg16[%run_scoped3A_101, %dma_wait3A, %dma_wait3A_1964] : memref<2x16x128xf32, #tpu.memory_space<vmem_shared>> -> memref<1x16x128xf32, #tpu.memory_space<vmem_shared>>
      %dma_wait3A_1966 = tpu.memref_squeeze %dma_wait3A_1965 : memref<1x16x128xf32, #tpu.memory_space<vmem_shared>> -> memref<16x128xf32, #tpu.memory_space<vmem_shared>>
      %dma_wait3A_1967 = arith.constant 0 : i32
      %dma_wait3A_1968 = arith.constant 0 : i32
      %dma_wait3A_1969 = tpu.memref_slice %arg16[%run_scoped3A_101, %dma_wait3A_1967, %dma_wait3A_1968] : memref<2x16x128xf32, #tpu.memory_space<vmem_shared>> -> memref<1x16x128xf32, #tpu.memory_space<vmem_shared>>
      %dma_wait3A_1970 = tpu.memref_squeeze %dma_wait3A_1969 : memref<1x16x128xf32, #tpu.memory_space<vmem_shared>> -> memref<16x128xf32, #tpu.memory_space<vmem_shared>>
      tpu.wait_dma2 semaphore(%run_scoped3A_1956 : memref<!tpu.dma_semaphore, #tpu.memory_space<semaphore_mem>>) src(%dma_wait3A_1970 : memref<16x128xf32, #tpu.memory_space<vmem_shared>>) dst(%arg26 : memref<16x128xf32, #tpu.memory_space<vmem>>)
      tpu.yield
    }) : () -> ()
    %broadcast_in_dim3A_102 = arith.constant 0.000000e+00 : f32
    %broadcast_in_dim3A_103 = vector.broadcast %broadcast_in_dim3A_102 : f32 to vector<16xf32>
    %get3A = arith.constant 0 : i32
    %get3A_104 = arith.index_cast %get3A : i32 to index
    %get3A_105 = arith.constant 0 : index
    %get3A_106 = tpu.vector_load %arg26[%get3A_104, %get3A_105] {strides = array<i32>} : memref<16x128xf32, #tpu.memory_space<vmem>>, vector<16xf32>,
    %add3A = arith.addf %broadcast_in_dim3A_103, %get3A_106 : vector<16xf32>
    %get3A_107 = arith.constant 1 : i32
    %get3A_108 = arith.index_cast %get3A_107 : i32 to index
    %get3A_109 = arith.constant 0 : index
    %get3A_110 = tpu.vector_load %arg26[%get3A_108, %get3A_109] {strides = array<i32>} : memref<16x128xf32, #tpu.memory_space<vmem>>, vector<16xf32>,
    %add3A_111 = arith.addf %add3A, %get3A_110 : vector<16xf32>
    %get3A_112 = arith.constant 2 : i32
    %get3A_113 = arith.index_cast %get3A_112 : i32 to index
    %get3A_114 = arith.constant 0 : index
    %get3A_115 = tpu.vector_load %arg26[%get3A_113, %get3A_114] {strides = array<i32>} : memref<16x128xf32, #tpu.memory_space<vmem>>, vector<16xf32>,
    %add3A_116 = arith.addf %add3A_111, %get3A_115 : vector<16xf32>
    %get3A_117 = arith.constant 3 : i32
    %get3A_118 = arith.index_cast %get3A_117 : i32 to index
    %get3A_119 = arith.constant 0 : index
    %get3A_120 = tpu.vector_load %arg26[%get3A_118, %get3A_119] {strides = array<i32>} : memref<16x128xf32, #tpu.memory_space<vmem>>, vector<16xf32>,
    %add3A_121 = arith.addf %add3A_116, %get3A_120 : vector<16xf32>
    %get3A_122 = arith.constant 4 : i32
    %get3A_123 = arith.index_cast %get3A_122 : i32 to index
    %get3A_124 = arith.constant 0 : index
    %get3A_125 = tpu.vector_load %arg26[%get3A_123, %get3A_124] {strides = array<i32>} : memref<16x128xf32, #tpu.memory_space<vmem>>, vector<16xf32>,
    %add3A_126 = arith.addf %add3A_121, %get3A_125 : vector<16xf32>
    %get3A_127 = arith.constant 5 : i32
    %get3A_128 = arith.index_cast %get3A_127 : i32 to index
    %get3A_129 = arith.constant 0 : index
    %get3A_130 = tpu.vector_load %arg26[%get3A_128, %get3A_129] {strides = array<i32>} : memref<16x128xf32, #tpu.memory_space<vmem>>, vector<16xf32>,
    %add3A_131 = arith.addf %add3A_126, %get3A_130 : vector<16xf32>
    %get3A_132 = arith.constant 6 : i32
    %get3A_133 = arith.index_cast %get3A_132 : i32 to index
    %get3A_134 = arith.constant 0 : index
    %get3A_135 = tpu.vector_load %arg26[%get3A_133, %get3A_134] {strides = array<i32>} : memref<16x128xf32, #tpu.memory_space<vmem>>, vector<16xf32>,
    %add3A_136 = arith.addf %add3A_131, %get3A_135 : vector<16xf32>
    %get3A_137 = arith.constant 7 : i32
    %get3A_138 = arith.index_cast %get3A_137 : i32 to index
    %get3A_139 = arith.constant 0 : index
    %get3A_140 = tpu.vector_load %arg26[%get3A_138, %get3A_139] {strides = array<i32>} : memref<16x128xf32, #tpu.memory_space<vmem>>, vector<16xf32>,
    %add3A_141 = arith.addf %add3A_136, %get3A_140 : vector<16xf32>
    %get3A_142 = arith.constant 8 : i32
    %get3A_143 = arith.index_cast %get3A_142 : i32 to index
    %get3A_144 = arith.constant 0 : index
    %get3A_145 = tpu.vector_load %arg26[%get3A_143, %get3A_144] {strides = array<i32>} : memref<16x128xf32, #tpu.memory_space<vmem>>, vector<16xf32>,
    %add3A_146 = arith.addf %add3A_141, %get3A_145 : vector<16xf32>
    %get3A_147 = arith.constant 9 : i32
    %get3A_148 = arith.index_cast %get3A_147 : i32 to index
    %get3A_149 = arith.constant 0 : index
    %get3A_150 = tpu.vector_load %arg26[%get3A_148, %get3A_149] {strides = array<i32>} : memref<16x128xf32, #tpu.memory_space<vmem>>, vector<16xf32>,
    %add3A_151 = arith.addf %add3A_146, %get3A_150 : vector<16xf32>
    %get3A_152 = arith.constant 10 : i32
    %get3A_153 = arith.index_cast %get3A_152 : i32 to index
    %get3A_154 = arith.constant 0 : index
    %get3A_155 = tpu.vector_load %arg26[%get3A_153, %get3A_154] {strides = array<i32>} : memref<16x128xf32, #tpu.memory_space<vmem>>, vector<16xf32>,
    %add3A_156 = arith.addf %add3A_151, %get3A_155 : vector<16xf32>
    %get3A_157 = arith.constant 11 : i32
    %get3A_158 = arith.index_cast %get3A_157 : i32 to index
    %get3A_159 = arith.constant 0 : index
    %get3A_160 = tpu.vector_load %arg26[%get3A_158, %get3A_159] {strides = array<i32>} : memref<16x128xf32, #tpu.memory_space<vmem>>, vector<16xf32>,
    %add3A_161 = arith.addf %add3A_156, %get3A_160 : vector<16xf32>
    %get3A_162 = arith.constant 12 : i32
    %get3A_163 = arith.index_cast %get3A_162 : i32 to index
    %get3A_164 = arith.constant 0 : index
    %get3A_165 = tpu.vector_load %arg26[%get3A_163, %get3A_164] {strides = array<i32>} : memref<16x128xf32, #tpu.memory_space<vmem>>, vector<16xf32>,
    %add3A_166 = arith.addf %add3A_161, %get3A_165 : vector<16xf32>
    %get3A_167 = arith.constant 13 : i32
    %get3A_168 = arith.index_cast %get3A_167 : i32 to index
    %get3A_169 = arith.constant 0 : index
    %get3A_170 = tpu.vector_load %arg26[%get3A_168, %get3A_169] {strides = array<i32>} : memref<16x128xf32, #tpu.memory_space<vmem>>, vector<16xf32>,
    %add3A_171 = arith.addf %add3A_166, %get3A_170 : vector<16xf32>
    %get3A_172 = arith.constant 14 : i32
    %get3A_173 = arith.index_cast %get3A_172 : i32 to index
    %get3A_174 = arith.constant 0 : index
    %get3A_175 = tpu.vector_load %arg26[%get3A_173, %get3A_174] {strides = array<i32>} : memref<16x128xf32, #tpu.memory_space<vmem>>, vector<16xf32>,
    %add3A_176 = arith.addf %add3A_171, %get3A_175 : vector<16xf32>
    %get3A_177 = arith.constant 15 : i32
    %get3A_178 = arith.index_cast %get3A_177 : i32 to index
    %get3A_179 = arith.constant 0 : index
    %get3A_180 = tpu.vector_load %arg26[%get3A_178, %get3A_179] {strides = array<i32>} : memref<16x128xf32, #tpu.memory_space<vmem>>, vector<16xf32>,
    %add3A_181 = arith.addf %add3A_176, %get3A_180 : vector<16xf32>
    %mul3A_182 = arith.constant 9.99999974E-5 : f32
    %mul3A_183 = vector.broadcast %mul3A_182 : f32 to vector<16xf32>
    %mul3A_184 = arith.mulf %add3A_181, %mul3A_183 : vector<16xf32>
    %swap3A_185 = arith.constant 0 : i32
    %swap3A_186 = arith.index_cast %swap3A_185 : i32 to index
    %swap3A_187 = arith.constant 0 : index
    %swap3A_188 = tpu.vector_load %arg30[%swap3A_186, %swap3A_187] {strides = array<i32>} : memref<2x128xf32, #tpu.memory_space<vmem>>, vector<16xf32>,
    tpu.vector_store %arg30[%swap3A_186, %swap3A_187], %mul3A_184 {strides = array<i32>} : memref<2x128xf32, #tpu.memory_space<vmem>>, vector<16xf32>,
    %broadcast_in_dim3A_189 = arith.constant 0.000000e+00 : f32
    %broadcast_in_dim3A_190 = vector.broadcast %broadcast_in_dim3A_189 : f32 to vector<16xf32>
    %get3A_191 = arith.constant 0 : i32
    %get3A_192 = arith.index_cast %get3A_191 : i32 to index
    %get3A_193 = arith.constant 16 : index
    %get3A_194 = tpu.vector_load %arg26[%get3A_192, %get3A_193] {strides = array<i32>} : memref<16x128xf32, #tpu.memory_space<vmem>>, vector<16xf32>,
    %add3A_195 = arith.addf %broadcast_in_dim3A_190, %get3A_194 : vector<16xf32>
    %get3A_196 = arith.constant 1 : i32
    %get3A_197 = arith.index_cast %get3A_196 : i32 to index
    %get3A_198 = arith.constant 16 : index
    %get3A_199 = tpu.vector_load %arg26[%get3A_197, %get3A_198] {strides = array<i32>} : memref<16x128xf32, #tpu.memory_space<vmem>>, vector<16xf32>,
    %add3A_200 = arith.addf %add3A_195, %get3A_199 : vector<16xf32>
    %get3A_201 = arith.constant 2 : i32
    %get3A_202 = arith.index_cast %get3A_201 : i32 to index
    %get3A_203 = arith.constant 16 : index
    %get3A_204 = tpu.vector_load %arg26[%get3A_202, %get3A_203] {strides = array<i32>} : memref<16x128xf32, #tpu.memory_space<vmem>>, vector<16xf32>,
    %add3A_205 = arith.addf %add3A_200, %get3A_204 : vector<16xf32>
    %get3A_206 = arith.constant 3 : i32
    %get3A_207 = arith.index_cast %get3A_206 : i32 to index
    %get3A_208 = arith.constant 16 : index
    %get3A_209 = tpu.vector_load %arg26[%get3A_207, %get3A_208] {strides = array<i32>} : memref<16x128xf32, #tpu.memory_space<vmem>>, vector<16xf32>,
    %add3A_210 = arith.addf %add3A_205, %get3A_209 : vector<16xf32>
    %get3A_211 = arith.constant 4 : i32
    %get3A_212 = arith.index_cast %get3A_211 : i32 to index
    %get3A_213 = arith.constant 16 : index
    %get3A_214 = tpu.vector_load %arg26[%get3A_212, %get3A_213] {strides = array<i32>} : memref<16x128xf32, #tpu.memory_space<vmem>>, vector<16xf32>,
    %add3A_215 = arith.addf %add3A_210, %get3A_214 : vector<16xf32>
    %get3A_216 = arith.constant 5 : i32
    %get3A_217 = arith.index_cast %get3A_216 : i32 to index
    %get3A_218 = arith.constant 16 : index
    %get3A_219 = tpu.vector_load %arg26[%get3A_217, %get3A_218] {strides = array<i32>} : memref<16x128xf32, #tpu.memory_space<vmem>>, vector<16xf32>,
    %add3A_220 = arith.addf %add3A_215, %get3A_219 : vector<16xf32>
    %get3A_221 = arith.constant 6 : i32
    %get3A_222 = arith.index_cast %get3A_221 : i32 to index
    %get3A_223 = arith.constant 16 : index
    %get3A_224 = tpu.vector_load %arg26[%get3A_222, %get3A_223] {strides = array<i32>} : memref<16x128xf32, #tpu.memory_space<vmem>>, vector<16xf32>,
    %add3A_225 = arith.addf %add3A_220, %get3A_224 : vector<16xf32>
    %get3A_226 = arith.constant 7 : i32
    %get3A_227 = arith.index_cast %get3A_226 : i32 to index
    %get3A_228 = arith.constant 16 : index
    %get3A_229 = tpu.vector_load %arg26[%get3A_227, %get3A_228] {strides = array<i32>} : memref<16x128xf32, #tpu.memory_space<vmem>>, vector<16xf32>,
    %add3A_230 = arith.addf %add3A_225, %get3A_229 : vector<16xf32>
    %get3A_231 = arith.constant 8 : i32
    %get3A_232 = arith.index_cast %get3A_231 : i32 to index
    %get3A_233 = arith.constant 16 : index
    %get3A_234 = tpu.vector_load %arg26[%get3A_232, %get3A_233] {strides = array<i32>} : memref<16x128xf32, #tpu.memory_space<vmem>>, vector<16xf32>,
    %add3A_235 = arith.addf %add3A_230, %get3A_234 : vector<16xf32>
    %get3A_236 = arith.constant 9 : i32
    %get3A_237 = arith.index_cast %get3A_236 : i32 to index
    %get3A_238 = arith.constant 16 : index
    %get3A_239 = tpu.vector_load %arg26[%get3A_237, %get3A_238] {strides = array<i32>} : memref<16x128xf32, #tpu.memory_space<vmem>>, vector<16xf32>,
    %add3A_240 = arith.addf %add3A_235, %get3A_239 : vector<16xf32>
    %get3A_241 = arith.constant 10 : i32
    %get3A_242 = arith.index_cast %get3A_241 : i32 to index
    %get3A_243 = arith.constant 16 : index
    %get3A_244 = tpu.vector_load %arg26[%get3A_242, %get3A_243] {strides = array<i32>} : memref<16x128xf32, #tpu.memory_space<vmem>>, vector<16xf32>,
    %add3A_245 = arith.addf %add3A_240, %get3A_244 : vector<16xf32>
    %get3A_246 = arith.constant 11 : i32
    %get3A_247 = arith.index_cast %get3A_246 : i32 to index
    %get3A_248 = arith.constant 16 : index
    %get3A_249 = tpu.vector_load %arg26[%get3A_247, %get3A_248] {strides = array<i32>} : memref<16x128xf32, #tpu.memory_space<vmem>>, vector<16xf32>,
    %add3A_250 = arith.addf %add3A_245, %get3A_249 : vector<16xf32>
    %get3A_251 = arith.constant 12 : i32
    %get3A_252 = arith.index_cast %get3A_251 : i32 to index
    %get3A_253 = arith.constant 16 : index
    %get3A_254 = tpu.vector_load %arg26[%get3A_252, %get3A_253] {strides = array<i32>} : memref<16x128xf32, #tpu.memory_space<vmem>>, vector<16xf32>,
    %add3A_255 = arith.addf %add3A_250, %get3A_254 : vector<16xf32>
    %get3A_256 = arith.constant 13 : i32
    %get3A_257 = arith.index_cast %get3A_256 : i32 to index
    %get3A_258 = arith.constant 16 : index
    %get3A_259 = tpu.vector_load %arg26[%get3A_257, %get3A_258] {strides = array<i32>} : memref<16x128xf32, #tpu.memory_space<vmem>>, vector<16xf32>,
    %add3A_260 = arith.addf %add3A_255, %get3A_259 : vector<16xf32>
    %get3A_261 = arith.constant 14 : i32
    %get3A_262 = arith.index_cast %get3A_261 : i32 to index
    %get3A_263 = arith.constant 16 : index
    %get3A_264 = tpu.vector_load %arg26[%get3A_262, %get3A_263] {strides = array<i32>} : memref<16x128xf32, #tpu.memory_space<vmem>>, vector<16xf32>,
    %add3A_265 = arith.addf %add3A_260, %get3A_264 : vector<16xf32>
    %get3A_266 = arith.constant 15 : i32
    %get3A_267 = arith.index_cast %get3A_266 : i32 to index
    %get3A_268 = arith.constant 16 : index
    %get3A_269 = tpu.vector_load %arg26[%get3A_267, %get3A_268] {strides = array<i32>} : memref<16x128xf32, #tpu.memory_space<vmem>>, vector<16xf32>,
    %add3A_270 = arith.addf %add3A_265, %get3A_269 : vector<16xf32>
    %mul3A_271 = arith.constant 9.99999974E-5 : f32
    %mul3A_272 = vector.broadcast %mul3A_271 : f32 to vector<16xf32>
    %mul3A_273 = arith.mulf %add3A_270, %mul3A_272 : vector<16xf32>
    %swap3A_274 = arith.constant 0 : i32
    %swap3A_275 = arith.index_cast %swap3A_274 : i32 to index
    %swap3A_276 = arith.constant 16 : index
    %swap3A_277 = tpu.vector_load %arg30[%swap3A_275, %swap3A_276] {strides = array<i32>} : memref<2x128xf32, #tpu.memory_space<vmem>>, vector<16xf32>,
    tpu.vector_store %arg30[%swap3A_275, %swap3A_276], %mul3A_273 {strides = array<i32>} : memref<2x128xf32, #tpu.memory_space<vmem>>, vector<16xf32>,
    %broadcast_in_dim3A_278 = arith.constant 0.000000e+00 : f32
    %broadcast_in_dim3A_279 = vector.broadcast %broadcast_in_dim3A_278 : f32 to vector<16xf32>
    %get3A_280 = arith.constant 0 : i32
    %get3A_281 = arith.index_cast %get3A_280 : i32 to index
    %get3A_282 = arith.constant 32 : index
    %get3A_283 = tpu.vector_load %arg26[%get3A_281, %get3A_282] {strides = array<i32>} : memref<16x128xf32, #tpu.memory_space<vmem>>, vector<16xf32>,
    %add3A_284 = arith.addf %broadcast_in_dim3A_279, %get3A_283 : vector<16xf32>
    %get3A_285 = arith.constant 1 : i32
    %get3A_286 = arith.index_cast %get3A_285 : i32 to index
    %get3A_287 = arith.constant 32 : index
    %get3A_288 = tpu.vector_load %arg26[%get3A_286, %get3A_287] {strides = array<i32>} : memref<16x128xf32, #tpu.memory_space<vmem>>, vector<16xf32>,
    %add3A_289 = arith.addf %add3A_284, %get3A_288 : vector<16xf32>
    %get3A_290 = arith.constant 2 : i32
    %get3A_291 = arith.index_cast %get3A_290 : i32 to index
    %get3A_292 = arith.constant 32 : index
    %get3A_293 = tpu.vector_load %arg26[%get3A_291, %get3A_292] {strides = array<i32>} : memref<16x128xf32, #tpu.memory_space<vmem>>, vector<16xf32>,
    %add3A_294 = arith.addf %add3A_289, %get3A_293 : vector<16xf32>
    %get3A_295 = arith.constant 3 : i32
    %get3A_296 = arith.index_cast %get3A_295 : i32 to index
    %get3A_297 = arith.constant 32 : index
    %get3A_298 = tpu.vector_load %arg26[%get3A_296, %get3A_297] {strides = array<i32>} : memref<16x128xf32, #tpu.memory_space<vmem>>, vector<16xf32>,
    %add3A_299 = arith.addf %add3A_294, %get3A_298 : vector<16xf32>
    %get3A_300 = arith.constant 4 : i32
    %get3A_301 = arith.index_cast %get3A_300 : i32 to index
    %get3A_302 = arith.constant 32 : index
    %get3A_303 = tpu.vector_load %arg26[%get3A_301, %get3A_302] {strides = array<i32>} : memref<16x128xf32, #tpu.memory_space<vmem>>, vector<16xf32>,
    %add3A_304 = arith.addf %add3A_299, %get3A_303 : vector<16xf32>
    %get3A_305 = arith.constant 5 : i32
    %get3A_306 = arith.index_cast %get3A_305 : i32 to index
    %get3A_307 = arith.constant 32 : index
    %get3A_308 = tpu.vector_load %arg26[%get3A_306, %get3A_307] {strides = array<i32>} : memref<16x128xf32, #tpu.memory_space<vmem>>, vector<16xf32>,
    %add3A_309 = arith.addf %add3A_304, %get3A_308 : vector<16xf32>
    %get3A_310 = arith.constant 6 : i32
    %get3A_311 = arith.index_cast %get3A_310 : i32 to index
    %get3A_312 = arith.constant 32 : index
    %get3A_313 = tpu.vector_load %arg26[%get3A_311, %get3A_312] {strides = array<i32>} : memref<16x128xf32, #tpu.memory_space<vmem>>, vector<16xf32>,
    %add3A_314 = arith.addf %add3A_309, %get3A_313 : vector<16xf32>
    %get3A_315 = arith.constant 7 : i32
    %get3A_316 = arith.index_cast %get3A_315 : i32 to index
    %get3A_317 = arith.constant 32 : index
    %get3A_318 = tpu.vector_load %arg26[%get3A_316, %get3A_317] {strides = array<i32>} : memref<16x128xf32, #tpu.memory_space<vmem>>, vector<16xf32>,
    %add3A_319 = arith.addf %add3A_314, %get3A_318 : vector<16xf32>
    %get3A_320 = arith.constant 8 : i32
    %get3A_321 = arith.index_cast %get3A_320 : i32 to index
    %get3A_322 = arith.constant 32 : index
    %get3A_323 = tpu.vector_load %arg26[%get3A_321, %get3A_322] {strides = array<i32>} : memref<16x128xf32, #tpu.memory_space<vmem>>, vector<16xf32>,
    %add3A_324 = arith.addf %add3A_319, %get3A_323 : vector<16xf32>
    %get3A_325 = arith.constant 9 : i32
    %get3A_326 = arith.index_cast %get3A_325 : i32 to index
    %get3A_327 = arith.constant 32 : index
    %get3A_328 = tpu.vector_load %arg26[%get3A_326, %get3A_327] {strides = array<i32>} : memref<16x128xf32, #tpu.memory_space<vmem>>, vector<16xf32>,
    %add3A_329 = arith.addf %add3A_324, %get3A_328 : vector<16xf32>
    %get3A_330 = arith.constant 10 : i32
    %get3A_331 = arith.index_cast %get3A_330 : i32 to index
    %get3A_332 = arith.constant 32 : index
    %get3A_333 = tpu.vector_load %arg26[%get3A_331, %get3A_332] {strides = array<i32>} : memref<16x128xf32, #tpu.memory_space<vmem>>, vector<16xf32>,
    %add3A_334 = arith.addf %add3A_329, %get3A_333 : vector<16xf32>
    %get3A_335 = arith.constant 11 : i32
    %get3A_336 = arith.index_cast %get3A_335 : i32 to index
    %get3A_337 = arith.constant 32 : index
    %get3A_338 = tpu.vector_load %arg26[%get3A_336, %get3A_337] {strides = array<i32>} : memref<16x128xf32, #tpu.memory_space<vmem>>, vector<16xf32>,
    %add3A_339 = arith.addf %add3A_334, %get3A_338 : vector<16xf32>
    %get3A_340 = arith.constant 12 : i32
    %get3A_341 = arith.index_cast %get3A_340 : i32 to index
    %get3A_342 = arith.constant 32 : index
    %get3A_343 = tpu.vector_load %arg26[%get3A_341, %get3A_342] {strides = array<i32>} : memref<16x128xf32, #tpu.memory_space<vmem>>, vector<16xf32>,
    %add3A_344 = arith.addf %add3A_339, %get3A_343 : vector<16xf32>
    %get3A_345 = arith.constant 13 : i32
    %get3A_346 = arith.index_cast %get3A_345 : i32 to index
    %get3A_347 = arith.constant 32 : index
    %get3A_348 = tpu.vector_load %arg26[%get3A_346, %get3A_347] {strides = array<i32>} : memref<16x128xf32, #tpu.memory_space<vmem>>, vector<16xf32>,
    %add3A_349 = arith.addf %add3A_344, %get3A_348 : vector<16xf32>
    %get3A_350 = arith.constant 14 : i32
    %get3A_351 = arith.index_cast %get3A_350 : i32 to index
    %get3A_352 = arith.constant 32 : index
    %get3A_353 = tpu.vector_load %arg26[%get3A_351, %get3A_352] {strides = array<i32>} : memref<16x128xf32, #tpu.memory_space<vmem>>, vector<16xf32>,
    %add3A_354 = arith.addf %add3A_349, %get3A_353 : vector<16xf32>
    %get3A_355 = arith.constant 15 : i32
    %get3A_356 = arith.index_cast %get3A_355 : i32 to index
    %get3A_357 = arith.constant 32 : index
    %get3A_358 = tpu.vector_load %arg26[%get3A_356, %get3A_357] {strides = array<i32>} : memref<16x128xf32, #tpu.memory_space<vmem>>, vector<16xf32>,
    %add3A_359 = arith.addf %add3A_354, %get3A_358 : vector<16xf32>
    %mul3A_360 = arith.constant 9.99999974E-5 : f32
    %mul3A_361 = vector.broadcast %mul3A_360 : f32 to vector<16xf32>
    %mul3A_362 = arith.mulf %add3A_359, %mul3A_361 : vector<16xf32>
    %swap3A_363 = arith.constant 0 : i32
    %swap3A_364 = arith.index_cast %swap3A_363 : i32 to index
    %swap3A_365 = arith.constant 32 : index
    %swap3A_366 = tpu.vector_load %arg30[%swap3A_364, %swap3A_365] {strides = array<i32>} : memref<2x128xf32, #tpu.memory_space<vmem>>, vector<16xf32>,
    tpu.vector_store %arg30[%swap3A_364, %swap3A_365], %mul3A_362 {strides = array<i32>} : memref<2x128xf32, #tpu.memory_space<vmem>>, vector<16xf32>,
    %broadcast_in_dim3A_367 = arith.constant 0.000000e+00 : f32
    %broadcast_in_dim3A_368 = vector.broadcast %broadcast_in_dim3A_367 : f32 to vector<16xf32>
    %get3A_369 = arith.constant 0 : i32
    %get3A_370 = arith.index_cast %get3A_369 : i32 to index
    %get3A_371 = arith.constant 48 : index
    %get3A_372 = tpu.vector_load %arg26[%get3A_370, %get3A_371] {strides = array<i32>} : memref<16x128xf32, #tpu.memory_space<vmem>>, vector<16xf32>,
    %add3A_373 = arith.addf %broadcast_in_dim3A_368, %get3A_372 : vector<16xf32>
    %get3A_374 = arith.constant 1 : i32
    %get3A_375 = arith.index_cast %get3A_374 : i32 to index
    %get3A_376 = arith.constant 48 : index
    %get3A_377 = tpu.vector_load %arg26[%get3A_375, %get3A_376] {strides = array<i32>} : memref<16x128xf32, #tpu.memory_space<vmem>>, vector<16xf32>,
    %add3A_378 = arith.addf %add3A_373, %get3A_377 : vector<16xf32>
    %get3A_379 = arith.constant 2 : i32
    %get3A_380 = arith.index_cast %get3A_379 : i32 to index
    %get3A_381 = arith.constant 48 : index
    %get3A_382 = tpu.vector_load %arg26[%get3A_380, %get3A_381] {strides = array<i32>} : memref<16x128xf32, #tpu.memory_space<vmem>>, vector<16xf32>,
    %add3A_383 = arith.addf %add3A_378, %get3A_382 : vector<16xf32>
    %get3A_384 = arith.constant 3 : i32
    %get3A_385 = arith.index_cast %get3A_384 : i32 to index
    %get3A_386 = arith.constant 48 : index
    %get3A_387 = tpu.vector_load %arg26[%get3A_385, %get3A_386] {strides = array<i32>} : memref<16x128xf32, #tpu.memory_space<vmem>>, vector<16xf32>,
    %add3A_388 = arith.addf %add3A_383, %get3A_387 : vector<16xf32>
    %get3A_389 = arith.constant 4 : i32
    %get3A_390 = arith.index_cast %get3A_389 : i32 to index
    %get3A_391 = arith.constant 48 : index
    %get3A_392 = tpu.vector_load %arg26[%get3A_390, %get3A_391] {strides = array<i32>} : memref<16x128xf32, #tpu.memory_space<vmem>>, vector<16xf32>,
    %add3A_393 = arith.addf %add3A_388, %get3A_392 : vector<16xf32>
    %get3A_394 = arith.constant 5 : i32
    %get3A_395 = arith.index_cast %get3A_394 : i32 to index
    %get3A_396 = arith.constant 48 : index
    %get3A_397 = tpu.vector_load %arg26[%get3A_395, %get3A_396] {strides = array<i32>} : memref<16x128xf32, #tpu.memory_space<vmem>>, vector<16xf32>,
    %add3A_398 = arith.addf %add3A_393, %get3A_397 : vector<16xf32>
    %get3A_399 = arith.constant 6 : i32
    %get3A_400 = arith.index_cast %get3A_399 : i32 to index
    %get3A_401 = arith.constant 48 : index
    %get3A_402 = tpu.vector_load %arg26[%get3A_400, %get3A_401] {strides = array<i32>} : memref<16x128xf32, #tpu.memory_space<vmem>>, vector<16xf32>,
    %add3A_403 = arith.addf %add3A_398, %get3A_402 : vector<16xf32>
    %get3A_404 = arith.constant 7 : i32
    %get3A_405 = arith.index_cast %get3A_404 : i32 to index
    %get3A_406 = arith.constant 48 : index
    %get3A_407 = tpu.vector_load %arg26[%get3A_405, %get3A_406] {strides = array<i32>} : memref<16x128xf32, #tpu.memory_space<vmem>>, vector<16xf32>,
    %add3A_408 = arith.addf %add3A_403, %get3A_407 : vector<16xf32>
    %get3A_409 = arith.constant 8 : i32
    %get3A_410 = arith.index_cast %get3A_409 : i32 to index
    %get3A_411 = arith.constant 48 : index
    %get3A_412 = tpu.vector_load %arg26[%get3A_410, %get3A_411] {strides = array<i32>} : memref<16x128xf32, #tpu.memory_space<vmem>>, vector<16xf32>,
    %add3A_413 = arith.addf %add3A_408, %get3A_412 : vector<16xf32>
    %get3A_414 = arith.constant 9 : i32
    %get3A_415 = arith.index_cast %get3A_414 : i32 to index
    %get3A_416 = arith.constant 48 : index
    %get3A_417 = tpu.vector_load %arg26[%get3A_415, %get3A_416] {strides = array<i32>} : memref<16x128xf32, #tpu.memory_space<vmem>>, vector<16xf32>,
    %add3A_418 = arith.addf %add3A_413, %get3A_417 : vector<16xf32>
    %get3A_419 = arith.constant 10 : i32
    %get3A_420 = arith.index_cast %get3A_419 : i32 to index
    %get3A_421 = arith.constant 48 : index
    %get3A_422 = tpu.vector_load %arg26[%get3A_420, %get3A_421] {strides = array<i32>} : memref<16x128xf32, #tpu.memory_space<vmem>>, vector<16xf32>,
    %add3A_423 = arith.addf %add3A_418, %get3A_422 : vector<16xf32>
    %get3A_424 = arith.constant 11 : i32
    %get3A_425 = arith.index_cast %get3A_424 : i32 to index
    %get3A_426 = arith.constant 48 : index
    %get3A_427 = tpu.vector_load %arg26[%get3A_425, %get3A_426] {strides = array<i32>} : memref<16x128xf32, #tpu.memory_space<vmem>>, vector<16xf32>,
    %add3A_428 = arith.addf %add3A_423, %get3A_427 : vector<16xf32>
    %get3A_429 = arith.constant 12 : i32
    %get3A_430 = arith.index_cast %get3A_429 : i32 to index
    %get3A_431 = arith.constant 48 : index
    %get3A_432 = tpu.vector_load %arg26[%get3A_430, %get3A_431] {strides = array<i32>} : memref<16x128xf32, #tpu.memory_space<vmem>>, vector<16xf32>,
    %add3A_433 = arith.addf %add3A_428, %get3A_432 : vector<16xf32>
    %get3A_434 = arith.constant 13 : i32
    %get3A_435 = arith.index_cast %get3A_434 : i32 to index
    %get3A_436 = arith.constant 48 : index
    %get3A_437 = tpu.vector_load %arg26[%get3A_435, %get3A_436] {strides = array<i32>} : memref<16x128xf32, #tpu.memory_space<vmem>>, vector<16xf32>,
    %add3A_438 = arith.addf %add3A_433, %get3A_437 : vector<16xf32>
    %get3A_439 = arith.constant 14 : i32
    %get3A_440 = arith.index_cast %get3A_439 : i32 to index
    %get3A_441 = arith.constant 48 : index
    %get3A_442 = tpu.vector_load %arg26[%get3A_440, %get3A_441] {strides = array<i32>} : memref<16x128xf32, #tpu.memory_space<vmem>>, vector<16xf32>,
    %add3A_443 = arith.addf %add3A_438, %get3A_442 : vector<16xf32>
    %get3A_444 = arith.constant 15 : i32
    %get3A_445 = arith.index_cast %get3A_444 : i32 to index
    %get3A_446 = arith.constant 48 : index
    %get3A_447 = tpu.vector_load %arg26[%get3A_445, %get3A_446] {strides = array<i32>} : memref<16x128xf32, #tpu.memory_space<vmem>>, vector<16xf32>,
    %add3A_448 = arith.addf %add3A_443, %get3A_447 : vector<16xf32>
    %mul3A_449 = arith.constant 9.99999974E-5 : f32
    %mul3A_450 = vector.broadcast %mul3A_449 : f32 to vector<16xf32>
    %mul3A_451 = arith.mulf %add3A_448, %mul3A_450 : vector<16xf32>
    %swap3A_452 = arith.constant 0 : i32
    %swap3A_453 = arith.index_cast %swap3A_452 : i32 to index
    %swap3A_454 = arith.constant 48 : index
    %swap3A_455 = tpu.vector_load %arg30[%swap3A_453, %swap3A_454] {strides = array<i32>} : memref<2x128xf32, #tpu.memory_space<vmem>>, vector<16xf32>,
    tpu.vector_store %arg30[%swap3A_453, %swap3A_454], %mul3A_451 {strides = array<i32>} : memref<2x128xf32, #tpu.memory_space<vmem>>, vector<16xf32>,
    %broadcast_in_dim3A_456 = arith.constant 0.000000e+00 : f32
    %broadcast_in_dim3A_457 = vector.broadcast %broadcast_in_dim3A_456 : f32 to vector<16xf32>
    %get3A_458 = arith.constant 0 : i32
    %get3A_459 = arith.index_cast %get3A_458 : i32 to index
    %get3A_460 = arith.constant 64 : index
    %get3A_461 = tpu.vector_load %arg26[%get3A_459, %get3A_460] {strides = array<i32>} : memref<16x128xf32, #tpu.memory_space<vmem>>, vector<16xf32>,
    %add3A_462 = arith.addf %broadcast_in_dim3A_457, %get3A_461 : vector<16xf32>
    %get3A_463 = arith.constant 1 : i32
    %get3A_464 = arith.index_cast %get3A_463 : i32 to index
    %get3A_465 = arith.constant 64 : index
    %get3A_466 = tpu.vector_load %arg26[%get3A_464, %get3A_465] {strides = array<i32>} : memref<16x128xf32, #tpu.memory_space<vmem>>, vector<16xf32>,
    %add3A_467 = arith.addf %add3A_462, %get3A_466 : vector<16xf32>
    %get3A_468 = arith.constant 2 : i32
    %get3A_469 = arith.index_cast %get3A_468 : i32 to index
    %get3A_470 = arith.constant 64 : index
    %get3A_471 = tpu.vector_load %arg26[%get3A_469, %get3A_470] {strides = array<i32>} : memref<16x128xf32, #tpu.memory_space<vmem>>, vector<16xf32>,
    %add3A_472 = arith.addf %add3A_467, %get3A_471 : vector<16xf32>
    %get3A_473 = arith.constant 3 : i32
    %get3A_474 = arith.index_cast %get3A_473 : i32 to index
    %get3A_475 = arith.constant 64 : index
    %get3A_476 = tpu.vector_load %arg26[%get3A_474, %get3A_475] {strides = array<i32>} : memref<16x128xf32, #tpu.memory_space<vmem>>, vector<16xf32>,
    %add3A_477 = arith.addf %add3A_472, %get3A_476 : vector<16xf32>
    %get3A_478 = arith.constant 4 : i32
    %get3A_479 = arith.index_cast %get3A_478 : i32 to index
    %get3A_480 = arith.constant 64 : index
    %get3A_481 = tpu.vector_load %arg26[%get3A_479, %get3A_480] {strides = array<i32>} : memref<16x128xf32, #tpu.memory_space<vmem>>, vector<16xf32>,
    %add3A_482 = arith.addf %add3A_477, %get3A_481 : vector<16xf32>
    %get3A_483 = arith.constant 5 : i32
    %get3A_484 = arith.index_cast %get3A_483 : i32 to index
    %get3A_485 = arith.constant 64 : index
    %get3A_486 = tpu.vector_load %arg26[%get3A_484, %get3A_485] {strides = array<i32>} : memref<16x128xf32, #tpu.memory_space<vmem>>, vector<16xf32>,
    %add3A_487 = arith.addf %add3A_482, %get3A_486 : vector<16xf32>
    %get3A_488 = arith.constant 6 : i32
    %get3A_489 = arith.index_cast %get3A_488 : i32 to index
    %get3A_490 = arith.constant 64 : index
    %get3A_491 = tpu.vector_load %arg26[%get3A_489, %get3A_490] {strides = array<i32>} : memref<16x128xf32, #tpu.memory_space<vmem>>, vector<16xf32>,
    %add3A_492 = arith.addf %add3A_487, %get3A_491 : vector<16xf32>
    %get3A_493 = arith.constant 7 : i32
    %get3A_494 = arith.index_cast %get3A_493 : i32 to index
    %get3A_495 = arith.constant 64 : index
    %get3A_496 = tpu.vector_load %arg26[%get3A_494, %get3A_495] {strides = array<i32>} : memref<16x128xf32, #tpu.memory_space<vmem>>, vector<16xf32>,
    %add3A_497 = arith.addf %add3A_492, %get3A_496 : vector<16xf32>
    %get3A_498 = arith.constant 8 : i32
    %get3A_499 = arith.index_cast %get3A_498 : i32 to index
    %get3A_500 = arith.constant 64 : index
    %get3A_501 = tpu.vector_load %arg26[%get3A_499, %get3A_500] {strides = array<i32>} : memref<16x128xf32, #tpu.memory_space<vmem>>, vector<16xf32>,
    %add3A_502 = arith.addf %add3A_497, %get3A_501 : vector<16xf32>
    %get3A_503 = arith.constant 9 : i32
    %get3A_504 = arith.index_cast %get3A_503 : i32 to index
    %get3A_505 = arith.constant 64 : index
    %get3A_506 = tpu.vector_load %arg26[%get3A_504, %get3A_505] {strides = array<i32>} : memref<16x128xf32, #tpu.memory_space<vmem>>, vector<16xf32>,
    %add3A_507 = arith.addf %add3A_502, %get3A_506 : vector<16xf32>
    %get3A_508 = arith.constant 10 : i32
    %get3A_509 = arith.index_cast %get3A_508 : i32 to index
    %get3A_510 = arith.constant 64 : index
    %get3A_511 = tpu.vector_load %arg26[%get3A_509, %get3A_510] {strides = array<i32>} : memref<16x128xf32, #tpu.memory_space<vmem>>, vector<16xf32>,
    %add3A_512 = arith.addf %add3A_507, %get3A_511 : vector<16xf32>
    %get3A_513 = arith.constant 11 : i32
    %get3A_514 = arith.index_cast %get3A_513 : i32 to index
    %get3A_515 = arith.constant 64 : index
    %get3A_516 = tpu.vector_load %arg26[%get3A_514, %get3A_515] {strides = array<i32>} : memref<16x128xf32, #tpu.memory_space<vmem>>, vector<16xf32>,
    %add3A_517 = arith.addf %add3A_512, %get3A_516 : vector<16xf32>
    %get3A_518 = arith.constant 12 : i32
    %get3A_519 = arith.index_cast %get3A_518 : i32 to index
    %get3A_520 = arith.constant 64 : index
    %get3A_521 = tpu.vector_load %arg26[%get3A_519, %get3A_520] {strides = array<i32>} : memref<16x128xf32, #tpu.memory_space<vmem>>, vector<16xf32>,
    %add3A_522 = arith.addf %add3A_517, %get3A_521 : vector<16xf32>
    %get3A_523 = arith.constant 13 : i32
    %get3A_524 = arith.index_cast %get3A_523 : i32 to index
    %get3A_525 = arith.constant 64 : index
    %get3A_526 = tpu.vector_load %arg26[%get3A_524, %get3A_525] {strides = array<i32>} : memref<16x128xf32, #tpu.memory_space<vmem>>, vector<16xf32>,
    %add3A_527 = arith.addf %add3A_522, %get3A_526 : vector<16xf32>
    %get3A_528 = arith.constant 14 : i32
    %get3A_529 = arith.index_cast %get3A_528 : i32 to index
    %get3A_530 = arith.constant 64 : index
    %get3A_531 = tpu.vector_load %arg26[%get3A_529, %get3A_530] {strides = array<i32>} : memref<16x128xf32, #tpu.memory_space<vmem>>, vector<16xf32>,
    %add3A_532 = arith.addf %add3A_527, %get3A_531 : vector<16xf32>
    %get3A_533 = arith.constant 15 : i32
    %get3A_534 = arith.index_cast %get3A_533 : i32 to index
    %get3A_535 = arith.constant 64 : index
    %get3A_536 = tpu.vector_load %arg26[%get3A_534, %get3A_535] {strides = array<i32>} : memref<16x128xf32, #tpu.memory_space<vmem>>, vector<16xf32>,
    %add3A_537 = arith.addf %add3A_532, %get3A_536 : vector<16xf32>
    %mul3A_538 = arith.constant 9.99999974E-5 : f32
    %mul3A_539 = vector.broadcast %mul3A_538 : f32 to vector<16xf32>
    %mul3A_540 = arith.mulf %add3A_537, %mul3A_539 : vector<16xf32>
    %swap3A_541 = arith.constant 0 : i32
    %swap3A_542 = arith.index_cast %swap3A_541 : i32 to index
    %swap3A_543 = arith.constant 64 : index
    %swap3A_544 = tpu.vector_load %arg30[%swap3A_542, %swap3A_543] {strides = array<i32>} : memref<2x128xf32, #tpu.memory_space<vmem>>, vector<16xf32>,
    tpu.vector_store %arg30[%swap3A_542, %swap3A_543], %mul3A_540 {strides = array<i32>} : memref<2x128xf32, #tpu.memory_space<vmem>>, vector<16xf32>,
    %broadcast_in_dim3A_545 = arith.constant 0.000000e+00 : f32
    %broadcast_in_dim3A_546 = vector.broadcast %broadcast_in_dim3A_545 : f32 to vector<16xf32>
    %get3A_547 = arith.constant 0 : i32
    %get3A_548 = arith.index_cast %get3A_547 : i32 to index
    %get3A_549 = arith.constant 80 : index
    %get3A_550 = tpu.vector_load %arg26[%get3A_548, %get3A_549] {strides = array<i32>} : memref<16x128xf32, #tpu.memory_space<vmem>>, vector<16xf32>,
    %add3A_551 = arith.addf %broadcast_in_dim3A_546, %get3A_550 : vector<16xf32>
    %get3A_552 = arith.constant 1 : i32
    %get3A_553 = arith.index_cast %get3A_552 : i32 to index
    %get3A_554 = arith.constant 80 : index
    %get3A_555 = tpu.vector_load %arg26[%get3A_553, %get3A_554] {strides = array<i32>} : memref<16x128xf32, #tpu.memory_space<vmem>>, vector<16xf32>,
    %add3A_556 = arith.addf %add3A_551, %get3A_555 : vector<16xf32>
    %get3A_557 = arith.constant 2 : i32
    %get3A_558 = arith.index_cast %get3A_557 : i32 to index
    %get3A_559 = arith.constant 80 : index
    %get3A_560 = tpu.vector_load %arg26[%get3A_558, %get3A_559] {strides = array<i32>} : memref<16x128xf32, #tpu.memory_space<vmem>>, vector<16xf32>,
    %add3A_561 = arith.addf %add3A_556, %get3A_560 : vector<16xf32>
    %get3A_562 = arith.constant 3 : i32
    %get3A_563 = arith.index_cast %get3A_562 : i32 to index
    %get3A_564 = arith.constant 80 : index
    %get3A_565 = tpu.vector_load %arg26[%get3A_563, %get3A_564] {strides = array<i32>} : memref<16x128xf32, #tpu.memory_space<vmem>>, vector<16xf32>,
    %add3A_566 = arith.addf %add3A_561, %get3A_565 : vector<16xf32>
    %get3A_567 = arith.constant 4 : i32
    %get3A_568 = arith.index_cast %get3A_567 : i32 to index
    %get3A_569 = arith.constant 80 : index
    %get3A_570 = tpu.vector_load %arg26[%get3A_568, %get3A_569] {strides = array<i32>} : memref<16x128xf32, #tpu.memory_space<vmem>>, vector<16xf32>,
    %add3A_571 = arith.addf %add3A_566, %get3A_570 : vector<16xf32>
    %get3A_572 = arith.constant 5 : i32
    %get3A_573 = arith.index_cast %get3A_572 : i32 to index
    %get3A_574 = arith.constant 80 : index
    %get3A_575 = tpu.vector_load %arg26[%get3A_573, %get3A_574] {strides = array<i32>} : memref<16x128xf32, #tpu.memory_space<vmem>>, vector<16xf32>,
    %add3A_576 = arith.addf %add3A_571, %get3A_575 : vector<16xf32>
    %get3A_577 = arith.constant 6 : i32
    %get3A_578 = arith.index_cast %get3A_577 : i32 to index
    %get3A_579 = arith.constant 80 : index
    %get3A_580 = tpu.vector_load %arg26[%get3A_578, %get3A_579] {strides = array<i32>} : memref<16x128xf32, #tpu.memory_space<vmem>>, vector<16xf32>,
    %add3A_581 = arith.addf %add3A_576, %get3A_580 : vector<16xf32>
    %get3A_582 = arith.constant 7 : i32
    %get3A_583 = arith.index_cast %get3A_582 : i32 to index
    %get3A_584 = arith.constant 80 : index
    %get3A_585 = tpu.vector_load %arg26[%get3A_583, %get3A_584] {strides = array<i32>} : memref<16x128xf32, #tpu.memory_space<vmem>>, vector<16xf32>,
    %add3A_586 = arith.addf %add3A_581, %get3A_585 : vector<16xf32>
    %get3A_587 = arith.constant 8 : i32
    %get3A_588 = arith.index_cast %get3A_587 : i32 to index
    %get3A_589 = arith.constant 80 : index
    %get3A_590 = tpu.vector_load %arg26[%get3A_588, %get3A_589] {strides = array<i32>} : memref<16x128xf32, #tpu.memory_space<vmem>>, vector<16xf32>,
    %add3A_591 = arith.addf %add3A_586, %get3A_590 : vector<16xf32>
    %get3A_592 = arith.constant 9 : i32
    %get3A_593 = arith.index_cast %get3A_592 : i32 to index
    %get3A_594 = arith.constant 80 : index
    %get3A_595 = tpu.vector_load %arg26[%get3A_593, %get3A_594] {strides = array<i32>} : memref<16x128xf32, #tpu.memory_space<vmem>>, vector<16xf32>,
    %add3A_596 = arith.addf %add3A_591, %get3A_595 : vector<16xf32>
    %get3A_597 = arith.constant 10 : i32
    %get3A_598 = arith.index_cast %get3A_597 : i32 to index
    %get3A_599 = arith.constant 80 : index
    %get3A_600 = tpu.vector_load %arg26[%get3A_598, %get3A_599] {strides = array<i32>} : memref<16x128xf32, #tpu.memory_space<vmem>>, vector<16xf32>,
    %add3A_601 = arith.addf %add3A_596, %get3A_600 : vector<16xf32>
    %get3A_602 = arith.constant 11 : i32
    %get3A_603 = arith.index_cast %get3A_602 : i32 to index
    %get3A_604 = arith.constant 80 : index
    %get3A_605 = tpu.vector_load %arg26[%get3A_603, %get3A_604] {strides = array<i32>} : memref<16x128xf32, #tpu.memory_space<vmem>>, vector<16xf32>,
    %add3A_606 = arith.addf %add3A_601, %get3A_605 : vector<16xf32>
    %get3A_607 = arith.constant 12 : i32
    %get3A_608 = arith.index_cast %get3A_607 : i32 to index
    %get3A_609 = arith.constant 80 : index
    %get3A_610 = tpu.vector_load %arg26[%get3A_608, %get3A_609] {strides = array<i32>} : memref<16x128xf32, #tpu.memory_space<vmem>>, vector<16xf32>,
    %add3A_611 = arith.addf %add3A_606, %get3A_610 : vector<16xf32>
    %get3A_612 = arith.constant 13 : i32
    %get3A_613 = arith.index_cast %get3A_612 : i32 to index
    %get3A_614 = arith.constant 80 : index
    %get3A_615 = tpu.vector_load %arg26[%get3A_613, %get3A_614] {strides = array<i32>} : memref<16x128xf32, #tpu.memory_space<vmem>>, vector<16xf32>,
    %add3A_616 = arith.addf %add3A_611, %get3A_615 : vector<16xf32>
    %get3A_617 = arith.constant 14 : i32
    %get3A_618 = arith.index_cast %get3A_617 : i32 to index
    %get3A_619 = arith.constant 80 : index
    %get3A_620 = tpu.vector_load %arg26[%get3A_618, %get3A_619] {strides = array<i32>} : memref<16x128xf32, #tpu.memory_space<vmem>>, vector<16xf32>,
    %add3A_621 = arith.addf %add3A_616, %get3A_620 : vector<16xf32>
    %get3A_622 = arith.constant 15 : i32
    %get3A_623 = arith.index_cast %get3A_622 : i32 to index
    %get3A_624 = arith.constant 80 : index
    %get3A_625 = tpu.vector_load %arg26[%get3A_623, %get3A_624] {strides = array<i32>} : memref<16x128xf32, #tpu.memory_space<vmem>>, vector<16xf32>,
    %add3A_626 = arith.addf %add3A_621, %get3A_625 : vector<16xf32>
    %mul3A_627 = arith.constant 9.99999974E-5 : f32
    %mul3A_628 = vector.broadcast %mul3A_627 : f32 to vector<16xf32>
    %mul3A_629 = arith.mulf %add3A_626, %mul3A_628 : vector<16xf32>
    %swap3A_630 = arith.constant 0 : i32
    %swap3A_631 = arith.index_cast %swap3A_630 : i32 to index
    %swap3A_632 = arith.constant 80 : index
    %swap3A_633 = tpu.vector_load %arg30[%swap3A_631, %swap3A_632] {strides = array<i32>} : memref<2x128xf32, #tpu.memory_space<vmem>>, vector<16xf32>,
    tpu.vector_store %arg30[%swap3A_631, %swap3A_632], %mul3A_629 {strides = array<i32>} : memref<2x128xf32, #tpu.memory_space<vmem>>, vector<16xf32>,
    %broadcast_in_dim3A_634 = arith.constant 0.000000e+00 : f32
    %broadcast_in_dim3A_635 = vector.broadcast %broadcast_in_dim3A_634 : f32 to vector<16xf32>
    %get3A_636 = arith.constant 0 : i32
    %get3A_637 = arith.index_cast %get3A_636 : i32 to index
    %get3A_638 = arith.constant 96 : index
    %get3A_639 = tpu.vector_load %arg26[%get3A_637, %get3A_638] {strides = array<i32>} : memref<16x128xf32, #tpu.memory_space<vmem>>, vector<16xf32>,
    %add3A_640 = arith.addf %broadcast_in_dim3A_635, %get3A_639 : vector<16xf32>
    %get3A_641 = arith.constant 1 : i32
    %get3A_642 = arith.index_cast %get3A_641 : i32 to index
    %get3A_643 = arith.constant 96 : index
    %get3A_644 = tpu.vector_load %arg26[%get3A_642, %get3A_643] {strides = array<i32>} : memref<16x128xf32, #tpu.memory_space<vmem>>, vector<16xf32>,
    %add3A_645 = arith.addf %add3A_640, %get3A_644 : vector<16xf32>
    %get3A_646 = arith.constant 2 : i32
    %get3A_647 = arith.index_cast %get3A_646 : i32 to index
    %get3A_648 = arith.constant 96 : index
    %get3A_649 = tpu.vector_load %arg26[%get3A_647, %get3A_648] {strides = array<i32>} : memref<16x128xf32, #tpu.memory_space<vmem>>, vector<16xf32>,
    %add3A_650 = arith.addf %add3A_645, %get3A_649 : vector<16xf32>
    %get3A_651 = arith.constant 3 : i32
    %get3A_652 = arith.index_cast %get3A_651 : i32 to index
    %get3A_653 = arith.constant 96 : index
    %get3A_654 = tpu.vector_load %arg26[%get3A_652, %get3A_653] {strides = array<i32>} : memref<16x128xf32, #tpu.memory_space<vmem>>, vector<16xf32>,
    %add3A_655 = arith.addf %add3A_650, %get3A_654 : vector<16xf32>
    %get3A_656 = arith.constant 4 : i32
    %get3A_657 = arith.index_cast %get3A_656 : i32 to index
    %get3A_658 = arith.constant 96 : index
    %get3A_659 = tpu.vector_load %arg26[%get3A_657, %get3A_658] {strides = array<i32>} : memref<16x128xf32, #tpu.memory_space<vmem>>, vector<16xf32>,
    %add3A_660 = arith.addf %add3A_655, %get3A_659 : vector<16xf32>
    %get3A_661 = arith.constant 5 : i32
    %get3A_662 = arith.index_cast %get3A_661 : i32 to index
    %get3A_663 = arith.constant 96 : index
    %get3A_664 = tpu.vector_load %arg26[%get3A_662, %get3A_663] {strides = array<i32>} : memref<16x128xf32, #tpu.memory_space<vmem>>, vector<16xf32>,
    %add3A_665 = arith.addf %add3A_660, %get3A_664 : vector<16xf32>
    %get3A_666 = arith.constant 6 : i32
    %get3A_667 = arith.index_cast %get3A_666 : i32 to index
    %get3A_668 = arith.constant 96 : index
    %get3A_669 = tpu.vector_load %arg26[%get3A_667, %get3A_668] {strides = array<i32>} : memref<16x128xf32, #tpu.memory_space<vmem>>, vector<16xf32>,
    %add3A_670 = arith.addf %add3A_665, %get3A_669 : vector<16xf32>
    %get3A_671 = arith.constant 7 : i32
    %get3A_672 = arith.index_cast %get3A_671 : i32 to index
    %get3A_673 = arith.constant 96 : index
    %get3A_674 = tpu.vector_load %arg26[%get3A_672, %get3A_673] {strides = array<i32>} : memref<16x128xf32, #tpu.memory_space<vmem>>, vector<16xf32>,
    %add3A_675 = arith.addf %add3A_670, %get3A_674 : vector<16xf32>
    %get3A_676 = arith.constant 8 : i32
    %get3A_677 = arith.index_cast %get3A_676 : i32 to index
    %get3A_678 = arith.constant 96 : index
    %get3A_679 = tpu.vector_load %arg26[%get3A_677, %get3A_678] {strides = array<i32>} : memref<16x128xf32, #tpu.memory_space<vmem>>, vector<16xf32>,
    %add3A_680 = arith.addf %add3A_675, %get3A_679 : vector<16xf32>
    %get3A_681 = arith.constant 9 : i32
    %get3A_682 = arith.index_cast %get3A_681 : i32 to index
    %get3A_683 = arith.constant 96 : index
    %get3A_684 = tpu.vector_load %arg26[%get3A_682, %get3A_683] {strides = array<i32>} : memref<16x128xf32, #tpu.memory_space<vmem>>, vector<16xf32>,
    %add3A_685 = arith.addf %add3A_680, %get3A_684 : vector<16xf32>
    %get3A_686 = arith.constant 10 : i32
    %get3A_687 = arith.index_cast %get3A_686 : i32 to index
    %get3A_688 = arith.constant 96 : index
    %get3A_689 = tpu.vector_load %arg26[%get3A_687, %get3A_688] {strides = array<i32>} : memref<16x128xf32, #tpu.memory_space<vmem>>, vector<16xf32>,
    %add3A_690 = arith.addf %add3A_685, %get3A_689 : vector<16xf32>
    %get3A_691 = arith.constant 11 : i32
    %get3A_692 = arith.index_cast %get3A_691 : i32 to index
    %get3A_693 = arith.constant 96 : index
    %get3A_694 = tpu.vector_load %arg26[%get3A_692, %get3A_693] {strides = array<i32>} : memref<16x128xf32, #tpu.memory_space<vmem>>, vector<16xf32>,
    %add3A_695 = arith.addf %add3A_690, %get3A_694 : vector<16xf32>
    %get3A_696 = arith.constant 12 : i32
    %get3A_697 = arith.index_cast %get3A_696 : i32 to index
    %get3A_698 = arith.constant 96 : index
    %get3A_699 = tpu.vector_load %arg26[%get3A_697, %get3A_698] {strides = array<i32>} : memref<16x128xf32, #tpu.memory_space<vmem>>, vector<16xf32>,
    %add3A_700 = arith.addf %add3A_695, %get3A_699 : vector<16xf32>
    %get3A_701 = arith.constant 13 : i32
    %get3A_702 = arith.index_cast %get3A_701 : i32 to index
    %get3A_703 = arith.constant 96 : index
    %get3A_704 = tpu.vector_load %arg26[%get3A_702, %get3A_703] {strides = array<i32>} : memref<16x128xf32, #tpu.memory_space<vmem>>, vector<16xf32>,
    %add3A_705 = arith.addf %add3A_700, %get3A_704 : vector<16xf32>
    %get3A_706 = arith.constant 14 : i32
    %get3A_707 = arith.index_cast %get3A_706 : i32 to index
    %get3A_708 = arith.constant 96 : index
    %get3A_709 = tpu.vector_load %arg26[%get3A_707, %get3A_708] {strides = array<i32>} : memref<16x128xf32, #tpu.memory_space<vmem>>, vector<16xf32>,
    %add3A_710 = arith.addf %add3A_705, %get3A_709 : vector<16xf32>
    %get3A_711 = arith.constant 15 : i32
    %get3A_712 = arith.index_cast %get3A_711 : i32 to index
    %get3A_713 = arith.constant 96 : index
    %get3A_714 = tpu.vector_load %arg26[%get3A_712, %get3A_713] {strides = array<i32>} : memref<16x128xf32, #tpu.memory_space<vmem>>, vector<16xf32>,
    %add3A_715 = arith.addf %add3A_710, %get3A_714 : vector<16xf32>
    %mul3A_716 = arith.constant 9.99999974E-5 : f32
    %mul3A_717 = vector.broadcast %mul3A_716 : f32 to vector<16xf32>
    %mul3A_718 = arith.mulf %add3A_715, %mul3A_717 : vector<16xf32>
    %swap3A_719 = arith.constant 0 : i32
    %swap3A_720 = arith.index_cast %swap3A_719 : i32 to index
    %swap3A_721 = arith.constant 96 : index
    %swap3A_722 = tpu.vector_load %arg30[%swap3A_720, %swap3A_721] {strides = array<i32>} : memref<2x128xf32, #tpu.memory_space<vmem>>, vector<16xf32>,
    tpu.vector_store %arg30[%swap3A_720, %swap3A_721], %mul3A_718 {strides = array<i32>} : memref<2x128xf32, #tpu.memory_space<vmem>>, vector<16xf32>,
    %broadcast_in_dim3A_723 = arith.constant 0.000000e+00 : f32
    %broadcast_in_dim3A_724 = vector.broadcast %broadcast_in_dim3A_723 : f32 to vector<16xf32>
    %get3A_725 = arith.constant 0 : i32
    %get3A_726 = arith.index_cast %get3A_725 : i32 to index
    %get3A_727 = arith.constant 112 : index
    %get3A_728 = tpu.vector_load %arg26[%get3A_726, %get3A_727] {strides = array<i32>} : memref<16x128xf32, #tpu.memory_space<vmem>>, vector<16xf32>,
    %add3A_729 = arith.addf %broadcast_in_dim3A_724, %get3A_728 : vector<16xf32>
    %get3A_730 = arith.constant 1 : i32
    %get3A_731 = arith.index_cast %get3A_730 : i32 to index
    %get3A_732 = arith.constant 112 : index
    %get3A_733 = tpu.vector_load %arg26[%get3A_731, %get3A_732] {strides = array<i32>} : memref<16x128xf32, #tpu.memory_space<vmem>>, vector<16xf32>,
    %add3A_734 = arith.addf %add3A_729, %get3A_733 : vector<16xf32>
    %get3A_735 = arith.constant 2 : i32
    %get3A_736 = arith.index_cast %get3A_735 : i32 to index
    %get3A_737 = arith.constant 112 : index
    %get3A_738 = tpu.vector_load %arg26[%get3A_736, %get3A_737] {strides = array<i32>} : memref<16x128xf32, #tpu.memory_space<vmem>>, vector<16xf32>,
    %add3A_739 = arith.addf %add3A_734, %get3A_738 : vector<16xf32>
    %get3A_740 = arith.constant 3 : i32
    %get3A_741 = arith.index_cast %get3A_740 : i32 to index
    %get3A_742 = arith.constant 112 : index
    %get3A_743 = tpu.vector_load %arg26[%get3A_741, %get3A_742] {strides = array<i32>} : memref<16x128xf32, #tpu.memory_space<vmem>>, vector<16xf32>,
    %add3A_744 = arith.addf %add3A_739, %get3A_743 : vector<16xf32>
    %get3A_745 = arith.constant 4 : i32
    %get3A_746 = arith.index_cast %get3A_745 : i32 to index
    %get3A_747 = arith.constant 112 : index
    %get3A_748 = tpu.vector_load %arg26[%get3A_746, %get3A_747] {strides = array<i32>} : memref<16x128xf32, #tpu.memory_space<vmem>>, vector<16xf32>,
    %add3A_749 = arith.addf %add3A_744, %get3A_748 : vector<16xf32>
    %get3A_750 = arith.constant 5 : i32
    %get3A_751 = arith.index_cast %get3A_750 : i32 to index
    %get3A_752 = arith.constant 112 : index
    %get3A_753 = tpu.vector_load %arg26[%get3A_751, %get3A_752] {strides = array<i32>} : memref<16x128xf32, #tpu.memory_space<vmem>>, vector<16xf32>,
    %add3A_754 = arith.addf %add3A_749, %get3A_753 : vector<16xf32>
    %get3A_755 = arith.constant 6 : i32
    %get3A_756 = arith.index_cast %get3A_755 : i32 to index
    %get3A_757 = arith.constant 112 : index
    %get3A_758 = tpu.vector_load %arg26[%get3A_756, %get3A_757] {strides = array<i32>} : memref<16x128xf32, #tpu.memory_space<vmem>>, vector<16xf32>,
    %add3A_759 = arith.addf %add3A_754, %get3A_758 : vector<16xf32>
    %get3A_760 = arith.constant 7 : i32
    %get3A_761 = arith.index_cast %get3A_760 : i32 to index
    %get3A_762 = arith.constant 112 : index
    %get3A_763 = tpu.vector_load %arg26[%get3A_761, %get3A_762] {strides = array<i32>} : memref<16x128xf32, #tpu.memory_space<vmem>>, vector<16xf32>,
    %add3A_764 = arith.addf %add3A_759, %get3A_763 : vector<16xf32>
    %get3A_765 = arith.constant 8 : i32
    %get3A_766 = arith.index_cast %get3A_765 : i32 to index
    %get3A_767 = arith.constant 112 : index
    %get3A_768 = tpu.vector_load %arg26[%get3A_766, %get3A_767] {strides = array<i32>} : memref<16x128xf32, #tpu.memory_space<vmem>>, vector<16xf32>,
    %add3A_769 = arith.addf %add3A_764, %get3A_768 : vector<16xf32>
    %get3A_770 = arith.constant 9 : i32
    %get3A_771 = arith.index_cast %get3A_770 : i32 to index
    %get3A_772 = arith.constant 112 : index
    %get3A_773 = tpu.vector_load %arg26[%get3A_771, %get3A_772] {strides = array<i32>} : memref<16x128xf32, #tpu.memory_space<vmem>>, vector<16xf32>,
    %add3A_774 = arith.addf %add3A_769, %get3A_773 : vector<16xf32>
    %get3A_775 = arith.constant 10 : i32
    %get3A_776 = arith.index_cast %get3A_775 : i32 to index
    %get3A_777 = arith.constant 112 : index
    %get3A_778 = tpu.vector_load %arg26[%get3A_776, %get3A_777] {strides = array<i32>} : memref<16x128xf32, #tpu.memory_space<vmem>>, vector<16xf32>,
    %add3A_779 = arith.addf %add3A_774, %get3A_778 : vector<16xf32>
    %get3A_780 = arith.constant 11 : i32
    %get3A_781 = arith.index_cast %get3A_780 : i32 to index
    %get3A_782 = arith.constant 112 : index
    %get3A_783 = tpu.vector_load %arg26[%get3A_781, %get3A_782] {strides = array<i32>} : memref<16x128xf32, #tpu.memory_space<vmem>>, vector<16xf32>,
    %add3A_784 = arith.addf %add3A_779, %get3A_783 : vector<16xf32>
    %get3A_785 = arith.constant 12 : i32
    %get3A_786 = arith.index_cast %get3A_785 : i32 to index
    %get3A_787 = arith.constant 112 : index
    %get3A_788 = tpu.vector_load %arg26[%get3A_786, %get3A_787] {strides = array<i32>} : memref<16x128xf32, #tpu.memory_space<vmem>>, vector<16xf32>,
    %add3A_789 = arith.addf %add3A_784, %get3A_788 : vector<16xf32>
    %get3A_790 = arith.constant 13 : i32
    %get3A_791 = arith.index_cast %get3A_790 : i32 to index
    %get3A_792 = arith.constant 112 : index
    %get3A_793 = tpu.vector_load %arg26[%get3A_791, %get3A_792] {strides = array<i32>} : memref<16x128xf32, #tpu.memory_space<vmem>>, vector<16xf32>,
    %add3A_794 = arith.addf %add3A_789, %get3A_793 : vector<16xf32>
    %get3A_795 = arith.constant 14 : i32
    %get3A_796 = arith.index_cast %get3A_795 : i32 to index
    %get3A_797 = arith.constant 112 : index
    %get3A_798 = tpu.vector_load %arg26[%get3A_796, %get3A_797] {strides = array<i32>} : memref<16x128xf32, #tpu.memory_space<vmem>>, vector<16xf32>,
    %add3A_799 = arith.addf %add3A_794, %get3A_798 : vector<16xf32>
    %get3A_800 = arith.constant 15 : i32
    %get3A_801 = arith.index_cast %get3A_800 : i32 to index
    %get3A_802 = arith.constant 112 : index
    %get3A_803 = tpu.vector_load %arg26[%get3A_801, %get3A_802] {strides = array<i32>} : memref<16x128xf32, #tpu.memory_space<vmem>>, vector<16xf32>,
    %add3A_804 = arith.addf %add3A_799, %get3A_803 : vector<16xf32>
    %mul3A_805 = arith.constant 9.99999974E-5 : f32
    %mul3A_806 = vector.broadcast %mul3A_805 : f32 to vector<16xf32>
    %mul3A_807 = arith.mulf %add3A_804, %mul3A_806 : vector<16xf32>
    %swap3A_808 = arith.constant 0 : i32
    %swap3A_809 = arith.index_cast %swap3A_808 : i32 to index
    %swap3A_810 = arith.constant 112 : index
    %swap3A_811 = tpu.vector_load %arg30[%swap3A_809, %swap3A_810] {strides = array<i32>} : memref<2x128xf32, #tpu.memory_space<vmem>>, vector<16xf32>,
    tpu.vector_store %arg30[%swap3A_809, %swap3A_810], %mul3A_807 {strides = array<i32>} : memref<2x128xf32, #tpu.memory_space<vmem>>, vector<16xf32>,
    %run_scoped3A_812 = arith.constant 1 : i32
    "tpu.region"() ({
      %run_scoped3A_1956 = tpu.sem_alloc : memref<!tpu.dma_semaphore, #tpu.memory_space<semaphore_mem>>
      %dma_start3A = arith.constant 0 : i32
      %dma_start3A_1957 = arith.constant 0 : i32
      %dma_start3A_1958 = tpu.memref_slice %arg16[%run_scoped3A_812, %dma_start3A, %dma_start3A_1957] : memref<2x16x128xf32, #tpu.memory_space<vmem_shared>> -> memref<1x16x128xf32, #tpu.memory_space<vmem_shared>>
      %dma_start3A_1959 = tpu.memref_squeeze %dma_start3A_1958 : memref<1x16x128xf32, #tpu.memory_space<vmem_shared>> -> memref<16x128xf32, #tpu.memory_space<vmem_shared>>
      %dma_start3A_1960 = arith.constant 0 : i32
      %dma_start3A_1961 = arith.constant 0 : i32
      %dma_start3A_1962 = tpu.memref_slice %arg16[%run_scoped3A_812, %dma_start3A_1960, %dma_start3A_1961] : memref<2x16x128xf32, #tpu.memory_space<vmem_shared>> -> memref<1x16x128xf32, #tpu.memory_space<vmem_shared>>
      %dma_start3A_1963 = tpu.memref_squeeze %dma_start3A_1962 : memref<1x16x128xf32, #tpu.memory_space<vmem_shared>> -> memref<16x128xf32, #tpu.memory_space<vmem_shared>>
      tpu.enqueue_dma source(%dma_start3A_1963 : memref<16x128xf32, #tpu.memory_space<vmem_shared>>) target(%arg26 : memref<16x128xf32, #tpu.memory_space<vmem>>) target_semaphore(%run_scoped3A_1956 : memref<!tpu.dma_semaphore, #tpu.memory_space<semaphore_mem>>)
      %dma_wait3A = arith.constant 0 : i32
      %dma_wait3A_1964 = arith.constant 0 : i32
      %dma_wait3A_1965 = tpu.memref_slice %arg16[%run_scoped3A_812, %dma_wait3A, %dma_wait3A_1964] : memref<2x16x128xf32, #tpu.memory_space<vmem_shared>> -> memref<1x16x128xf32, #tpu.memory_space<vmem_shared>>
      %dma_wait3A_1966 = tpu.memref_squeeze %dma_wait3A_1965 : memref<1x16x128xf32, #tpu.memory_space<vmem_shared>> -> memref<16x128xf32, #tpu.memory_space<vmem_shared>>
      %dma_wait3A_1967 = arith.constant 0 : i32
      %dma_wait3A_1968 = arith.constant 0 : i32
      %dma_wait3A_1969 = tpu.memref_slice %arg16[%run_scoped3A_812, %dma_wait3A_1967, %dma_wait3A_1968] : memref<2x16x128xf32, #tpu.memory_space<vmem_shared>> -> memref<1x16x128xf32, #tpu.memory_space<vmem_shared>>
      %dma_wait3A_1970 = tpu.memref_squeeze %dma_wait3A_1969 : memref<1x16x128xf32, #tpu.memory_space<vmem_shared>> -> memref<16x128xf32, #tpu.memory_space<vmem_shared>>
      tpu.wait_dma2 semaphore(%run_scoped3A_1956 : memref<!tpu.dma_semaphore, #tpu.memory_space<semaphore_mem>>) src(%dma_wait3A_1970 : memref<16x128xf32, #tpu.memory_space<vmem_shared>>) dst(%arg26 : memref<16x128xf32, #tpu.memory_space<vmem>>)
      tpu.yield
    }) : () -> ()
    %broadcast_in_dim3A_813 = arith.constant 0.000000e+00 : f32
    %broadcast_in_dim3A_814 = vector.broadcast %broadcast_in_dim3A_813 : f32 to vector<16xf32>
    %get3A_815 = arith.constant 0 : i32
    %get3A_816 = arith.index_cast %get3A_815 : i32 to index
    %get3A_817 = arith.constant 0 : index
    %get3A_818 = tpu.vector_load %arg26[%get3A_816, %get3A_817] {strides = array<i32>} : memref<16x128xf32, #tpu.memory_space<vmem>>, vector<16xf32>,
    %add3A_819 = arith.addf %broadcast_in_dim3A_814, %get3A_818 : vector<16xf32>
    %get3A_820 = arith.constant 1 : i32
    %get3A_821 = arith.index_cast %get3A_820 : i32 to index
    %get3A_822 = arith.constant 0 : index
    %get3A_823 = tpu.vector_load %arg26[%get3A_821, %get3A_822] {strides = array<i32>} : memref<16x128xf32, #tpu.memory_space<vmem>>, vector<16xf32>,
    %add3A_824 = arith.addf %add3A_819, %get3A_823 : vector<16xf32>
    %get3A_825 = arith.constant 2 : i32
    %get3A_826 = arith.index_cast %get3A_825 : i32 to index
    %get3A_827 = arith.constant 0 : index
    %get3A_828 = tpu.vector_load %arg26[%get3A_826, %get3A_827] {strides = array<i32>} : memref<16x128xf32, #tpu.memory_space<vmem>>, vector<16xf32>,
    %add3A_829 = arith.addf %add3A_824, %get3A_828 : vector<16xf32>
    %get3A_830 = arith.constant 3 : i32
    %get3A_831 = arith.index_cast %get3A_830 : i32 to index
    %get3A_832 = arith.constant 0 : index
    %get3A_833 = tpu.vector_load %arg26[%get3A_831, %get3A_832] {strides = array<i32>} : memref<16x128xf32, #tpu.memory_space<vmem>>, vector<16xf32>,
    %add3A_834 = arith.addf %add3A_829, %get3A_833 : vector<16xf32>
    %get3A_835 = arith.constant 4 : i32
    %get3A_836 = arith.index_cast %get3A_835 : i32 to index
    %get3A_837 = arith.constant 0 : index
    %get3A_838 = tpu.vector_load %arg26[%get3A_836, %get3A_837] {strides = array<i32>} : memref<16x128xf32, #tpu.memory_space<vmem>>, vector<16xf32>,
    %add3A_839 = arith.addf %add3A_834, %get3A_838 : vector<16xf32>
    %get3A_840 = arith.constant 5 : i32
    %get3A_841 = arith.index_cast %get3A_840 : i32 to index
    %get3A_842 = arith.constant 0 : index
    %get3A_843 = tpu.vector_load %arg26[%get3A_841, %get3A_842] {strides = array<i32>} : memref<16x128xf32, #tpu.memory_space<vmem>>, vector<16xf32>,
    %add3A_844 = arith.addf %add3A_839, %get3A_843 : vector<16xf32>
    %get3A_845 = arith.constant 6 : i32
    %get3A_846 = arith.index_cast %get3A_845 : i32 to index
    %get3A_847 = arith.constant 0 : index
    %get3A_848 = tpu.vector_load %arg26[%get3A_846, %get3A_847] {strides = array<i32>} : memref<16x128xf32, #tpu.memory_space<vmem>>, vector<16xf32>,
    %add3A_849 = arith.addf %add3A_844, %get3A_848 : vector<16xf32>
    %get3A_850 = arith.constant 7 : i32
    %get3A_851 = arith.index_cast %get3A_850 : i32 to index
    %get3A_852 = arith.constant 0 : index
    %get3A_853 = tpu.vector_load %arg26[%get3A_851, %get3A_852] {strides = array<i32>} : memref<16x128xf32, #tpu.memory_space<vmem>>, vector<16xf32>,
    %add3A_854 = arith.addf %add3A_849, %get3A_853 : vector<16xf32>
    %get3A_855 = arith.constant 8 : i32
    %get3A_856 = arith.index_cast %get3A_855 : i32 to index
    %get3A_857 = arith.constant 0 : index
    %get3A_858 = tpu.vector_load %arg26[%get3A_856, %get3A_857] {strides = array<i32>} : memref<16x128xf32, #tpu.memory_space<vmem>>, vector<16xf32>,
    %add3A_859 = arith.addf %add3A_854, %get3A_858 : vector<16xf32>
    %get3A_860 = arith.constant 9 : i32
    %get3A_861 = arith.index_cast %get3A_860 : i32 to index
    %get3A_862 = arith.constant 0 : index
    %get3A_863 = tpu.vector_load %arg26[%get3A_861, %get3A_862] {strides = array<i32>} : memref<16x128xf32, #tpu.memory_space<vmem>>, vector<16xf32>,
    %add3A_864 = arith.addf %add3A_859, %get3A_863 : vector<16xf32>
    %get3A_865 = arith.constant 10 : i32
    %get3A_866 = arith.index_cast %get3A_865 : i32 to index
    %get3A_867 = arith.constant 0 : index
    %get3A_868 = tpu.vector_load %arg26[%get3A_866, %get3A_867] {strides = array<i32>} : memref<16x128xf32, #tpu.memory_space<vmem>>, vector<16xf32>,
    %add3A_869 = arith.addf %add3A_864, %get3A_868 : vector<16xf32>
    %get3A_870 = arith.constant 11 : i32
    %get3A_871 = arith.index_cast %get3A_870 : i32 to index
    %get3A_872 = arith.constant 0 : index
    %get3A_873 = tpu.vector_load %arg26[%get3A_871, %get3A_872] {strides = array<i32>} : memref<16x128xf32, #tpu.memory_space<vmem>>, vector<16xf32>,
    %add3A_874 = arith.addf %add3A_869, %get3A_873 : vector<16xf32>
    %get3A_875 = arith.constant 12 : i32
    %get3A_876 = arith.index_cast %get3A_875 : i32 to index
    %get3A_877 = arith.constant 0 : index
    %get3A_878 = tpu.vector_load %arg26[%get3A_876, %get3A_877] {strides = array<i32>} : memref<16x128xf32, #tpu.memory_space<vmem>>, vector<16xf32>,
    %add3A_879 = arith.addf %add3A_874, %get3A_878 : vector<16xf32>
    %get3A_880 = arith.constant 13 : i32
    %get3A_881 = arith.index_cast %get3A_880 : i32 to index
    %get3A_882 = arith.constant 0 : index
    %get3A_883 = tpu.vector_load %arg26[%get3A_881, %get3A_882] {strides = array<i32>} : memref<16x128xf32, #tpu.memory_space<vmem>>, vector<16xf32>,
    %add3A_884 = arith.addf %add3A_879, %get3A_883 : vector<16xf32>
    %get3A_885 = arith.constant 14 : i32
    %get3A_886 = arith.index_cast %get3A_885 : i32 to index
    %get3A_887 = arith.constant 0 : index
    %get3A_888 = tpu.vector_load %arg26[%get3A_886, %get3A_887] {strides = array<i32>} : memref<16x128xf32, #tpu.memory_space<vmem>>, vector<16xf32>,
    %add3A_889 = arith.addf %add3A_884, %get3A_888 : vector<16xf32>
    %get3A_890 = arith.constant 15 : i32
    %get3A_891 = arith.index_cast %get3A_890 : i32 to index
    %get3A_892 = arith.constant 0 : index
    %get3A_893 = tpu.vector_load %arg26[%get3A_891, %get3A_892] {strides = array<i32>} : memref<16x128xf32, #tpu.memory_space<vmem>>, vector<16xf32>,
    %add3A_894 = arith.addf %add3A_889, %get3A_893 : vector<16xf32>
    %get3A_895 = arith.constant 0 : i32
    %get3A_896 = arith.index_cast %get3A_895 : i32 to index
    %get3A_897 = arith.constant 0 : index
    %get3A_898 = tpu.vector_load %arg30[%get3A_896, %get3A_897] {strides = array<i32>} : memref<2x128xf32, #tpu.memory_space<vmem>>, vector<16xf32>,
    %mul3A_899 = arith.constant 9.99999974E-5 : f32
    %mul3A_900 = vector.broadcast %mul3A_899 : f32 to vector<16xf32>
    %mul3A_901 = arith.mulf %add3A_894, %mul3A_900 : vector<16xf32>
    %mul3A_902 = arith.mulf %get3A_898, %get3A_898 : vector<16xf32>
    %sub3A = arith.subf %mul3A_901, %mul3A_902 : vector<16xf32>
    %add3A_903 = arith.constant 9.99999974E-6 : f32
    %add3A_904 = vector.broadcast %add3A_903 : f32 to vector<16xf32>
    %add3A_905 = arith.addf %sub3A, %add3A_904 : vector<16xf32>
    %bitcast3A = vector.bitcast %add3A_905 : vector<16xf32> to vector<16xi32>
    %shift_right_arithmetic3A = arith.constant 1 : i32
    %shift_right_arithmetic3A_906 = vector.broadcast %shift_right_arithmetic3A : i32 to vector<16xi32>
    %shift_right_arithmetic3A_907 = arith.shrsi %bitcast3A, %shift_right_arithmetic3A_906 : vector<16xi32>
    %sub3A_908 = arith.constant 1597463007 : i32
    %sub3A_909 = vector.broadcast %sub3A_908 : i32 to vector<16xi32>
    %sub3A_910 = arith.subi %sub3A_909, %shift_right_arithmetic3A_907 : vector<16xi32>
    %bitcast3A_911 = vector.bitcast %sub3A_910 : vector<16xi32> to vector<16xf32>
    %mul3A_912 = arith.constant 5.000000e-01 : f32
    %mul3A_913 = vector.broadcast %mul3A_912 : f32 to vector<16xf32>
    %mul3A_914 = arith.mulf %mul3A_913, %add3A_905 : vector<16xf32>
    %mul3A_915 = arith.mulf %mul3A_914, %bitcast3A_911 : vector<16xf32>
    %mul3A_916 = arith.mulf %mul3A_915, %bitcast3A_911 : vector<16xf32>
    %sub3A_917 = arith.constant 1.500000e+00 : f32
    %sub3A_918 = vector.broadcast %sub3A_917 : f32 to vector<16xf32>
    %sub3A_919 = arith.subf %sub3A_918, %mul3A_916 : vector<16xf32>
    %mul3A_920 = arith.mulf %bitcast3A_911, %sub3A_919 : vector<16xf32>
    %mul3A_921 = arith.constant 5.000000e-01 : f32
    %mul3A_922 = vector.broadcast %mul3A_921 : f32 to vector<16xf32>
    %mul3A_923 = arith.mulf %mul3A_922, %add3A_905 : vector<16xf32>
    %mul3A_924 = arith.mulf %mul3A_923, %mul3A_920 : vector<16xf32>
    %mul3A_925 = arith.mulf %mul3A_924, %mul3A_920 : vector<16xf32>
    %sub3A_926 = arith.constant 1.500000e+00 : f32
    %sub3A_927 = vector.broadcast %sub3A_926 : f32 to vector<16xf32>
    %sub3A_928 = arith.subf %sub3A_927, %mul3A_925 : vector<16xf32>
    %mul3A_929 = arith.mulf %mul3A_920, %sub3A_928 : vector<16xf32>
    %mul3A_930 = arith.constant 5.000000e-01 : f32
    %mul3A_931 = vector.broadcast %mul3A_930 : f32 to vector<16xf32>
    %mul3A_932 = arith.mulf %mul3A_931, %add3A_905 : vector<16xf32>
    %mul3A_933 = arith.mulf %mul3A_932, %mul3A_929 : vector<16xf32>
    %mul3A_934 = arith.mulf %mul3A_933, %mul3A_929 : vector<16xf32>
    %sub3A_935 = arith.constant 1.500000e+00 : f32
    %sub3A_936 = vector.broadcast %sub3A_935 : f32 to vector<16xf32>
    %sub3A_937 = arith.subf %sub3A_936, %mul3A_934 : vector<16xf32>
    %mul3A_938 = arith.mulf %mul3A_929, %sub3A_937 : vector<16xf32>
    %mul3A_939 = arith.constant 5.000000e-01 : f32
    %mul3A_940 = vector.broadcast %mul3A_939 : f32 to vector<16xf32>
    %mul3A_941 = arith.mulf %mul3A_940, %add3A_905 : vector<16xf32>
    %mul3A_942 = arith.mulf %mul3A_941, %mul3A_938 : vector<16xf32>
    %mul3A_943 = arith.mulf %mul3A_942, %mul3A_938 : vector<16xf32>
    %sub3A_944 = arith.constant 1.500000e+00 : f32
    %sub3A_945 = vector.broadcast %sub3A_944 : f32 to vector<16xf32>
    %sub3A_946 = arith.subf %sub3A_945, %mul3A_943 : vector<16xf32>
    %mul3A_947 = arith.mulf %mul3A_938, %sub3A_946 : vector<16xf32>
    %swap3A_948 = arith.constant 1 : i32
    %swap3A_949 = arith.index_cast %swap3A_948 : i32 to index
    %swap3A_950 = arith.constant 0 : index
    %swap3A_951 = tpu.vector_load %arg30[%swap3A_949, %swap3A_950] {strides = array<i32>} : memref<2x128xf32, #tpu.memory_space<vmem>>, vector<16xf32>,
    tpu.vector_store %arg30[%swap3A_949, %swap3A_950], %mul3A_947 {strides = array<i32>} : memref<2x128xf32, #tpu.memory_space<vmem>>, vector<16xf32>,
    %broadcast_in_dim3A_952 = arith.constant 0.000000e+00 : f32
    %broadcast_in_dim3A_953 = vector.broadcast %broadcast_in_dim3A_952 : f32 to vector<16xf32>
    %get3A_954 = arith.constant 0 : i32
    %get3A_955 = arith.index_cast %get3A_954 : i32 to index
    %get3A_956 = arith.constant 16 : index
    %get3A_957 = tpu.vector_load %arg26[%get3A_955, %get3A_956] {strides = array<i32>} : memref<16x128xf32, #tpu.memory_space<vmem>>, vector<16xf32>,
    %add3A_958 = arith.addf %broadcast_in_dim3A_953, %get3A_957 : vector<16xf32>
    %get3A_959 = arith.constant 1 : i32
    %get3A_960 = arith.index_cast %get3A_959 : i32 to index
    %get3A_961 = arith.constant 16 : index
    %get3A_962 = tpu.vector_load %arg26[%get3A_960, %get3A_961] {strides = array<i32>} : memref<16x128xf32, #tpu.memory_space<vmem>>, vector<16xf32>,
    %add3A_963 = arith.addf %add3A_958, %get3A_962 : vector<16xf32>
    %get3A_964 = arith.constant 2 : i32
    %get3A_965 = arith.index_cast %get3A_964 : i32 to index
    %get3A_966 = arith.constant 16 : index
    %get3A_967 = tpu.vector_load %arg26[%get3A_965, %get3A_966] {strides = array<i32>} : memref<16x128xf32, #tpu.memory_space<vmem>>, vector<16xf32>,
    %add3A_968 = arith.addf %add3A_963, %get3A_967 : vector<16xf32>
    %get3A_969 = arith.constant 3 : i32
    %get3A_970 = arith.index_cast %get3A_969 : i32 to index
    %get3A_971 = arith.constant 16 : index
    %get3A_972 = tpu.vector_load %arg26[%get3A_970, %get3A_971] {strides = array<i32>} : memref<16x128xf32, #tpu.memory_space<vmem>>, vector<16xf32>,
    %add3A_973 = arith.addf %add3A_968, %get3A_972 : vector<16xf32>
    %get3A_974 = arith.constant 4 : i32
    %get3A_975 = arith.index_cast %get3A_974 : i32 to index
    %get3A_976 = arith.constant 16 : index
    %get3A_977 = tpu.vector_load %arg26[%get3A_975, %get3A_976] {strides = array<i32>} : memref<16x128xf32, #tpu.memory_space<vmem>>, vector<16xf32>,
    %add3A_978 = arith.addf %add3A_973, %get3A_977 : vector<16xf32>
    %get3A_979 = arith.constant 5 : i32
    %get3A_980 = arith.index_cast %get3A_979 : i32 to index
    %get3A_981 = arith.constant 16 : index
    %get3A_982 = tpu.vector_load %arg26[%get3A_980, %get3A_981] {strides = array<i32>} : memref<16x128xf32, #tpu.memory_space<vmem>>, vector<16xf32>,
    %add3A_983 = arith.addf %add3A_978, %get3A_982 : vector<16xf32>
    %get3A_984 = arith.constant 6 : i32
    %get3A_985 = arith.index_cast %get3A_984 : i32 to index
    %get3A_986 = arith.constant 16 : index
    %get3A_987 = tpu.vector_load %arg26[%get3A_985, %get3A_986] {strides = array<i32>} : memref<16x128xf32, #tpu.memory_space<vmem>>, vector<16xf32>,
    %add3A_988 = arith.addf %add3A_983, %get3A_987 : vector<16xf32>
    %get3A_989 = arith.constant 7 : i32
    %get3A_990 = arith.index_cast %get3A_989 : i32 to index
    %get3A_991 = arith.constant 16 : index
    %get3A_992 = tpu.vector_load %arg26[%get3A_990, %get3A_991] {strides = array<i32>} : memref<16x128xf32, #tpu.memory_space<vmem>>, vector<16xf32>,
    %add3A_993 = arith.addf %add3A_988, %get3A_992 : vector<16xf32>
    %get3A_994 = arith.constant 8 : i32
    %get3A_995 = arith.index_cast %get3A_994 : i32 to index
    %get3A_996 = arith.constant 16 : index
    %get3A_997 = tpu.vector_load %arg26[%get3A_995, %get3A_996] {strides = array<i32>} : memref<16x128xf32, #tpu.memory_space<vmem>>, vector<16xf32>,
    %add3A_998 = arith.addf %add3A_993, %get3A_997 : vector<16xf32>
    %get3A_999 = arith.constant 9 : i32
    %get3A_1000 = arith.index_cast %get3A_999 : i32 to index
    %get3A_1001 = arith.constant 16 : index
    %get3A_1002 = tpu.vector_load %arg26[%get3A_1000, %get3A_1001] {strides = array<i32>} : memref<16x128xf32, #tpu.memory_space<vmem>>, vector<16xf32>,
    %add3A_1003 = arith.addf %add3A_998, %get3A_1002 : vector<16xf32>
    %get3A_1004 = arith.constant 10 : i32
    %get3A_1005 = arith.index_cast %get3A_1004 : i32 to index
    %get3A_1006 = arith.constant 16 : index
    %get3A_1007 = tpu.vector_load %arg26[%get3A_1005, %get3A_1006] {strides = array<i32>} : memref<16x128xf32, #tpu.memory_space<vmem>>, vector<16xf32>,
    %add3A_1008 = arith.addf %add3A_1003, %get3A_1007 : vector<16xf32>
    %get3A_1009 = arith.constant 11 : i32
    %get3A_1010 = arith.index_cast %get3A_1009 : i32 to index
    %get3A_1011 = arith.constant 16 : index
    %get3A_1012 = tpu.vector_load %arg26[%get3A_1010, %get3A_1011] {strides = array<i32>} : memref<16x128xf32, #tpu.memory_space<vmem>>, vector<16xf32>,
    %add3A_1013 = arith.addf %add3A_1008, %get3A_1012 : vector<16xf32>
    %get3A_1014 = arith.constant 12 : i32
    %get3A_1015 = arith.index_cast %get3A_1014 : i32 to index
    %get3A_1016 = arith.constant 16 : index
    %get3A_1017 = tpu.vector_load %arg26[%get3A_1015, %get3A_1016] {strides = array<i32>} : memref<16x128xf32, #tpu.memory_space<vmem>>, vector<16xf32>,
    %add3A_1018 = arith.addf %add3A_1013, %get3A_1017 : vector<16xf32>
    %get3A_1019 = arith.constant 13 : i32
    %get3A_1020 = arith.index_cast %get3A_1019 : i32 to index
    %get3A_1021 = arith.constant 16 : index
    %get3A_1022 = tpu.vector_load %arg26[%get3A_1020, %get3A_1021] {strides = array<i32>} : memref<16x128xf32, #tpu.memory_space<vmem>>, vector<16xf32>,
    %add3A_1023 = arith.addf %add3A_1018, %get3A_1022 : vector<16xf32>
    %get3A_1024 = arith.constant 14 : i32
    %get3A_1025 = arith.index_cast %get3A_1024 : i32 to index
    %get3A_1026 = arith.constant 16 : index
    %get3A_1027 = tpu.vector_load %arg26[%get3A_1025, %get3A_1026] {strides = array<i32>} : memref<16x128xf32, #tpu.memory_space<vmem>>, vector<16xf32>,
    %add3A_1028 = arith.addf %add3A_1023, %get3A_1027 : vector<16xf32>
    %get3A_1029 = arith.constant 15 : i32
    %get3A_1030 = arith.index_cast %get3A_1029 : i32 to index
    %get3A_1031 = arith.constant 16 : index
    %get3A_1032 = tpu.vector_load %arg26[%get3A_1030, %get3A_1031] {strides = array<i32>} : memref<16x128xf32, #tpu.memory_space<vmem>>, vector<16xf32>,
    %add3A_1033 = arith.addf %add3A_1028, %get3A_1032 : vector<16xf32>
    %get3A_1034 = arith.constant 0 : i32
    %get3A_1035 = arith.index_cast %get3A_1034 : i32 to index
    %get3A_1036 = arith.constant 16 : index
    %get3A_1037 = tpu.vector_load %arg30[%get3A_1035, %get3A_1036] {strides = array<i32>} : memref<2x128xf32, #tpu.memory_space<vmem>>, vector<16xf32>,
    %mul3A_1038 = arith.constant 9.99999974E-5 : f32
    %mul3A_1039 = vector.broadcast %mul3A_1038 : f32 to vector<16xf32>
    %mul3A_1040 = arith.mulf %add3A_1033, %mul3A_1039 : vector<16xf32>
    %mul3A_1041 = arith.mulf %get3A_1037, %get3A_1037 : vector<16xf32>
    %sub3A_1042 = arith.subf %mul3A_1040, %mul3A_1041 : vector<16xf32>
    %add3A_1043 = arith.constant 9.99999974E-6 : f32
    %add3A_1044 = vector.broadcast %add3A_1043 : f32 to vector<16xf32>
    %add3A_1045 = arith.addf %sub3A_1042, %add3A_1044 : vector<16xf32>
    %bitcast3A_1046 = vector.bitcast %add3A_1045 : vector<16xf32> to vector<16xi32>
    %shift_right_arithmetic3A_1047 = arith.constant 1 : i32
    %shift_right_arithmetic3A_1048 = vector.broadcast %shift_right_arithmetic3A_1047 : i32 to vector<16xi32>
    %shift_right_arithmetic3A_1049 = arith.shrsi %bitcast3A_1046, %shift_right_arithmetic3A_1048 : vector<16xi32>
    %sub3A_1050 = arith.constant 1597463007 : i32
    %sub3A_1051 = vector.broadcast %sub3A_1050 : i32 to vector<16xi32>
    %sub3A_1052 = arith.subi %sub3A_1051, %shift_right_arithmetic3A_1049 : vector<16xi32>
    %bitcast3A_1053 = vector.bitcast %sub3A_1052 : vector<16xi32> to vector<16xf32>
    %mul3A_1054 = arith.constant 5.000000e-01 : f32
    %mul3A_1055 = vector.broadcast %mul3A_1054 : f32 to vector<16xf32>
    %mul3A_1056 = arith.mulf %mul3A_1055, %add3A_1045 : vector<16xf32>
    %mul3A_1057 = arith.mulf %mul3A_1056, %bitcast3A_1053 : vector<16xf32>
    %mul3A_1058 = arith.mulf %mul3A_1057, %bitcast3A_1053 : vector<16xf32>
    %sub3A_1059 = arith.constant 1.500000e+00 : f32
    %sub3A_1060 = vector.broadcast %sub3A_1059 : f32 to vector<16xf32>
    %sub3A_1061 = arith.subf %sub3A_1060, %mul3A_1058 : vector<16xf32>
    %mul3A_1062 = arith.mulf %bitcast3A_1053, %sub3A_1061 : vector<16xf32>
    %mul3A_1063 = arith.constant 5.000000e-01 : f32
    %mul3A_1064 = vector.broadcast %mul3A_1063 : f32 to vector<16xf32>
    %mul3A_1065 = arith.mulf %mul3A_1064, %add3A_1045 : vector<16xf32>
    %mul3A_1066 = arith.mulf %mul3A_1065, %mul3A_1062 : vector<16xf32>
    %mul3A_1067 = arith.mulf %mul3A_1066, %mul3A_1062 : vector<16xf32>
    %sub3A_1068 = arith.constant 1.500000e+00 : f32
    %sub3A_1069 = vector.broadcast %sub3A_1068 : f32 to vector<16xf32>
    %sub3A_1070 = arith.subf %sub3A_1069, %mul3A_1067 : vector<16xf32>
    %mul3A_1071 = arith.mulf %mul3A_1062, %sub3A_1070 : vector<16xf32>
    %mul3A_1072 = arith.constant 5.000000e-01 : f32
    %mul3A_1073 = vector.broadcast %mul3A_1072 : f32 to vector<16xf32>
    %mul3A_1074 = arith.mulf %mul3A_1073, %add3A_1045 : vector<16xf32>
    %mul3A_1075 = arith.mulf %mul3A_1074, %mul3A_1071 : vector<16xf32>
    %mul3A_1076 = arith.mulf %mul3A_1075, %mul3A_1071 : vector<16xf32>
    %sub3A_1077 = arith.constant 1.500000e+00 : f32
    %sub3A_1078 = vector.broadcast %sub3A_1077 : f32 to vector<16xf32>
    %sub3A_1079 = arith.subf %sub3A_1078, %mul3A_1076 : vector<16xf32>
    %mul3A_1080 = arith.mulf %mul3A_1071, %sub3A_1079 : vector<16xf32>
    %mul3A_1081 = arith.constant 5.000000e-01 : f32
    %mul3A_1082 = vector.broadcast %mul3A_1081 : f32 to vector<16xf32>
    %mul3A_1083 = arith.mulf %mul3A_1082, %add3A_1045 : vector<16xf32>
    %mul3A_1084 = arith.mulf %mul3A_1083, %mul3A_1080 : vector<16xf32>
    %mul3A_1085 = arith.mulf %mul3A_1084, %mul3A_1080 : vector<16xf32>
    %sub3A_1086 = arith.constant 1.500000e+00 : f32
    %sub3A_1087 = vector.broadcast %sub3A_1086 : f32 to vector<16xf32>
    %sub3A_1088 = arith.subf %sub3A_1087, %mul3A_1085 : vector<16xf32>
    %mul3A_1089 = arith.mulf %mul3A_1080, %sub3A_1088 : vector<16xf32>
    %swap3A_1090 = arith.constant 1 : i32
    %swap3A_1091 = arith.index_cast %swap3A_1090 : i32 to index
    %swap3A_1092 = arith.constant 16 : index
    %swap3A_1093 = tpu.vector_load %arg30[%swap3A_1091, %swap3A_1092] {strides = array<i32>} : memref<2x128xf32, #tpu.memory_space<vmem>>, vector<16xf32>,
    tpu.vector_store %arg30[%swap3A_1091, %swap3A_1092], %mul3A_1089 {strides = array<i32>} : memref<2x128xf32, #tpu.memory_space<vmem>>, vector<16xf32>,
    %broadcast_in_dim3A_1094 = arith.constant 0.000000e+00 : f32
    %broadcast_in_dim3A_1095 = vector.broadcast %broadcast_in_dim3A_1094 : f32 to vector<16xf32>
    %get3A_1096 = arith.constant 0 : i32
    %get3A_1097 = arith.index_cast %get3A_1096 : i32 to index
    %get3A_1098 = arith.constant 32 : index
    %get3A_1099 = tpu.vector_load %arg26[%get3A_1097, %get3A_1098] {strides = array<i32>} : memref<16x128xf32, #tpu.memory_space<vmem>>, vector<16xf32>,
    %add3A_1100 = arith.addf %broadcast_in_dim3A_1095, %get3A_1099 : vector<16xf32>
    %get3A_1101 = arith.constant 1 : i32
    %get3A_1102 = arith.index_cast %get3A_1101 : i32 to index
    %get3A_1103 = arith.constant 32 : index
    %get3A_1104 = tpu.vector_load %arg26[%get3A_1102, %get3A_1103] {strides = array<i32>} : memref<16x128xf32, #tpu.memory_space<vmem>>, vector<16xf32>,
    %add3A_1105 = arith.addf %add3A_1100, %get3A_1104 : vector<16xf32>
    %get3A_1106 = arith.constant 2 : i32
    %get3A_1107 = arith.index_cast %get3A_1106 : i32 to index
    %get3A_1108 = arith.constant 32 : index
    %get3A_1109 = tpu.vector_load %arg26[%get3A_1107, %get3A_1108] {strides = array<i32>} : memref<16x128xf32, #tpu.memory_space<vmem>>, vector<16xf32>,
    %add3A_1110 = arith.addf %add3A_1105, %get3A_1109 : vector<16xf32>
    %get3A_1111 = arith.constant 3 : i32
    %get3A_1112 = arith.index_cast %get3A_1111 : i32 to index
    %get3A_1113 = arith.constant 32 : index
    %get3A_1114 = tpu.vector_load %arg26[%get3A_1112, %get3A_1113] {strides = array<i32>} : memref<16x128xf32, #tpu.memory_space<vmem>>, vector<16xf32>,
    %add3A_1115 = arith.addf %add3A_1110, %get3A_1114 : vector<16xf32>
    %get3A_1116 = arith.constant 4 : i32
    %get3A_1117 = arith.index_cast %get3A_1116 : i32 to index
    %get3A_1118 = arith.constant 32 : index
    %get3A_1119 = tpu.vector_load %arg26[%get3A_1117, %get3A_1118] {strides = array<i32>} : memref<16x128xf32, #tpu.memory_space<vmem>>, vector<16xf32>,
    %add3A_1120 = arith.addf %add3A_1115, %get3A_1119 : vector<16xf32>
    %get3A_1121 = arith.constant 5 : i32
    %get3A_1122 = arith.index_cast %get3A_1121 : i32 to index
    %get3A_1123 = arith.constant 32 : index
    %get3A_1124 = tpu.vector_load %arg26[%get3A_1122, %get3A_1123] {strides = array<i32>} : memref<16x128xf32, #tpu.memory_space<vmem>>, vector<16xf32>,
    %add3A_1125 = arith.addf %add3A_1120, %get3A_1124 : vector<16xf32>
    %get3A_1126 = arith.constant 6 : i32
    %get3A_1127 = arith.index_cast %get3A_1126 : i32 to index
    %get3A_1128 = arith.constant 32 : index
    %get3A_1129 = tpu.vector_load %arg26[%get3A_1127, %get3A_1128] {strides = array<i32>} : memref<16x128xf32, #tpu.memory_space<vmem>>, vector<16xf32>,
    %add3A_1130 = arith.addf %add3A_1125, %get3A_1129 : vector<16xf32>
    %get3A_1131 = arith.constant 7 : i32
    %get3A_1132 = arith.index_cast %get3A_1131 : i32 to index
    %get3A_1133 = arith.constant 32 : index
    %get3A_1134 = tpu.vector_load %arg26[%get3A_1132, %get3A_1133] {strides = array<i32>} : memref<16x128xf32, #tpu.memory_space<vmem>>, vector<16xf32>,
    %add3A_1135 = arith.addf %add3A_1130, %get3A_1134 : vector<16xf32>
    %get3A_1136 = arith.constant 8 : i32
    %get3A_1137 = arith.index_cast %get3A_1136 : i32 to index
    %get3A_1138 = arith.constant 32 : index
    %get3A_1139 = tpu.vector_load %arg26[%get3A_1137, %get3A_1138] {strides = array<i32>} : memref<16x128xf32, #tpu.memory_space<vmem>>, vector<16xf32>,
    %add3A_1140 = arith.addf %add3A_1135, %get3A_1139 : vector<16xf32>
    %get3A_1141 = arith.constant 9 : i32
    %get3A_1142 = arith.index_cast %get3A_1141 : i32 to index
    %get3A_1143 = arith.constant 32 : index
    %get3A_1144 = tpu.vector_load %arg26[%get3A_1142, %get3A_1143] {strides = array<i32>} : memref<16x128xf32, #tpu.memory_space<vmem>>, vector<16xf32>,
    %add3A_1145 = arith.addf %add3A_1140, %get3A_1144 : vector<16xf32>
    %get3A_1146 = arith.constant 10 : i32
    %get3A_1147 = arith.index_cast %get3A_1146 : i32 to index
    %get3A_1148 = arith.constant 32 : index
    %get3A_1149 = tpu.vector_load %arg26[%get3A_1147, %get3A_1148] {strides = array<i32>} : memref<16x128xf32, #tpu.memory_space<vmem>>, vector<16xf32>,
    %add3A_1150 = arith.addf %add3A_1145, %get3A_1149 : vector<16xf32>
    %get3A_1151 = arith.constant 11 : i32
    %get3A_1152 = arith.index_cast %get3A_1151 : i32 to index
    %get3A_1153 = arith.constant 32 : index
    %get3A_1154 = tpu.vector_load %arg26[%get3A_1152, %get3A_1153] {strides = array<i32>} : memref<16x128xf32, #tpu.memory_space<vmem>>, vector<16xf32>,
    %add3A_1155 = arith.addf %add3A_1150, %get3A_1154 : vector<16xf32>
    %get3A_1156 = arith.constant 12 : i32
    %get3A_1157 = arith.index_cast %get3A_1156 : i32 to index
    %get3A_1158 = arith.constant 32 : index
    %get3A_1159 = tpu.vector_load %arg26[%get3A_1157, %get3A_1158] {strides = array<i32>} : memref<16x128xf32, #tpu.memory_space<vmem>>, vector<16xf32>,
    %add3A_1160 = arith.addf %add3A_1155, %get3A_1159 : vector<16xf32>
    %get3A_1161 = arith.constant 13 : i32
    %get3A_1162 = arith.index_cast %get3A_1161 : i32 to index
    %get3A_1163 = arith.constant 32 : index
    %get3A_1164 = tpu.vector_load %arg26[%get3A_1162, %get3A_1163] {strides = array<i32>} : memref<16x128xf32, #tpu.memory_space<vmem>>, vector<16xf32>,
    %add3A_1165 = arith.addf %add3A_1160, %get3A_1164 : vector<16xf32>
    %get3A_1166 = arith.constant 14 : i32
    %get3A_1167 = arith.index_cast %get3A_1166 : i32 to index
    %get3A_1168 = arith.constant 32 : index
    %get3A_1169 = tpu.vector_load %arg26[%get3A_1167, %get3A_1168] {strides = array<i32>} : memref<16x128xf32, #tpu.memory_space<vmem>>, vector<16xf32>,
    %add3A_1170 = arith.addf %add3A_1165, %get3A_1169 : vector<16xf32>
    %get3A_1171 = arith.constant 15 : i32
    %get3A_1172 = arith.index_cast %get3A_1171 : i32 to index
    %get3A_1173 = arith.constant 32 : index
    %get3A_1174 = tpu.vector_load %arg26[%get3A_1172, %get3A_1173] {strides = array<i32>} : memref<16x128xf32, #tpu.memory_space<vmem>>, vector<16xf32>,
    %add3A_1175 = arith.addf %add3A_1170, %get3A_1174 : vector<16xf32>
    %get3A_1176 = arith.constant 0 : i32
    %get3A_1177 = arith.index_cast %get3A_1176 : i32 to index
    %get3A_1178 = arith.constant 32 : index
    %get3A_1179 = tpu.vector_load %arg30[%get3A_1177, %get3A_1178] {strides = array<i32>} : memref<2x128xf32, #tpu.memory_space<vmem>>, vector<16xf32>,
    %mul3A_1180 = arith.constant 9.99999974E-5 : f32
    %mul3A_1181 = vector.broadcast %mul3A_1180 : f32 to vector<16xf32>
    %mul3A_1182 = arith.mulf %add3A_1175, %mul3A_1181 : vector<16xf32>
    %mul3A_1183 = arith.mulf %get3A_1179, %get3A_1179 : vector<16xf32>
    %sub3A_1184 = arith.subf %mul3A_1182, %mul3A_1183 : vector<16xf32>
    %add3A_1185 = arith.constant 9.99999974E-6 : f32
    %add3A_1186 = vector.broadcast %add3A_1185 : f32 to vector<16xf32>
    %add3A_1187 = arith.addf %sub3A_1184, %add3A_1186 : vector<16xf32>
    %bitcast3A_1188 = vector.bitcast %add3A_1187 : vector<16xf32> to vector<16xi32>
    %shift_right_arithmetic3A_1189 = arith.constant 1 : i32
    %shift_right_arithmetic3A_1190 = vector.broadcast %shift_right_arithmetic3A_1189 : i32 to vector<16xi32>
    %shift_right_arithmetic3A_1191 = arith.shrsi %bitcast3A_1188, %shift_right_arithmetic3A_1190 : vector<16xi32>
    %sub3A_1192 = arith.constant 1597463007 : i32
    %sub3A_1193 = vector.broadcast %sub3A_1192 : i32 to vector<16xi32>
    %sub3A_1194 = arith.subi %sub3A_1193, %shift_right_arithmetic3A_1191 : vector<16xi32>
    %bitcast3A_1195 = vector.bitcast %sub3A_1194 : vector<16xi32> to vector<16xf32>
    %mul3A_1196 = arith.constant 5.000000e-01 : f32
    %mul3A_1197 = vector.broadcast %mul3A_1196 : f32 to vector<16xf32>
    %mul3A_1198 = arith.mulf %mul3A_1197, %add3A_1187 : vector<16xf32>
    %mul3A_1199 = arith.mulf %mul3A_1198, %bitcast3A_1195 : vector<16xf32>
    %mul3A_1200 = arith.mulf %mul3A_1199, %bitcast3A_1195 : vector<16xf32>
    %sub3A_1201 = arith.constant 1.500000e+00 : f32
    %sub3A_1202 = vector.broadcast %sub3A_1201 : f32 to vector<16xf32>
    %sub3A_1203 = arith.subf %sub3A_1202, %mul3A_1200 : vector<16xf32>
    %mul3A_1204 = arith.mulf %bitcast3A_1195, %sub3A_1203 : vector<16xf32>
    %mul3A_1205 = arith.constant 5.000000e-01 : f32
    %mul3A_1206 = vector.broadcast %mul3A_1205 : f32 to vector<16xf32>
    %mul3A_1207 = arith.mulf %mul3A_1206, %add3A_1187 : vector<16xf32>
    %mul3A_1208 = arith.mulf %mul3A_1207, %mul3A_1204 : vector<16xf32>
    %mul3A_1209 = arith.mulf %mul3A_1208, %mul3A_1204 : vector<16xf32>
    %sub3A_1210 = arith.constant 1.500000e+00 : f32
    %sub3A_1211 = vector.broadcast %sub3A_1210 : f32 to vector<16xf32>
    %sub3A_1212 = arith.subf %sub3A_1211, %mul3A_1209 : vector<16xf32>
    %mul3A_1213 = arith.mulf %mul3A_1204, %sub3A_1212 : vector<16xf32>
    %mul3A_1214 = arith.constant 5.000000e-01 : f32
    %mul3A_1215 = vector.broadcast %mul3A_1214 : f32 to vector<16xf32>
    %mul3A_1216 = arith.mulf %mul3A_1215, %add3A_1187 : vector<16xf32>
    %mul3A_1217 = arith.mulf %mul3A_1216, %mul3A_1213 : vector<16xf32>
    %mul3A_1218 = arith.mulf %mul3A_1217, %mul3A_1213 : vector<16xf32>
    %sub3A_1219 = arith.constant 1.500000e+00 : f32
    %sub3A_1220 = vector.broadcast %sub3A_1219 : f32 to vector<16xf32>
    %sub3A_1221 = arith.subf %sub3A_1220, %mul3A_1218 : vector<16xf32>
    %mul3A_1222 = arith.mulf %mul3A_1213, %sub3A_1221 : vector<16xf32>
    %mul3A_1223 = arith.constant 5.000000e-01 : f32
    %mul3A_1224 = vector.broadcast %mul3A_1223 : f32 to vector<16xf32>
    %mul3A_1225 = arith.mulf %mul3A_1224, %add3A_1187 : vector<16xf32>
    %mul3A_1226 = arith.mulf %mul3A_1225, %mul3A_1222 : vector<16xf32>
    %mul3A_1227 = arith.mulf %mul3A_1226, %mul3A_1222 : vector<16xf32>
    %sub3A_1228 = arith.constant 1.500000e+00 : f32
    %sub3A_1229 = vector.broadcast %sub3A_1228 : f32 to vector<16xf32>
    %sub3A_1230 = arith.subf %sub3A_1229, %mul3A_1227 : vector<16xf32>
    %mul3A_1231 = arith.mulf %mul3A_1222, %sub3A_1230 : vector<16xf32>
    %swap3A_1232 = arith.constant 1 : i32
    %swap3A_1233 = arith.index_cast %swap3A_1232 : i32 to index
    %swap3A_1234 = arith.constant 32 : index
    %swap3A_1235 = tpu.vector_load %arg30[%swap3A_1233, %swap3A_1234] {strides = array<i32>} : memref<2x128xf32, #tpu.memory_space<vmem>>, vector<16xf32>,
    tpu.vector_store %arg30[%swap3A_1233, %swap3A_1234], %mul3A_1231 {strides = array<i32>} : memref<2x128xf32, #tpu.memory_space<vmem>>, vector<16xf32>,
    %broadcast_in_dim3A_1236 = arith.constant 0.000000e+00 : f32
    %broadcast_in_dim3A_1237 = vector.broadcast %broadcast_in_dim3A_1236 : f32 to vector<16xf32>
    %get3A_1238 = arith.constant 0 : i32
    %get3A_1239 = arith.index_cast %get3A_1238 : i32 to index
    %get3A_1240 = arith.constant 48 : index
    %get3A_1241 = tpu.vector_load %arg26[%get3A_1239, %get3A_1240] {strides = array<i32>} : memref<16x128xf32, #tpu.memory_space<vmem>>, vector<16xf32>,
    %add3A_1242 = arith.addf %broadcast_in_dim3A_1237, %get3A_1241 : vector<16xf32>
    %get3A_1243 = arith.constant 1 : i32
    %get3A_1244 = arith.index_cast %get3A_1243 : i32 to index
    %get3A_1245 = arith.constant 48 : index
    %get3A_1246 = tpu.vector_load %arg26[%get3A_1244, %get3A_1245] {strides = array<i32>} : memref<16x128xf32, #tpu.memory_space<vmem>>, vector<16xf32>,
    %add3A_1247 = arith.addf %add3A_1242, %get3A_1246 : vector<16xf32>
    %get3A_1248 = arith.constant 2 : i32
    %get3A_1249 = arith.index_cast %get3A_1248 : i32 to index
    %get3A_1250 = arith.constant 48 : index
    %get3A_1251 = tpu.vector_load %arg26[%get3A_1249, %get3A_1250] {strides = array<i32>} : memref<16x128xf32, #tpu.memory_space<vmem>>, vector<16xf32>,
    %add3A_1252 = arith.addf %add3A_1247, %get3A_1251 : vector<16xf32>
    %get3A_1253 = arith.constant 3 : i32
    %get3A_1254 = arith.index_cast %get3A_1253 : i32 to index
    %get3A_1255 = arith.constant 48 : index
    %get3A_1256 = tpu.vector_load %arg26[%get3A_1254, %get3A_1255] {strides = array<i32>} : memref<16x128xf32, #tpu.memory_space<vmem>>, vector<16xf32>,
    %add3A_1257 = arith.addf %add3A_1252, %get3A_1256 : vector<16xf32>
    %get3A_1258 = arith.constant 4 : i32
    %get3A_1259 = arith.index_cast %get3A_1258 : i32 to index
    %get3A_1260 = arith.constant 48 : index
    %get3A_1261 = tpu.vector_load %arg26[%get3A_1259, %get3A_1260] {strides = array<i32>} : memref<16x128xf32, #tpu.memory_space<vmem>>, vector<16xf32>,
    %add3A_1262 = arith.addf %add3A_1257, %get3A_1261 : vector<16xf32>
    %get3A_1263 = arith.constant 5 : i32
    %get3A_1264 = arith.index_cast %get3A_1263 : i32 to index
    %get3A_1265 = arith.constant 48 : index
    %get3A_1266 = tpu.vector_load %arg26[%get3A_1264, %get3A_1265] {strides = array<i32>} : memref<16x128xf32, #tpu.memory_space<vmem>>, vector<16xf32>,
    %add3A_1267 = arith.addf %add3A_1262, %get3A_1266 : vector<16xf32>
    %get3A_1268 = arith.constant 6 : i32
    %get3A_1269 = arith.index_cast %get3A_1268 : i32 to index
    %get3A_1270 = arith.constant 48 : index
    %get3A_1271 = tpu.vector_load %arg26[%get3A_1269, %get3A_1270] {strides = array<i32>} : memref<16x128xf32, #tpu.memory_space<vmem>>, vector<16xf32>,
    %add3A_1272 = arith.addf %add3A_1267, %get3A_1271 : vector<16xf32>
    %get3A_1273 = arith.constant 7 : i32
    %get3A_1274 = arith.index_cast %get3A_1273 : i32 to index
    %get3A_1275 = arith.constant 48 : index
    %get3A_1276 = tpu.vector_load %arg26[%get3A_1274, %get3A_1275] {strides = array<i32>} : memref<16x128xf32, #tpu.memory_space<vmem>>, vector<16xf32>,
    %add3A_1277 = arith.addf %add3A_1272, %get3A_1276 : vector<16xf32>
    %get3A_1278 = arith.constant 8 : i32
    %get3A_1279 = arith.index_cast %get3A_1278 : i32 to index
    %get3A_1280 = arith.constant 48 : index
    %get3A_1281 = tpu.vector_load %arg26[%get3A_1279, %get3A_1280] {strides = array<i32>} : memref<16x128xf32, #tpu.memory_space<vmem>>, vector<16xf32>,
    %add3A_1282 = arith.addf %add3A_1277, %get3A_1281 : vector<16xf32>
    %get3A_1283 = arith.constant 9 : i32
    %get3A_1284 = arith.index_cast %get3A_1283 : i32 to index
    %get3A_1285 = arith.constant 48 : index
    %get3A_1286 = tpu.vector_load %arg26[%get3A_1284, %get3A_1285] {strides = array<i32>} : memref<16x128xf32, #tpu.memory_space<vmem>>, vector<16xf32>,
    %add3A_1287 = arith.addf %add3A_1282, %get3A_1286 : vector<16xf32>
    %get3A_1288 = arith.constant 10 : i32
    %get3A_1289 = arith.index_cast %get3A_1288 : i32 to index
    %get3A_1290 = arith.constant 48 : index
    %get3A_1291 = tpu.vector_load %arg26[%get3A_1289, %get3A_1290] {strides = array<i32>} : memref<16x128xf32, #tpu.memory_space<vmem>>, vector<16xf32>,
    %add3A_1292 = arith.addf %add3A_1287, %get3A_1291 : vector<16xf32>
    %get3A_1293 = arith.constant 11 : i32
    %get3A_1294 = arith.index_cast %get3A_1293 : i32 to index
    %get3A_1295 = arith.constant 48 : index
    %get3A_1296 = tpu.vector_load %arg26[%get3A_1294, %get3A_1295] {strides = array<i32>} : memref<16x128xf32, #tpu.memory_space<vmem>>, vector<16xf32>,
    %add3A_1297 = arith.addf %add3A_1292, %get3A_1296 : vector<16xf32>
    %get3A_1298 = arith.constant 12 : i32
    %get3A_1299 = arith.index_cast %get3A_1298 : i32 to index
    %get3A_1300 = arith.constant 48 : index
    %get3A_1301 = tpu.vector_load %arg26[%get3A_1299, %get3A_1300] {strides = array<i32>} : memref<16x128xf32, #tpu.memory_space<vmem>>, vector<16xf32>,
    %add3A_1302 = arith.addf %add3A_1297, %get3A_1301 : vector<16xf32>
    %get3A_1303 = arith.constant 13 : i32
    %get3A_1304 = arith.index_cast %get3A_1303 : i32 to index
    %get3A_1305 = arith.constant 48 : index
    %get3A_1306 = tpu.vector_load %arg26[%get3A_1304, %get3A_1305] {strides = array<i32>} : memref<16x128xf32, #tpu.memory_space<vmem>>, vector<16xf32>,
    %add3A_1307 = arith.addf %add3A_1302, %get3A_1306 : vector<16xf32>
    %get3A_1308 = arith.constant 14 : i32
    %get3A_1309 = arith.index_cast %get3A_1308 : i32 to index
    %get3A_1310 = arith.constant 48 : index
    %get3A_1311 = tpu.vector_load %arg26[%get3A_1309, %get3A_1310] {strides = array<i32>} : memref<16x128xf32, #tpu.memory_space<vmem>>, vector<16xf32>,
    %add3A_1312 = arith.addf %add3A_1307, %get3A_1311 : vector<16xf32>
    %get3A_1313 = arith.constant 15 : i32
    %get3A_1314 = arith.index_cast %get3A_1313 : i32 to index
    %get3A_1315 = arith.constant 48 : index
    %get3A_1316 = tpu.vector_load %arg26[%get3A_1314, %get3A_1315] {strides = array<i32>} : memref<16x128xf32, #tpu.memory_space<vmem>>, vector<16xf32>,
    %add3A_1317 = arith.addf %add3A_1312, %get3A_1316 : vector<16xf32>
    %get3A_1318 = arith.constant 0 : i32
    %get3A_1319 = arith.index_cast %get3A_1318 : i32 to index
    %get3A_1320 = arith.constant 48 : index
    %get3A_1321 = tpu.vector_load %arg30[%get3A_1319, %get3A_1320] {strides = array<i32>} : memref<2x128xf32, #tpu.memory_space<vmem>>, vector<16xf32>,
    %mul3A_1322 = arith.constant 9.99999974E-5 : f32
    %mul3A_1323 = vector.broadcast %mul3A_1322 : f32 to vector<16xf32>
    %mul3A_1324 = arith.mulf %add3A_1317, %mul3A_1323 : vector<16xf32>
    %mul3A_1325 = arith.mulf %get3A_1321, %get3A_1321 : vector<16xf32>
    %sub3A_1326 = arith.subf %mul3A_1324, %mul3A_1325 : vector<16xf32>
    %add3A_1327 = arith.constant 9.99999974E-6 : f32
    %add3A_1328 = vector.broadcast %add3A_1327 : f32 to vector<16xf32>
    %add3A_1329 = arith.addf %sub3A_1326, %add3A_1328 : vector<16xf32>
    %bitcast3A_1330 = vector.bitcast %add3A_1329 : vector<16xf32> to vector<16xi32>
    %shift_right_arithmetic3A_1331 = arith.constant 1 : i32
    %shift_right_arithmetic3A_1332 = vector.broadcast %shift_right_arithmetic3A_1331 : i32 to vector<16xi32>
    %shift_right_arithmetic3A_1333 = arith.shrsi %bitcast3A_1330, %shift_right_arithmetic3A_1332 : vector<16xi32>
    %sub3A_1334 = arith.constant 1597463007 : i32
    %sub3A_1335 = vector.broadcast %sub3A_1334 : i32 to vector<16xi32>
    %sub3A_1336 = arith.subi %sub3A_1335, %shift_right_arithmetic3A_1333 : vector<16xi32>
    %bitcast3A_1337 = vector.bitcast %sub3A_1336 : vector<16xi32> to vector<16xf32>
    %mul3A_1338 = arith.constant 5.000000e-01 : f32
    %mul3A_1339 = vector.broadcast %mul3A_1338 : f32 to vector<16xf32>
    %mul3A_1340 = arith.mulf %mul3A_1339, %add3A_1329 : vector<16xf32>
    %mul3A_1341 = arith.mulf %mul3A_1340, %bitcast3A_1337 : vector<16xf32>
    %mul3A_1342 = arith.mulf %mul3A_1341, %bitcast3A_1337 : vector<16xf32>
    %sub3A_1343 = arith.constant 1.500000e+00 : f32
    %sub3A_1344 = vector.broadcast %sub3A_1343 : f32 to vector<16xf32>
    %sub3A_1345 = arith.subf %sub3A_1344, %mul3A_1342 : vector<16xf32>
    %mul3A_1346 = arith.mulf %bitcast3A_1337, %sub3A_1345 : vector<16xf32>
    %mul3A_1347 = arith.constant 5.000000e-01 : f32
    %mul3A_1348 = vector.broadcast %mul3A_1347 : f32 to vector<16xf32>
    %mul3A_1349 = arith.mulf %mul3A_1348, %add3A_1329 : vector<16xf32>
    %mul3A_1350 = arith.mulf %mul3A_1349, %mul3A_1346 : vector<16xf32>
    %mul3A_1351 = arith.mulf %mul3A_1350, %mul3A_1346 : vector<16xf32>
    %sub3A_1352 = arith.constant 1.500000e+00 : f32
    %sub3A_1353 = vector.broadcast %sub3A_1352 : f32 to vector<16xf32>
    %sub3A_1354 = arith.subf %sub3A_1353, %mul3A_1351 : vector<16xf32>
    %mul3A_1355 = arith.mulf %mul3A_1346, %sub3A_1354 : vector<16xf32>
    %mul3A_1356 = arith.constant 5.000000e-01 : f32
    %mul3A_1357 = vector.broadcast %mul3A_1356 : f32 to vector<16xf32>
    %mul3A_1358 = arith.mulf %mul3A_1357, %add3A_1329 : vector<16xf32>
    %mul3A_1359 = arith.mulf %mul3A_1358, %mul3A_1355 : vector<16xf32>
    %mul3A_1360 = arith.mulf %mul3A_1359, %mul3A_1355 : vector<16xf32>
    %sub3A_1361 = arith.constant 1.500000e+00 : f32
    %sub3A_1362 = vector.broadcast %sub3A_1361 : f32 to vector<16xf32>
    %sub3A_1363 = arith.subf %sub3A_1362, %mul3A_1360 : vector<16xf32>
    %mul3A_1364 = arith.mulf %mul3A_1355, %sub3A_1363 : vector<16xf32>
    %mul3A_1365 = arith.constant 5.000000e-01 : f32
    %mul3A_1366 = vector.broadcast %mul3A_1365 : f32 to vector<16xf32>
    %mul3A_1367 = arith.mulf %mul3A_1366, %add3A_1329 : vector<16xf32>
    %mul3A_1368 = arith.mulf %mul3A_1367, %mul3A_1364 : vector<16xf32>
    %mul3A_1369 = arith.mulf %mul3A_1368, %mul3A_1364 : vector<16xf32>
    %sub3A_1370 = arith.constant 1.500000e+00 : f32
    %sub3A_1371 = vector.broadcast %sub3A_1370 : f32 to vector<16xf32>
    %sub3A_1372 = arith.subf %sub3A_1371, %mul3A_1369 : vector<16xf32>
    %mul3A_1373 = arith.mulf %mul3A_1364, %sub3A_1372 : vector<16xf32>
    %swap3A_1374 = arith.constant 1 : i32
    %swap3A_1375 = arith.index_cast %swap3A_1374 : i32 to index
    %swap3A_1376 = arith.constant 48 : index
    %swap3A_1377 = tpu.vector_load %arg30[%swap3A_1375, %swap3A_1376] {strides = array<i32>} : memref<2x128xf32, #tpu.memory_space<vmem>>, vector<16xf32>,
    tpu.vector_store %arg30[%swap3A_1375, %swap3A_1376], %mul3A_1373 {strides = array<i32>} : memref<2x128xf32, #tpu.memory_space<vmem>>, vector<16xf32>,
    %broadcast_in_dim3A_1378 = arith.constant 0.000000e+00 : f32
    %broadcast_in_dim3A_1379 = vector.broadcast %broadcast_in_dim3A_1378 : f32 to vector<16xf32>
    %get3A_1380 = arith.constant 0 : i32
    %get3A_1381 = arith.index_cast %get3A_1380 : i32 to index
    %get3A_1382 = arith.constant 64 : index
    %get3A_1383 = tpu.vector_load %arg26[%get3A_1381, %get3A_1382] {strides = array<i32>} : memref<16x128xf32, #tpu.memory_space<vmem>>, vector<16xf32>,
    %add3A_1384 = arith.addf %broadcast_in_dim3A_1379, %get3A_1383 : vector<16xf32>
    %get3A_1385 = arith.constant 1 : i32
    %get3A_1386 = arith.index_cast %get3A_1385 : i32 to index
    %get3A_1387 = arith.constant 64 : index
    %get3A_1388 = tpu.vector_load %arg26[%get3A_1386, %get3A_1387] {strides = array<i32>} : memref<16x128xf32, #tpu.memory_space<vmem>>, vector<16xf32>,
    %add3A_1389 = arith.addf %add3A_1384, %get3A_1388 : vector<16xf32>
    %get3A_1390 = arith.constant 2 : i32
    %get3A_1391 = arith.index_cast %get3A_1390 : i32 to index
    %get3A_1392 = arith.constant 64 : index
    %get3A_1393 = tpu.vector_load %arg26[%get3A_1391, %get3A_1392] {strides = array<i32>} : memref<16x128xf32, #tpu.memory_space<vmem>>, vector<16xf32>,
    %add3A_1394 = arith.addf %add3A_1389, %get3A_1393 : vector<16xf32>
    %get3A_1395 = arith.constant 3 : i32
    %get3A_1396 = arith.index_cast %get3A_1395 : i32 to index
    %get3A_1397 = arith.constant 64 : index
    %get3A_1398 = tpu.vector_load %arg26[%get3A_1396, %get3A_1397] {strides = array<i32>} : memref<16x128xf32, #tpu.memory_space<vmem>>, vector<16xf32>,
    %add3A_1399 = arith.addf %add3A_1394, %get3A_1398 : vector<16xf32>
    %get3A_1400 = arith.constant 4 : i32
    %get3A_1401 = arith.index_cast %get3A_1400 : i32 to index
    %get3A_1402 = arith.constant 64 : index
    %get3A_1403 = tpu.vector_load %arg26[%get3A_1401, %get3A_1402] {strides = array<i32>} : memref<16x128xf32, #tpu.memory_space<vmem>>, vector<16xf32>,
    %add3A_1404 = arith.addf %add3A_1399, %get3A_1403 : vector<16xf32>
    %get3A_1405 = arith.constant 5 : i32
    %get3A_1406 = arith.index_cast %get3A_1405 : i32 to index
    %get3A_1407 = arith.constant 64 : index
    %get3A_1408 = tpu.vector_load %arg26[%get3A_1406, %get3A_1407] {strides = array<i32>} : memref<16x128xf32, #tpu.memory_space<vmem>>, vector<16xf32>,
    %add3A_1409 = arith.addf %add3A_1404, %get3A_1408 : vector<16xf32>
    %get3A_1410 = arith.constant 6 : i32
    %get3A_1411 = arith.index_cast %get3A_1410 : i32 to index
    %get3A_1412 = arith.constant 64 : index
    %get3A_1413 = tpu.vector_load %arg26[%get3A_1411, %get3A_1412] {strides = array<i32>} : memref<16x128xf32, #tpu.memory_space<vmem>>, vector<16xf32>,
    %add3A_1414 = arith.addf %add3A_1409, %get3A_1413 : vector<16xf32>
    %get3A_1415 = arith.constant 7 : i32
    %get3A_1416 = arith.index_cast %get3A_1415 : i32 to index
    %get3A_1417 = arith.constant 64 : index
    %get3A_1418 = tpu.vector_load %arg26[%get3A_1416, %get3A_1417] {strides = array<i32>} : memref<16x128xf32, #tpu.memory_space<vmem>>, vector<16xf32>,
    %add3A_1419 = arith.addf %add3A_1414, %get3A_1418 : vector<16xf32>
    %get3A_1420 = arith.constant 8 : i32
    %get3A_1421 = arith.index_cast %get3A_1420 : i32 to index
    %get3A_1422 = arith.constant 64 : index
    %get3A_1423 = tpu.vector_load %arg26[%get3A_1421, %get3A_1422] {strides = array<i32>} : memref<16x128xf32, #tpu.memory_space<vmem>>, vector<16xf32>,
    %add3A_1424 = arith.addf %add3A_1419, %get3A_1423 : vector<16xf32>
    %get3A_1425 = arith.constant 9 : i32
    %get3A_1426 = arith.index_cast %get3A_1425 : i32 to index
    %get3A_1427 = arith.constant 64 : index
    %get3A_1428 = tpu.vector_load %arg26[%get3A_1426, %get3A_1427] {strides = array<i32>} : memref<16x128xf32, #tpu.memory_space<vmem>>, vector<16xf32>,
    %add3A_1429 = arith.addf %add3A_1424, %get3A_1428 : vector<16xf32>
    %get3A_1430 = arith.constant 10 : i32
    %get3A_1431 = arith.index_cast %get3A_1430 : i32 to index
    %get3A_1432 = arith.constant 64 : index
    %get3A_1433 = tpu.vector_load %arg26[%get3A_1431, %get3A_1432] {strides = array<i32>} : memref<16x128xf32, #tpu.memory_space<vmem>>, vector<16xf32>,
    %add3A_1434 = arith.addf %add3A_1429, %get3A_1433 : vector<16xf32>
    %get3A_1435 = arith.constant 11 : i32
    %get3A_1436 = arith.index_cast %get3A_1435 : i32 to index
    %get3A_1437 = arith.constant 64 : index
    %get3A_1438 = tpu.vector_load %arg26[%get3A_1436, %get3A_1437] {strides = array<i32>} : memref<16x128xf32, #tpu.memory_space<vmem>>, vector<16xf32>,
    %add3A_1439 = arith.addf %add3A_1434, %get3A_1438 : vector<16xf32>
    %get3A_1440 = arith.constant 12 : i32
    %get3A_1441 = arith.index_cast %get3A_1440 : i32 to index
    %get3A_1442 = arith.constant 64 : index
    %get3A_1443 = tpu.vector_load %arg26[%get3A_1441, %get3A_1442] {strides = array<i32>} : memref<16x128xf32, #tpu.memory_space<vmem>>, vector<16xf32>,
    %add3A_1444 = arith.addf %add3A_1439, %get3A_1443 : vector<16xf32>
    %get3A_1445 = arith.constant 13 : i32
    %get3A_1446 = arith.index_cast %get3A_1445 : i32 to index
    %get3A_1447 = arith.constant 64 : index
    %get3A_1448 = tpu.vector_load %arg26[%get3A_1446, %get3A_1447] {strides = array<i32>} : memref<16x128xf32, #tpu.memory_space<vmem>>, vector<16xf32>,
    %add3A_1449 = arith.addf %add3A_1444, %get3A_1448 : vector<16xf32>
    %get3A_1450 = arith.constant 14 : i32
    %get3A_1451 = arith.index_cast %get3A_1450 : i32 to index
    %get3A_1452 = arith.constant 64 : index
    %get3A_1453 = tpu.vector_load %arg26[%get3A_1451, %get3A_1452] {strides = array<i32>} : memref<16x128xf32, #tpu.memory_space<vmem>>, vector<16xf32>,
    %add3A_1454 = arith.addf %add3A_1449, %get3A_1453 : vector<16xf32>
    %get3A_1455 = arith.constant 15 : i32
    %get3A_1456 = arith.index_cast %get3A_1455 : i32 to index
    %get3A_1457 = arith.constant 64 : index
    %get3A_1458 = tpu.vector_load %arg26[%get3A_1456, %get3A_1457] {strides = array<i32>} : memref<16x128xf32, #tpu.memory_space<vmem>>, vector<16xf32>,
    %add3A_1459 = arith.addf %add3A_1454, %get3A_1458 : vector<16xf32>
    %get3A_1460 = arith.constant 0 : i32
    %get3A_1461 = arith.index_cast %get3A_1460 : i32 to index
    %get3A_1462 = arith.constant 64 : index
    %get3A_1463 = tpu.vector_load %arg30[%get3A_1461, %get3A_1462] {strides = array<i32>} : memref<2x128xf32, #tpu.memory_space<vmem>>, vector<16xf32>,
    %mul3A_1464 = arith.constant 9.99999974E-5 : f32
    %mul3A_1465 = vector.broadcast %mul3A_1464 : f32 to vector<16xf32>
    %mul3A_1466 = arith.mulf %add3A_1459, %mul3A_1465 : vector<16xf32>
    %mul3A_1467 = arith.mulf %get3A_1463, %get3A_1463 : vector<16xf32>
    %sub3A_1468 = arith.subf %mul3A_1466, %mul3A_1467 : vector<16xf32>
    %add3A_1469 = arith.constant 9.99999974E-6 : f32
    %add3A_1470 = vector.broadcast %add3A_1469 : f32 to vector<16xf32>
    %add3A_1471 = arith.addf %sub3A_1468, %add3A_1470 : vector<16xf32>
    %bitcast3A_1472 = vector.bitcast %add3A_1471 : vector<16xf32> to vector<16xi32>
    %shift_right_arithmetic3A_1473 = arith.constant 1 : i32
    %shift_right_arithmetic3A_1474 = vector.broadcast %shift_right_arithmetic3A_1473 : i32 to vector<16xi32>
    %shift_right_arithmetic3A_1475 = arith.shrsi %bitcast3A_1472, %shift_right_arithmetic3A_1474 : vector<16xi32>
    %sub3A_1476 = arith.constant 1597463007 : i32
    %sub3A_1477 = vector.broadcast %sub3A_1476 : i32 to vector<16xi32>
    %sub3A_1478 = arith.subi %sub3A_1477, %shift_right_arithmetic3A_1475 : vector<16xi32>
    %bitcast3A_1479 = vector.bitcast %sub3A_1478 : vector<16xi32> to vector<16xf32>
    %mul3A_1480 = arith.constant 5.000000e-01 : f32
    %mul3A_1481 = vector.broadcast %mul3A_1480 : f32 to vector<16xf32>
    %mul3A_1482 = arith.mulf %mul3A_1481, %add3A_1471 : vector<16xf32>
    %mul3A_1483 = arith.mulf %mul3A_1482, %bitcast3A_1479 : vector<16xf32>
    %mul3A_1484 = arith.mulf %mul3A_1483, %bitcast3A_1479 : vector<16xf32>
    %sub3A_1485 = arith.constant 1.500000e+00 : f32
    %sub3A_1486 = vector.broadcast %sub3A_1485 : f32 to vector<16xf32>
    %sub3A_1487 = arith.subf %sub3A_1486, %mul3A_1484 : vector<16xf32>
    %mul3A_1488 = arith.mulf %bitcast3A_1479, %sub3A_1487 : vector<16xf32>
    %mul3A_1489 = arith.constant 5.000000e-01 : f32
    %mul3A_1490 = vector.broadcast %mul3A_1489 : f32 to vector<16xf32>
    %mul3A_1491 = arith.mulf %mul3A_1490, %add3A_1471 : vector<16xf32>
    %mul3A_1492 = arith.mulf %mul3A_1491, %mul3A_1488 : vector<16xf32>
    %mul3A_1493 = arith.mulf %mul3A_1492, %mul3A_1488 : vector<16xf32>
    %sub3A_1494 = arith.constant 1.500000e+00 : f32
    %sub3A_1495 = vector.broadcast %sub3A_1494 : f32 to vector<16xf32>
    %sub3A_1496 = arith.subf %sub3A_1495, %mul3A_1493 : vector<16xf32>
    %mul3A_1497 = arith.mulf %mul3A_1488, %sub3A_1496 : vector<16xf32>
    %mul3A_1498 = arith.constant 5.000000e-01 : f32
    %mul3A_1499 = vector.broadcast %mul3A_1498 : f32 to vector<16xf32>
    %mul3A_1500 = arith.mulf %mul3A_1499, %add3A_1471 : vector<16xf32>
    %mul3A_1501 = arith.mulf %mul3A_1500, %mul3A_1497 : vector<16xf32>
    %mul3A_1502 = arith.mulf %mul3A_1501, %mul3A_1497 : vector<16xf32>
    %sub3A_1503 = arith.constant 1.500000e+00 : f32
    %sub3A_1504 = vector.broadcast %sub3A_1503 : f32 to vector<16xf32>
    %sub3A_1505 = arith.subf %sub3A_1504, %mul3A_1502 : vector<16xf32>
    %mul3A_1506 = arith.mulf %mul3A_1497, %sub3A_1505 : vector<16xf32>
    %mul3A_1507 = arith.constant 5.000000e-01 : f32
    %mul3A_1508 = vector.broadcast %mul3A_1507 : f32 to vector<16xf32>
    %mul3A_1509 = arith.mulf %mul3A_1508, %add3A_1471 : vector<16xf32>
    %mul3A_1510 = arith.mulf %mul3A_1509, %mul3A_1506 : vector<16xf32>
    %mul3A_1511 = arith.mulf %mul3A_1510, %mul3A_1506 : vector<16xf32>
    %sub3A_1512 = arith.constant 1.500000e+00 : f32
    %sub3A_1513 = vector.broadcast %sub3A_1512 : f32 to vector<16xf32>
    %sub3A_1514 = arith.subf %sub3A_1513, %mul3A_1511 : vector<16xf32>
    %mul3A_1515 = arith.mulf %mul3A_1506, %sub3A_1514 : vector<16xf32>
    %swap3A_1516 = arith.constant 1 : i32
    %swap3A_1517 = arith.index_cast %swap3A_1516 : i32 to index
    %swap3A_1518 = arith.constant 64 : index
    %swap3A_1519 = tpu.vector_load %arg30[%swap3A_1517, %swap3A_1518] {strides = array<i32>} : memref<2x128xf32, #tpu.memory_space<vmem>>, vector<16xf32>,
    tpu.vector_store %arg30[%swap3A_1517, %swap3A_1518], %mul3A_1515 {strides = array<i32>} : memref<2x128xf32, #tpu.memory_space<vmem>>, vector<16xf32>,
    %broadcast_in_dim3A_1520 = arith.constant 0.000000e+00 : f32
    %broadcast_in_dim3A_1521 = vector.broadcast %broadcast_in_dim3A_1520 : f32 to vector<16xf32>
    %get3A_1522 = arith.constant 0 : i32
    %get3A_1523 = arith.index_cast %get3A_1522 : i32 to index
    %get3A_1524 = arith.constant 80 : index
    %get3A_1525 = tpu.vector_load %arg26[%get3A_1523, %get3A_1524] {strides = array<i32>} : memref<16x128xf32, #tpu.memory_space<vmem>>, vector<16xf32>,
    %add3A_1526 = arith.addf %broadcast_in_dim3A_1521, %get3A_1525 : vector<16xf32>
    %get3A_1527 = arith.constant 1 : i32
    %get3A_1528 = arith.index_cast %get3A_1527 : i32 to index
    %get3A_1529 = arith.constant 80 : index
    %get3A_1530 = tpu.vector_load %arg26[%get3A_1528, %get3A_1529] {strides = array<i32>} : memref<16x128xf32, #tpu.memory_space<vmem>>, vector<16xf32>,
    %add3A_1531 = arith.addf %add3A_1526, %get3A_1530 : vector<16xf32>
    %get3A_1532 = arith.constant 2 : i32
    %get3A_1533 = arith.index_cast %get3A_1532 : i32 to index
    %get3A_1534 = arith.constant 80 : index
    %get3A_1535 = tpu.vector_load %arg26[%get3A_1533, %get3A_1534] {strides = array<i32>} : memref<16x128xf32, #tpu.memory_space<vmem>>, vector<16xf32>,
    %add3A_1536 = arith.addf %add3A_1531, %get3A_1535 : vector<16xf32>
    %get3A_1537 = arith.constant 3 : i32
    %get3A_1538 = arith.index_cast %get3A_1537 : i32 to index
    %get3A_1539 = arith.constant 80 : index
    %get3A_1540 = tpu.vector_load %arg26[%get3A_1538, %get3A_1539] {strides = array<i32>} : memref<16x128xf32, #tpu.memory_space<vmem>>, vector<16xf32>,
    %add3A_1541 = arith.addf %add3A_1536, %get3A_1540 : vector<16xf32>
    %get3A_1542 = arith.constant 4 : i32
    %get3A_1543 = arith.index_cast %get3A_1542 : i32 to index
    %get3A_1544 = arith.constant 80 : index
    %get3A_1545 = tpu.vector_load %arg26[%get3A_1543, %get3A_1544] {strides = array<i32>} : memref<16x128xf32, #tpu.memory_space<vmem>>, vector<16xf32>,
    %add3A_1546 = arith.addf %add3A_1541, %get3A_1545 : vector<16xf32>
    %get3A_1547 = arith.constant 5 : i32
    %get3A_1548 = arith.index_cast %get3A_1547 : i32 to index
    %get3A_1549 = arith.constant 80 : index
    %get3A_1550 = tpu.vector_load %arg26[%get3A_1548, %get3A_1549] {strides = array<i32>} : memref<16x128xf32, #tpu.memory_space<vmem>>, vector<16xf32>,
    %add3A_1551 = arith.addf %add3A_1546, %get3A_1550 : vector<16xf32>
    %get3A_1552 = arith.constant 6 : i32
    %get3A_1553 = arith.index_cast %get3A_1552 : i32 to index
    %get3A_1554 = arith.constant 80 : index
    %get3A_1555 = tpu.vector_load %arg26[%get3A_1553, %get3A_1554] {strides = array<i32>} : memref<16x128xf32, #tpu.memory_space<vmem>>, vector<16xf32>,
    %add3A_1556 = arith.addf %add3A_1551, %get3A_1555 : vector<16xf32>
    %get3A_1557 = arith.constant 7 : i32
    %get3A_1558 = arith.index_cast %get3A_1557 : i32 to index
    %get3A_1559 = arith.constant 80 : index
    %get3A_1560 = tpu.vector_load %arg26[%get3A_1558, %get3A_1559] {strides = array<i32>} : memref<16x128xf32, #tpu.memory_space<vmem>>, vector<16xf32>,
    %add3A_1561 = arith.addf %add3A_1556, %get3A_1560 : vector<16xf32>
    %get3A_1562 = arith.constant 8 : i32
    %get3A_1563 = arith.index_cast %get3A_1562 : i32 to index
    %get3A_1564 = arith.constant 80 : index
    %get3A_1565 = tpu.vector_load %arg26[%get3A_1563, %get3A_1564] {strides = array<i32>} : memref<16x128xf32, #tpu.memory_space<vmem>>, vector<16xf32>,
    %add3A_1566 = arith.addf %add3A_1561, %get3A_1565 : vector<16xf32>
    %get3A_1567 = arith.constant 9 : i32
    %get3A_1568 = arith.index_cast %get3A_1567 : i32 to index
    %get3A_1569 = arith.constant 80 : index
    %get3A_1570 = tpu.vector_load %arg26[%get3A_1568, %get3A_1569] {strides = array<i32>} : memref<16x128xf32, #tpu.memory_space<vmem>>, vector<16xf32>,
    %add3A_1571 = arith.addf %add3A_1566, %get3A_1570 : vector<16xf32>
    %get3A_1572 = arith.constant 10 : i32
    %get3A_1573 = arith.index_cast %get3A_1572 : i32 to index
    %get3A_1574 = arith.constant 80 : index
    %get3A_1575 = tpu.vector_load %arg26[%get3A_1573, %get3A_1574] {strides = array<i32>} : memref<16x128xf32, #tpu.memory_space<vmem>>, vector<16xf32>,
    %add3A_1576 = arith.addf %add3A_1571, %get3A_1575 : vector<16xf32>
    %get3A_1577 = arith.constant 11 : i32
    %get3A_1578 = arith.index_cast %get3A_1577 : i32 to index
    %get3A_1579 = arith.constant 80 : index
    %get3A_1580 = tpu.vector_load %arg26[%get3A_1578, %get3A_1579] {strides = array<i32>} : memref<16x128xf32, #tpu.memory_space<vmem>>, vector<16xf32>,
    %add3A_1581 = arith.addf %add3A_1576, %get3A_1580 : vector<16xf32>
    %get3A_1582 = arith.constant 12 : i32
    %get3A_1583 = arith.index_cast %get3A_1582 : i32 to index
    %get3A_1584 = arith.constant 80 : index
    %get3A_1585 = tpu.vector_load %arg26[%get3A_1583, %get3A_1584] {strides = array<i32>} : memref<16x128xf32, #tpu.memory_space<vmem>>, vector<16xf32>,
    %add3A_1586 = arith.addf %add3A_1581, %get3A_1585 : vector<16xf32>
    %get3A_1587 = arith.constant 13 : i32
    %get3A_1588 = arith.index_cast %get3A_1587 : i32 to index
    %get3A_1589 = arith.constant 80 : index
    %get3A_1590 = tpu.vector_load %arg26[%get3A_1588, %get3A_1589] {strides = array<i32>} : memref<16x128xf32, #tpu.memory_space<vmem>>, vector<16xf32>,
    %add3A_1591 = arith.addf %add3A_1586, %get3A_1590 : vector<16xf32>
    %get3A_1592 = arith.constant 14 : i32
    %get3A_1593 = arith.index_cast %get3A_1592 : i32 to index
    %get3A_1594 = arith.constant 80 : index
    %get3A_1595 = tpu.vector_load %arg26[%get3A_1593, %get3A_1594] {strides = array<i32>} : memref<16x128xf32, #tpu.memory_space<vmem>>, vector<16xf32>,
    %add3A_1596 = arith.addf %add3A_1591, %get3A_1595 : vector<16xf32>
    %get3A_1597 = arith.constant 15 : i32
    %get3A_1598 = arith.index_cast %get3A_1597 : i32 to index
    %get3A_1599 = arith.constant 80 : index
    %get3A_1600 = tpu.vector_load %arg26[%get3A_1598, %get3A_1599] {strides = array<i32>} : memref<16x128xf32, #tpu.memory_space<vmem>>, vector<16xf32>,
    %add3A_1601 = arith.addf %add3A_1596, %get3A_1600 : vector<16xf32>
    %get3A_1602 = arith.constant 0 : i32
    %get3A_1603 = arith.index_cast %get3A_1602 : i32 to index
    %get3A_1604 = arith.constant 80 : index
    %get3A_1605 = tpu.vector_load %arg30[%get3A_1603, %get3A_1604] {strides = array<i32>} : memref<2x128xf32, #tpu.memory_space<vmem>>, vector<16xf32>,
    %mul3A_1606 = arith.constant 9.99999974E-5 : f32
    %mul3A_1607 = vector.broadcast %mul3A_1606 : f32 to vector<16xf32>
    %mul3A_1608 = arith.mulf %add3A_1601, %mul3A_1607 : vector<16xf32>
    %mul3A_1609 = arith.mulf %get3A_1605, %get3A_1605 : vector<16xf32>
    %sub3A_1610 = arith.subf %mul3A_1608, %mul3A_1609 : vector<16xf32>
    %add3A_1611 = arith.constant 9.99999974E-6 : f32
    %add3A_1612 = vector.broadcast %add3A_1611 : f32 to vector<16xf32>
    %add3A_1613 = arith.addf %sub3A_1610, %add3A_1612 : vector<16xf32>
    %bitcast3A_1614 = vector.bitcast %add3A_1613 : vector<16xf32> to vector<16xi32>
    %shift_right_arithmetic3A_1615 = arith.constant 1 : i32
    %shift_right_arithmetic3A_1616 = vector.broadcast %shift_right_arithmetic3A_1615 : i32 to vector<16xi32>
    %shift_right_arithmetic3A_1617 = arith.shrsi %bitcast3A_1614, %shift_right_arithmetic3A_1616 : vector<16xi32>
    %sub3A_1618 = arith.constant 1597463007 : i32
    %sub3A_1619 = vector.broadcast %sub3A_1618 : i32 to vector<16xi32>
    %sub3A_1620 = arith.subi %sub3A_1619, %shift_right_arithmetic3A_1617 : vector<16xi32>
    %bitcast3A_1621 = vector.bitcast %sub3A_1620 : vector<16xi32> to vector<16xf32>
    %mul3A_1622 = arith.constant 5.000000e-01 : f32
    %mul3A_1623 = vector.broadcast %mul3A_1622 : f32 to vector<16xf32>
    %mul3A_1624 = arith.mulf %mul3A_1623, %add3A_1613 : vector<16xf32>
    %mul3A_1625 = arith.mulf %mul3A_1624, %bitcast3A_1621 : vector<16xf32>
    %mul3A_1626 = arith.mulf %mul3A_1625, %bitcast3A_1621 : vector<16xf32>
    %sub3A_1627 = arith.constant 1.500000e+00 : f32
    %sub3A_1628 = vector.broadcast %sub3A_1627 : f32 to vector<16xf32>
    %sub3A_1629 = arith.subf %sub3A_1628, %mul3A_1626 : vector<16xf32>
    %mul3A_1630 = arith.mulf %bitcast3A_1621, %sub3A_1629 : vector<16xf32>
    %mul3A_1631 = arith.constant 5.000000e-01 : f32
    %mul3A_1632 = vector.broadcast %mul3A_1631 : f32 to vector<16xf32>
    %mul3A_1633 = arith.mulf %mul3A_1632, %add3A_1613 : vector<16xf32>
    %mul3A_1634 = arith.mulf %mul3A_1633, %mul3A_1630 : vector<16xf32>
    %mul3A_1635 = arith.mulf %mul3A_1634, %mul3A_1630 : vector<16xf32>
    %sub3A_1636 = arith.constant 1.500000e+00 : f32
    %sub3A_1637 = vector.broadcast %sub3A_1636 : f32 to vector<16xf32>
    %sub3A_1638 = arith.subf %sub3A_1637, %mul3A_1635 : vector<16xf32>
    %mul3A_1639 = arith.mulf %mul3A_1630, %sub3A_1638 : vector<16xf32>
    %mul3A_1640 = arith.constant 5.000000e-01 : f32
    %mul3A_1641 = vector.broadcast %mul3A_1640 : f32 to vector<16xf32>
    %mul3A_1642 = arith.mulf %mul3A_1641, %add3A_1613 : vector<16xf32>
    %mul3A_1643 = arith.mulf %mul3A_1642, %mul3A_1639 : vector<16xf32>
    %mul3A_1644 = arith.mulf %mul3A_1643, %mul3A_1639 : vector<16xf32>
    %sub3A_1645 = arith.constant 1.500000e+00 : f32
    %sub3A_1646 = vector.broadcast %sub3A_1645 : f32 to vector<16xf32>
    %sub3A_1647 = arith.subf %sub3A_1646, %mul3A_1644 : vector<16xf32>
    %mul3A_1648 = arith.mulf %mul3A_1639, %sub3A_1647 : vector<16xf32>
    %mul3A_1649 = arith.constant 5.000000e-01 : f32
    %mul3A_1650 = vector.broadcast %mul3A_1649 : f32 to vector<16xf32>
    %mul3A_1651 = arith.mulf %mul3A_1650, %add3A_1613 : vector<16xf32>
    %mul3A_1652 = arith.mulf %mul3A_1651, %mul3A_1648 : vector<16xf32>
    %mul3A_1653 = arith.mulf %mul3A_1652, %mul3A_1648 : vector<16xf32>
    %sub3A_1654 = arith.constant 1.500000e+00 : f32
    %sub3A_1655 = vector.broadcast %sub3A_1654 : f32 to vector<16xf32>
    %sub3A_1656 = arith.subf %sub3A_1655, %mul3A_1653 : vector<16xf32>
    %mul3A_1657 = arith.mulf %mul3A_1648, %sub3A_1656 : vector<16xf32>
    %swap3A_1658 = arith.constant 1 : i32
    %swap3A_1659 = arith.index_cast %swap3A_1658 : i32 to index
    %swap3A_1660 = arith.constant 80 : index
    %swap3A_1661 = tpu.vector_load %arg30[%swap3A_1659, %swap3A_1660] {strides = array<i32>} : memref<2x128xf32, #tpu.memory_space<vmem>>, vector<16xf32>,
    tpu.vector_store %arg30[%swap3A_1659, %swap3A_1660], %mul3A_1657 {strides = array<i32>} : memref<2x128xf32, #tpu.memory_space<vmem>>, vector<16xf32>,
    %broadcast_in_dim3A_1662 = arith.constant 0.000000e+00 : f32
    %broadcast_in_dim3A_1663 = vector.broadcast %broadcast_in_dim3A_1662 : f32 to vector<16xf32>
    %get3A_1664 = arith.constant 0 : i32
    %get3A_1665 = arith.index_cast %get3A_1664 : i32 to index
    %get3A_1666 = arith.constant 96 : index
    %get3A_1667 = tpu.vector_load %arg26[%get3A_1665, %get3A_1666] {strides = array<i32>} : memref<16x128xf32, #tpu.memory_space<vmem>>, vector<16xf32>,
    %add3A_1668 = arith.addf %broadcast_in_dim3A_1663, %get3A_1667 : vector<16xf32>
    %get3A_1669 = arith.constant 1 : i32
    %get3A_1670 = arith.index_cast %get3A_1669 : i32 to index
    %get3A_1671 = arith.constant 96 : index
    %get3A_1672 = tpu.vector_load %arg26[%get3A_1670, %get3A_1671] {strides = array<i32>} : memref<16x128xf32, #tpu.memory_space<vmem>>, vector<16xf32>,
    %add3A_1673 = arith.addf %add3A_1668, %get3A_1672 : vector<16xf32>
    %get3A_1674 = arith.constant 2 : i32
    %get3A_1675 = arith.index_cast %get3A_1674 : i32 to index
    %get3A_1676 = arith.constant 96 : index
    %get3A_1677 = tpu.vector_load %arg26[%get3A_1675, %get3A_1676] {strides = array<i32>} : memref<16x128xf32, #tpu.memory_space<vmem>>, vector<16xf32>,
    %add3A_1678 = arith.addf %add3A_1673, %get3A_1677 : vector<16xf32>
    %get3A_1679 = arith.constant 3 : i32
    %get3A_1680 = arith.index_cast %get3A_1679 : i32 to index
    %get3A_1681 = arith.constant 96 : index
    %get3A_1682 = tpu.vector_load %arg26[%get3A_1680, %get3A_1681] {strides = array<i32>} : memref<16x128xf32, #tpu.memory_space<vmem>>, vector<16xf32>,
    %add3A_1683 = arith.addf %add3A_1678, %get3A_1682 : vector<16xf32>
    %get3A_1684 = arith.constant 4 : i32
    %get3A_1685 = arith.index_cast %get3A_1684 : i32 to index
    %get3A_1686 = arith.constant 96 : index
    %get3A_1687 = tpu.vector_load %arg26[%get3A_1685, %get3A_1686] {strides = array<i32>} : memref<16x128xf32, #tpu.memory_space<vmem>>, vector<16xf32>,
    %add3A_1688 = arith.addf %add3A_1683, %get3A_1687 : vector<16xf32>
    %get3A_1689 = arith.constant 5 : i32
    %get3A_1690 = arith.index_cast %get3A_1689 : i32 to index
    %get3A_1691 = arith.constant 96 : index
    %get3A_1692 = tpu.vector_load %arg26[%get3A_1690, %get3A_1691] {strides = array<i32>} : memref<16x128xf32, #tpu.memory_space<vmem>>, vector<16xf32>,
    %add3A_1693 = arith.addf %add3A_1688, %get3A_1692 : vector<16xf32>
    %get3A_1694 = arith.constant 6 : i32
    %get3A_1695 = arith.index_cast %get3A_1694 : i32 to index
    %get3A_1696 = arith.constant 96 : index
    %get3A_1697 = tpu.vector_load %arg26[%get3A_1695, %get3A_1696] {strides = array<i32>} : memref<16x128xf32, #tpu.memory_space<vmem>>, vector<16xf32>,
    %add3A_1698 = arith.addf %add3A_1693, %get3A_1697 : vector<16xf32>
    %get3A_1699 = arith.constant 7 : i32
    %get3A_1700 = arith.index_cast %get3A_1699 : i32 to index
    %get3A_1701 = arith.constant 96 : index
    %get3A_1702 = tpu.vector_load %arg26[%get3A_1700, %get3A_1701] {strides = array<i32>} : memref<16x128xf32, #tpu.memory_space<vmem>>, vector<16xf32>,
    %add3A_1703 = arith.addf %add3A_1698, %get3A_1702 : vector<16xf32>
    %get3A_1704 = arith.constant 8 : i32
    %get3A_1705 = arith.index_cast %get3A_1704 : i32 to index
    %get3A_1706 = arith.constant 96 : index
    %get3A_1707 = tpu.vector_load %arg26[%get3A_1705, %get3A_1706] {strides = array<i32>} : memref<16x128xf32, #tpu.memory_space<vmem>>, vector<16xf32>,
    %add3A_1708 = arith.addf %add3A_1703, %get3A_1707 : vector<16xf32>
    %get3A_1709 = arith.constant 9 : i32
    %get3A_1710 = arith.index_cast %get3A_1709 : i32 to index
    %get3A_1711 = arith.constant 96 : index
    %get3A_1712 = tpu.vector_load %arg26[%get3A_1710, %get3A_1711] {strides = array<i32>} : memref<16x128xf32, #tpu.memory_space<vmem>>, vector<16xf32>,
    %add3A_1713 = arith.addf %add3A_1708, %get3A_1712 : vector<16xf32>
    %get3A_1714 = arith.constant 10 : i32
    %get3A_1715 = arith.index_cast %get3A_1714 : i32 to index
    %get3A_1716 = arith.constant 96 : index
    %get3A_1717 = tpu.vector_load %arg26[%get3A_1715, %get3A_1716] {strides = array<i32>} : memref<16x128xf32, #tpu.memory_space<vmem>>, vector<16xf32>,
    %add3A_1718 = arith.addf %add3A_1713, %get3A_1717 : vector<16xf32>
    %get3A_1719 = arith.constant 11 : i32
    %get3A_1720 = arith.index_cast %get3A_1719 : i32 to index
    %get3A_1721 = arith.constant 96 : index
    %get3A_1722 = tpu.vector_load %arg26[%get3A_1720, %get3A_1721] {strides = array<i32>} : memref<16x128xf32, #tpu.memory_space<vmem>>, vector<16xf32>,
    %add3A_1723 = arith.addf %add3A_1718, %get3A_1722 : vector<16xf32>
    %get3A_1724 = arith.constant 12 : i32
    %get3A_1725 = arith.index_cast %get3A_1724 : i32 to index
    %get3A_1726 = arith.constant 96 : index
    %get3A_1727 = tpu.vector_load %arg26[%get3A_1725, %get3A_1726] {strides = array<i32>} : memref<16x128xf32, #tpu.memory_space<vmem>>, vector<16xf32>,
    %add3A_1728 = arith.addf %add3A_1723, %get3A_1727 : vector<16xf32>
    %get3A_1729 = arith.constant 13 : i32
    %get3A_1730 = arith.index_cast %get3A_1729 : i32 to index
    %get3A_1731 = arith.constant 96 : index
    %get3A_1732 = tpu.vector_load %arg26[%get3A_1730, %get3A_1731] {strides = array<i32>} : memref<16x128xf32, #tpu.memory_space<vmem>>, vector<16xf32>,
    %add3A_1733 = arith.addf %add3A_1728, %get3A_1732 : vector<16xf32>
    %get3A_1734 = arith.constant 14 : i32
    %get3A_1735 = arith.index_cast %get3A_1734 : i32 to index
    %get3A_1736 = arith.constant 96 : index
    %get3A_1737 = tpu.vector_load %arg26[%get3A_1735, %get3A_1736] {strides = array<i32>} : memref<16x128xf32, #tpu.memory_space<vmem>>, vector<16xf32>,
    %add3A_1738 = arith.addf %add3A_1733, %get3A_1737 : vector<16xf32>
    %get3A_1739 = arith.constant 15 : i32
    %get3A_1740 = arith.index_cast %get3A_1739 : i32 to index
    %get3A_1741 = arith.constant 96 : index
    %get3A_1742 = tpu.vector_load %arg26[%get3A_1740, %get3A_1741] {strides = array<i32>} : memref<16x128xf32, #tpu.memory_space<vmem>>, vector<16xf32>,
    %add3A_1743 = arith.addf %add3A_1738, %get3A_1742 : vector<16xf32>
    %get3A_1744 = arith.constant 0 : i32
    %get3A_1745 = arith.index_cast %get3A_1744 : i32 to index
    %get3A_1746 = arith.constant 96 : index
    %get3A_1747 = tpu.vector_load %arg30[%get3A_1745, %get3A_1746] {strides = array<i32>} : memref<2x128xf32, #tpu.memory_space<vmem>>, vector<16xf32>,
    %mul3A_1748 = arith.constant 9.99999974E-5 : f32
    %mul3A_1749 = vector.broadcast %mul3A_1748 : f32 to vector<16xf32>
    %mul3A_1750 = arith.mulf %add3A_1743, %mul3A_1749 : vector<16xf32>
    %mul3A_1751 = arith.mulf %get3A_1747, %get3A_1747 : vector<16xf32>
    %sub3A_1752 = arith.subf %mul3A_1750, %mul3A_1751 : vector<16xf32>
    %add3A_1753 = arith.constant 9.99999974E-6 : f32
    %add3A_1754 = vector.broadcast %add3A_1753 : f32 to vector<16xf32>
    %add3A_1755 = arith.addf %sub3A_1752, %add3A_1754 : vector<16xf32>
    %bitcast3A_1756 = vector.bitcast %add3A_1755 : vector<16xf32> to vector<16xi32>
    %shift_right_arithmetic3A_1757 = arith.constant 1 : i32
    %shift_right_arithmetic3A_1758 = vector.broadcast %shift_right_arithmetic3A_1757 : i32 to vector<16xi32>
    %shift_right_arithmetic3A_1759 = arith.shrsi %bitcast3A_1756, %shift_right_arithmetic3A_1758 : vector<16xi32>
    %sub3A_1760 = arith.constant 1597463007 : i32
    %sub3A_1761 = vector.broadcast %sub3A_1760 : i32 to vector<16xi32>
    %sub3A_1762 = arith.subi %sub3A_1761, %shift_right_arithmetic3A_1759 : vector<16xi32>
    %bitcast3A_1763 = vector.bitcast %sub3A_1762 : vector<16xi32> to vector<16xf32>
    %mul3A_1764 = arith.constant 5.000000e-01 : f32
    %mul3A_1765 = vector.broadcast %mul3A_1764 : f32 to vector<16xf32>
    %mul3A_1766 = arith.mulf %mul3A_1765, %add3A_1755 : vector<16xf32>
    %mul3A_1767 = arith.mulf %mul3A_1766, %bitcast3A_1763 : vector<16xf32>
    %mul3A_1768 = arith.mulf %mul3A_1767, %bitcast3A_1763 : vector<16xf32>
    %sub3A_1769 = arith.constant 1.500000e+00 : f32
    %sub3A_1770 = vector.broadcast %sub3A_1769 : f32 to vector<16xf32>
    %sub3A_1771 = arith.subf %sub3A_1770, %mul3A_1768 : vector<16xf32>
    %mul3A_1772 = arith.mulf %bitcast3A_1763, %sub3A_1771 : vector<16xf32>
    %mul3A_1773 = arith.constant 5.000000e-01 : f32
    %mul3A_1774 = vector.broadcast %mul3A_1773 : f32 to vector<16xf32>
    %mul3A_1775 = arith.mulf %mul3A_1774, %add3A_1755 : vector<16xf32>
    %mul3A_1776 = arith.mulf %mul3A_1775, %mul3A_1772 : vector<16xf32>
    %mul3A_1777 = arith.mulf %mul3A_1776, %mul3A_1772 : vector<16xf32>
    %sub3A_1778 = arith.constant 1.500000e+00 : f32
    %sub3A_1779 = vector.broadcast %sub3A_1778 : f32 to vector<16xf32>
    %sub3A_1780 = arith.subf %sub3A_1779, %mul3A_1777 : vector<16xf32>
    %mul3A_1781 = arith.mulf %mul3A_1772, %sub3A_1780 : vector<16xf32>
    %mul3A_1782 = arith.constant 5.000000e-01 : f32
    %mul3A_1783 = vector.broadcast %mul3A_1782 : f32 to vector<16xf32>
    %mul3A_1784 = arith.mulf %mul3A_1783, %add3A_1755 : vector<16xf32>
    %mul3A_1785 = arith.mulf %mul3A_1784, %mul3A_1781 : vector<16xf32>
    %mul3A_1786 = arith.mulf %mul3A_1785, %mul3A_1781 : vector<16xf32>
    %sub3A_1787 = arith.constant 1.500000e+00 : f32
    %sub3A_1788 = vector.broadcast %sub3A_1787 : f32 to vector<16xf32>
    %sub3A_1789 = arith.subf %sub3A_1788, %mul3A_1786 : vector<16xf32>
    %mul3A_1790 = arith.mulf %mul3A_1781, %sub3A_1789 : vector<16xf32>
    %mul3A_1791 = arith.constant 5.000000e-01 : f32
    %mul3A_1792 = vector.broadcast %mul3A_1791 : f32 to vector<16xf32>
    %mul3A_1793 = arith.mulf %mul3A_1792, %add3A_1755 : vector<16xf32>
    %mul3A_1794 = arith.mulf %mul3A_1793, %mul3A_1790 : vector<16xf32>
    %mul3A_1795 = arith.mulf %mul3A_1794, %mul3A_1790 : vector<16xf32>
    %sub3A_1796 = arith.constant 1.500000e+00 : f32
    %sub3A_1797 = vector.broadcast %sub3A_1796 : f32 to vector<16xf32>
    %sub3A_1798 = arith.subf %sub3A_1797, %mul3A_1795 : vector<16xf32>
    %mul3A_1799 = arith.mulf %mul3A_1790, %sub3A_1798 : vector<16xf32>
    %swap3A_1800 = arith.constant 1 : i32
    %swap3A_1801 = arith.index_cast %swap3A_1800 : i32 to index
    %swap3A_1802 = arith.constant 96 : index
    %swap3A_1803 = tpu.vector_load %arg30[%swap3A_1801, %swap3A_1802] {strides = array<i32>} : memref<2x128xf32, #tpu.memory_space<vmem>>, vector<16xf32>,
    tpu.vector_store %arg30[%swap3A_1801, %swap3A_1802], %mul3A_1799 {strides = array<i32>} : memref<2x128xf32, #tpu.memory_space<vmem>>, vector<16xf32>,
    %broadcast_in_dim3A_1804 = arith.constant 0.000000e+00 : f32
    %broadcast_in_dim3A_1805 = vector.broadcast %broadcast_in_dim3A_1804 : f32 to vector<16xf32>
    %get3A_1806 = arith.constant 0 : i32
    %get3A_1807 = arith.index_cast %get3A_1806 : i32 to index
    %get3A_1808 = arith.constant 112 : index
    %get3A_1809 = tpu.vector_load %arg26[%get3A_1807, %get3A_1808] {strides = array<i32>} : memref<16x128xf32, #tpu.memory_space<vmem>>, vector<16xf32>,
    %add3A_1810 = arith.addf %broadcast_in_dim3A_1805, %get3A_1809 : vector<16xf32>
    %get3A_1811 = arith.constant 1 : i32
    %get3A_1812 = arith.index_cast %get3A_1811 : i32 to index
    %get3A_1813 = arith.constant 112 : index
    %get3A_1814 = tpu.vector_load %arg26[%get3A_1812, %get3A_1813] {strides = array<i32>} : memref<16x128xf32, #tpu.memory_space<vmem>>, vector<16xf32>,
    %add3A_1815 = arith.addf %add3A_1810, %get3A_1814 : vector<16xf32>
    %get3A_1816 = arith.constant 2 : i32
    %get3A_1817 = arith.index_cast %get3A_1816 : i32 to index
    %get3A_1818 = arith.constant 112 : index
    %get3A_1819 = tpu.vector_load %arg26[%get3A_1817, %get3A_1818] {strides = array<i32>} : memref<16x128xf32, #tpu.memory_space<vmem>>, vector<16xf32>,
    %add3A_1820 = arith.addf %add3A_1815, %get3A_1819 : vector<16xf32>
    %get3A_1821 = arith.constant 3 : i32
    %get3A_1822 = arith.index_cast %get3A_1821 : i32 to index
    %get3A_1823 = arith.constant 112 : index
    %get3A_1824 = tpu.vector_load %arg26[%get3A_1822, %get3A_1823] {strides = array<i32>} : memref<16x128xf32, #tpu.memory_space<vmem>>, vector<16xf32>,
    %add3A_1825 = arith.addf %add3A_1820, %get3A_1824 : vector<16xf32>
    %get3A_1826 = arith.constant 4 : i32
    %get3A_1827 = arith.index_cast %get3A_1826 : i32 to index
    %get3A_1828 = arith.constant 112 : index
    %get3A_1829 = tpu.vector_load %arg26[%get3A_1827, %get3A_1828] {strides = array<i32>} : memref<16x128xf32, #tpu.memory_space<vmem>>, vector<16xf32>,
    %add3A_1830 = arith.addf %add3A_1825, %get3A_1829 : vector<16xf32>
    %get3A_1831 = arith.constant 5 : i32
    %get3A_1832 = arith.index_cast %get3A_1831 : i32 to index
    %get3A_1833 = arith.constant 112 : index
    %get3A_1834 = tpu.vector_load %arg26[%get3A_1832, %get3A_1833] {strides = array<i32>} : memref<16x128xf32, #tpu.memory_space<vmem>>, vector<16xf32>,
    %add3A_1835 = arith.addf %add3A_1830, %get3A_1834 : vector<16xf32>
    %get3A_1836 = arith.constant 6 : i32
    %get3A_1837 = arith.index_cast %get3A_1836 : i32 to index
    %get3A_1838 = arith.constant 112 : index
    %get3A_1839 = tpu.vector_load %arg26[%get3A_1837, %get3A_1838] {strides = array<i32>} : memref<16x128xf32, #tpu.memory_space<vmem>>, vector<16xf32>,
    %add3A_1840 = arith.addf %add3A_1835, %get3A_1839 : vector<16xf32>
    %get3A_1841 = arith.constant 7 : i32
    %get3A_1842 = arith.index_cast %get3A_1841 : i32 to index
    %get3A_1843 = arith.constant 112 : index
    %get3A_1844 = tpu.vector_load %arg26[%get3A_1842, %get3A_1843] {strides = array<i32>} : memref<16x128xf32, #tpu.memory_space<vmem>>, vector<16xf32>,
    %add3A_1845 = arith.addf %add3A_1840, %get3A_1844 : vector<16xf32>
    %get3A_1846 = arith.constant 8 : i32
    %get3A_1847 = arith.index_cast %get3A_1846 : i32 to index
    %get3A_1848 = arith.constant 112 : index
    %get3A_1849 = tpu.vector_load %arg26[%get3A_1847, %get3A_1848] {strides = array<i32>} : memref<16x128xf32, #tpu.memory_space<vmem>>, vector<16xf32>,
    %add3A_1850 = arith.addf %add3A_1845, %get3A_1849 : vector<16xf32>
    %get3A_1851 = arith.constant 9 : i32
    %get3A_1852 = arith.index_cast %get3A_1851 : i32 to index
    %get3A_1853 = arith.constant 112 : index
    %get3A_1854 = tpu.vector_load %arg26[%get3A_1852, %get3A_1853] {strides = array<i32>} : memref<16x128xf32, #tpu.memory_space<vmem>>, vector<16xf32>,
    %add3A_1855 = arith.addf %add3A_1850, %get3A_1854 : vector<16xf32>
    %get3A_1856 = arith.constant 10 : i32
    %get3A_1857 = arith.index_cast %get3A_1856 : i32 to index
    %get3A_1858 = arith.constant 112 : index
    %get3A_1859 = tpu.vector_load %arg26[%get3A_1857, %get3A_1858] {strides = array<i32>} : memref<16x128xf32, #tpu.memory_space<vmem>>, vector<16xf32>,
    %add3A_1860 = arith.addf %add3A_1855, %get3A_1859 : vector<16xf32>
    %get3A_1861 = arith.constant 11 : i32
    %get3A_1862 = arith.index_cast %get3A_1861 : i32 to index
    %get3A_1863 = arith.constant 112 : index
    %get3A_1864 = tpu.vector_load %arg26[%get3A_1862, %get3A_1863] {strides = array<i32>} : memref<16x128xf32, #tpu.memory_space<vmem>>, vector<16xf32>,
    %add3A_1865 = arith.addf %add3A_1860, %get3A_1864 : vector<16xf32>
    %get3A_1866 = arith.constant 12 : i32
    %get3A_1867 = arith.index_cast %get3A_1866 : i32 to index
    %get3A_1868 = arith.constant 112 : index
    %get3A_1869 = tpu.vector_load %arg26[%get3A_1867, %get3A_1868] {strides = array<i32>} : memref<16x128xf32, #tpu.memory_space<vmem>>, vector<16xf32>,
    %add3A_1870 = arith.addf %add3A_1865, %get3A_1869 : vector<16xf32>
    %get3A_1871 = arith.constant 13 : i32
    %get3A_1872 = arith.index_cast %get3A_1871 : i32 to index
    %get3A_1873 = arith.constant 112 : index
    %get3A_1874 = tpu.vector_load %arg26[%get3A_1872, %get3A_1873] {strides = array<i32>} : memref<16x128xf32, #tpu.memory_space<vmem>>, vector<16xf32>,
    %add3A_1875 = arith.addf %add3A_1870, %get3A_1874 : vector<16xf32>
    %get3A_1876 = arith.constant 14 : i32
    %get3A_1877 = arith.index_cast %get3A_1876 : i32 to index
    %get3A_1878 = arith.constant 112 : index
    %get3A_1879 = tpu.vector_load %arg26[%get3A_1877, %get3A_1878] {strides = array<i32>} : memref<16x128xf32, #tpu.memory_space<vmem>>, vector<16xf32>,
    %add3A_1880 = arith.addf %add3A_1875, %get3A_1879 : vector<16xf32>
    %get3A_1881 = arith.constant 15 : i32
    %get3A_1882 = arith.index_cast %get3A_1881 : i32 to index
    %get3A_1883 = arith.constant 112 : index
    %get3A_1884 = tpu.vector_load %arg26[%get3A_1882, %get3A_1883] {strides = array<i32>} : memref<16x128xf32, #tpu.memory_space<vmem>>, vector<16xf32>,
    %add3A_1885 = arith.addf %add3A_1880, %get3A_1884 : vector<16xf32>
    %get3A_1886 = arith.constant 0 : i32
    %get3A_1887 = arith.index_cast %get3A_1886 : i32 to index
    %get3A_1888 = arith.constant 112 : index
    %get3A_1889 = tpu.vector_load %arg30[%get3A_1887, %get3A_1888] {strides = array<i32>} : memref<2x128xf32, #tpu.memory_space<vmem>>, vector<16xf32>,
    %mul3A_1890 = arith.constant 9.99999974E-5 : f32
    %mul3A_1891 = vector.broadcast %mul3A_1890 : f32 to vector<16xf32>
    %mul3A_1892 = arith.mulf %add3A_1885, %mul3A_1891 : vector<16xf32>
    %mul3A_1893 = arith.mulf %get3A_1889, %get3A_1889 : vector<16xf32>
    %sub3A_1894 = arith.subf %mul3A_1892, %mul3A_1893 : vector<16xf32>
    %add3A_1895 = arith.constant 9.99999974E-6 : f32
    %add3A_1896 = vector.broadcast %add3A_1895 : f32 to vector<16xf32>
    %add3A_1897 = arith.addf %sub3A_1894, %add3A_1896 : vector<16xf32>
    %bitcast3A_1898 = vector.bitcast %add3A_1897 : vector<16xf32> to vector<16xi32>
    %shift_right_arithmetic3A_1899 = arith.constant 1 : i32
    %shift_right_arithmetic3A_1900 = vector.broadcast %shift_right_arithmetic3A_1899 : i32 to vector<16xi32>
    %shift_right_arithmetic3A_1901 = arith.shrsi %bitcast3A_1898, %shift_right_arithmetic3A_1900 : vector<16xi32>
    %sub3A_1902 = arith.constant 1597463007 : i32
    %sub3A_1903 = vector.broadcast %sub3A_1902 : i32 to vector<16xi32>
    %sub3A_1904 = arith.subi %sub3A_1903, %shift_right_arithmetic3A_1901 : vector<16xi32>
    %bitcast3A_1905 = vector.bitcast %sub3A_1904 : vector<16xi32> to vector<16xf32>
    %mul3A_1906 = arith.constant 5.000000e-01 : f32
    %mul3A_1907 = vector.broadcast %mul3A_1906 : f32 to vector<16xf32>
    %mul3A_1908 = arith.mulf %mul3A_1907, %add3A_1897 : vector<16xf32>
    %mul3A_1909 = arith.mulf %mul3A_1908, %bitcast3A_1905 : vector<16xf32>
    %mul3A_1910 = arith.mulf %mul3A_1909, %bitcast3A_1905 : vector<16xf32>
    %sub3A_1911 = arith.constant 1.500000e+00 : f32
    %sub3A_1912 = vector.broadcast %sub3A_1911 : f32 to vector<16xf32>
    %sub3A_1913 = arith.subf %sub3A_1912, %mul3A_1910 : vector<16xf32>
    %mul3A_1914 = arith.mulf %bitcast3A_1905, %sub3A_1913 : vector<16xf32>
    %mul3A_1915 = arith.constant 5.000000e-01 : f32
    %mul3A_1916 = vector.broadcast %mul3A_1915 : f32 to vector<16xf32>
    %mul3A_1917 = arith.mulf %mul3A_1916, %add3A_1897 : vector<16xf32>
    %mul3A_1918 = arith.mulf %mul3A_1917, %mul3A_1914 : vector<16xf32>
    %mul3A_1919 = arith.mulf %mul3A_1918, %mul3A_1914 : vector<16xf32>
    %sub3A_1920 = arith.constant 1.500000e+00 : f32
    %sub3A_1921 = vector.broadcast %sub3A_1920 : f32 to vector<16xf32>
    %sub3A_1922 = arith.subf %sub3A_1921, %mul3A_1919 : vector<16xf32>
    %mul3A_1923 = arith.mulf %mul3A_1914, %sub3A_1922 : vector<16xf32>
    %mul3A_1924 = arith.constant 5.000000e-01 : f32
    %mul3A_1925 = vector.broadcast %mul3A_1924 : f32 to vector<16xf32>
    %mul3A_1926 = arith.mulf %mul3A_1925, %add3A_1897 : vector<16xf32>
    %mul3A_1927 = arith.mulf %mul3A_1926, %mul3A_1923 : vector<16xf32>
    %mul3A_1928 = arith.mulf %mul3A_1927, %mul3A_1923 : vector<16xf32>
    %sub3A_1929 = arith.constant 1.500000e+00 : f32
    %sub3A_1930 = vector.broadcast %sub3A_1929 : f32 to vector<16xf32>
    %sub3A_1931 = arith.subf %sub3A_1930, %mul3A_1928 : vector<16xf32>
    %mul3A_1932 = arith.mulf %mul3A_1923, %sub3A_1931 : vector<16xf32>
    %mul3A_1933 = arith.constant 5.000000e-01 : f32
    %mul3A_1934 = vector.broadcast %mul3A_1933 : f32 to vector<16xf32>
    %mul3A_1935 = arith.mulf %mul3A_1934, %add3A_1897 : vector<16xf32>
    %mul3A_1936 = arith.mulf %mul3A_1935, %mul3A_1932 : vector<16xf32>
    %mul3A_1937 = arith.mulf %mul3A_1936, %mul3A_1932 : vector<16xf32>
    %sub3A_1938 = arith.constant 1.500000e+00 : f32
    %sub3A_1939 = vector.broadcast %sub3A_1938 : f32 to vector<16xf32>
    %sub3A_1940 = arith.subf %sub3A_1939, %mul3A_1937 : vector<16xf32>
    %mul3A_1941 = arith.mulf %mul3A_1932, %sub3A_1940 : vector<16xf32>
    %swap3A_1942 = arith.constant 1 : i32
    %swap3A_1943 = arith.index_cast %swap3A_1942 : i32 to index
    %swap3A_1944 = arith.constant 112 : index
    %swap3A_1945 = tpu.vector_load %arg30[%swap3A_1943, %swap3A_1944] {strides = array<i32>} : memref<2x128xf32, #tpu.memory_space<vmem>>, vector<16xf32>,
    tpu.vector_store %arg30[%swap3A_1943, %swap3A_1944], %mul3A_1941 {strides = array<i32>} : memref<2x128xf32, #tpu.memory_space<vmem>>, vector<16xf32>,
    %eq3A_1946 = arith.constant 0 : i32
    %eq3A_1947 = arith.cmpi eq, %arg0, %eq3A_1946 : i32
    %convert_element_type3A_1948 = arith.extui %eq3A_1947 : i1 to i32
    %cond3A_1949 = arith.constant 0 : i32
    %cond3A_1950 = arith.cmpi ne, %convert_element_type3A_1948, %cond3A_1949 : i32
    scf.if %cond3A_1950 {
      %scan3A_1956 = arith.constant 0 : i32
      %scan3A_1957 = arith.constant 40 : i32
      %scan3A_1958 = arith.addi %scan3A_1956, %scan3A_1957 : i32
      %scan3A_1959 = arith.constant 1 : i32
      scf.for %scan3A_1961 = %scan3A_1956 to %scan3A_1958 step %scan3A_1959  : i32 {
        %mul3A_1962 = arith.constant 1 : i32
        %mul3A_1963 = arith.muli %scan3A_1961, %mul3A_1962 : i32
        %add3A_1964 = arith.constant 0 : i32
        %add3A_1965 = arith.addi %add3A_1964, %mul3A_1963 : i32
        %mul3A_1966 = arith.constant 16 : i32
        %mul3A_1967 = arith.muli %add3A_1965, %mul3A_1966 : i32
        %add3A_1968 = arith.addi %mul3A_0, %mul3A_1967 : i32
        %lt3A = arith.constant 10000 : i32
        %lt3A_1969 = arith.cmpi slt, %add3A_1968, %lt3A : i32
        %convert_element_type3A_1970 = arith.extui %lt3A_1969 : i1 to i32
        %cond3A_1971 = arith.constant 0 : i32
        %cond3A_1972 = arith.cmpi ne, %convert_element_type3A_1970, %cond3A_1971 : i32
        scf.if %cond3A_1972 {
          %mul3A_1973 = arith.constant 16 : i32
          %mul3A_1974 = arith.muli %add3A_1965, %mul3A_1973 : i32
          %add3A_1975 = arith.addi %mul3A_0, %mul3A_1974 : i32
          "tpu.region"() ({
            %run_scoped3A_1984 = tpu.sem_alloc : memref<!tpu.dma_semaphore, #tpu.memory_space<semaphore_mem>>
            %dma_start3A = arith.constant 0 : i32
            %dma_start3A_1985 = tpu.memref_slice %arg14[%add3A_1975, %dma_start3A] : memref<10000x128xf32, #tpu.memory_space<vmem_shared>> -> memref<16x128xf32, #tpu.memory_space<vmem_shared>>
            %dma_start3A_1986 = arith.constant 0 : i32
            %dma_start3A_1987 = tpu.memref_slice %arg14[%add3A_1975, %dma_start3A_1986] : memref<10000x128xf32, #tpu.memory_space<vmem_shared>> -> memref<16x128xf32, #tpu.memory_space<vmem_shared>>
            tpu.enqueue_dma source(%dma_start3A_1987 : memref<16x128xf32, #tpu.memory_space<vmem_shared>>) target(%arg26 : memref<16x128xf32, #tpu.memory_space<vmem>>) target_semaphore(%run_scoped3A_1984 : memref<!tpu.dma_semaphore, #tpu.memory_space<semaphore_mem>>)
            %dma_wait3A = arith.constant 0 : i32
            %dma_wait3A_1988 = tpu.memref_slice %arg14[%add3A_1975, %dma_wait3A] : memref<10000x128xf32, #tpu.memory_space<vmem_shared>> -> memref<16x128xf32, #tpu.memory_space<vmem_shared>>
            %dma_wait3A_1989 = arith.constant 0 : i32
            %dma_wait3A_1990 = tpu.memref_slice %arg14[%add3A_1975, %dma_wait3A_1989] : memref<10000x128xf32, #tpu.memory_space<vmem_shared>> -> memref<16x128xf32, #tpu.memory_space<vmem_shared>>
            tpu.wait_dma2 semaphore(%run_scoped3A_1984 : memref<!tpu.dma_semaphore, #tpu.memory_space<semaphore_mem>>) src(%dma_wait3A_1990 : memref<16x128xf32, #tpu.memory_space<vmem_shared>>) dst(%arg26 : memref<16x128xf32, #tpu.memory_space<vmem>>)
            tpu.yield
          }) : () -> ()
          %scan3A_1976 = arith.constant 0 : i32
          %scan3A_1977 = arith.constant 16 : i32
          %scan3A_1978 = arith.addi %scan3A_1976, %scan3A_1977 : i32
          %scan3A_1979 = arith.constant 1 : i32
          scf.for %scan3A_1984 = %scan3A_1976 to %scan3A_1978 step %scan3A_1979  : i32 {
            %mul3A_1985 = arith.constant 1 : i32
            %mul3A_1986 = arith.muli %scan3A_1984, %mul3A_1985 : i32
            %add3A_1987 = arith.constant 0 : i32
            %add3A_1988 = arith.addi %add3A_1987, %mul3A_1986 : i32
            %get3A_1989 = arith.constant 128 : index
            %get3A_1990 = tpu.vector_load %arg19[%get3A_1989] {strides = array<i32>} : memref<640xf32, #tpu.memory_space<vmem>>, vector<16xf32>,
            %get3A_1991 = arith.constant 256 : index
            %get3A_1992 = tpu.vector_load %arg19[%get3A_1991] {strides = array<i32>} : memref<640xf32, #tpu.memory_space<vmem>>, vector<16xf32>,
            %get3A_1993 = arith.index_cast %add3A_1988 : i32 to index
            %get3A_1994 = arith.constant 0 : index
            %get3A_1995 = tpu.vector_load %arg26[%get3A_1993, %get3A_1994] {strides = array<i32>} : memref<16x128xf32, #tpu.memory_space<vmem>>, vector<16xf32>,
            %get3A_1996 = arith.constant 0 : i32
            %get3A_1997 = arith.index_cast %get3A_1996 : i32 to index
            %get3A_1998 = arith.constant 0 : index
            %get3A_1999 = tpu.vector_load %arg30[%get3A_1997, %get3A_1998] {strides = array<i32>} : memref<2x128xf32, #tpu.memory_space<vmem>>, vector<16xf32>,
            %sub3A_2000 = arith.subf %get3A_1995, %get3A_1999 : vector<16xf32>
            %get3A_2001 = arith.constant 1 : i32
            %get3A_2002 = arith.index_cast %get3A_2001 : i32 to index
            %get3A_2003 = arith.constant 0 : index
            %get3A_2004 = tpu.vector_load %arg30[%get3A_2002, %get3A_2003] {strides = array<i32>} : memref<2x128xf32, #tpu.memory_space<vmem>>, vector<16xf32>,
            %mul3A_2005 = arith.mulf %sub3A_2000, %get3A_2004 : vector<16xf32>
            %mul3A_2006 = arith.mulf %mul3A_2005, %get3A_1990 : vector<16xf32>
            %add3A_2007 = arith.addf %mul3A_2006, %get3A_1992 : vector<16xf32>
            %swap3A_2008 = arith.index_cast %add3A_1988 : i32 to index
            %swap3A_2009 = arith.constant 0 : index
            %swap3A_2010 = tpu.vector_load %arg26[%swap3A_2008, %swap3A_2009] {strides = array<i32>} : memref<16x128xf32, #tpu.memory_space<vmem>>, vector<16xf32>,
            tpu.vector_store %arg26[%swap3A_2008, %swap3A_2009], %add3A_2007 {strides = array<i32>} : memref<16x128xf32, #tpu.memory_space<vmem>>, vector<16xf32>,
            %get3A_2011 = arith.constant 144 : index
            %get3A_2012 = tpu.vector_load %arg19[%get3A_2011] {strides = array<i32>} : memref<640xf32, #tpu.memory_space<vmem>>, vector<16xf32>,
            %get3A_2013 = arith.constant 272 : index
            %get3A_2014 = tpu.vector_load %arg19[%get3A_2013] {strides = array<i32>} : memref<640xf32, #tpu.memory_space<vmem>>, vector<16xf32>,
            %get3A_2015 = arith.index_cast %add3A_1988 : i32 to index
            %get3A_2016 = arith.constant 16 : index
            %get3A_2017 = tpu.vector_load %arg26[%get3A_2015, %get3A_2016] {strides = array<i32>} : memref<16x128xf32, #tpu.memory_space<vmem>>, vector<16xf32>,
            %get3A_2018 = arith.constant 0 : i32
            %get3A_2019 = arith.index_cast %get3A_2018 : i32 to index
            %get3A_2020 = arith.constant 16 : index
            %get3A_2021 = tpu.vector_load %arg30[%get3A_2019, %get3A_2020] {strides = array<i32>} : memref<2x128xf32, #tpu.memory_space<vmem>>, vector<16xf32>,
            %sub3A_2022 = arith.subf %get3A_2017, %get3A_2021 : vector<16xf32>
            %get3A_2023 = arith.constant 1 : i32
            %get3A_2024 = arith.index_cast %get3A_2023 : i32 to index
            %get3A_2025 = arith.constant 16 : index
            %get3A_2026 = tpu.vector_load %arg30[%get3A_2024, %get3A_2025] {strides = array<i32>} : memref<2x128xf32, #tpu.memory_space<vmem>>, vector<16xf32>,
            %mul3A_2027 = arith.mulf %sub3A_2022, %get3A_2026 : vector<16xf32>
            %mul3A_2028 = arith.mulf %mul3A_2027, %get3A_2012 : vector<16xf32>
            %add3A_2029 = arith.addf %mul3A_2028, %get3A_2014 : vector<16xf32>
            %swap3A_2030 = arith.index_cast %add3A_1988 : i32 to index
            %swap3A_2031 = arith.constant 16 : index
            %swap3A_2032 = tpu.vector_load %arg26[%swap3A_2030, %swap3A_2031] {strides = array<i32>} : memref<16x128xf32, #tpu.memory_space<vmem>>, vector<16xf32>,
            tpu.vector_store %arg26[%swap3A_2030, %swap3A_2031], %add3A_2029 {strides = array<i32>} : memref<16x128xf32, #tpu.memory_space<vmem>>, vector<16xf32>,
            %get3A_2033 = arith.constant 160 : index
            %get3A_2034 = tpu.vector_load %arg19[%get3A_2033] {strides = array<i32>} : memref<640xf32, #tpu.memory_space<vmem>>, vector<16xf32>,
            %get3A_2035 = arith.constant 288 : index
            %get3A_2036 = tpu.vector_load %arg19[%get3A_2035] {strides = array<i32>} : memref<640xf32, #tpu.memory_space<vmem>>, vector<16xf32>,
            %get3A_2037 = arith.index_cast %add3A_1988 : i32 to index
            %get3A_2038 = arith.constant 32 : index
            %get3A_2039 = tpu.vector_load %arg26[%get3A_2037, %get3A_2038] {strides = array<i32>} : memref<16x128xf32, #tpu.memory_space<vmem>>, vector<16xf32>,
            %get3A_2040 = arith.constant 0 : i32
            %get3A_2041 = arith.index_cast %get3A_2040 : i32 to index
            %get3A_2042 = arith.constant 32 : index
            %get3A_2043 = tpu.vector_load %arg30[%get3A_2041, %get3A_2042] {strides = array<i32>} : memref<2x128xf32, #tpu.memory_space<vmem>>, vector<16xf32>,
            %sub3A_2044 = arith.subf %get3A_2039, %get3A_2043 : vector<16xf32>
            %get3A_2045 = arith.constant 1 : i32
            %get3A_2046 = arith.index_cast %get3A_2045 : i32 to index
            %get3A_2047 = arith.constant 32 : index
            %get3A_2048 = tpu.vector_load %arg30[%get3A_2046, %get3A_2047] {strides = array<i32>} : memref<2x128xf32, #tpu.memory_space<vmem>>, vector<16xf32>,
            %mul3A_2049 = arith.mulf %sub3A_2044, %get3A_2048 : vector<16xf32>
            %mul3A_2050 = arith.mulf %mul3A_2049, %get3A_2034 : vector<16xf32>
            %add3A_2051 = arith.addf %mul3A_2050, %get3A_2036 : vector<16xf32>
            %swap3A_2052 = arith.index_cast %add3A_1988 : i32 to index
            %swap3A_2053 = arith.constant 32 : index
            %swap3A_2054 = tpu.vector_load %arg26[%swap3A_2052, %swap3A_2053] {strides = array<i32>} : memref<16x128xf32, #tpu.memory_space<vmem>>, vector<16xf32>,
            tpu.vector_store %arg26[%swap3A_2052, %swap3A_2053], %add3A_2051 {strides = array<i32>} : memref<16x128xf32, #tpu.memory_space<vmem>>, vector<16xf32>,
            %get3A_2055 = arith.constant 176 : index
            %get3A_2056 = tpu.vector_load %arg19[%get3A_2055] {strides = array<i32>} : memref<640xf32, #tpu.memory_space<vmem>>, vector<16xf32>,
            %get3A_2057 = arith.constant 304 : index
            %get3A_2058 = tpu.vector_load %arg19[%get3A_2057] {strides = array<i32>} : memref<640xf32, #tpu.memory_space<vmem>>, vector<16xf32>,
            %get3A_2059 = arith.index_cast %add3A_1988 : i32 to index
            %get3A_2060 = arith.constant 48 : index
            %get3A_2061 = tpu.vector_load %arg26[%get3A_2059, %get3A_2060] {strides = array<i32>} : memref<16x128xf32, #tpu.memory_space<vmem>>, vector<16xf32>,
            %get3A_2062 = arith.constant 0 : i32
            %get3A_2063 = arith.index_cast %get3A_2062 : i32 to index
            %get3A_2064 = arith.constant 48 : index
            %get3A_2065 = tpu.vector_load %arg30[%get3A_2063, %get3A_2064] {strides = array<i32>} : memref<2x128xf32, #tpu.memory_space<vmem>>, vector<16xf32>,
            %sub3A_2066 = arith.subf %get3A_2061, %get3A_2065 : vector<16xf32>
            %get3A_2067 = arith.constant 1 : i32
            %get3A_2068 = arith.index_cast %get3A_2067 : i32 to index
            %get3A_2069 = arith.constant 48 : index
            %get3A_2070 = tpu.vector_load %arg30[%get3A_2068, %get3A_2069] {strides = array<i32>} : memref<2x128xf32, #tpu.memory_space<vmem>>, vector<16xf32>,
            %mul3A_2071 = arith.mulf %sub3A_2066, %get3A_2070 : vector<16xf32>
            %mul3A_2072 = arith.mulf %mul3A_2071, %get3A_2056 : vector<16xf32>
            %add3A_2073 = arith.addf %mul3A_2072, %get3A_2058 : vector<16xf32>
            %swap3A_2074 = arith.index_cast %add3A_1988 : i32 to index
            %swap3A_2075 = arith.constant 48 : index
            %swap3A_2076 = tpu.vector_load %arg26[%swap3A_2074, %swap3A_2075] {strides = array<i32>} : memref<16x128xf32, #tpu.memory_space<vmem>>, vector<16xf32>,
            tpu.vector_store %arg26[%swap3A_2074, %swap3A_2075], %add3A_2073 {strides = array<i32>} : memref<16x128xf32, #tpu.memory_space<vmem>>, vector<16xf32>,
            %get3A_2077 = arith.constant 192 : index
            %get3A_2078 = tpu.vector_load %arg19[%get3A_2077] {strides = array<i32>} : memref<640xf32, #tpu.memory_space<vmem>>, vector<16xf32>,
            %get3A_2079 = arith.constant 320 : index
            %get3A_2080 = tpu.vector_load %arg19[%get3A_2079] {strides = array<i32>} : memref<640xf32, #tpu.memory_space<vmem>>, vector<16xf32>,
            %get3A_2081 = arith.index_cast %add3A_1988 : i32 to index
            %get3A_2082 = arith.constant 64 : index
            %get3A_2083 = tpu.vector_load %arg26[%get3A_2081, %get3A_2082] {strides = array<i32>} : memref<16x128xf32, #tpu.memory_space<vmem>>, vector<16xf32>,
            %get3A_2084 = arith.constant 0 : i32
            %get3A_2085 = arith.index_cast %get3A_2084 : i32 to index
            %get3A_2086 = arith.constant 64 : index
            %get3A_2087 = tpu.vector_load %arg30[%get3A_2085, %get3A_2086] {strides = array<i32>} : memref<2x128xf32, #tpu.memory_space<vmem>>, vector<16xf32>,
            %sub3A_2088 = arith.subf %get3A_2083, %get3A_2087 : vector<16xf32>
            %get3A_2089 = arith.constant 1 : i32
            %get3A_2090 = arith.index_cast %get3A_2089 : i32 to index
            %get3A_2091 = arith.constant 64 : index
            %get3A_2092 = tpu.vector_load %arg30[%get3A_2090, %get3A_2091] {strides = array<i32>} : memref<2x128xf32, #tpu.memory_space<vmem>>, vector<16xf32>,
            %mul3A_2093 = arith.mulf %sub3A_2088, %get3A_2092 : vector<16xf32>
            %mul3A_2094 = arith.mulf %mul3A_2093, %get3A_2078 : vector<16xf32>
            %add3A_2095 = arith.addf %mul3A_2094, %get3A_2080 : vector<16xf32>
            %swap3A_2096 = arith.index_cast %add3A_1988 : i32 to index
            %swap3A_2097 = arith.constant 64 : index
            %swap3A_2098 = tpu.vector_load %arg26[%swap3A_2096, %swap3A_2097] {strides = array<i32>} : memref<16x128xf32, #tpu.memory_space<vmem>>, vector<16xf32>,
            tpu.vector_store %arg26[%swap3A_2096, %swap3A_2097], %add3A_2095 {strides = array<i32>} : memref<16x128xf32, #tpu.memory_space<vmem>>, vector<16xf32>,
            %get3A_2099 = arith.constant 208 : index
            %get3A_2100 = tpu.vector_load %arg19[%get3A_2099] {strides = array<i32>} : memref<640xf32, #tpu.memory_space<vmem>>, vector<16xf32>,
            %get3A_2101 = arith.constant 336 : index
            %get3A_2102 = tpu.vector_load %arg19[%get3A_2101] {strides = array<i32>} : memref<640xf32, #tpu.memory_space<vmem>>, vector<16xf32>,
            %get3A_2103 = arith.index_cast %add3A_1988 : i32 to index
            %get3A_2104 = arith.constant 80 : index
            %get3A_2105 = tpu.vector_load %arg26[%get3A_2103, %get3A_2104] {strides = array<i32>} : memref<16x128xf32, #tpu.memory_space<vmem>>, vector<16xf32>,
            %get3A_2106 = arith.constant 0 : i32
            %get3A_2107 = arith.index_cast %get3A_2106 : i32 to index
            %get3A_2108 = arith.constant 80 : index
            %get3A_2109 = tpu.vector_load %arg30[%get3A_2107, %get3A_2108] {strides = array<i32>} : memref<2x128xf32, #tpu.memory_space<vmem>>, vector<16xf32>,
            %sub3A_2110 = arith.subf %get3A_2105, %get3A_2109 : vector<16xf32>
            %get3A_2111 = arith.constant 1 : i32
            %get3A_2112 = arith.index_cast %get3A_2111 : i32 to index
            %get3A_2113 = arith.constant 80 : index
            %get3A_2114 = tpu.vector_load %arg30[%get3A_2112, %get3A_2113] {strides = array<i32>} : memref<2x128xf32, #tpu.memory_space<vmem>>, vector<16xf32>,
            %mul3A_2115 = arith.mulf %sub3A_2110, %get3A_2114 : vector<16xf32>
            %mul3A_2116 = arith.mulf %mul3A_2115, %get3A_2100 : vector<16xf32>
            %add3A_2117 = arith.addf %mul3A_2116, %get3A_2102 : vector<16xf32>
            %swap3A_2118 = arith.index_cast %add3A_1988 : i32 to index
            %swap3A_2119 = arith.constant 80 : index
            %swap3A_2120 = tpu.vector_load %arg26[%swap3A_2118, %swap3A_2119] {strides = array<i32>} : memref<16x128xf32, #tpu.memory_space<vmem>>, vector<16xf32>,
            tpu.vector_store %arg26[%swap3A_2118, %swap3A_2119], %add3A_2117 {strides = array<i32>} : memref<16x128xf32, #tpu.memory_space<vmem>>, vector<16xf32>,
            %get3A_2121 = arith.constant 224 : index
            %get3A_2122 = tpu.vector_load %arg19[%get3A_2121] {strides = array<i32>} : memref<640xf32, #tpu.memory_space<vmem>>, vector<16xf32>,
            %get3A_2123 = arith.constant 352 : index
            %get3A_2124 = tpu.vector_load %arg19[%get3A_2123] {strides = array<i32>} : memref<640xf32, #tpu.memory_space<vmem>>, vector<16xf32>,
            %get3A_2125 = arith.index_cast %add3A_1988 : i32 to index
            %get3A_2126 = arith.constant 96 : index
            %get3A_2127 = tpu.vector_load %arg26[%get3A_2125, %get3A_2126] {strides = array<i32>} : memref<16x128xf32, #tpu.memory_space<vmem>>, vector<16xf32>,
            %get3A_2128 = arith.constant 0 : i32
            %get3A_2129 = arith.index_cast %get3A_2128 : i32 to index
            %get3A_2130 = arith.constant 96 : index
            %get3A_2131 = tpu.vector_load %arg30[%get3A_2129, %get3A_2130] {strides = array<i32>} : memref<2x128xf32, #tpu.memory_space<vmem>>, vector<16xf32>,
            %sub3A_2132 = arith.subf %get3A_2127, %get3A_2131 : vector<16xf32>
            %get3A_2133 = arith.constant 1 : i32
            %get3A_2134 = arith.index_cast %get3A_2133 : i32 to index
            %get3A_2135 = arith.constant 96 : index
            %get3A_2136 = tpu.vector_load %arg30[%get3A_2134, %get3A_2135] {strides = array<i32>} : memref<2x128xf32, #tpu.memory_space<vmem>>, vector<16xf32>,
            %mul3A_2137 = arith.mulf %sub3A_2132, %get3A_2136 : vector<16xf32>
            %mul3A_2138 = arith.mulf %mul3A_2137, %get3A_2122 : vector<16xf32>
            %add3A_2139 = arith.addf %mul3A_2138, %get3A_2124 : vector<16xf32>
            %swap3A_2140 = arith.index_cast %add3A_1988 : i32 to index
            %swap3A_2141 = arith.constant 96 : index
            %swap3A_2142 = tpu.vector_load %arg26[%swap3A_2140, %swap3A_2141] {strides = array<i32>} : memref<16x128xf32, #tpu.memory_space<vmem>>, vector<16xf32>,
            tpu.vector_store %arg26[%swap3A_2140, %swap3A_2141], %add3A_2139 {strides = array<i32>} : memref<16x128xf32, #tpu.memory_space<vmem>>, vector<16xf32>,
            %get3A_2143 = arith.constant 240 : index
            %get3A_2144 = tpu.vector_load %arg19[%get3A_2143] {strides = array<i32>} : memref<640xf32, #tpu.memory_space<vmem>>, vector<16xf32>,
            %get3A_2145 = arith.constant 368 : index
            %get3A_2146 = tpu.vector_load %arg19[%get3A_2145] {strides = array<i32>} : memref<640xf32, #tpu.memory_space<vmem>>, vector<16xf32>,
            %get3A_2147 = arith.index_cast %add3A_1988 : i32 to index
            %get3A_2148 = arith.constant 112 : index
            %get3A_2149 = tpu.vector_load %arg26[%get3A_2147, %get3A_2148] {strides = array<i32>} : memref<16x128xf32, #tpu.memory_space<vmem>>, vector<16xf32>,
            %get3A_2150 = arith.constant 0 : i32
            %get3A_2151 = arith.index_cast %get3A_2150 : i32 to index
            %get3A_2152 = arith.constant 112 : index
            %get3A_2153 = tpu.vector_load %arg30[%get3A_2151, %get3A_2152] {strides = array<i32>} : memref<2x128xf32, #tpu.memory_space<vmem>>, vector<16xf32>,
            %sub3A_2154 = arith.subf %get3A_2149, %get3A_2153 : vector<16xf32>
            %get3A_2155 = arith.constant 1 : i32
            %get3A_2156 = arith.index_cast %get3A_2155 : i32 to index
            %get3A_2157 = arith.constant 112 : index
            %get3A_2158 = tpu.vector_load %arg30[%get3A_2156, %get3A_2157] {strides = array<i32>} : memref<2x128xf32, #tpu.memory_space<vmem>>, vector<16xf32>,
            %mul3A_2159 = arith.mulf %sub3A_2154, %get3A_2158 : vector<16xf32>
            %mul3A_2160 = arith.mulf %mul3A_2159, %get3A_2144 : vector<16xf32>
            %add3A_2161 = arith.addf %mul3A_2160, %get3A_2146 : vector<16xf32>
            %swap3A_2162 = arith.index_cast %add3A_1988 : i32 to index
            %swap3A_2163 = arith.constant 112 : index
            %swap3A_2164 = tpu.vector_load %arg26[%swap3A_2162, %swap3A_2163] {strides = array<i32>} : memref<16x128xf32, #tpu.memory_space<vmem>>, vector<16xf32>,
            tpu.vector_store %arg26[%swap3A_2162, %swap3A_2163], %add3A_2161 {strides = array<i32>} : memref<16x128xf32, #tpu.memory_space<vmem>>, vector<16xf32>,
          }
          %scan3A_1980 = arith.constant 16 : i32
          %mul3A_1981 = arith.constant 16 : i32
          %mul3A_1982 = arith.muli %add3A_1965, %mul3A_1981 : i32
          %add3A_1983 = arith.addi %mul3A_0, %mul3A_1982 : i32
          "tpu.region"() ({
            %run_scoped3A_1984 = tpu.sem_alloc : memref<!tpu.dma_semaphore, #tpu.memory_space<semaphore_mem>>
            %dma_start3A = arith.constant 0 : i32
            %dma_start3A_1985 = tpu.memref_slice %arg12[%add3A_1983, %dma_start3A] : memref<10000x128xf32, #tpu.memory_space<hbm>> -> memref<16x128xf32, #tpu.memory_space<hbm>>
            %dma_start3A_1986 = arith.constant 0 : i32
            %dma_start3A_1987 = tpu.memref_slice %arg12[%add3A_1983, %dma_start3A_1986] : memref<10000x128xf32, #tpu.memory_space<hbm>> -> memref<16x128xf32, #tpu.memory_space<hbm>>
            tpu.enqueue_dma source(%arg26 : memref<16x128xf32, #tpu.memory_space<vmem>>) target(%dma_start3A_1987 : memref<16x128xf32, #tpu.memory_space<hbm>>) target_semaphore(%run_scoped3A_1984 : memref<!tpu.dma_semaphore, #tpu.memory_space<semaphore_mem>>)
            %dma_wait3A = arith.constant 0 : i32
            %dma_wait3A_1988 = tpu.memref_slice %arg12[%add3A_1983, %dma_wait3A] : memref<10000x128xf32, #tpu.memory_space<hbm>> -> memref<16x128xf32, #tpu.memory_space<hbm>>
            %dma_wait3A_1989 = arith.constant 0 : i32
            %dma_wait3A_1990 = tpu.memref_slice %arg12[%add3A_1983, %dma_wait3A_1989] : memref<10000x128xf32, #tpu.memory_space<hbm>> -> memref<16x128xf32, #tpu.memory_space<hbm>>
            tpu.wait_dma2 semaphore(%run_scoped3A_1984 : memref<!tpu.dma_semaphore, #tpu.memory_space<semaphore_mem>>) src(%arg26 : memref<16x128xf32, #tpu.memory_space<vmem>>) dst(%dma_wait3A_1990 : memref<16x128xf32, #tpu.memory_space<hbm>>)
            tpu.yield
          }) : () -> ()
        } else {
        }
      }
      %scan3A_1960 = arith.constant 40 : i32
    } else {
    }
    %eq3A_1951 = arith.constant 1 : i32
    %eq3A_1952 = arith.cmpi eq, %arg0, %eq3A_1951 : i32
    %convert_element_type3A_1953 = arith.extui %eq3A_1952 : i1 to i32
    %cond3A_1954 = arith.constant 0 : i32
    %cond3A_1955 = arith.cmpi ne, %convert_element_type3A_1953, %cond3A_1954 : i32
    scf.if %cond3A_1955 {
      %broadcast_in_dim3A_1956 = arith.constant 0.000000e+00 : f32
      %broadcast_in_dim3A_1957 = vector.broadcast %broadcast_in_dim3A_1956 : f32 to vector<16xf32>
      %get3A_1958 = arith.constant 128 : index
      %get3A_1959 = tpu.vector_load %arg19[%get3A_1958] {strides = array<i32>} : memref<640xf32, #tpu.memory_space<vmem>>, vector<16xf32>,
      %get3A_1960 = arith.constant 256 : index
      %get3A_1961 = tpu.vector_load %arg19[%get3A_1960] {strides = array<i32>} : memref<640xf32, #tpu.memory_space<vmem>>, vector<16xf32>,
      %get3A_1962 = arith.constant 384 : index
      %get3A_1963 = tpu.vector_load %arg19[%get3A_1962] {strides = array<i32>} : memref<640xf32, #tpu.memory_space<vmem>>, vector<16xf32>,
      %get3A_1964 = arith.constant 1 : i32
      %get3A_1965 = arith.index_cast %get3A_1964 : i32 to index
      %get3A_1966 = arith.constant 0 : index
      %get3A_1967 = tpu.vector_load %arg30[%get3A_1965, %get3A_1966] {strides = array<i32>} : memref<2x128xf32, #tpu.memory_space<vmem>>, vector<16xf32>,
      %mul3A_1968 = arith.mulf %get3A_1959, %get3A_1967 : vector<16xf32>
      %mul3A_1969 = arith.mulf %mul3A_1968, %get3A_1963 : vector<16xf32>
      %swap3A_1970 = arith.constant 0 : index
      %swap3A_1971 = tpu.vector_load %arg31[%swap3A_1970] {strides = array<i32>} : memref<128xf32, #tpu.memory_space<vmem>>, vector<16xf32>,
      tpu.vector_store %arg31[%swap3A_1970], %mul3A_1969 {strides = array<i32>} : memref<128xf32, #tpu.memory_space<vmem>>, vector<16xf32>,
      %get3A_1972 = arith.constant 0 : i32
      %get3A_1973 = arith.index_cast %get3A_1972 : i32 to index
      %get3A_1974 = arith.constant 0 : index
      %get3A_1975 = tpu.vector_load %arg30[%get3A_1973, %get3A_1974] {strides = array<i32>} : memref<2x128xf32, #tpu.memory_space<vmem>>, vector<16xf32>,
      %mul3A_1976 = arith.mulf %get3A_1975, %mul3A_1968 : vector<16xf32>
      %sub3A_1977 = arith.subf %get3A_1961, %mul3A_1976 : vector<16xf32>
      %mul3A_1978 = arith.mulf %sub3A_1977, %get3A_1963 : vector<16xf32>
      %add3A_1979 = arith.addf %broadcast_in_dim3A_1957, %mul3A_1978 : vector<16xf32>
      %get3A_1980 = arith.constant 144 : index
      %get3A_1981 = tpu.vector_load %arg19[%get3A_1980] {strides = array<i32>} : memref<640xf32, #tpu.memory_space<vmem>>, vector<16xf32>,
      %get3A_1982 = arith.constant 272 : index
      %get3A_1983 = tpu.vector_load %arg19[%get3A_1982] {strides = array<i32>} : memref<640xf32, #tpu.memory_space<vmem>>, vector<16xf32>,
      %get3A_1984 = arith.constant 400 : index
      %get3A_1985 = tpu.vector_load %arg19[%get3A_1984] {strides = array<i32>} : memref<640xf32, #tpu.memory_space<vmem>>, vector<16xf32>,
      %get3A_1986 = arith.constant 1 : i32
      %get3A_1987 = arith.index_cast %get3A_1986 : i32 to index
      %get3A_1988 = arith.constant 16 : index
      %get3A_1989 = tpu.vector_load %arg30[%get3A_1987, %get3A_1988] {strides = array<i32>} : memref<2x128xf32, #tpu.memory_space<vmem>>, vector<16xf32>,
      %mul3A_1990 = arith.mulf %get3A_1981, %get3A_1989 : vector<16xf32>
      %mul3A_1991 = arith.mulf %mul3A_1990, %get3A_1985 : vector<16xf32>
      %swap3A_1992 = arith.constant 16 : index
      %swap3A_1993 = tpu.vector_load %arg31[%swap3A_1992] {strides = array<i32>} : memref<128xf32, #tpu.memory_space<vmem>>, vector<16xf32>,
      tpu.vector_store %arg31[%swap3A_1992], %mul3A_1991 {strides = array<i32>} : memref<128xf32, #tpu.memory_space<vmem>>, vector<16xf32>,
      %get3A_1994 = arith.constant 0 : i32
      %get3A_1995 = arith.index_cast %get3A_1994 : i32 to index
      %get3A_1996 = arith.constant 16 : index
      %get3A_1997 = tpu.vector_load %arg30[%get3A_1995, %get3A_1996] {strides = array<i32>} : memref<2x128xf32, #tpu.memory_space<vmem>>, vector<16xf32>,
      %mul3A_1998 = arith.mulf %get3A_1997, %mul3A_1990 : vector<16xf32>
      %sub3A_1999 = arith.subf %get3A_1983, %mul3A_1998 : vector<16xf32>
      %mul3A_2000 = arith.mulf %sub3A_1999, %get3A_1985 : vector<16xf32>
      %add3A_2001 = arith.addf %add3A_1979, %mul3A_2000 : vector<16xf32>
      %get3A_2002 = arith.constant 160 : index
      %get3A_2003 = tpu.vector_load %arg19[%get3A_2002] {strides = array<i32>} : memref<640xf32, #tpu.memory_space<vmem>>, vector<16xf32>,
      %get3A_2004 = arith.constant 288 : index
      %get3A_2005 = tpu.vector_load %arg19[%get3A_2004] {strides = array<i32>} : memref<640xf32, #tpu.memory_space<vmem>>, vector<16xf32>,
      %get3A_2006 = arith.constant 416 : index
      %get3A_2007 = tpu.vector_load %arg19[%get3A_2006] {strides = array<i32>} : memref<640xf32, #tpu.memory_space<vmem>>, vector<16xf32>,
      %get3A_2008 = arith.constant 1 : i32
      %get3A_2009 = arith.index_cast %get3A_2008 : i32 to index
      %get3A_2010 = arith.constant 32 : index
      %get3A_2011 = tpu.vector_load %arg30[%get3A_2009, %get3A_2010] {strides = array<i32>} : memref<2x128xf32, #tpu.memory_space<vmem>>, vector<16xf32>,
      %mul3A_2012 = arith.mulf %get3A_2003, %get3A_2011 : vector<16xf32>
      %mul3A_2013 = arith.mulf %mul3A_2012, %get3A_2007 : vector<16xf32>
      %swap3A_2014 = arith.constant 32 : index
      %swap3A_2015 = tpu.vector_load %arg31[%swap3A_2014] {strides = array<i32>} : memref<128xf32, #tpu.memory_space<vmem>>, vector<16xf32>,
      tpu.vector_store %arg31[%swap3A_2014], %mul3A_2013 {strides = array<i32>} : memref<128xf32, #tpu.memory_space<vmem>>, vector<16xf32>,
      %get3A_2016 = arith.constant 0 : i32
      %get3A_2017 = arith.index_cast %get3A_2016 : i32 to index
      %get3A_2018 = arith.constant 32 : index
      %get3A_2019 = tpu.vector_load %arg30[%get3A_2017, %get3A_2018] {strides = array<i32>} : memref<2x128xf32, #tpu.memory_space<vmem>>, vector<16xf32>,
      %mul3A_2020 = arith.mulf %get3A_2019, %mul3A_2012 : vector<16xf32>
      %sub3A_2021 = arith.subf %get3A_2005, %mul3A_2020 : vector<16xf32>
      %mul3A_2022 = arith.mulf %sub3A_2021, %get3A_2007 : vector<16xf32>
      %add3A_2023 = arith.addf %add3A_2001, %mul3A_2022 : vector<16xf32>
      %get3A_2024 = arith.constant 176 : index
      %get3A_2025 = tpu.vector_load %arg19[%get3A_2024] {strides = array<i32>} : memref<640xf32, #tpu.memory_space<vmem>>, vector<16xf32>,
      %get3A_2026 = arith.constant 304 : index
      %get3A_2027 = tpu.vector_load %arg19[%get3A_2026] {strides = array<i32>} : memref<640xf32, #tpu.memory_space<vmem>>, vector<16xf32>,
      %get3A_2028 = arith.constant 432 : index
      %get3A_2029 = tpu.vector_load %arg19[%get3A_2028] {strides = array<i32>} : memref<640xf32, #tpu.memory_space<vmem>>, vector<16xf32>,
      %get3A_2030 = arith.constant 1 : i32
      %get3A_2031 = arith.index_cast %get3A_2030 : i32 to index
      %get3A_2032 = arith.constant 48 : index
      %get3A_2033 = tpu.vector_load %arg30[%get3A_2031, %get3A_2032] {strides = array<i32>} : memref<2x128xf32, #tpu.memory_space<vmem>>, vector<16xf32>,
      %mul3A_2034 = arith.mulf %get3A_2025, %get3A_2033 : vector<16xf32>
      %mul3A_2035 = arith.mulf %mul3A_2034, %get3A_2029 : vector<16xf32>
      %swap3A_2036 = arith.constant 48 : index
      %swap3A_2037 = tpu.vector_load %arg31[%swap3A_2036] {strides = array<i32>} : memref<128xf32, #tpu.memory_space<vmem>>, vector<16xf32>,
      tpu.vector_store %arg31[%swap3A_2036], %mul3A_2035 {strides = array<i32>} : memref<128xf32, #tpu.memory_space<vmem>>, vector<16xf32>,
      %get3A_2038 = arith.constant 0 : i32
      %get3A_2039 = arith.index_cast %get3A_2038 : i32 to index
      %get3A_2040 = arith.constant 48 : index
      %get3A_2041 = tpu.vector_load %arg30[%get3A_2039, %get3A_2040] {strides = array<i32>} : memref<2x128xf32, #tpu.memory_space<vmem>>, vector<16xf32>,
      %mul3A_2042 = arith.mulf %get3A_2041, %mul3A_2034 : vector<16xf32>
      %sub3A_2043 = arith.subf %get3A_2027, %mul3A_2042 : vector<16xf32>
      %mul3A_2044 = arith.mulf %sub3A_2043, %get3A_2029 : vector<16xf32>
      %add3A_2045 = arith.addf %add3A_2023, %mul3A_2044 : vector<16xf32>
      %get3A_2046 = arith.constant 192 : index
      %get3A_2047 = tpu.vector_load %arg19[%get3A_2046] {strides = array<i32>} : memref<640xf32, #tpu.memory_space<vmem>>, vector<16xf32>,
      %get3A_2048 = arith.constant 320 : index
      %get3A_2049 = tpu.vector_load %arg19[%get3A_2048] {strides = array<i32>} : memref<640xf32, #tpu.memory_space<vmem>>, vector<16xf32>,
      %get3A_2050 = arith.constant 448 : index
      %get3A_2051 = tpu.vector_load %arg19[%get3A_2050] {strides = array<i32>} : memref<640xf32, #tpu.memory_space<vmem>>, vector<16xf32>,
      %get3A_2052 = arith.constant 1 : i32
      %get3A_2053 = arith.index_cast %get3A_2052 : i32 to index
      %get3A_2054 = arith.constant 64 : index
      %get3A_2055 = tpu.vector_load %arg30[%get3A_2053, %get3A_2054] {strides = array<i32>} : memref<2x128xf32, #tpu.memory_space<vmem>>, vector<16xf32>,
      %mul3A_2056 = arith.mulf %get3A_2047, %get3A_2055 : vector<16xf32>
      %mul3A_2057 = arith.mulf %mul3A_2056, %get3A_2051 : vector<16xf32>
      %swap3A_2058 = arith.constant 64 : index
      %swap3A_2059 = tpu.vector_load %arg31[%swap3A_2058] {strides = array<i32>} : memref<128xf32, #tpu.memory_space<vmem>>, vector<16xf32>,
      tpu.vector_store %arg31[%swap3A_2058], %mul3A_2057 {strides = array<i32>} : memref<128xf32, #tpu.memory_space<vmem>>, vector<16xf32>,
      %get3A_2060 = arith.constant 0 : i32
      %get3A_2061 = arith.index_cast %get3A_2060 : i32 to index
      %get3A_2062 = arith.constant 64 : index
      %get3A_2063 = tpu.vector_load %arg30[%get3A_2061, %get3A_2062] {strides = array<i32>} : memref<2x128xf32, #tpu.memory_space<vmem>>, vector<16xf32>,
      %mul3A_2064 = arith.mulf %get3A_2063, %mul3A_2056 : vector<16xf32>
      %sub3A_2065 = arith.subf %get3A_2049, %mul3A_2064 : vector<16xf32>
      %mul3A_2066 = arith.mulf %sub3A_2065, %get3A_2051 : vector<16xf32>
      %add3A_2067 = arith.addf %add3A_2045, %mul3A_2066 : vector<16xf32>
      %get3A_2068 = arith.constant 208 : index
      %get3A_2069 = tpu.vector_load %arg19[%get3A_2068] {strides = array<i32>} : memref<640xf32, #tpu.memory_space<vmem>>, vector<16xf32>,
      %get3A_2070 = arith.constant 336 : index
      %get3A_2071 = tpu.vector_load %arg19[%get3A_2070] {strides = array<i32>} : memref<640xf32, #tpu.memory_space<vmem>>, vector<16xf32>,
      %get3A_2072 = arith.constant 464 : index
      %get3A_2073 = tpu.vector_load %arg19[%get3A_2072] {strides = array<i32>} : memref<640xf32, #tpu.memory_space<vmem>>, vector<16xf32>,
      %get3A_2074 = arith.constant 1 : i32
      %get3A_2075 = arith.index_cast %get3A_2074 : i32 to index
      %get3A_2076 = arith.constant 80 : index
      %get3A_2077 = tpu.vector_load %arg30[%get3A_2075, %get3A_2076] {strides = array<i32>} : memref<2x128xf32, #tpu.memory_space<vmem>>, vector<16xf32>,
      %mul3A_2078 = arith.mulf %get3A_2069, %get3A_2077 : vector<16xf32>
      %mul3A_2079 = arith.mulf %mul3A_2078, %get3A_2073 : vector<16xf32>
      %swap3A_2080 = arith.constant 80 : index
      %swap3A_2081 = tpu.vector_load %arg31[%swap3A_2080] {strides = array<i32>} : memref<128xf32, #tpu.memory_space<vmem>>, vector<16xf32>,
      tpu.vector_store %arg31[%swap3A_2080], %mul3A_2079 {strides = array<i32>} : memref<128xf32, #tpu.memory_space<vmem>>, vector<16xf32>,
      %get3A_2082 = arith.constant 0 : i32
      %get3A_2083 = arith.index_cast %get3A_2082 : i32 to index
      %get3A_2084 = arith.constant 80 : index
      %get3A_2085 = tpu.vector_load %arg30[%get3A_2083, %get3A_2084] {strides = array<i32>} : memref<2x128xf32, #tpu.memory_space<vmem>>, vector<16xf32>,
      %mul3A_2086 = arith.mulf %get3A_2085, %mul3A_2078 : vector<16xf32>
      %sub3A_2087 = arith.subf %get3A_2071, %mul3A_2086 : vector<16xf32>
      %mul3A_2088 = arith.mulf %sub3A_2087, %get3A_2073 : vector<16xf32>
      %add3A_2089 = arith.addf %add3A_2067, %mul3A_2088 : vector<16xf32>
      %get3A_2090 = arith.constant 224 : index
      %get3A_2091 = tpu.vector_load %arg19[%get3A_2090] {strides = array<i32>} : memref<640xf32, #tpu.memory_space<vmem>>, vector<16xf32>,
      %get3A_2092 = arith.constant 352 : index
      %get3A_2093 = tpu.vector_load %arg19[%get3A_2092] {strides = array<i32>} : memref<640xf32, #tpu.memory_space<vmem>>, vector<16xf32>,
      %get3A_2094 = arith.constant 480 : index
      %get3A_2095 = tpu.vector_load %arg19[%get3A_2094] {strides = array<i32>} : memref<640xf32, #tpu.memory_space<vmem>>, vector<16xf32>,
      %get3A_2096 = arith.constant 1 : i32
      %get3A_2097 = arith.index_cast %get3A_2096 : i32 to index
      %get3A_2098 = arith.constant 96 : index
      %get3A_2099 = tpu.vector_load %arg30[%get3A_2097, %get3A_2098] {strides = array<i32>} : memref<2x128xf32, #tpu.memory_space<vmem>>, vector<16xf32>,
      %mul3A_2100 = arith.mulf %get3A_2091, %get3A_2099 : vector<16xf32>
      %mul3A_2101 = arith.mulf %mul3A_2100, %get3A_2095 : vector<16xf32>
      %swap3A_2102 = arith.constant 96 : index
      %swap3A_2103 = tpu.vector_load %arg31[%swap3A_2102] {strides = array<i32>} : memref<128xf32, #tpu.memory_space<vmem>>, vector<16xf32>,
      tpu.vector_store %arg31[%swap3A_2102], %mul3A_2101 {strides = array<i32>} : memref<128xf32, #tpu.memory_space<vmem>>, vector<16xf32>,
      %get3A_2104 = arith.constant 0 : i32
      %get3A_2105 = arith.index_cast %get3A_2104 : i32 to index
      %get3A_2106 = arith.constant 96 : index
      %get3A_2107 = tpu.vector_load %arg30[%get3A_2105, %get3A_2106] {strides = array<i32>} : memref<2x128xf32, #tpu.memory_space<vmem>>, vector<16xf32>,
      %mul3A_2108 = arith.mulf %get3A_2107, %mul3A_2100 : vector<16xf32>
      %sub3A_2109 = arith.subf %get3A_2093, %mul3A_2108 : vector<16xf32>
      %mul3A_2110 = arith.mulf %sub3A_2109, %get3A_2095 : vector<16xf32>
      %add3A_2111 = arith.addf %add3A_2089, %mul3A_2110 : vector<16xf32>
      %get3A_2112 = arith.constant 240 : index
      %get3A_2113 = tpu.vector_load %arg19[%get3A_2112] {strides = array<i32>} : memref<640xf32, #tpu.memory_space<vmem>>, vector<16xf32>,
      %get3A_2114 = arith.constant 368 : index
      %get3A_2115 = tpu.vector_load %arg19[%get3A_2114] {strides = array<i32>} : memref<640xf32, #tpu.memory_space<vmem>>, vector<16xf32>,
      %get3A_2116 = arith.constant 496 : index
      %get3A_2117 = tpu.vector_load %arg19[%get3A_2116] {strides = array<i32>} : memref<640xf32, #tpu.memory_space<vmem>>, vector<16xf32>,
      %get3A_2118 = arith.constant 1 : i32
      %get3A_2119 = arith.index_cast %get3A_2118 : i32 to index
      %get3A_2120 = arith.constant 112 : index
      %get3A_2121 = tpu.vector_load %arg30[%get3A_2119, %get3A_2120] {strides = array<i32>} : memref<2x128xf32, #tpu.memory_space<vmem>>, vector<16xf32>,
      %mul3A_2122 = arith.mulf %get3A_2113, %get3A_2121 : vector<16xf32>
      %mul3A_2123 = arith.mulf %mul3A_2122, %get3A_2117 : vector<16xf32>
      %swap3A_2124 = arith.constant 112 : index
      %swap3A_2125 = tpu.vector_load %arg31[%swap3A_2124] {strides = array<i32>} : memref<128xf32, #tpu.memory_space<vmem>>, vector<16xf32>,
      tpu.vector_store %arg31[%swap3A_2124], %mul3A_2123 {strides = array<i32>} : memref<128xf32, #tpu.memory_space<vmem>>, vector<16xf32>,
      %get3A_2126 = arith.constant 0 : i32
      %get3A_2127 = arith.index_cast %get3A_2126 : i32 to index
      %get3A_2128 = arith.constant 112 : index
      %get3A_2129 = tpu.vector_load %arg30[%get3A_2127, %get3A_2128] {strides = array<i32>} : memref<2x128xf32, #tpu.memory_space<vmem>>, vector<16xf32>,
      %mul3A_2130 = arith.mulf %get3A_2129, %mul3A_2122 : vector<16xf32>
      %sub3A_2131 = arith.subf %get3A_2115, %mul3A_2130 : vector<16xf32>
      %mul3A_2132 = arith.mulf %sub3A_2131, %get3A_2117 : vector<16xf32>
      %add3A_2133 = arith.addf %add3A_2111, %mul3A_2132 : vector<16xf32>
      %reduce_sum3A = arith.constant true
      %reduce_sum3A_2134 = vector.broadcast %reduce_sum3A : i1 to vector<16xi1>
      %reduce_sum3A_2135 = tpu.scan <sum>, %add3A_2133 masked %reduce_sum3A_2134 : vector<16xf32>, vector<16xi1> -> vector<16xf32>
      %reduce_sum3A_2136 = vector.extract %reduce_sum3A_2135[15] : f32 from vector<16xf32>
      %get3A_2137 = arith.constant 512 : index
      %get3A_2138 = tpu.vector_load %arg19[%get3A_2137] {strides = array<i32>} : memref<640xf32, #tpu.memory_space<vmem>>, vector<16xf32>,
      %slice3A = vector.extract_strided_slice %get3A_2138 {offsets = [0], sizes = [1], strides = [1]} : vector<16xf32> to vector<1xf32>
      %squeeze3A = vector.extract %slice3A[0] : f32 from vector<1xf32>
      %add3A_2139 = arith.addf %reduce_sum3A_2136, %squeeze3A : f32
      %scan3A_2140 = arith.constant 0 : i32
      %scan3A_2141 = arith.constant 40 : i32
      %scan3A_2142 = arith.addi %scan3A_2140, %scan3A_2141 : i32
      %scan3A_2143 = arith.constant 1 : i32
      scf.for %scan3A_2147 = %scan3A_2140 to %scan3A_2142 step %scan3A_2143  : i32 {
        %mul3A_2148 = arith.constant 1 : i32
        %mul3A_2149 = arith.muli %scan3A_2147, %mul3A_2148 : i32
        %add3A_2150 = arith.constant 0 : i32
        %add3A_2151 = arith.addi %add3A_2150, %mul3A_2149 : i32
        %mul3A_2152 = arith.constant 16 : i32
        %mul3A_2153 = arith.muli %add3A_2151, %mul3A_2152 : i32
        %add3A_2154 = arith.addi %mul3A_0, %mul3A_2153 : i32
        %lt3A = arith.constant 10000 : i32
        %lt3A_2155 = arith.cmpi slt, %add3A_2154, %lt3A : i32
        %convert_element_type3A_2156 = arith.extui %lt3A_2155 : i1 to i32
        %cond3A_2157 = arith.constant 0 : i32
        %cond3A_2158 = arith.cmpi ne, %convert_element_type3A_2156, %cond3A_2157 : i32
        scf.if %cond3A_2158 {
          %mul3A_2159 = arith.constant 16 : i32
          %mul3A_2160 = arith.muli %add3A_2151, %mul3A_2159 : i32
          %add3A_2161 = arith.addi %mul3A_0, %mul3A_2160 : i32
          "tpu.region"() ({
            %run_scoped3A_2167 = tpu.sem_alloc : memref<!tpu.dma_semaphore, #tpu.memory_space<semaphore_mem>>
            %dma_start3A = arith.constant 0 : i32
            %dma_start3A_2168 = tpu.memref_slice %arg14[%add3A_2161, %dma_start3A] : memref<10000x128xf32, #tpu.memory_space<vmem_shared>> -> memref<16x128xf32, #tpu.memory_space<vmem_shared>>
            %dma_start3A_2169 = arith.constant 0 : i32
            %dma_start3A_2170 = tpu.memref_slice %arg14[%add3A_2161, %dma_start3A_2169] : memref<10000x128xf32, #tpu.memory_space<vmem_shared>> -> memref<16x128xf32, #tpu.memory_space<vmem_shared>>
            tpu.enqueue_dma source(%dma_start3A_2170 : memref<16x128xf32, #tpu.memory_space<vmem_shared>>) target(%arg26 : memref<16x128xf32, #tpu.memory_space<vmem>>) target_semaphore(%run_scoped3A_2167 : memref<!tpu.dma_semaphore, #tpu.memory_space<semaphore_mem>>)
            %dma_wait3A = arith.constant 0 : i32
            %dma_wait3A_2171 = tpu.memref_slice %arg14[%add3A_2161, %dma_wait3A] : memref<10000x128xf32, #tpu.memory_space<vmem_shared>> -> memref<16x128xf32, #tpu.memory_space<vmem_shared>>
            %dma_wait3A_2172 = arith.constant 0 : i32
            %dma_wait3A_2173 = tpu.memref_slice %arg14[%add3A_2161, %dma_wait3A_2172] : memref<10000x128xf32, #tpu.memory_space<vmem_shared>> -> memref<16x128xf32, #tpu.memory_space<vmem_shared>>
            tpu.wait_dma2 semaphore(%run_scoped3A_2167 : memref<!tpu.dma_semaphore, #tpu.memory_space<semaphore_mem>>) src(%dma_wait3A_2173 : memref<16x128xf32, #tpu.memory_space<vmem_shared>>) dst(%arg26 : memref<16x128xf32, #tpu.memory_space<vmem>>)
            tpu.yield
          }) : () -> ()
          %scan3A_2162 = arith.constant 0 : i32
          %scan3A_2163 = arith.constant 16 : i32
          %scan3A_2164 = arith.addi %scan3A_2162, %scan3A_2163 : i32
          %scan3A_2165 = arith.constant 1 : i32
          scf.for %scan3A_2167 = %scan3A_2162 to %scan3A_2164 step %scan3A_2165  : i32 {
            %mul3A_2168 = arith.constant 1 : i32
            %mul3A_2169 = arith.muli %scan3A_2167, %mul3A_2168 : i32
            %add3A_2170 = arith.constant 0 : i32
            %add3A_2171 = arith.addi %add3A_2170, %mul3A_2169 : i32
            %broadcast_in_dim3A_2172 = arith.constant 0.000000e+00 : f32
            %broadcast_in_dim3A_2173 = vector.broadcast %broadcast_in_dim3A_2172 : f32 to vector<16xf32>
            %get3A_2174 = arith.index_cast %add3A_2171 : i32 to index
            %get3A_2175 = arith.constant 0 : index
            %get3A_2176 = tpu.vector_load %arg26[%get3A_2174, %get3A_2175] {strides = array<i32>} : memref<16x128xf32, #tpu.memory_space<vmem>>, vector<16xf32>,
            %get3A_2177 = arith.constant 0 : index
            %get3A_2178 = tpu.vector_load %arg31[%get3A_2177] {strides = array<i32>} : memref<128xf32, #tpu.memory_space<vmem>>, vector<16xf32>,
            %mul3A_2179 = arith.mulf %get3A_2176, %get3A_2178 : vector<16xf32>
            %add3A_2180 = arith.addf %broadcast_in_dim3A_2173, %mul3A_2179 : vector<16xf32>
            %get3A_2181 = arith.index_cast %add3A_2171 : i32 to index
            %get3A_2182 = arith.constant 16 : index
            %get3A_2183 = tpu.vector_load %arg26[%get3A_2181, %get3A_2182] {strides = array<i32>} : memref<16x128xf32, #tpu.memory_space<vmem>>, vector<16xf32>,
            %get3A_2184 = arith.constant 16 : index
            %get3A_2185 = tpu.vector_load %arg31[%get3A_2184] {strides = array<i32>} : memref<128xf32, #tpu.memory_space<vmem>>, vector<16xf32>,
            %mul3A_2186 = arith.mulf %get3A_2183, %get3A_2185 : vector<16xf32>
            %add3A_2187 = arith.addf %add3A_2180, %mul3A_2186 : vector<16xf32>
            %get3A_2188 = arith.index_cast %add3A_2171 : i32 to index
            %get3A_2189 = arith.constant 32 : index
            %get3A_2190 = tpu.vector_load %arg26[%get3A_2188, %get3A_2189] {strides = array<i32>} : memref<16x128xf32, #tpu.memory_space<vmem>>, vector<16xf32>,
            %get3A_2191 = arith.constant 32 : index
            %get3A_2192 = tpu.vector_load %arg31[%get3A_2191] {strides = array<i32>} : memref<128xf32, #tpu.memory_space<vmem>>, vector<16xf32>,
            %mul3A_2193 = arith.mulf %get3A_2190, %get3A_2192 : vector<16xf32>
            %add3A_2194 = arith.addf %add3A_2187, %mul3A_2193 : vector<16xf32>
            %get3A_2195 = arith.index_cast %add3A_2171 : i32 to index
            %get3A_2196 = arith.constant 48 : index
            %get3A_2197 = tpu.vector_load %arg26[%get3A_2195, %get3A_2196] {strides = array<i32>} : memref<16x128xf32, #tpu.memory_space<vmem>>, vector<16xf32>,
            %get3A_2198 = arith.constant 48 : index
            %get3A_2199 = tpu.vector_load %arg31[%get3A_2198] {strides = array<i32>} : memref<128xf32, #tpu.memory_space<vmem>>, vector<16xf32>,
            %mul3A_2200 = arith.mulf %get3A_2197, %get3A_2199 : vector<16xf32>
            %add3A_2201 = arith.addf %add3A_2194, %mul3A_2200 : vector<16xf32>
            %get3A_2202 = arith.index_cast %add3A_2171 : i32 to index
            %get3A_2203 = arith.constant 64 : index
            %get3A_2204 = tpu.vector_load %arg26[%get3A_2202, %get3A_2203] {strides = array<i32>} : memref<16x128xf32, #tpu.memory_space<vmem>>, vector<16xf32>,
            %get3A_2205 = arith.constant 64 : index
            %get3A_2206 = tpu.vector_load %arg31[%get3A_2205] {strides = array<i32>} : memref<128xf32, #tpu.memory_space<vmem>>, vector<16xf32>,
            %mul3A_2207 = arith.mulf %get3A_2204, %get3A_2206 : vector<16xf32>
            %add3A_2208 = arith.addf %add3A_2201, %mul3A_2207 : vector<16xf32>
            %get3A_2209 = arith.index_cast %add3A_2171 : i32 to index
            %get3A_2210 = arith.constant 80 : index
            %get3A_2211 = tpu.vector_load %arg26[%get3A_2209, %get3A_2210] {strides = array<i32>} : memref<16x128xf32, #tpu.memory_space<vmem>>, vector<16xf32>,
            %get3A_2212 = arith.constant 80 : index
            %get3A_2213 = tpu.vector_load %arg31[%get3A_2212] {strides = array<i32>} : memref<128xf32, #tpu.memory_space<vmem>>, vector<16xf32>,
            %mul3A_2214 = arith.mulf %get3A_2211, %get3A_2213 : vector<16xf32>
            %add3A_2215 = arith.addf %add3A_2208, %mul3A_2214 : vector<16xf32>
            %get3A_2216 = arith.index_cast %add3A_2171 : i32 to index
            %get3A_2217 = arith.constant 96 : index
            %get3A_2218 = tpu.vector_load %arg26[%get3A_2216, %get3A_2217] {strides = array<i32>} : memref<16x128xf32, #tpu.memory_space<vmem>>, vector<16xf32>,
            %get3A_2219 = arith.constant 96 : index
            %get3A_2220 = tpu.vector_load %arg31[%get3A_2219] {strides = array<i32>} : memref<128xf32, #tpu.memory_space<vmem>>, vector<16xf32>,
            %mul3A_2221 = arith.mulf %get3A_2218, %get3A_2220 : vector<16xf32>
            %add3A_2222 = arith.addf %add3A_2215, %mul3A_2221 : vector<16xf32>
            %get3A_2223 = arith.index_cast %add3A_2171 : i32 to index
            %get3A_2224 = arith.constant 112 : index
            %get3A_2225 = tpu.vector_load %arg26[%get3A_2223, %get3A_2224] {strides = array<i32>} : memref<16x128xf32, #tpu.memory_space<vmem>>, vector<16xf32>,
            %get3A_2226 = arith.constant 112 : index
            %get3A_2227 = tpu.vector_load %arg31[%get3A_2226] {strides = array<i32>} : memref<128xf32, #tpu.memory_space<vmem>>, vector<16xf32>,
            %mul3A_2228 = arith.mulf %get3A_2225, %get3A_2227 : vector<16xf32>
            %add3A_2229 = arith.addf %add3A_2222, %mul3A_2228 : vector<16xf32>
            %reduce_sum3A_2230 = arith.constant true
            %reduce_sum3A_2231 = vector.broadcast %reduce_sum3A_2230 : i1 to vector<16xi1>
            %reduce_sum3A_2232 = tpu.scan <sum>, %add3A_2229 masked %reduce_sum3A_2231 : vector<16xf32>, vector<16xi1> -> vector<16xf32>
            %reduce_sum3A_2233 = vector.extract %reduce_sum3A_2232[15] : f32 from vector<16xf32>
            %add3A_2234 = arith.addf %reduce_sum3A_2233, %add3A_2139 : f32
            %mul3A_2235 = arith.constant 16 : i32
            %mul3A_2236 = arith.muli %add3A_2151, %mul3A_2235 : i32
            %add3A_2237 = arith.addi %mul3A_2236, %add3A_2171 : i32
            %broadcast_in_dim3A_2238 = vector.broadcast %add3A_2237 : i32 to vector<16xi32>
            %broadcast_in_dim3A_2239 = vector.broadcast %add3A_2234 : f32 to vector<16xf32>
            %eq3A_2240 = arith.constant 0 : i32
            %eq3A_2241 = vector.broadcast %eq3A_2240 : i32 to vector<16xi32>
            %eq3A_2242 = arith.cmpi eq, %iota3A, %eq3A_2241 : vector<16xi32>
            tpu.vector_store_idx %arg28[%broadcast_in_dim3A_2238], %broadcast_in_dim3A_2239 masked %eq3A_2242 : memref<640xf32, #tpu.memory_space<vmem>>[vector<16xi32>], vector<16xf32>, vector<16xi1>
          }
          %scan3A_2166 = arith.constant 16 : i32
        } else {
        }
      }
      %scan3A_2144 = arith.constant 40 : i32
      %mul3A_2145 = arith.constant 640 : i32
      %mul3A_2146 = arith.muli %arg1, %mul3A_2145 : i32
      "tpu.region"() ({
        %run_scoped3A_2147 = tpu.sem_alloc : memref<!tpu.dma_semaphore, #tpu.memory_space<semaphore_mem>>
        %dma_start3A = tpu.memref_slice %arg13[%mul3A_2146] : memref<10240xf32, #tpu.memory_space<hbm>> -> memref<640xf32, #tpu.memory_space<hbm>>
        %dma_start3A_2148 = tpu.memref_slice %arg13[%mul3A_2146] : memref<10240xf32, #tpu.memory_space<hbm>> -> memref<640xf32, #tpu.memory_space<hbm>>
        tpu.enqueue_dma source(%arg28 : memref<640xf32, #tpu.memory_space<vmem>>) target(%dma_start3A_2148 : memref<640xf32, #tpu.memory_space<hbm>>) target_semaphore(%run_scoped3A_2147 : memref<!tpu.dma_semaphore, #tpu.memory_space<semaphore_mem>>)
        %dma_wait3A = tpu.memref_slice %arg13[%mul3A_2146] : memref<10240xf32, #tpu.memory_space<hbm>> -> memref<640xf32, #tpu.memory_space<hbm>>
        %dma_wait3A_2149 = tpu.memref_slice %arg13[%mul3A_2146] : memref<10240xf32, #tpu.memory_space<hbm>> -> memref<640xf32, #tpu.memory_space<hbm>>
        tpu.wait_dma2 semaphore(%run_scoped3A_2147 : memref<!tpu.dma_semaphore, #tpu.memory_space<semaphore_mem>>) src(%arg28 : memref<640xf32, #tpu.memory_space<vmem>>) dst(%dma_wait3A_2149 : memref<640xf32, #tpu.memory_space<hbm>>)
        tpu.yield
      }) : () -> ()
    } else {
    }
    return
  }
}

module attributes {stable_mosaic.version = 14 : i64} {
  func.func @_dense_body(%arg0: i32, %arg1: i32, %arg2: memref<1000x128xf32, #tpu.memory_space<vmem>>, %arg3: memref<1x128x128xf32, #tpu.memory_space<vmem>>, %arg4: memref<1x128x128xf32, #tpu.memory_space<vmem>>, %arg5: memref<1x1000x128xf32, #tpu.memory_space<vmem>>, %arg6: memref<1x1000x128xf32, #tpu.memory_space<vmem>>) attributes {dimension_semantics = [#tpu.dimension_semantics<arbitrary>, #tpu.dimension_semantics<arbitrary>], iteration_bounds = array<i64: 2, 10>, scalar_prefetch = 0 : i64, scratch_operands = 0 : i64, tpu.core_type = #tpu.core_type<tc>, window_params = [{transform_indices = @transform_0, window_bounds = array<i64: 1000, 128>}, {transform_indices = @transform_1, window_bounds = array<i64: 1, 128, 128>}, {transform_indices = @transform_2, window_bounds = array<i64: 1, 128, 128>}, {transform_indices = @transform_3, window_bounds = array<i64: 1, 1000, 128>}, {transform_indices = @transform_4, window_bounds = array<i64: 1, 1000, 128>}]} {
    %get3A = arith.constant 0 : index
    %get3A_0 = arith.constant 0 : index
    %get3A_1 = vector.load %arg2[%get3A, %get3A_0] : memref<1000x128xf32, #tpu.memory_space<vmem>>, vector<1000x128xf32>
    %get3A_2 = arith.constant 0 : index
    %get3A_3 = arith.constant 0 : index
    %get3A_4 = arith.constant 0 : index
    %get3A_5 = vector.load %arg3[%get3A_2, %get3A_3, %get3A_4] : memref<1x128x128xf32, #tpu.memory_space<vmem>>, vector<1x128x128xf32>
    %get3A_6 = vector.shape_cast %get3A_5 : vector<1x128x128xf32> to vector<128x128xf32>
    %dot_general3A = arith.constant dense<0.000000e+00> : vector<1000x128xf32>
    %dot_general3A_7 = tpu.matmul %get3A_1, %get3A_6, %dot_general3A {dimension_numbers = #tpu.dot_dimension_numbers<[1], [0], [0], [1], [0, 0, 1, 1], [], []>, transpose_lhs_hint = false} : vector<1000x128xf32>, vector<128x128xf32>, vector<1000x128xf32> -> vector<1000x128xf32>
    %swap3A = arith.constant 0 : index
    %swap3A_8 = arith.constant 0 : index
    %swap3A_9 = arith.constant 0 : index
    %swap3A_10 = vector.load %arg5[%swap3A, %swap3A_8, %swap3A_9] : memref<1x1000x128xf32, #tpu.memory_space<vmem>>, vector<1x1000x128xf32>
    %swap3A_11 = vector.shape_cast %swap3A_10 : vector<1x1000x128xf32> to vector<1000x128xf32>
    %swap3A_12 = vector.shape_cast %dot_general3A_7 : vector<1000x128xf32> to vector<1x1000x128xf32>
    tpu.vector_store %arg5[%swap3A, %swap3A_8, %swap3A_9], %swap3A_12 {strides = array<i32>} : memref<1x1000x128xf32, #tpu.memory_space<vmem>>, vector<1x1000x128xf32>,
    %get3A_13 = arith.constant 0 : index
    %get3A_14 = arith.constant 0 : index
    %get3A_15 = arith.constant 0 : index
    %get3A_16 = vector.load %arg4[%get3A_13, %get3A_14, %get3A_15] : memref<1x128x128xf32, #tpu.memory_space<vmem>>, vector<1x128x128xf32>
    %get3A_17 = vector.shape_cast %get3A_16 : vector<1x128x128xf32> to vector<128x128xf32>
    %dot_general3A_18 = arith.constant dense<0.000000e+00> : vector<1000x128xf32>
    %dot_general3A_19 = tpu.matmul %dot_general3A_7, %get3A_17, %dot_general3A_18 {dimension_numbers = #tpu.dot_dimension_numbers<[1], [0], [0], [1], [0, 0, 1, 1], [], []>, transpose_lhs_hint = false} : vector<1000x128xf32>, vector<128x128xf32>, vector<1000x128xf32> -> vector<1000x128xf32>
    %swap3A_20 = arith.constant 0 : index
    %swap3A_21 = arith.constant 0 : index
    %swap3A_22 = arith.constant 0 : index
    %swap3A_23 = vector.load %arg6[%swap3A_20, %swap3A_21, %swap3A_22] : memref<1x1000x128xf32, #tpu.memory_space<vmem>>, vector<1x1000x128xf32>
    %swap3A_24 = vector.shape_cast %swap3A_23 : vector<1x1000x128xf32> to vector<1000x128xf32>
    %swap3A_25 = vector.shape_cast %dot_general3A_19 : vector<1000x128xf32> to vector<1x1000x128xf32>
    tpu.vector_store %arg6[%swap3A_20, %swap3A_21, %swap3A_22], %swap3A_25 {strides = array<i32>} : memref<1x1000x128xf32, #tpu.memory_space<vmem>>, vector<1x1000x128xf32>,
    return
  }
  func.func @transform_0(%arg0: i32, %arg1: i32) -> (i32, i32) {
    %c0_i32 = arith.constant 0 : i32
    %c0_i32_0 = arith.constant 0 : i32
    return %arg1, %c0_i32 : i32, i32
  }
  func.func @transform_1(%arg0: i32, %arg1: i32) -> (i32, i32, i32) {
    %c0_i32 = arith.constant 0 : i32
    %c0_i32_0 = arith.constant 0 : i32
    %c0_i32_1 = arith.constant 0 : i32
    return %arg0, %c0_i32, %c0_i32_0 : i32, i32, i32
  }
  func.func @transform_2(%arg0: i32, %arg1: i32) -> (i32, i32, i32) {
    %c0_i32 = arith.constant 0 : i32
    %c0_i32_0 = arith.constant 0 : i32
    %c0_i32_1 = arith.constant 0 : i32
    return %arg0, %c0_i32, %c0_i32_0 : i32, i32, i32
  }
  func.func @transform_3(%arg0: i32, %arg1: i32) -> (i32, i32, i32) {
    %c0_i32 = arith.constant 0 : i32
    %c0_i32_0 = arith.constant 0 : i32
    return %arg0, %arg1, %c0_i32 : i32, i32, i32
  }
  func.func @transform_4(%arg0: i32, %arg1: i32) -> (i32, i32, i32) {
    %c0_i32 = arith.constant 0 : i32
    %c0_i32_0 = arith.constant 0 : i32
    return %arg0, %arg1, %c0_i32 : i32, i32, i32
  }
}

</mosaic_0001>

<sc_bundles>
// kernel: kernel.4.cloned.1.call-start
scs
__scs_entry_jumppad:
0x0: {  	(pc) =	sbr.rel $0x88, $3  }
0x1: {  	(tag) =	ssettag $0x0;
	lr =	simm.s32 $0x1  }
0x2: {  	[smem:$0x3F91] =	sst lr;
	_ =	strace $0xD0000000  }
0x3: {  	_ = 	snop  }
0x4: {  	_ = 	snop  }
0x5: {  	_ = 	snop  }
0x6: {  	_ = 	snop  }
0x7: {  	_ = 	snop  }
__scs_overlays_trampoline_lowered:
0x8: {  	[smem:$0x3FA0] =	sst s0  }
0x9: {  	[smem:$0x3FA1] =	sst s1  }
0xa: {  	[smem:$0x3FA2] =	sst s2  }
0xb: {  	[smem:$0x3FA3] =	sst s3  }
0xc: {  	[smem:$0x3FA4] =	sst s4  }
0xd: {  	[smem:$0x3FA5] =	sst s5  }
0xe: {  	[smem:$0x3FA6] =	sst s6  }
0xf: {  	[smem:$0x3FA7] =	sst s7  }
0x10: {  	[smem:$0x3FA8] =	sst s8  }
0x11: {  	[smem:$0x3FA9] =	sst s9;
	s0 =	simm.s32 @!p0 $0x0  }
0x12: {  	s1 =	sld [smem:$0x3F8F];
	s0 =	simm.s32 @p0 $0x1  }
0x13: {  	[smem:$0x3FAA] =	sst s0;
	s0 =	simm.s32 @!p1 $0x0  }
0x14: {  	s2 =	sld [smem:$0x3F8E];
	s0 =	simm.s32 @p1 $0x1  }
0x15: {  	[smem:$0x3FAB] =	sst s0;
	s0 =	simm.s32 @!p2 $0x0  }
0x16: {  	s3 =	sld [smem:$0x3FDB];
	s0 =	simm.s32 @p2 $0x1  }
0x17: {  	s4 =	simm.s32 $0x1BF5;
	[smem:$0x3FAD] =	sst s0  }
0x18: {  	s0 =	sld [smem:$0x3F90];
	_ =	swait.ge [sflag:s4], $0x0  }
0x19: {  	s7 =	sld [smem:$0x3F91]  }
0x1a: {  	s8 =	sadd.s32 $0xFFFFE003, lr  }
0x1b: {  	s9 =	sadd.s32 $0xFFFFFEF7, lr;
	s5 =	simm.s32 $0xFFFFFFFF;
	p2 =	slt.u32 s8, $0xFFFFF086  }
0x1c: {  	p1 =	slt.u32 s9, $0xF7A;
	s5 =	simm.s32 @!p2 $0x0  }
0x1d: {  	s5 =	simm.s32 @p1 $0x1;
	p0 =	seq.s32 s7, s2  }
0x1e: {  	s7 =	smul.u32 @!p0 $0xF7A, s2;
	p2 =	seq.s32 @!p0 s5, $0x0  }
0x1f: {  	s9 =	smul.u32 $0xF7A, s1;
	s8 =	simm.s32 @!p0 $0x1BF5;
	p2 =	por !p2, p0  }
0x20: {  	[sflag:s8] =	ssyncset.s32 @!p0 $0xFFFFF086;
	s6 =	sadd.s32 @!p0 s3, s7;
	s7 =	simm.s32 @!p0 $0x108  }
0x21: {  	s3 =	sadd.s32 s3, s9;
	s6 =	sadd.s32 @!p0 $0x88, s6;
	s7 =	simm.s32 @p2 $0x1082  }
0x22: {  	[simem:s7], [sflag:s8] =	dma.local @!p0 [hbm:s6], $0xF7A  }
0x23: {  	s9 =	sor.u32 $0xD0000000, s2;
	s6 =	simm.s32 $0x108;
	_ =	swait.ge @!p0 [sflag:s8], $0x0  }
0x24: {  	s3 =	sadd.s32 $0x88, s3;
	s6 =	simm.s32 @!p1 $0x1082;
	[sflag:s4] =	ssyncset.s32 $0xFFFFF086  }
0x25: {  	[simem:s6], [sflag:s4] =	dma.local [hbm:s3], $0xF7A  }
0x26: {  	[smem:$0x3F91] =	sst s1;
	(tag) =	ssettag s2;
	_ =	strace s9  }
0x27: {  	s1 =	sld [smem:$0x3FA1]  }
0x28: {  	s2 =	sld [smem:$0x3FA2]  }
0x29: {  	s4 =	sld [smem:$0x3FA4]  }
0x2a: {  	p0 =	seq.s32 s5, $0x0;
	s5 =	sld [smem:$0x3FA5]  }
0x2b: {  	s6 =	sld [smem:$0x3FA6]  }
0x2c: {  	s7 =	sld [smem:$0x3FA7]  }
0x2d: {  	s3 =	simm.s32 $0x108;
	s8 =	sld [smem:$0x3FA8]  }
0x2e: {  	s3 =	simm.s32 @!p0 $0x1082;
	s9 =	sld [smem:$0x3FA9]  }
0x2f: {  	lr =	sadd.s32 s0, s3;
	s0 =	sld [smem:$0x3FA0]  }
0x30: {  	s3 =	sld [smem:$0x3FA3]  }
0x31: {  	[smem:$0x3FAC] =	sst s10  }
0x32: {  	s10 =	sld [smem:$0x3FAA];
	_ =	sdelay $0x3  }
0x33: {  	p0 =	seq.s32 s10, $0x1;
	s10 =	sld [smem:$0x3FAC];
	_ =	sdelay $0x3  }
0x34: {  	[smem:$0x3FAC] =	sst s10  }
0x35: {  	s10 =	sld [smem:$0x3FAB];
	_ =	sdelay $0x3  }
0x36: {  	p1 =	seq.s32 s10, $0x1;
	s10 =	sld [smem:$0x3FAC];
	_ =	sdelay $0x3  }
0x37: {  	[smem:$0x3FAC] =	sst s10  }
0x38: {  	s10 =	sld [smem:$0x3FAD]  }
0x39: {  	_ = 	snop;
	(pc) =	sbr.ind lr, $3  }
0x3a: {  	_ = 	snop  }
0x3b: {  	_ = 	snop  }
0x3c: {  	p2 =	seq.s32 s10, $0x1;
	s10 =	sld [smem:$0x3FAC]  }
0x3d: {  	_ =	shalt  }
0x3e: {  	_ =	shalt  }
0x3f: {  	_ =	shalt  }
0x40: {  	_ =	shalt  }
0x41: {  	_ =	shalt  }
0x42: {  	_ =	shalt  }
0x43: {  	_ =	shalt  }
0x44: {  	_ =	shalt  }
0x45: {  	_ =	shalt  }
0x46: {  	_ =	shalt  }
0x47: {  	_ =	shalt  }
0x48: {  	_ =	shalt  }
0x49: {  	_ =	shalt  }
0x4a: {  	_ =	shalt  }
0x4b: {  	_ =	shalt  }
0x4c: {  	_ =	shalt  }
0x4d: {  	_ =	shalt  }
0x4e: {  	_ =	shalt  }
0x4f: {  	_ =	shalt  }
0x50: {  	_ =	shalt  }
0x51: {  	_ =	shalt  }
0x52: {  	_ =	shalt  }
0x53: {  	_ =	shalt  }
0x54: {  	_ =	shalt  }
0x55: {  	_ =	shalt  }
0x56: {  	_ =	shalt  }
0x57: {  	_ =	shalt  }
0x58: {  	_ =	shalt  }
0x59: {  	_ =	shalt  }
0x5a: {  	_ =	shalt  }
0x5b: {  	_ =	shalt  }
0x5c: {  	_ =	shalt  }
0x5d: {  	_ =	shalt  }
0x5e: {  	_ =	shalt  }
0x5f: {  	_ =	shalt  }
0x60: {  	_ =	shalt  }
0x61: {  	_ =	shalt  }
0x62: {  	_ =	shalt  }
0x63: {  	_ =	shalt  }
0x64: {  	_ =	shalt  }
0x65: {  	_ =	shalt  }
0x66: {  	_ =	shalt  }
0x67: {  	_ =	shalt  }
0x68: {  	_ =	shalt  }
0x69: {  	_ =	shalt  }
0x6a: {  	_ =	shalt  }
0x6b: {  	_ =	shalt  }
0x6c: {  	_ =	shalt  }
0x6d: {  	_ =	shalt  }
0x6e: {  	_ =	shalt  }
0x6f: {  	_ =	shalt  }
0x70: {  	_ =	shalt  }
0x71: {  	_ =	shalt  }
0x72: {  	_ =	shalt  }
0x73: {  	_ =	shalt  }
0x74: {  	_ =	shalt  }
0x75: {  	_ =	shalt  }
0x76: {  	_ =	shalt  }
0x77: {  	_ =	shalt  }
0x78: {  	_ =	shalt  }
0x79: {  	_ =	shalt  }
0x7a: {  	_ =	shalt  }
0x7b: {  	_ =	shalt  }
0x7c: {  	_ =	shalt  }
0x7d: {  	_ =	shalt  }
0x7e: {  	_ =	shalt  }
0x7f: {  	_ =	shalt  }
0x80: {  	_ =	shalt  }
0x81: {  	_ =	shalt  }
0x82: {  	_ =	shalt  }
0x83: {  	_ =	shalt  }
0x84: {  	_ =	shalt  }
0x85: {  	_ =	shalt  }
0x86: {  	_ =	shalt  }
0x87: {  	_ =	shalt  }
.Lfunc_end0:
.L_simem_size_0:
called_computation_lowered:
.L_overlay_start_0:
0x88: {  	s2 =	sld [smem:$0x3FD9]  }
0x89: {  	s3 =	sld [smem:$0x3FFE];
	_ =	sdelay $0x1  }
0x8a: {  	s1 =	srdreg.scid  }
0x8b: {  	s0 =	sand.u32 $0x1, s1  }
0x8c: {  	s14 =	sshll.u32 s0, $0xA;
	s2 =	sadd.s32 s3, s2  }
0x8d: {  	s2 =	sadd.s32 s2, s14  }
0x8e: {  	[smem:$0x3FB8] =	sst s2  }
0x8f: {  	_ = 	snop  }
0x90: {  	s2 =	sld [smem:$0x3FD0];
	_ =	sdelay $0x2  }
0x91: {  	s15 =	simm.s32 $0xA;
	s4 =	simm.s32 $0x10  }
0x92: {  	[smem:s4], [sflag:s15] =	dma.local [hbm:s2], $0x1  }
0x93: {  	_ =	swait.eq [sflag:s15], $0x1  }
0x94: {  	[sflag:s15] =	ssyncset.done $0x0  }
0x95: {  	s16 =	sld [smem:$0x10];
	[sflag:s15] =	ssyncadd.s32 $0xFFFFFFFF  }
0x96: {  	s17 =	sld [smem:$0x11];
	(tm) =	ssettm $0x1  }
0x97: {  	s18 =	sld [smem:$0x3FFB];
	_ =	sdelay $0x3  }
0x98: {  	_ =	strace s18  }
0x99: {  	s4 =	sld [smem:$0x3FFC];
	_ =	sdelay $0x3  }
0x9a: {  	_ =	strace s4  }
0x9b: {  	s4 =	sld [smem:$0x3FFD];
	_ =	sdelay $0x3  }
0x9c: {  	_ =	strace s4  }
0x9d: {  	_ =	strace $0x8FFFFFFF  }
0x9e: {  	s19 =	sld [smem:$0x3FDB];
	_ =	sdelay $0x1  }
0x9f: {  	s5 =	simm.s32 $_scs_section_size  }
0xa0: {  	s6 =	simm.s32 $_size__tile_overlayer_lowered;
	s7 =	simm.s32 $_tile_overlayer_lowered  }
0xa1: {  	s22 =	simm.s32 $0x1BFF;
	s21 =	sshll.u32 s7, $0x1;
	s4 =	sadd.s32 s5, s19  }
0xa2: {  	s8 =	simm.s32 $0x0;
	s20 =	sshll.u32 s6, $0x1;
	s6 =	sadd.s32 s21, s4  }
0xa3: {  	[timem:s8], [sflag:s22] =	dma.local [hbm:s6], s20  }
0xa4: {  	_ =	swait.ge [sflag:s22], s20  }
0xa5: {  	s5 =	ssub.s32 $0x0, s20;
	[sflag:s22] =	ssyncset.done $0x0  }
0xa6: {  	[sflag:s22] =	ssyncadd.s32 s5;
	_ =	sdelay $0x1  }
0xa7: {  	s23 =	simm.s32 $0x1B8B  }
0xa8: {  	_ =	swait.ge [sflag:s23], $0x1  }
0xa9: {  	[sflag:s23] =	ssyncset.done $0x0  }
0xaa: {  	s25 =	simm.s32 $0x1B8E;
	s24 =	sld [smem:$0x3FFE];
	[sflag:s23] =	ssyncadd.s32 $0xFFFFFFFF  }
0xab: {  	s26 =	simm.s32 $execute0_lowered;
	[smem:$0x3FD2] =	sst s25  }
0xac: {  	s6 =	sshll.u32 s26, $0x1;
	_ =	strace $0x80000046;
	[dreg:$0x1] =	wrdreg $0xFFFFFFFF  }
0xad: {  	s28 =	simm.s32 $_size_execute0_lowered;
	s4 =	sadd.s32 s4, s6;
	[dreg:$0x0] =	wrdreg $0x0  }
0xae: {  	s6 =	sshll.u32 s28, $0x1;
	[dreg:$0x2] =	wrdreg s4  }
0xaf: {  	[dreg:$0x3] =	wrdreg s6  }
0xb0: {  	[dreg:$0x4] =	wrdreg $0xC0  }
0xb1: {  	_ =	task [dreg:s8], $0x5FFFF  }
0xb2: {  	[dreg:$0x1] =	wrdreg $0xFFFFFFFF  }
0xb3: {  	[dreg:$0x0] =	wrdreg $0x60  }
0xb4: {  	[dreg:$0x2] =	wrdreg s24  }
0xb5: {  	[dreg:$0x3] =	wrdreg s16  }
0xb6: {  	[dreg:$0x4] =	wrdreg s17  }
0xb7: {  	[dreg:$0x5] =	wrdreg $0x0  }
0xb8: {  	[dreg:$0x6] =	wrdreg $0x13B000  }
0xb9: {  	[dreg:$0x7] =	wrdreg $0x13C000  }
0xba: {  	[dreg:$0x8] =	wrdreg $0x13E800  }
0xbb: {  	[dreg:$0x9] =	wrdreg $0x138800  }
0xbc: {  	[dreg:$0xa] =	wrdreg $0x9  }
0xbd: {  	_ =	task.clear_ibuf [dreg:s8], $0xBFFFF;
	_ =	strace $0x90000046  }
0xbe: {  	s29 =	simm.s32 $0x9;
	_ =	strace $0x80000048  }
0xbf: {  	_ =	swait.ge [sflag:s29], $0x1  }
0xc0: {  	[sflag:s29] =	ssyncadd.s32 $0xFFFFFFFF  }
0xc1: {  	_ =	strace $0x90000048  }
0xc2: {  	_ =	sfence  }
0xc3: {  	s30 =	sld [smem:$0x0];
	_ =	sdelay $0x2  }
0xc4: {  	s31 =	sshll.u32 s1, $0xD;
	s1 =	sshrl.u32 s1, $0x2  }
0xc5: {  	s3 =	sand.u32 $0x4000, s31;
	s1 =	sadd.s32 s1, s30  }
0xc6: {  	s0 =	sor.u32 s3, s0;
	s1 =	sshll.u32 s1, $0x11  }
0xc7: {  	s0 =	sor.u32 s1, s0  }
0xc8: {  	s0 =	sadd.s32 $0x8F2B, s0  }
0xc9: {  	[sflag:s0] =	ssyncadd.remote.s32 $0x1  }
0xca: {  	_ =	sfence.sel $0xFFFF  }
0xcb: {  	[dreg:$0x0] =	wrdreg $0xFFFFFFFF;
	(pc) =	sbr.abs _section_cstart, $3  }
0xcc: {  	[dreg:$0x1] =	wrdreg $0xFFFFFFFF  }
0xcd: {  	_ =	task.clear_ibuf [dreg:s8], $0x2FFFF;
	_ =	strace $0x9FFFFFFF  }
0xce: {  	(tm) =	ssettm $0x7FFFFFFF  }
0xcf: {  	_ =	shalt  }
tec
execute0_lowered:
.L_overlay_start_1:
0x0: {  	(tag) =	ssettag $0x1  }
0x1: {  	s0 =	rddreg [dreg:$0x0]  }
0x2: {  	s3 =	rddreg [dreg:$0x3]  }
0x3: {  	s8 =	rddreg [dreg:$0x4]  }
0x4: {  	s5 =	rddreg [dreg:$0x5]  }
0x5: {  	s6 =	rddreg [dreg:$0x6]  }
0x6: {  	s7 =	rddreg [dreg:$0x7];
	s1 =	simm.s32 $0x0;
	s9 =	stileid.u32  }
0x7: {  	s30 =	srdreg.scid;
	s31 =	simm.s32 $0x0;
	[smem:$0x7FF] =	sst s1  }
0x8: {  	s10 =	sadd.s32 $0x29000, s0;
	s11 =	smul.u32 $0x280, s9;
	s12 =	sadd.s32 $0x1E00, s0  }
0x9: {  	s2 =	sadd.s32 $0x50200, s0;
	s14 =	sand.u32 $0x1, s30;
	s4 =	sadd.s32 $0x5AA00, s0  }
0xa: {  	s20 =	smul.u32 $0x50000, s9;
	_ =	strace $0x80000047;
	[dreg:$0x9] =	wrdreg s2  }
0xb: {  	s23 =	sshll.u32 s9, $0x7;
	s30 =	sadd.s32 $0x800, s8;
	[dreg:$0xa] =	wrdreg s4  }
0xc: {  	s26 =	smul.u32 $0x5400, s9;
	s4 =	sadd.s32 $0x65200, s0;
	[dreg:$0x1a] =	wrdreg s30  }
0xd: {  	s28 =	smul.u32 $0x15, s9;
	s9 =	simm.s32 $0x14B80;
	[dreg:$0xb] =	wrdreg s4  }
0xe: {  	s15 =	ssub.s32 $0x2, s14;
	p0 =	seq.s32 s14, $0x1;
	[dreg:$0x16] =	wrdreg s26  }
0xf: {  	p1 =	sne.s32 s14, $0x0;
	s17 =	sadd.s32 s11, s5;
	[dreg:$0x18] =	wrdreg s28  }
0x10: {  	s2 =	simm.s32 $0x1;
	s25 =	sadd.s32 s11, s6;
	[dreg:$0xc] =	wrdreg s17  }
0x11: {  	s13 =	sshrl.u32 s11, $0x3;
	s4 =	sadd.s32 s23, s8;
	[dreg:$0x15] =	wrdreg s25  }
0x12: {  	s0 =	sadd.s32 s13, s0;
	[dreg:$0x11] =	wrdreg s4;
	s29 =	sadd.s32 $0x800, s4  }
0x13: {  	s16 =	sshrl.u32 s15, $0x1;
	s18 =	sadd.s32 $0x600, s0;
	[dreg:$0x19] =	wrdreg s29  }
0x14: {  	s24 =	sshrl.u32 s20, $0x2;
	s19 =	sadd.s32 $0xC00, s0;
	[dreg:$0xd] =	wrdreg s18  }
0x15: {  	p2 =	por !p0, !p0;
	s21 =	sadd.s32 $0x1200, s0;
	[dreg:$0xe] =	wrdreg s19  }
0x16: {  	s1 =	ssub.s32 s15, s16;
	s22 =	sadd.s32 $0x1800, s0;
	[dreg:$0xf] =	wrdreg s21  }
.Ltmp0:
0x17: {  	s0 =	sadd.s32 $0x65400, s0;
	[dreg:$0x10] =	wrdreg s22;
	(pc) =	sbr.rel .LBB2_1-.Ltmp0, $4  }
0x18: {  	s23 =	simm.s32 $0x6;
	s1 =	smax.u32 s1, $0x1;
	[dreg:$0x12] =	wrdreg s0  }
0x19: {  	s20 =	simm.s32 $0x1DF80;
	[dreg:$0x13] =	wrdreg s1;
	s0 =	sadd.s32 s24, s3  }
0x1a: {  	s16 =	simm.s32 $0x80;
	s24 =	sadd.s32 s11, s7;
	[dreg:$0x14] =	wrdreg s0  }
0x1b: {  	v0 =	vimm.f32 $0.0e+00;
	s4 =	simm.s32 $0x0;
	s0 =	simm.s32 $0x1E200;
	[dreg:$0x17] =	wrdreg s24  }
.LBB2_36:
0x1c: {  	s1 =	rddreg [dreg:$0x12]  }
0x1d: {  	[hbm4b:s1+s19] =	stream.linear.scatter [tilespmem:s0], [sflag:$0x6], $0x280, $0x38;
	[tilespmem:$0x1E700] =	vst v63  }
0x1e: {  	_ =	swait.ge [sflag:s23], $0x280  }
0x1f: {  	[sflag:s23] =	ssyncset.done $0x0  }
0x20: {  	s4 =	rddreg [dreg:$0x1b];
	[sflag:s23] =	ssyncadd.s32 $0xFFFFFD80  }
.LBB2_37:
0x21: {  	s4 =	sadd.s32 $0x1, s4;
	s1 =	rddreg [dreg:$0x13]  }
0x22: {  	p3 =	sne.s32 s4, s1  }
.Ltmp1:
0x23: {  	_ = 	snop;
	(pc) =	sbr.rel @!p3 .LBB2_38-.Ltmp1, $1  }
0x24: {  	_ =	sdelay $0x3  }
.LBB2_1:
0x25: {  	[dreg:$0x1b] =	wrdreg s4;
	s15 =	stileid.u32  }
0x26: {  	s17 =	rddreg [dreg:$0xc];
	s1 =	sshll.u32 @!p1 s15, $0x6  }
0x27: {  	s8 =	rddreg [dreg:$0xd];
	s4 =	sshrl.u32 @!p1 s17, $0x3;
	s1 =	sor.u32 @!p1 $0x1C06, s1  }
0x28: {  	[spmem:s4], [sflag:s1] =	dma.local @!p1 [hbm:s8], $0x50  }
0x29: {  	s4 =	simm.s32 @!p1 $0x6  }
0x2a: {  	_ =	swait.ge @!p1 [sflag:s4], $0x50  }
0x2b: {  	[sflag:s4] =	ssyncset.done @!p1 $0x0;
	s18 =	rddreg [dreg:$0x15]  }
0x2c: {  	s13 =	rddreg [dreg:$0xe];
	[sflag:s4] =	ssyncadd.s32 @!p1 $0xFFFFFFB0;
	s8 =	sshrl.u32 @!p1 s18, $0x3  }
0x2d: {  	[spmem:s8], [sflag:s1] =	dma.local @!p1 [hbm:s13], $0x50  }
0x2e: {  	_ =	swait.ge @!p1 [sflag:s4], $0x50  }
0x2f: {  	[sflag:s4] =	ssyncset.done @!p1 $0x0  }
0x30: {  	[sflag:s4] =	ssyncadd.s32 @!p1 $0xFFFFFFB0  }
0x31: {  	s1 =	simm.s32 @!p1 $0x0;
	s8 =	simm.s32 @!p1 $0x14100;
	s13 =	rddreg [dreg:$0x1]  }
0x32: {  	[tilespmem:s8], [sflag:$0x6] =	stream.linear.gather @!p1 [hbm4b:s13+s1], $0x280, $0x38;
	[tilespmem:$0x1E700] =	vst v63  }
0x33: {  	s1 =	sshll.u32 @p0 s15, $0x6;
	_ =	swait.ge @!p1 [sflag:s4], $0x280  }
0x34: {  	s1 =	sor.u32 @p0 $0x1C06, s1;
	[sflag:s4] =	ssyncset.done @!p1 $0x0  }
0x35: {  	s8 =	rddreg [dreg:$0xf];
	[sflag:s4] =	ssyncadd.s32 @!p1 $0xFFFFFD80;
	s4 =	sshrl.u32 @p0 s17, $0x3  }
0x36: {  	[spmem:s4], [sflag:s1] =	dma.local @p0 [hbm:s8], $0x50  }
0x37: {  	s4 =	simm.s32 @p0 $0x6  }
0x38: {  	_ =	swait.ge @p0 [sflag:s4], $0x50  }
0x39: {  	[sflag:s4] =	ssyncset.done @p0 $0x0  }
0x3a: {  	s8 =	sshrl.u32 @p0 s18, $0x3;
	s13 =	rddreg [dreg:$0x10];
	[sflag:s4] =	ssyncadd.s32 @p0 $0xFFFFFFB0  }
0x3b: {  	[spmem:s8], [sflag:s1] =	dma.local @p0 [hbm:s13], $0x50  }
0x3c: {  	_ =	swait.ge @p0 [sflag:s4], $0x50  }
0x3d: {  	s1 =	simm.s32 @p0 $0x0;
	[sflag:s4] =	ssyncset.done @p0 $0x0  }
0x3e: {  	s8 =	simm.s32 @p0 $0x14100;
	s13 =	rddreg [dreg:$0xb];
	[sflag:s4] =	ssyncadd.s32 @p0 $0xFFFFFFB0  }
0x3f: {  	[tilespmem:s8], [sflag:$0x6] =	stream.linear.gather @p0 [hbm4b:s13+s1], $0x280, $0x38;
	[tilespmem:$0x1E700] =	vst v63  }
0x40: {  	_ =	swait.ge @p0 [sflag:s4], $0x280  }
0x41: {  	[sflag:s4] =	ssyncset.done @p0 $0x0  }
0x42: {  	s1 =	simm.s32 $0x0;
	[sflag:s4] =	ssyncadd.s32 @p0 $0xFFFFFD80;
	s4 =	simm.s32 $0x200  }
.LBB2_2:
0x43: {  	p3 =	seq.s32 s4, $0x1E00;
	[tilespmem:s1+$0x1D7F0] =	vst v0  }
0x44: {  	[tilespmem:s1+$0x1D780] =	vst v0  }
0x45: {  	[tilespmem:s1+$0x1D790] =	vst v0  }
.Ltmp2:
0x46: {  	[tilespmem:s1+$0x1D7A0] =	vst v0;
	(pc) =	sbr.rel @!p3 .LBB2_2-.Ltmp2, $4  }
0x47: {  	[tilespmem:s1+$0x1D7B0] =	vst v0  }
0x48: {  	[tilespmem:s1+$0x1D7C0] =	vst v0  }
0x49: {  	[tilespmem:s1+$0x1D7D0] =	vst v0  }
0x4a: {  	[tilespmem:s1+$0x1D7E0] =	vst v0;
	s1 =	sshra.s32 s4, $0x2;
	s4 =	sadd.s32 $0x200, s4  }
0x4b: {  	[tilespmem:s1+$0x1D7F0] =	vst v0  }
0x4c: {  	[tilespmem:s1+$0x1D780] =	vst v0  }
0x4d: {  	[tilespmem:s1+$0x1D790] =	vst v0  }
0x4e: {  	[tilespmem:s1+$0x1D7A0] =	vst v0  }
0x4f: {  	[tilespmem:s1+$0x1D7B0] =	vst v0  }
0x50: {  	[tilespmem:s1+$0x1D7C0] =	vst v0  }
0x51: {  	[tilespmem:s1+$0x1D7D0] =	vst v0  }
0x52: {  	[tilespmem:s1+$0x1D7E0] =	vst v0;
	s30 =	simm.s32 $0x0;
	p3 =	sgt.u32 s11, $0x270F  }
0x53: {  	s8 =	rddreg [dreg:$0x14];
	[tilespmem:s30+$0x1E200] =	vst v0;
	s1 =	simm.s32 @!p3 $0x1D780;
	s13 =	simm.s32 @!p3 $0x6  }
0x54: {  	[spmem:s8] =	stream.linear.scatter @!p3 [tilespmem:s1], [sflag:$0x6], $0x800, $0x38;
	[tilespmem:$0x1E700] =	vst v63  }
0x55: {  	_ =	swait.ge @!p3 [sflag:s13], $0x800  }
0x56: {  	s4 =	sadd.s32 $0x10, s11;
	s1 =	simm.s32 $0x40;
	[sflag:s13] =	ssyncset.done @!p3 $0x0  }
.LBB2_4:
0x57: {  	[sflag:s13] =	ssyncadd.s32 @!p3 $0xFFFFF800;
	s13 =	smov.u32 s1;
	s1 =	sadd.s32 $0x40, s1  }
0x58: {  	s8 =	sadd.s32 $0x800, s8;
	p4 =	sne.s32 s1, $0xA00  }
.Ltmp3:
0x59: {  	p3 =	sgt.u32 s4, $0x270F;
	s13 =	sshra.s32 s13, $0x2;
	(pc) =	sbr.rel @p4 .LBB2_4-.Ltmp3, $4  }
0x5a: {  	s15 =	simm.s32 @!p3 $0x1D780;
	[tilespmem:s13+$0x1E200] =	vst v0;
	s13 =	simm.s32 @!p3 $0x6  }
0x5b: {  	[spmem:s8] =	stream.linear.scatter @!p3 [tilespmem:s15], [sflag:$0x6], $0x800, $0x38;
	[tilespmem:$0x1E700] =	vst v63  }
0x5c: {  	_ =	swait.ge @!p3 [sflag:s13], $0x800  }
0x5d: {  	s4 =	sadd.s32 $0x10, s4;
	[sflag:s13] =	ssyncset.done @!p3 $0x0  }
0x5e: {  	[sflag:s13] =	ssyncadd.s32 @!p3 $0xFFFFF800  }
0x5f: {  	[spmem:s24] =	stream.linear.scatter [tilespmem:s0], [sflag:$0x6], $0x280, $0x38;
	[tilespmem:$0x1E700] =	vst v63  }
0x60: {  	_ =	swait.ge [sflag:s23], $0x280  }
0x61: {  	[sflag:s23] =	ssyncset.done $0x0  }
0x62: {  	[sflag:s23] =	ssyncadd.s32 $0xFFFFFD80  }
0x63: {  	[bflag:$0x0] =	sbarrier.arrive $0xFFFF  }
0x64: {  	s28 =	simm.s32 $0x0;
	s1 =	rddreg [dreg:$0x16]  }
.LBB2_6:
0x65: {  	s4 =	rddreg [dreg:$0x18]  }
0x66: {  	s4 =	sadd.s32 s4, s28  }
0x67: {  	s8 =	rddreg [dreg:$0x9];
	s4 =	sshll.u32 s4, $0x7  }
0x68: {  	s13 =	simm.s32 $0x14380;
	s8 =	sadd.s32 s8, s4  }
0x69: {  	[tilespmem:s13], [sflag:$0x6] =	stream.linear.gather [hbm4b:s8+s31], $0x400, $0x38;
	[tilespmem:$0x1E700] =	vst v63  }
0x6a: {  	_ =	swait.ge [sflag:s23], $0x400  }
0x6b: {  	[sflag:s23] =	ssyncset.done $0x0;
	s30 =	rddreg [dreg:$0xa]  }
0x6c: {  	s22 =	simm.s32 $0x14780;
	[sflag:s23] =	ssyncadd.s32 $0xFFFFFC00;
	s4 =	sadd.s32 s30, s4  }
0x6d: {  	[tilespmem:s22], [sflag:$0x6] =	stream.linear.gather [hbm4b:s4+s31], $0x400, $0x38;
	[tilespmem:$0x1E700] =	vst v63  }
0x6e: {  	_ =	swait.ge [sflag:s23], $0x400  }
0x6f: {  	[sflag:s23] =	ssyncset.done $0x0  }
0x70: {  	s8 =	simm.s32 $0x14F80;
	[sflag:s23] =	ssyncadd.s32 $0xFFFFFC00  }
0x71: {  	[tilespmem:s8], [sflag:$0x1] =	stream.indirect.gather [spmem:s5], $0x1, s13, s16, $0xb8;
	[tilespmem:$0x1E700] =	vst v63  }
0x72: {  	s15 =	simm.s32 $0x15380  }
0x73: {  	[tilespmem:s15], [sflag:$0x1] =	stream.indirect.gather [spmem:s6], $0x1, s22, s16, $0xb8;
	[tilespmem:$0x1E700] =	vst v63  }
0x74: {  	s17 =	simm.s32 $0x14400;
	s18 =	simm.s32 $0x15000  }
0x75: {  	[tilespmem:s18], [sflag:$0x1] =	stream.indirect.gather [spmem:s5], $0x1, s17, s16, $0xb8;
	[tilespmem:$0x1E700] =	vst v63  }
0x76: {  	s19 =	simm.s32 $0x14800;
	s21 =	simm.s32 $0x15400  }
0x77: {  	[tilespmem:s21], [sflag:$0x1] =	stream.indirect.gather [spmem:s6], $0x1, s19, s16, $0xb8;
	[tilespmem:$0x1E700] =	vst v63  }
0x78: {  	s24 =	simm.s32 $0x14480;
	s25 =	simm.s32 $0x15080  }
0x79: {  	[tilespmem:s25], [sflag:$0x1] =	stream.indirect.gather [spmem:s5], $0x1, s24, s16, $0xb8;
	[tilespmem:$0x1E700] =	vst v63  }
0x7a: {  	s26 =	simm.s32 $0x14880;
	s30 =	simm.s32 $0x15480  }
0x7b: {  	[tilespmem:s30], [sflag:$0x1] =	stream.indirect.gather [spmem:s6], $0x1, s26, s16, $0xb8;
	[tilespmem:$0x1E700] =	vst v63  }
0x7c: {  	s13 =	simm.s32 $0x14500;
	s15 =	simm.s32 $0x15100  }
0x7d: {  	[tilespmem:s15], [sflag:$0x1] =	stream.indirect.gather [spmem:s5], $0x1, s13, s16, $0xb8;
	[tilespmem:$0x1E700] =	vst v63  }
0x7e: {  	s17 =	simm.s32 $0x14900;
	s18 =	simm.s32 $0x15500  }
0x7f: {  	[tilespmem:s18], [sflag:$0x1] =	stream.indirect.gather [spmem:s6], $0x1, s17, s16, $0xb8;
	[tilespmem:$0x1E700] =	vst v63  }
0x80: {  	s19 =	simm.s32 $0x14580;
	s21 =	simm.s32 $0x15180  }
0x81: {  	[tilespmem:s21], [sflag:$0x1] =	stream.indirect.gather [spmem:s5], $0x1, s19, s16, $0xb8;
	[tilespmem:$0x1E700] =	vst v63  }
0x82: {  	s24 =	simm.s32 $0x14980;
	s25 =	simm.s32 $0x15580  }
0x83: {  	[tilespmem:s25], [sflag:$0x1] =	stream.indirect.gather [spmem:s6], $0x1, s24, s16, $0xb8;
	[tilespmem:$0x1E700] =	vst v63  }
0x84: {  	s26 =	simm.s32 $0x14600;
	s30 =	simm.s32 $0x15200  }
0x85: {  	[tilespmem:s30], [sflag:$0x1] =	stream.indirect.gather [spmem:s5], $0x1, s26, s16, $0xb8;
	[tilespmem:$0x1E700] =	vst v63  }
0x86: {  	s13 =	simm.s32 $0x14A00;
	s15 =	simm.s32 $0x15600  }
0x87: {  	[tilespmem:s15], [sflag:$0x1] =	stream.indirect.gather [spmem:s6], $0x1, s13, s16, $0xb8;
	[tilespmem:$0x1E700] =	vst v63  }
0x88: {  	s17 =	simm.s32 $0x14680;
	s18 =	simm.s32 $0x15280  }
0x89: {  	[tilespmem:s18], [sflag:$0x1] =	stream.indirect.gather [spmem:s5], $0x1, s17, s16, $0xb8;
	[tilespmem:$0x1E700] =	vst v63  }
0x8a: {  	s19 =	simm.s32 $0x14A80;
	s21 =	simm.s32 $0x15680  }
0x8b: {  	[tilespmem:s21], [sflag:$0x1] =	stream.indirect.gather [spmem:s6], $0x1, s19, s16, $0xb8;
	[tilespmem:$0x1E700] =	vst v63  }
0x8c: {  	s24 =	simm.s32 $0x14700;
	s25 =	simm.s32 $0x15300  }
0x8d: {  	[tilespmem:s25], [sflag:$0x1] =	stream.indirect.gather [spmem:s5], $0x1, s24, s16, $0xb8;
	[tilespmem:$0x1E700] =	vst v63  }
0x8e: {  	s26 =	simm.s32 $0x14B00;
	s30 =	simm.s32 $0x15700  }
0x8f: {  	[tilespmem:s30], [sflag:$0x1] =	stream.indirect.gather [spmem:s6], $0x1, s26, s16, $0xb8;
	[tilespmem:$0x1E700] =	vst v63  }
0x90: {  	_ =	swait.ge [sflag:s2], $0x80  }
0x91: {  	[sflag:s2] =	ssyncset.done $0x0  }
0x92: {  	[sflag:s2] =	ssyncadd.s32 $0xFFFFFF80  }
0x93: {  	_ =	swait.ge [sflag:s2], $0x80  }
0x94: {  	[sflag:s2] =	ssyncset.done $0x0  }
0x95: {  	[sflag:s2] =	ssyncadd.s32 $0xFFFFFF80  }
0x96: {  	_ =	swait.ge [sflag:s2], $0x80  }
0x97: {  	[sflag:s2] =	ssyncset.done $0x0  }
0x98: {  	[sflag:s2] =	ssyncadd.s32 $0xFFFFFF80  }
0x99: {  	_ =	swait.ge [sflag:s2], $0x80  }
0x9a: {  	[sflag:s2] =	ssyncset.done $0x0  }
0x9b: {  	[sflag:s2] =	ssyncadd.s32 $0xFFFFFF80  }
0x9c: {  	_ =	swait.ge [sflag:s2], $0x80  }
0x9d: {  	[sflag:s2] =	ssyncset.done $0x0  }
0x9e: {  	[sflag:s2] =	ssyncadd.s32 $0xFFFFFF80  }
0x9f: {  	_ =	swait.ge [sflag:s2], $0x80  }
0xa0: {  	[sflag:s2] =	ssyncset.done $0x0  }
0xa1: {  	[sflag:s2] =	ssyncadd.s32 $0xFFFFFF80  }
0xa2: {  	_ =	swait.ge [sflag:s2], $0x80  }
0xa3: {  	[sflag:s2] =	ssyncset.done $0x0  }
0xa4: {  	[sflag:s2] =	ssyncadd.s32 $0xFFFFFF80  }
0xa5: {  	_ =	swait.ge [sflag:s2], $0x80  }
0xa6: {  	[sflag:s2] =	ssyncset.done $0x0  }
0xa7: {  	[sflag:s2] =	ssyncadd.s32 $0xFFFFFF80  }
0xa8: {  	_ =	swait.ge [sflag:s2], $0x80  }
0xa9: {  	[sflag:s2] =	ssyncset.done $0x0  }
0xaa: {  	[sflag:s2] =	ssyncadd.s32 $0xFFFFFF80  }
0xab: {  	_ =	swait.ge [sflag:s2], $0x80  }
0xac: {  	[sflag:s2] =	ssyncset.done $0x0  }
0xad: {  	[sflag:s2] =	ssyncadd.s32 $0xFFFFFF80  }
0xae: {  	_ =	swait.ge [sflag:s2], $0x80  }
0xaf: {  	[sflag:s2] =	ssyncset.done $0x0  }
0xb0: {  	[sflag:s2] =	ssyncadd.s32 $0xFFFFFF80  }
0xb1: {  	_ =	swait.ge [sflag:s2], $0x80  }
0xb2: {  	[sflag:s2] =	ssyncset.done $0x0  }
0xb3: {  	[sflag:s2] =	ssyncadd.s32 $0xFFFFFF80  }
0xb4: {  	_ =	swait.ge [sflag:s2], $0x80  }
0xb5: {  	[sflag:s2] =	ssyncset.done $0x0  }
0xb6: {  	[sflag:s2] =	ssyncadd.s32 $0xFFFFFF80  }
0xb7: {  	_ =	swait.ge [sflag:s2], $0x80  }
0xb8: {  	[sflag:s2] =	ssyncset.done $0x0  }
0xb9: {  	[sflag:s2] =	ssyncadd.s32 $0xFFFFFF80  }
0xba: {  	_ =	swait.ge [sflag:s2], $0x80  }
0xbb: {  	[sflag:s2] =	ssyncset.done $0x0  }
0xbc: {  	[sflag:s2] =	ssyncadd.s32 $0xFFFFFF80  }
0xbd: {  	_ =	swait.ge [sflag:s2], $0x80  }
0xbe: {  	[sflag:s2] =	ssyncset.done $0x0  }
0xbf: {  	s13 =	simm.s32 $0x14FC0;
	[sflag:s2] =	ssyncadd.s32 $0xFFFFFF80  }
0xc0: {  	s8 =	simm.s32 $0x153C0;
	v1 =	vld [tilespmem:s13+$0xFFFFFFC0]  }
0xc1: {  	v2 =	vld [tilespmem:s8+$0xFFFFFFC0];
	_ =	sdelay $0x4  }
0xc2: {  	v1 =	vadd.f32 v2, v1;
	_ =	sdelay $0x1  }
0xc3: {  	v2 =	vmul.f32 $2.000000030e-01, v1  }
0xc4: {  	vm0 =	vgt.f32 v1, $0.0e+00  }
0xc5: {  	v1 =	vsel vm0, v1, v2  }
0xc6: {  	v1 =	vmul.f32 $1.442695020e+00, v1;
	_ =	sdelay $0x1  }
0xc7: {  	(erf) = vpow2.f32 v1;
	_ =	sdelay $0x7  }
0xc8: {  	s18 =	sadd.s32 $0x0, s1  }
0xc9: {  	p3 =	slt.u32 s18, $0x50910;
	v1 =	vpop (erf)  }
0xca: {  	s17 =	simm.s32 $0x14B80;
	v1 =	vpsel !p3, $0x0, v1  }
0xcb: {  	[tilespmem:s17+$0x0] =	vst v1  }
0xcc: {  	v1 =	vld [tilespmem:s13+$0xFFFFFFD0]  }
0xcd: {  	v2 =	vld [tilespmem:s8+$0xFFFFFFD0];
	_ =	sdelay $0x4  }
0xce: {  	v1 =	vadd.f32 v2, v1;
	_ =	sdelay $0x1  }
0xcf: {  	v2 =	vmul.f32 $2.000000030e-01, v1  }
0xd0: {  	vm9 =	vgt.f32 v1, $0.0e+00  }
0xd1: {  	v1 =	vsel vm9, v1, v2  }
0xd2: {  	v1 =	vmul.f32 $1.442695020e+00, v1;
	_ =	sdelay $0x1  }
0xd3: {  	(erf) = vpow2.f32 v1;
	_ =	sdelay $0x7  }
0xd4: {  	s15 =	sadd.s32 $0x10, s18  }
0xd5: {  	p4 =	slt.u32 s15, $0x50910;
	v1 =	vpop (erf)  }
0xd6: {  	v1 =	vpsel !p4, $0x0, v1  }
0xd7: {  	[tilespmem:s17+$0x10] =	vst v1  }
0xd8: {  	v1 =	vld [tilespmem:s13+$0xFFFFFFE0]  }
0xd9: {  	v2 =	vld [tilespmem:s8+$0xFFFFFFE0];
	_ =	sdelay $0x4  }
0xda: {  	v1 =	vadd.f32 v2, v1;
	_ =	sdelay $0x1  }
0xdb: {  	v2 =	vmul.f32 $2.000000030e-01, v1  }
0xdc: {  	vm10 =	vgt.f32 v1, $0.0e+00  }
0xdd: {  	v1 =	vsel vm10, v1, v2  }
0xde: {  	v1 =	vmul.f32 $1.442695020e+00, v1;
	_ =	sdelay $0x1  }
0xdf: {  	(erf) = vpow2.f32 v1;
	_ =	sdelay $0x7  }
0xe0: {  	s19 =	sadd.s32 $0x20, s18  }
0xe1: {  	p5 =	slt.u32 s19, $0x50910;
	v1 =	vpop (erf)  }
0xe2: {  	v1 =	vpsel !p5, $0x0, v1  }
0xe3: {  	[tilespmem:s17+$0x20] =	vst v1  }
0xe4: {  	v1 =	vld [tilespmem:s13+$0xFFFFFFF0]  }
0xe5: {  	v2 =	vld [tilespmem:s8+$0xFFFFFFF0];
	_ =	sdelay $0x4  }
0xe6: {  	v1 =	vadd.f32 v2, v1;
	_ =	sdelay $0x1  }
0xe7: {  	v2 =	vmul.f32 $2.000000030e-01, v1  }
0xe8: {  	vm11 =	vgt.f32 v1, $0.0e+00  }
0xe9: {  	v1 =	vsel vm11, v1, v2  }
0xea: {  	v1 =	vmul.f32 $1.442695020e+00, v1;
	_ =	sdelay $0x1  }
0xeb: {  	(erf) = vpow2.f32 v1;
	_ =	sdelay $0x7  }
0xec: {  	s21 =	sadd.s32 $0x30, s18  }
0xed: {  	p6 =	slt.u32 s21, $0x50910;
	v1 =	vpop (erf)  }
0xee: {  	v1 =	vpsel !p6, $0x0, v1  }
0xef: {  	[tilespmem:s17+$0x30] =	vst v1  }
0xf0: {  	v1 =	vld [tilespmem:s13+$0x0]  }
0xf1: {  	v2 =	vld [tilespmem:s8+$0x0];
	_ =	sdelay $0x4  }
0xf2: {  	v1 =	vadd.f32 v2, v1;
	_ =	sdelay $0x1  }
0xf3: {  	v2 =	vmul.f32 $2.000000030e-01, v1  }
0xf4: {  	vm12 =	vgt.f32 v1, $0.0e+00  }
0xf5: {  	v1 =	vsel vm12, v1, v2  }
0xf6: {  	v1 =	vmul.f32 $1.442695020e+00, v1;
	_ =	sdelay $0x1  }
0xf7: {  	(erf) = vpow2.f32 v1;
	_ =	sdelay $0x7  }
0xf8: {  	s24 =	sadd.s32 $0x40, s18  }
0xf9: {  	p4 =	slt.u32 s24, $0x50910;
	v1 =	vpop (erf)  }
0xfa: {  	v1 =	vpsel !p4, $0x0, v1  }
0xfb: {  	[tilespmem:s17+$0x40] =	vst v1  }
0xfc: {  	v1 =	vld [tilespmem:s13+$0x10]  }
0xfd: {  	v2 =	vld [tilespmem:s8+$0x10];
	_ =	sdelay $0x4  }
0xfe: {  	v1 =	vadd.f32 v2, v1;
	_ =	sdelay $0x1  }
0xff: {  	v2 =	vmul.f32 $2.000000030e-01, v1  }
0x100: {  	vm13 =	vgt.f32 v1, $0.0e+00  }
0x101: {  	v1 =	vsel vm13, v1, v2  }
0x102: {  	v1 =	vmul.f32 $1.442695020e+00, v1;
	_ =	sdelay $0x1  }
0x103: {  	(erf) = vpow2.f32 v1;
	_ =	sdelay $0x7  }
0x104: {  	s25 =	sadd.s32 $0x50, s18  }
0x105: {  	p5 =	slt.u32 s25, $0x50910;
	v1 =	vpop (erf)  }
0x106: {  	v1 =	vpsel !p5, $0x0, v1  }
0x107: {  	[tilespmem:s17+$0x50] =	vst v1  }
0x108: {  	v1 =	vld [tilespmem:s13+$0x20]  }
0x109: {  	v2 =	vld [tilespmem:s8+$0x20];
	_ =	sdelay $0x4  }
0x10a: {  	v1 =	vadd.f32 v2, v1;
	_ =	sdelay $0x1  }
0x10b: {  	v2 =	vmul.f32 $2.000000030e-01, v1  }
0x10c: {  	vm14 =	vgt.f32 v1, $0.0e+00  }
0x10d: {  	v1 =	vsel vm14, v1, v2  }
0x10e: {  	v1 =	vmul.f32 $1.442695020e+00, v1;
	_ =	sdelay $0x1  }
0x10f: {  	(erf) = vpow2.f32 v1;
	_ =	sdelay $0x7  }
0x110: {  	s26 =	sadd.s32 $0x60, s18  }
0x111: {  	p6 =	slt.u32 s26, $0x50910;
	v1 =	vpop (erf)  }
0x112: {  	v1 =	vpsel !p6, $0x0, v1  }
0x113: {  	[tilespmem:s17+$0x60] =	vst v1  }
0x114: {  	v1 =	vld [tilespmem:s13+$0x30]  }
0x115: {  	v2 =	vld [tilespmem:s8+$0x30];
	_ =	sdelay $0x4  }
0x116: {  	v1 =	vadd.f32 v2, v1;
	_ =	sdelay $0x1  }
0x117: {  	v2 =	vmul.f32 $2.000000030e-01, v1  }
0x118: {  	vm15 =	vgt.f32 v1, $0.0e+00  }
0x119: {  	v1 =	vsel vm15, v1, v2  }
0x11a: {  	v1 =	vmul.f32 $1.442695020e+00, v1;
	_ =	sdelay $0x1  }
0x11b: {  	(erf) = vpow2.f32 v1;
	_ =	sdelay $0x5  }
0x11c: {  	s29 =	simm.s32 $0x15040;
	s21 =	simm.s32 $0x14780;
	s30 =	sadd.s32 $0x70, s18  }
0x11d: {  	s25 =	simm.s32 $0x14B80;
	s26 =	simm.s32 $0x80;
	p4 =	slt.u32 s30, $0x50910  }
.LBB2_7:
0x11e: {  	s22 =	sadd.s32 $0x80, s22;
	s17 =	sadd.s32 $0x80, s17;
	s8 =	sadd.s32 $0x80, s8  }
0x11f: {  	p3 =	sne.s32 s26, $0x380;
	s4 =	smov.u32 s26;
	s26 =	sadd.s32 $0x80, s26;
	v1 =	vpop (erf)  }
0x120: {  	v1 =	vpsel !p4, $0x0, v1  }
0x121: {  	[tilespmem:s25+$0x70] =	vst v1  }
0x122: {  	[spmem:s7] =	stream.indirect.scatter.add.f32 [tilespmem:s25], [sflag:$0x6], $0x1, s21, s16, $0xb8;
	[tilespmem:$0x1E700] =	vst v63  }
0x123: {  	s21 =	smov.u32 s22;
	s25 =	smov.u32 s17;
	_ =	swait.ge [sflag:s23], $0x80  }
0x124: {  	[sflag:s23] =	ssyncset.done $0x0  }
0x125: {  	[sflag:s23] =	ssyncadd.s32 $0xFFFFFF80  }
0x126: {  	v1 =	vld [tilespmem:s29+$0xFFFFFFC0]  }
0x127: {  	v2 =	vld [tilespmem:s8+$0xFFFFFFC0];
	_ =	sdelay $0x4  }
0x128: {  	v1 =	vadd.f32 v2, v1;
	_ =	sdelay $0x1  }
0x129: {  	v2 =	vmul.f32 $2.000000030e-01, v1  }
0x12a: {  	vm0 =	vgt.f32 v1, $0.0e+00  }
0x12b: {  	v1 =	vsel vm0, v1, v2  }
0x12c: {  	v1 =	vmul.f32 $1.442695020e+00, v1;
	_ =	sdelay $0x1  }
0x12d: {  	(erf) = vpow2.f32 v1;
	_ =	sdelay $0x7  }
0x12e: {  	s13 =	sadd.s32 s4, s1  }
0x12f: {  	p4 =	slt.u32 s13, $0x50910;
	s19 =	sadd.s32 $0x10, s13;
	s18 =	sadd.s32 $0x20, s13;
	v1 =	vpop (erf)  }
0x130: {  	s24 =	sadd.s32 $0x30, s13;
	s4 =	sadd.s32 $0x40, s13;
	s30 =	sadd.s32 $0x50, s13;
	v1 =	vpsel !p4, $0x0, v1  }
0x131: {  	s15 =	sadd.s32 $0x60, s13;
	s13 =	sadd.s32 $0x70, s13;
	[tilespmem:s17+$0x0] =	vst v1  }
0x132: {  	v1 =	vld [tilespmem:s29+$0xFFFFFFD0]  }
0x133: {  	v2 =	vld [tilespmem:s8+$0xFFFFFFD0];
	_ =	sdelay $0x4  }
0x134: {  	v1 =	vadd.f32 v2, v1;
	_ =	sdelay $0x1  }
0x135: {  	vm0 =	vgt.f32 v1, $0.0e+00;
	v2 =	vmul.f32 $2.000000030e-01, v1;
	_ =	sdelay $0x1  }
0x136: {  	v1 =	vsel vm0, v1, v2  }
0x137: {  	v1 =	vmul.f32 $1.442695020e+00, v1;
	_ =	sdelay $0x1  }
0x138: {  	(erf) = vpow2.f32 v1;
	_ =	sdelay $0x7  }
0x139: {  	p4 =	slt.u32 s19, $0x50910  }
0x13a: {  	v1 =	vpop (erf)  }
0x13b: {  	v1 =	vpsel !p4, $0x0, v1  }
0x13c: {  	[tilespmem:s17+$0x10] =	vst v1  }
0x13d: {  	v1 =	vld [tilespmem:s29+$0xFFFFFFE0]  }
0x13e: {  	v2 =	vld [tilespmem:s8+$0xFFFFFFE0];
	_ =	sdelay $0x4  }
0x13f: {  	v1 =	vadd.f32 v2, v1;
	_ =	sdelay $0x1  }
0x140: {  	vm0 =	vgt.f32 v1, $0.0e+00;
	v2 =	vmul.f32 $2.000000030e-01, v1;
	_ =	sdelay $0x1  }
0x141: {  	v1 =	vsel vm0, v1, v2  }
0x142: {  	v1 =	vmul.f32 $1.442695020e+00, v1;
	_ =	sdelay $0x1  }
0x143: {  	(erf) = vpow2.f32 v1;
	_ =	sdelay $0x6  }
0x144: {  	p4 =	slt.u32 s18, $0x50910;
	_ =	sdelay $0x1  }
0x145: {  	v1 =	vpop (erf)  }
0x146: {  	v1 =	vpsel !p4, $0x0, v1  }
0x147: {  	[tilespmem:s17+$0x20] =	vst v1  }
0x148: {  	v1 =	vld [tilespmem:s29+$0xFFFFFFF0]  }
0x149: {  	v2 =	vld [tilespmem:s8+$0xFFFFFFF0];
	_ =	sdelay $0x4  }
0x14a: {  	v1 =	vadd.f32 v2, v1;
	_ =	sdelay $0x1  }
0x14b: {  	vm0 =	vgt.f32 v1, $0.0e+00;
	v2 =	vmul.f32 $2.000000030e-01, v1;
	_ =	sdelay $0x1  }
0x14c: {  	v1 =	vsel vm0, v1, v2  }
0x14d: {  	v1 =	vmul.f32 $1.442695020e+00, v1;
	_ =	sdelay $0x1  }
0x14e: {  	(erf) = vpow2.f32 v1;
	_ =	sdelay $0x5  }
0x14f: {  	p4 =	slt.u32 s24, $0x50910;
	_ =	sdelay $0x2  }
0x150: {  	v1 =	vpop (erf)  }
0x151: {  	v1 =	vpsel !p4, $0x0, v1  }
0x152: {  	[tilespmem:s17+$0x30] =	vst v1  }
0x153: {  	v1 =	vld [tilespmem:s29+$0x0]  }
0x154: {  	v2 =	vld [tilespmem:s8+$0x0];
	_ =	sdelay $0x4  }
0x155: {  	v1 =	vadd.f32 v2, v1;
	_ =	sdelay $0x1  }
0x156: {  	vm0 =	vgt.f32 v1, $0.0e+00;
	v2 =	vmul.f32 $2.000000030e-01, v1;
	_ =	sdelay $0x1  }
0x157: {  	v1 =	vsel vm0, v1, v2  }
0x158: {  	v1 =	vmul.f32 $1.442695020e+00, v1;
	_ =	sdelay $0x1  }
0x159: {  	(erf) = vpow2.f32 v1;
	_ =	sdelay $0x4  }
0x15a: {  	p4 =	slt.u32 s4, $0x50910;
	_ =	sdelay $0x3  }
0x15b: {  	v1 =	vpop (erf)  }
0x15c: {  	v1 =	vpsel !p4, $0x0, v1  }
0x15d: {  	[tilespmem:s17+$0x40] =	vst v1  }
0x15e: {  	v1 =	vld [tilespmem:s29+$0x10]  }
0x15f: {  	v2 =	vld [tilespmem:s8+$0x10];
	_ =	sdelay $0x4  }
0x160: {  	v1 =	vadd.f32 v2, v1;
	_ =	sdelay $0x1  }
0x161: {  	vm0 =	vgt.f32 v1, $0.0e+00;
	v2 =	vmul.f32 $2.000000030e-01, v1;
	_ =	sdelay $0x1  }
0x162: {  	v1 =	vsel vm0, v1, v2  }
0x163: {  	v1 =	vmul.f32 $1.442695020e+00, v1;
	_ =	sdelay $0x1  }
0x164: {  	(erf) = vpow2.f32 v1;
	_ =	sdelay $0x3  }
0x165: {  	p4 =	slt.u32 s30, $0x50910;
	_ =	sdelay $0x4  }
0x166: {  	v1 =	vpop (erf)  }
0x167: {  	v1 =	vpsel !p4, $0x0, v1  }
0x168: {  	[tilespmem:s17+$0x50] =	vst v1  }
0x169: {  	v1 =	vld [tilespmem:s29+$0x20]  }
0x16a: {  	v2 =	vld [tilespmem:s8+$0x20];
	_ =	sdelay $0x4  }
0x16b: {  	v1 =	vadd.f32 v2, v1;
	_ =	sdelay $0x1  }
0x16c: {  	vm0 =	vgt.f32 v1, $0.0e+00;
	v2 =	vmul.f32 $2.000000030e-01, v1;
	_ =	sdelay $0x1  }
0x16d: {  	v1 =	vsel vm0, v1, v2  }
0x16e: {  	v1 =	vmul.f32 $1.442695020e+00, v1;
	_ =	sdelay $0x1  }
0x16f: {  	(erf) = vpow2.f32 v1;
	_ =	sdelay $0x2  }
0x170: {  	p4 =	slt.u32 s15, $0x50910;
	_ =	sdelay $0x5  }
0x171: {  	v1 =	vpop (erf)  }
0x172: {  	v1 =	vpsel !p4, $0x0, v1  }
0x173: {  	[tilespmem:s17+$0x60] =	vst v1  }
0x174: {  	v1 =	vld [tilespmem:s29+$0x30]  }
0x175: {  	v2 =	vld [tilespmem:s8+$0x30];
	_ =	sdelay $0x4  }
0x176: {  	v1 =	vadd.f32 v2, v1;
	_ =	sdelay $0x1  }
0x177: {  	vm0 =	vgt.f32 v1, $0.0e+00;
	v2 =	vmul.f32 $2.000000030e-01, v1;
	_ =	sdelay $0x1  }
0x178: {  	v1 =	vsel vm0, v1, v2  }
0x179: {  	v1 =	vmul.f32 $1.442695020e+00, v1;
	_ =	sdelay $0x1  }
0x17a: {  	(erf) = vpow2.f32 v1;
	_ =	sdelay $0x1  }
0x17b: {  	p4 =	slt.u32 s13, $0x50910  }
.Ltmp4:
0x17c: {  	(pc) =	sbr.rel @p3 .LBB2_7-.Ltmp4, $2  }
0x17d: {  	_ =	sdelay $0x2  }
0x17e: {  	s29 =	sadd.s32 $0x80, s29  }
0x17f: {  	_ = 	snop  }
0x180: {  	v1 =	vpop (erf)  }
0x181: {  	v1 =	vpsel !p4, $0x0, v1  }
0x182: {  	[tilespmem:s25+$0x70] =	vst v1  }
0x183: {  	[spmem:s7] =	stream.indirect.scatter.add.f32 [tilespmem:s25], [sflag:$0x6], $0x1, s21, s16, $0xb8;
	[tilespmem:$0x1E700] =	vst v63  }
0x184: {  	_ =	swait.ge [sflag:s23], $0x80  }
0x185: {  	s4 =	simm.s32 @!p1 $0x80;
	[sflag:s23] =	ssyncset.done $0x0  }
0x186: {  	s8 =	simm.s32 @!p1 $0x14380;
	s13 =	simm.s32 @!p1 $0x15780;
	[sflag:s23] =	ssyncadd.s32 $0xFFFFFF80  }
0x187: {  	[tilespmem:s13], [sflag:$0x2] =	stream.indirect.gather @!p1 [hbm4b:s10+s4], $0x80, s8, s4, $0xb8;
	[tilespmem:$0x1E700] =	vst v63  }
0x188: {  	s4 =	simm.s32 @p0 $0x80;
	s8 =	simm.s32 @p0 $0x14380;
	s13 =	simm.s32 @p0 $0x15780  }
0x189: {  	[tilespmem:s13], [sflag:$0x2] =	stream.indirect.gather @p0 [hbm4b:s12+s4], $0x80, s8, s4, $0xb8;
	[tilespmem:$0x1E700] =	vst v63  }
0x18a: {  	p3 =	por $0x0, $0x0;
	s4 =	simm.s32 $0x0  }
.LBB2_9:
0x18b: {  	s13 =	sand.u32 $0x1, s4  }
0x18c: {  	s8 =	simm.s32 $0x2;
	p4 =	seq.s32 s13, $0x0  }
0x18d: {  	s8 =	simm.s32 @!p4 $0x3;
	p4 =	seq.s32 s4, $0x0  }
.Ltmp5:
0x18e: {  	_ = 	snop;
	(pc) =	sbr.rel @p4 .LBB2_12-.Ltmp5, $4  }
0x18f: {  	_ = 	snop  }
0x190: {  	_ =	swait.ge [sflag:s8], $0x4000  }
0x191: {  	[sflag:s8] =	ssyncset.done $0x0  }
0x192: {  	[sflag:s8] =	ssyncadd.s32 $0xFFFFC000;
	s8 =	sadd.s32 $0x1, s4  }
0x193: {  	p4 =	seq.s32 s4, $0x7  }
.Ltmp6:
0x194: {  	_ = 	snop;
	(pc) =	sbr.rel @p4 .LBB2_13-.Ltmp6, $1  }
0x195: {  	_ =	sdelay $0x3  }
0x196: {  	p4 =	seq.s32 s13, $0x1  }
0x197: {  	p5 =	sne.s32 @p4 s14, $0x0;
	s15 =	simm.s32 @p4 $0x4  }
0x198: {  	_ =	swait.ge @p4 [sflag:s15], $0x4000;
	p5 =	por p5, !p4  }
0x199: {  	[sflag:s15] =	ssyncset.done @p4 $0x0;
	s17 =	sshll.u32 @!p5 s8, $0x7  }
0x19a: {  	[sflag:s15] =	ssyncadd.s32 @p4 $0xFFFFC000;
	s15 =	sand.u32 @!p5 $0x3FFFFF80, s17  }
0x19b: {  	s18 =	simm.s32 @!p5 $0x15780;
	s17 =	simm.s32 @!p5 $0x80;
	s15 =	sadd.s32 @!p5 $0x14380, s15  }
0x19c: {  	[tilespmem:s18], [sflag:$0x2] =	stream.indirect.gather @!p5 [hbm4b:s10+s17], $0x80, s15, s17, $0xb8;
	[tilespmem:$0x1E700] =	vst v63  }
0x19d: {  	s15 =	simm.s32 @!p4 $0x5  }
0x19e: {  	_ =	swait.ge @!p4 [sflag:s15], $0x4000  }
0x19f: {  	[sflag:s15] =	ssyncset.done @!p4 $0x0  }
0x1a0: {  	[sflag:s15] =	ssyncadd.s32 @!p4 $0xFFFFC000  }
.LBB2_12:
0x1a1: {  	s15 =	sand.u32 s4, s14  }
0x1a2: {  	p4 =	seq.s32 s15, $0x0  }
0x1a3: {  	s15 =	sshll.u32 @!p4 s8, $0x7  }
0x1a4: {  	s30 =	sor.u32 s14, s13;
	s15 =	sand.u32 @!p4 $0x3FFFFF80, s15  }
0x1a5: {  	s17 =	simm.s32 @!p4 $0x80;
	s18 =	simm.s32 @!p4 $0x15780;
	s15 =	sadd.s32 @!p4 $0x14380, s15  }
0x1a6: {  	[tilespmem:s18], [sflag:$0x2] =	stream.indirect.gather @!p4 [hbm4b:s12+s17], $0x80, s15, s17, $0xb8;
	[tilespmem:$0x1E700] =	vst v63  }
0x1a7: {  	p4 =	sne.s32 s30, $0x0  }
0x1a8: {  	s15 =	sshll.u32 @!p4 s8, $0x7  }
0x1a9: {  	p6 =	sne.s32 s13, $0x0;
	s15 =	sand.u32 @!p4 $0x3FFFFF80, s15  }
0x1aa: {  	s17 =	simm.s32 @!p4 $0x80;
	s18 =	simm.s32 @!p4 $0x19780;
	s15 =	sadd.s32 @!p4 $0x14380, s15  }
0x1ab: {  	[tilespmem:s18], [sflag:$0x3] =	stream.indirect.gather @!p4 [hbm4b:s10+s17], $0x80, s15, s17, $0xb8;
	[tilespmem:$0x1E700] =	vst v63  }
0x1ac: {  	p4 =	por p6, p2  }
0x1ad: {  	s15 =	sshll.u32 @!p4 s8, $0x7  }
0x1ae: {  	s15 =	sand.u32 @!p4 $0x3FFFFF80, s15  }
0x1af: {  	s17 =	simm.s32 @!p4 $0x80;
	s18 =	simm.s32 @!p4 $0x19780;
	s15 =	sadd.s32 @!p4 $0x14380, s15  }
0x1b0: {  	[tilespmem:s18], [sflag:$0x3] =	stream.indirect.gather @!p4 [hbm4b:s12+s17], $0x80, s15, s17, $0xb8;
	[tilespmem:$0x1E700] =	vst v63  }
.LBB2_13:
0x1b1: {  	s15 =	simm.s32 $0x0  }
0x1b2: {  	s4 =	sshll.u32 s4, $0x7;
	v2 =	vmov s15  }
0x1b3: {  	v1 =	vmov s4;
	v2 =	vand.u32 $0x7F, v2  }
0x1b4: {  	s15 =	simm.s32 $0x1;
	v2 =	vadd.s32 v1, v2  }
0x1b5: {  	s15 =	simm.s32 @!p3 $0x0;
	v2 =	vbroadcast v2, $0x0  }
0x1b6: {  	s15 =	sshll.u32 s15, $0xE  }
0x1b7: {  	s15 =	sadd.s32 $0x157C0, s15  }
0x1b8: {  	v6 =	vld [tilespmem:s15+$0x30]  }
0x1b9: {  	v9 =	vld [tilespmem:s15+$0x10]  }
0x1ba: {  	v7 =	vld [tilespmem:s15+$0xFFFFFFC0]  }
0x1bb: {  	v3 =	vld.idx.msk [tilespmem:v2+s9+$0x0], $0xffff  }
0x1bc: {  	v12 =	vld [tilespmem:s15+$0xFFFFFFE0]  }
0x1bd: {  	v4 =	vld [tilespmem:s15+$0x20]  }
0x1be: {  	v5 =	vld [tilespmem:s15+$0xFFFFFFD0]  }
0x1bf: {  	v2 =	vld [tilespmem:s15+$0xFFFFFFF0]  }
0x1c0: {  	v10 =	vmul.f32 v6, v3;
	v6 =	vld [tilespmem:s15+$0x0]  }
0x1c1: {  	s17 =	simm.s32 $0x1;
	v8 =	vmul.f32 v7, v3  }
0x1c2: {  	s18 =	simm.s32 $0x2;
	v11 =	vmov s17;
	s17 =	smov.u32 s15;
	v7 =	vmul.f32 v12, v3;
	v9 =	vmul.f32 v9, v3  }
.LBB2_14:
0x1c3: {  	p4 =	sne.s32 s18, $0x7F  }
0x1c4: {  	v11 =	vand.u32 $0x7F, v11;
	v5 =	vmul.f32 v5, v3;
	v4 =	vmul.f32 v4, v3;
	[tilespmem:s15+$0x30] =	vst v10;
	s17 =	sadd.s32 $0x80, s17;
	s19 =	smov.u32 s18;
	s18 =	sadd.s32 $0x1, s18  }
0x1c5: {  	v10 =	vadd.s32 v1, v11;
	[tilespmem:s15+$0xFFFFFFC0] =	vst v8;
	v8 =	vmul.f32 v2, v3;
	v3 =	vmul.f32 v6, v3  }
0x1c6: {  	v6 =	vbroadcast v10, $0x0;
	[tilespmem:s15+$0x10] =	vst v9  }
0x1c7: {  	[tilespmem:s15+$0xFFFFFFE0] =	vst v7  }
0x1c8: {  	v2 =	vld [tilespmem:s17+$0xFFFFFFF0];
	[tilespmem:s15+$0xFFFFFFF0] =	vst v8  }
0x1c9: {  	v7 =	vld [tilespmem:s17+$0x30];
	[tilespmem:s15+$0x0] =	vst v3  }
0x1ca: {  	v9 =	vld [tilespmem:s17+$0x10];
	[tilespmem:s15+$0x20] =	vst v4  }
0x1cb: {  	v8 =	vld [tilespmem:s17+$0xFFFFFFC0];
	[tilespmem:s15+$0xFFFFFFD0] =	vst v5;
	s15 =	smov.u32 s17  }
0x1cc: {  	v3 =	vld.idx.msk [tilespmem:v6+s9+$0x0], $0xffff  }
0x1cd: {  	v12 =	vld [tilespmem:s17+$0xFFFFFFE0]  }
0x1ce: {  	v4 =	vld [tilespmem:s17+$0x20]  }
.Ltmp7:
0x1cf: {  	v5 =	vld [tilespmem:s17+$0xFFFFFFD0];
	(pc) =	sbr.rel @p4 .LBB2_14-.Ltmp7, $3  }
0x1d0: {  	v6 =	vld [tilespmem:s17+$0x0];
	_ =	sdelay $0x1  }
0x1d1: {  	v8 =	vmul.f32 v8, v3;
	v10 =	vmul.f32 v7, v3  }
0x1d2: {  	v11 =	vmov s19;
	v9 =	vmul.f32 v9, v3;
	v7 =	vmul.f32 v12, v3  }
0x1d3: {  	[tilespmem:s15+$0x30] =	vst v10;
	v58 =	vand.u32 $0x7F, v11  }
0x1d4: {  	[tilespmem:s15+$0xFFFFFFC0] =	vst v8;
	v1 =	vadd.s32 v1, v58  }
0x1d5: {  	v2 =	vmul.f32 v2, v3;
	[tilespmem:s15+$0x10] =	vst v9;
	v1 =	vbroadcast v1, $0x0  }
0x1d6: {  	s17 =	sadd.s32 $0x80, s17;
	[tilespmem:s15+$0xFFFFFFE0] =	vst v7;
	v6 =	vmul.f32 v6, v3  }
0x1d7: {  	v4 =	vmul.f32 v4, v3;
	v3 =	vmul.f32 v5, v3;
	v7 =	vld [tilespmem:s17+$0xFFFFFFF0];
	[tilespmem:s15+$0xFFFFFFF0] =	vst v2  }
0x1d8: {  	v2 =	vld [tilespmem:s17+$0x30];
	[tilespmem:s15+$0x0] =	vst v6  }
0x1d9: {  	v60 =	vld [tilespmem:s17+$0xFFFFFFC0];
	[tilespmem:s15+$0xFFFFFFD0] =	vst v3  }
0x1da: {  	v59 =	vld [tilespmem:s17+$0x10];
	[tilespmem:s15+$0x20] =	vst v4  }
0x1db: {  	v1 =	vld.idx.msk [tilespmem:v1+s9+$0x0], $0xffff;
	_ =	sdelay $0x2  }
0x1dc: {  	v6 =	vld [tilespmem:s17+$0x0]  }
0x1dd: {  	v3 =	vld [tilespmem:s17+$0xFFFFFFE0]  }
0x1de: {  	v2 =	vmul.f32 v2, v1  }
0x1df: {  	v61 =	vld [tilespmem:s17+$0x20];
	v4 =	vmul.f32 v60, v1  }
0x1e0: {  	v62 =	vld [tilespmem:s17+$0xFFFFFFD0];
	v5 =	vmul.f32 v59, v1;
	[tilespmem:s17+$0x30] =	vst v2  }
0x1e1: {  	v63 =	vmul.f32 v6, v1;
	[tilespmem:s17+$0xFFFFFFC0] =	vst v4  }
0x1e2: {  	v2 =	vmul.f32 v3, v1;
	[tilespmem:s17+$0x10] =	vst v5  }
0x1e3: {  	v3 =	vmul.f32 v7, v1;
	[tilespmem:s17+$0x0] =	vst v63  }
0x1e4: {  	[tilespmem:s17+$0xFFFFFFE0] =	vst v2;
	v2 =	vmul.f32 v61, v1  }
0x1e5: {  	[tilespmem:s17+$0xFFFFFFF0] =	vst v3;
	v1 =	vmul.f32 v62, v1  }
0x1e6: {  	p4 =	sne.s32 s13, $0x0;
	s4 =	sand.u32 $0x3FFFFF80, s4;
	[tilespmem:s17+$0x20] =	vst v2  }
0x1e7: {  	s4 =	sadd.s32 $0x14780, s4;
	s13 =	simm.s32 @p4 $0x80;
	s15 =	simm.s32 @p4 $0x19780;
	[tilespmem:s17+$0xFFFFFFD0] =	vst v1  }
0x1e8: {  	[spmem:s3] =	stream.indirect.scatter.add.f32 @p4 [tilespmem:s15], [sflag:$0x5], $0x80, s4, s13, $0xb8;
	[tilespmem:$0x1E700] =	vst v63  }
0x1e9: {  	s13 =	simm.s32 @!p4 $0x80;
	s15 =	simm.s32 @!p4 $0x15780  }
0x1ea: {  	[spmem:s3] =	stream.indirect.scatter.add.f32 @!p4 [tilespmem:s15], [sflag:$0x4], $0x80, s4, s13, $0xb8;
	[tilespmem:$0x1E700] =	vst v63  }
0x1eb: {  	p4 =	sne.s32 s8, $0x8  }
.Ltmp8:
0x1ec: {  	_ = 	snop;
	(pc) =	sbr.rel @p4 .LBB2_9-.Ltmp8, $2  }
0x1ed: {  	_ =	sdelay $0x2  }
0x1ee: {  	p3 =	por !p3, !p3;
	s4 =	smov.u32 s8  }
0x1ef: {  	s4 =	simm.s32 $0x4;
	s28 =	sadd.s32 $0x1, s28  }
0x1f0: {  	_ =	swait.ge [sflag:s4], $0x4000;
	p3 =	sne.s32 s28, $0x15  }
.Ltmp9:
0x1f1: {  	[sflag:s4] =	ssyncset.done $0x0;
	(pc) =	sbr.rel @p3 .LBB2_6-.Ltmp9, $4  }
0x1f2: {  	s30 =	simm.s32 $0x5;
	[sflag:s4] =	ssyncadd.s32 $0xFFFFC000  }
0x1f3: {  	_ =	swait.ge [sflag:s30], $0x4000  }
0x1f4: {  	[sflag:s30] =	ssyncset.done $0x0  }
0x1f5: {  	s1 =	sadd.s32 $0x400, s1;
	[sflag:s30] =	ssyncadd.s32 $0xFFFFC000  }
0x1f6: {  	[bflag:$0x0] =	sbarrier.arrive $0xFFFF  }
0x1f7: {  	[bflag:$0x0] =	sbarrier.arrive $0xFFFF  }
0x1f8: {  	s24 =	rddreg [dreg:$0x17]  }
0x1f9: {  	[tilespmem:s20], [sflag:$0x6] =	stream.linear.gather [spmem:s24], $0x280, $0x38;
	[tilespmem:$0x1E700] =	vst v63  }
0x1fa: {  	_ =	swait.ge [sflag:s23], $0x280  }
0x1fb: {  	[sflag:s23] =	ssyncset.done $0x0  }
0x1fc: {  	[sflag:s23] =	ssyncadd.s32 $0xFFFFFD80  }
0x1fd: {  	[tilespmem:$0x1E480] =	vst v0  }
0x1fe: {  	[tilespmem:$0x1E500] =	vst v0  }
0x1ff: {  	[tilespmem:$0x1E490] =	vst v0  }
0x200: {  	[tilespmem:$0x1E510] =	vst v0  }
0x201: {  	[tilespmem:$0x1E4A0] =	vst v0  }
0x202: {  	[tilespmem:$0x1E520] =	vst v0  }
0x203: {  	[tilespmem:$0x1E4B0] =	vst v0  }
0x204: {  	[tilespmem:$0x1E530] =	vst v0  }
0x205: {  	[tilespmem:$0x1E4C0] =	vst v0  }
0x206: {  	[tilespmem:$0x1E540] =	vst v0  }
0x207: {  	[tilespmem:$0x1E4D0] =	vst v0  }
.Ltmp10:
0x208: {  	[tilespmem:$0x1E550] =	vst v0;
	(pc) =	sbr.rel .LBB2_18-.Ltmp10, $4  }
0x209: {  	[tilespmem:$0x1E4E0] =	vst v0  }
0x20a: {  	[tilespmem:$0x1E560] =	vst v0  }
0x20b: {  	s1 =	simm.s32 $0x0;
	s8 =	simm.s32 $0x0;
	s19 =	simm.s32 $0x0;
	[tilespmem:$0x1E4F0] =	vst v0  }
0x20c: {  	s25 =	simm.s32 $0x1D780;
	s26 =	simm.s32 $0x7;
	[tilespmem:$0x1E570] =	vst v0;
	s18 =	rddreg [dreg:$0x2]  }
.LBB2_22:
0x20d: {  	s8 =	sadd.s32 $0x1, s8  }
0x20e: {  	p3 =	sne.s32 s8, $0x28  }
.Ltmp11:
0x20f: {  	_ = 	snop;
	(pc) =	sbr.rel @!p3 .LBB2_23-.Ltmp11, $2  }
0x210: {  	_ =	sdelay $0x2  }
0x211: {  	s1 =	sadd.s32 $0x10, s1  }
.LBB2_18:
0x212: {  	s4 =	sshll.u32 s8, $0x4  }
0x213: {  	s4 =	sadd.s32 s11, s4  }
0x214: {  	p3 =	sgt.u32 s4, $0x270F  }
.Ltmp12:
0x215: {  	_ = 	snop;
	(pc) =	sbr.rel @p3 .LBB2_22-.Ltmp12, $1  }
0x216: {  	_ =	sdelay $0x3  }
0x217: {  	s4 =	sshll.u32 s4, $0x7  }
0x218: {  	s13 =	sadd.s32 $0x0, s1;
	s4 =	sand.u32 $0x3FFFFF80, s4  }
0x219: {  	v1 =	vmov s13;
	s17 =	sadd.s32 s4, s3  }
0x21a: {  	[tilespmem:s25], [sflag:$0x7] =	stream.linear.gather [spmem:s17], $0x800, $0x38;
	[tilespmem:$0x1E700] =	vst v63  }
0x21b: {  	_ =	swait.ge [sflag:s26], $0x800  }
0x21c: {  	[sflag:s26] =	ssyncset.done $0x0  }
0x21d: {  	[sflag:s26] =	ssyncadd.s32 $0xFFFFF800  }
0x21e: {  	v1 =	vld.idx.msk [tilespmem:v1+s20+$0x0], $0xffff;
	_ =	sdelay $0x4  }
0x21f: {  	(erf) = vrcp.f32 v1;
	_ =	sdelay $0x3  }
0x220: {  	s22 =	simm.s32 $0x1D7C0  }
0x221: {  	v1 =	vld [tilespmem:s22+$0xFFFFFFC0];
	_ =	sdelay $0x1  }
0x222: {  	v2 =	vld [tilespmem:$0x14100];
	_ =	sdelay $0x1  }
0x223: {  	v3 =	vpop (erf)  }
0x224: {  	v1 =	vmul.f32 v3, v1;
	_ =	sdelay $0x1  }
0x225: {  	v1 =	vadd.f32 v2, v1;
	_ =	sdelay $0x1  }
0x226: {  	v1 =	vmax.f32 v1, $0.0e+00  }
0x227: {  	[tilespmem:s22+$0xFFFFFFC0] =	vst v1  }
0x228: {  	v2 =	vld [tilespmem:$0x1E480]  }
0x229: {  	v4 =	vld [tilespmem:$0x1E500];
	_ =	sdelay $0x2  }
0x22a: {  	v5 =	vmul.f32 v1, v1  }
0x22b: {  	v1 =	vadd.f32 v1, v2  }
0x22c: {  	v2 =	vadd.f32 v4, v5  }
0x22d: {  	[tilespmem:$0x1E480] =	vst v1  }
0x22e: {  	[tilespmem:$0x1E500] =	vst v2  }
0x22f: {  	v1 =	vld [tilespmem:s22+$0xFFFFFFD0];
	_ =	sdelay $0x1  }
0x230: {  	v2 =	vld [tilespmem:$0x14110];
	_ =	sdelay $0x2  }
0x231: {  	v1 =	vmul.f32 v1, v3;
	_ =	sdelay $0x1  }
0x232: {  	v1 =	vadd.f32 v2, v1;
	_ =	sdelay $0x1  }
0x233: {  	v1 =	vmax.f32 v1, $0.0e+00  }
0x234: {  	[tilespmem:s22+$0xFFFFFFD0] =	vst v1  }
0x235: {  	v2 =	vld [tilespmem:$0x1E490]  }
0x236: {  	v52 =	vld [tilespmem:$0x1E510];
	_ =	sdelay $0x2  }
0x237: {  	v53 =	vmul.f32 v1, v1  }
0x238: {  	v1 =	vadd.f32 v1, v2  }
0x239: {  	v2 =	vadd.f32 v52, v53  }
0x23a: {  	[tilespmem:$0x1E490] =	vst v1  }
0x23b: {  	[tilespmem:$0x1E510] =	vst v2  }
0x23c: {  	v1 =	vld [tilespmem:s22+$0xFFFFFFE0];
	_ =	sdelay $0x1  }
0x23d: {  	v2 =	vld [tilespmem:$0x14120];
	_ =	sdelay $0x2  }
0x23e: {  	v1 =	vmul.f32 v1, v3;
	_ =	sdelay $0x1  }
0x23f: {  	v1 =	vadd.f32 v2, v1;
	_ =	sdelay $0x1  }
0x240: {  	v1 =	vmax.f32 v1, $0.0e+00  }
0x241: {  	[tilespmem:s22+$0xFFFFFFE0] =	vst v1  }
0x242: {  	v2 =	vld [tilespmem:$0x1E4A0]  }
0x243: {  	v54 =	vld [tilespmem:$0x1E520];
	_ =	sdelay $0x2  }
0x244: {  	v55 =	vmul.f32 v1, v1  }
0x245: {  	v1 =	vadd.f32 v1, v2  }
0x246: {  	v2 =	vadd.f32 v54, v55  }
0x247: {  	[tilespmem:$0x1E4A0] =	vst v1  }
0x248: {  	[tilespmem:$0x1E520] =	vst v2  }
0x249: {  	v1 =	vld [tilespmem:s22+$0xFFFFFFF0];
	_ =	sdelay $0x1  }
0x24a: {  	v2 =	vld [tilespmem:$0x14130];
	_ =	sdelay $0x2  }
0x24b: {  	v1 =	vmul.f32 v1, v3;
	_ =	sdelay $0x1  }
0x24c: {  	v1 =	vadd.f32 v2, v1;
	_ =	sdelay $0x1  }
0x24d: {  	v1 =	vmax.f32 v1, $0.0e+00  }
0x24e: {  	[tilespmem:s22+$0xFFFFFFF0] =	vst v1  }
0x24f: {  	v2 =	vld [tilespmem:$0x1E4B0]  }
0x250: {  	v56 =	vld [tilespmem:$0x1E530];
	_ =	sdelay $0x2  }
0x251: {  	v57 =	vmul.f32 v1, v1  }
0x252: {  	v1 =	vadd.f32 v1, v2  }
0x253: {  	v2 =	vadd.f32 v56, v57  }
0x254: {  	[tilespmem:$0x1E4B0] =	vst v1  }
0x255: {  	[tilespmem:$0x1E530] =	vst v2  }
0x256: {  	v1 =	vld [tilespmem:s22+$0x0];
	_ =	sdelay $0x1  }
0x257: {  	v2 =	vld [tilespmem:$0x14140];
	_ =	sdelay $0x2  }
0x258: {  	v1 =	vmul.f32 v1, v3;
	_ =	sdelay $0x1  }
0x259: {  	v1 =	vadd.f32 v2, v1;
	_ =	sdelay $0x1  }
0x25a: {  	v1 =	vmax.f32 v1, $0.0e+00  }
0x25b: {  	[tilespmem:s22+$0x0] =	vst v1  }
0x25c: {  	v2 =	vld [tilespmem:$0x1E4C0]  }
0x25d: {  	v58 =	vld [tilespmem:$0x1E540];
	_ =	sdelay $0x2  }
0x25e: {  	v59 =	vmul.f32 v1, v1  }
0x25f: {  	v1 =	vadd.f32 v1, v2  }
0x260: {  	v2 =	vadd.f32 v58, v59  }
0x261: {  	[tilespmem:$0x1E4C0] =	vst v1  }
0x262: {  	[tilespmem:$0x1E540] =	vst v2  }
0x263: {  	v1 =	vld [tilespmem:s22+$0x10];
	_ =	sdelay $0x1  }
0x264: {  	v2 =	vld [tilespmem:$0x14150];
	_ =	sdelay $0x2  }
0x265: {  	v1 =	vmul.f32 v1, v3;
	_ =	sdelay $0x1  }
0x266: {  	v1 =	vadd.f32 v2, v1;
	_ =	sdelay $0x1  }
0x267: {  	v1 =	vmax.f32 v1, $0.0e+00  }
0x268: {  	[tilespmem:s22+$0x10] =	vst v1  }
0x269: {  	v2 =	vld [tilespmem:$0x1E4D0]  }
0x26a: {  	v60 =	vld [tilespmem:$0x1E550];
	_ =	sdelay $0x2  }
0x26b: {  	v61 =	vmul.f32 v1, v1  }
0x26c: {  	v1 =	vadd.f32 v1, v2  }
0x26d: {  	v2 =	vadd.f32 v60, v61  }
0x26e: {  	[tilespmem:$0x1E4D0] =	vst v1  }
0x26f: {  	[tilespmem:$0x1E550] =	vst v2  }
0x270: {  	v1 =	vld [tilespmem:s22+$0x20];
	_ =	sdelay $0x1  }
0x271: {  	v2 =	vld [tilespmem:$0x14160];
	_ =	sdelay $0x2  }
0x272: {  	v1 =	vmul.f32 v1, v3;
	_ =	sdelay $0x1  }
0x273: {  	v1 =	vadd.f32 v2, v1;
	_ =	sdelay $0x1  }
0x274: {  	v1 =	vmax.f32 v1, $0.0e+00  }
0x275: {  	[tilespmem:s22+$0x20] =	vst v1  }
0x276: {  	v2 =	vld [tilespmem:$0x1E4E0]  }
0x277: {  	v62 =	vld [tilespmem:$0x1E560];
	_ =	sdelay $0x2  }
0x278: {  	v63 =	vmul.f32 v1, v1  }
0x279: {  	v1 =	vadd.f32 v1, v2  }
0x27a: {  	v2 =	vadd.f32 v62, v63  }
0x27b: {  	[tilespmem:$0x1E4E0] =	vst v1  }
0x27c: {  	[tilespmem:$0x1E560] =	vst v2  }
0x27d: {  	v1 =	vld [tilespmem:s22+$0x30];
	_ =	sdelay $0x1  }
0x27e: {  	v2 =	vld [tilespmem:$0x14170];
	_ =	sdelay $0x2  }
0x27f: {  	v1 =	vmul.f32 v1, v3;
	_ =	sdelay $0x1  }
0x280: {  	v1 =	vadd.f32 v2, v1;
	_ =	sdelay $0x1  }
0x281: {  	v1 =	vmax.f32 v1, $0.0e+00  }
0x282: {  	s21 =	simm.s32 $0x1;
	[tilespmem:s22+$0x30] =	vst v1;
	v2 =	vmul.f32 v1, v1  }
.LBB2_20:
0x283: {  	p3 =	sne.s32 s21, $0xF  }
0x284: {  	v3 =	vld [tilespmem:$0x1E4F0];
	s22 =	sadd.s32 $0x80, s22;
	s4 =	smov.u32 s21;
	s21 =	sadd.s32 $0x1, s21  }
0x285: {  	v4 =	vld [tilespmem:$0x1E570];
	_ =	sdelay $0x1  }
0x286: {  	s4 =	sadd.s32 s4, s1  }
0x287: {  	v5 =	vmov s4  }
0x288: {  	v1 =	vadd.f32 v1, v3  }
0x289: {  	v2 =	vadd.f32 v4, v2  }
0x28a: {  	[tilespmem:$0x1E4F0] =	vst v1  }
0x28b: {  	[tilespmem:$0x1E570] =	vst v2  }
0x28c: {  	v1 =	vld.idx.msk [tilespmem:v5+s20+$0x0], $0xffff;
	_ =	sdelay $0x5  }
0x28d: {  	(erf) = vrcp.f32 v1;
	_ =	sdelay $0x4  }
0x28e: {  	v2 =	vld [tilespmem:s22+$0xFFFFFFC0];
	_ =	sdelay $0x1  }
0x28f: {  	v3 =	vld [tilespmem:$0x14100];
	_ =	sdelay $0x1  }
0x290: {  	v1 =	vpop (erf)  }
0x291: {  	v2 =	vmul.f32 v1, v2;
	_ =	sdelay $0x1  }
0x292: {  	v2 =	vadd.f32 v3, v2;
	_ =	sdelay $0x1  }
0x293: {  	v2 =	vmax.f32 v2, $0.0e+00  }
0x294: {  	[tilespmem:s22+$0xFFFFFFC0] =	vst v2  }
0x295: {  	v3 =	vld [tilespmem:$0x1E480]  }
0x296: {  	v4 =	vld [tilespmem:$0x1E500];
	_ =	sdelay $0x1  }
0x297: {  	v5 =	vmul.f32 v2, v2;
	_ =	sdelay $0x1  }
0x298: {  	v2 =	vadd.f32 v2, v3  }
0x299: {  	v3 =	vadd.f32 v4, v5  }
0x29a: {  	[tilespmem:$0x1E480] =	vst v2  }
0x29b: {  	[tilespmem:$0x1E500] =	vst v3  }
0x29c: {  	v2 =	vld [tilespmem:s22+$0xFFFFFFD0]  }
0x29d: {  	v3 =	vld [tilespmem:$0x14110];
	_ =	sdelay $0x3  }
0x29e: {  	v2 =	vmul.f32 v2, v1;
	_ =	sdelay $0x1  }
0x29f: {  	v2 =	vadd.f32 v3, v2;
	_ =	sdelay $0x1  }
0x2a0: {  	v2 =	vmax.f32 v2, $0.0e+00  }
0x2a1: {  	[tilespmem:s22+$0xFFFFFFD0] =	vst v2  }
0x2a2: {  	v3 =	vld [tilespmem:$0x1E490]  }
0x2a3: {  	v4 =	vld [tilespmem:$0x1E510]  }
0x2a4: {  	v5 =	vmul.f32 v2, v2;
	_ =	sdelay $0x2  }
0x2a5: {  	v2 =	vadd.f32 v2, v3  }
0x2a6: {  	v3 =	vadd.f32 v4, v5  }
0x2a7: {  	[tilespmem:$0x1E490] =	vst v2  }
0x2a8: {  	[tilespmem:$0x1E510] =	vst v3;
	v2 =	vld [tilespmem:$0x14120]  }
0x2a9: {  	v3 =	vld [tilespmem:s22+$0xFFFFFFE0];
	_ =	sdelay $0x4  }
0x2aa: {  	v3 =	vmul.f32 v3, v1;
	_ =	sdelay $0x1  }
0x2ab: {  	v2 =	vadd.f32 v2, v3;
	_ =	sdelay $0x1  }
0x2ac: {  	v2 =	vmax.f32 v2, $0.0e+00  }
0x2ad: {  	[tilespmem:s22+$0xFFFFFFE0] =	vst v2  }
0x2ae: {  	v3 =	vld [tilespmem:$0x1E4A0]  }
0x2af: {  	v5 =	vmul.f32 v2, v2;
	v4 =	vld [tilespmem:$0x1E520];
	_ =	sdelay $0x3  }
0x2b0: {  	v2 =	vadd.f32 v2, v3  }
0x2b1: {  	v3 =	vadd.f32 v4, v5  }
0x2b2: {  	[tilespmem:$0x1E4A0] =	vst v2  }
0x2b3: {  	[tilespmem:$0x1E520] =	vst v3;
	v2 =	vld [tilespmem:$0x14130]  }
0x2b4: {  	v3 =	vld [tilespmem:s22+$0xFFFFFFF0];
	_ =	sdelay $0x4  }
0x2b5: {  	v3 =	vmul.f32 v3, v1;
	_ =	sdelay $0x1  }
0x2b6: {  	v2 =	vadd.f32 v2, v3;
	_ =	sdelay $0x1  }
0x2b7: {  	v2 =	vmax.f32 v2, $0.0e+00  }
0x2b8: {  	[tilespmem:s22+$0xFFFFFFF0] =	vst v2  }
0x2b9: {  	v4 =	vmul.f32 v2, v2;
	v3 =	vld [tilespmem:$0x1E4B0]  }
0x2ba: {  	v5 =	vld [tilespmem:$0x1E530];
	_ =	sdelay $0x3  }
0x2bb: {  	v2 =	vadd.f32 v2, v3  }
0x2bc: {  	v3 =	vadd.f32 v5, v4  }
0x2bd: {  	[tilespmem:$0x1E4B0] =	vst v2;
	v2 =	vld [tilespmem:$0x14140]  }
0x2be: {  	[tilespmem:$0x1E530] =	vst v3  }
0x2bf: {  	v3 =	vld [tilespmem:s22+$0x0];
	_ =	sdelay $0x4  }
0x2c0: {  	v3 =	vmul.f32 v3, v1;
	_ =	sdelay $0x1  }
0x2c1: {  	v2 =	vadd.f32 v2, v3;
	_ =	sdelay $0x1  }
0x2c2: {  	v2 =	vmax.f32 v2, $0.0e+00  }
0x2c3: {  	[tilespmem:s22+$0x0] =	vst v2;
	v3 =	vmul.f32 v2, v2  }
0x2c4: {  	v4 =	vld [tilespmem:$0x1E4C0]  }
0x2c5: {  	v5 =	vld [tilespmem:$0x1E540]  }
0x2c6: {  	v6 =	vld [tilespmem:$0x14150];
	_ =	sdelay $0x2  }
0x2c7: {  	v2 =	vadd.f32 v2, v4  }
0x2c8: {  	v3 =	vadd.f32 v5, v3  }
0x2c9: {  	[tilespmem:$0x1E4C0] =	vst v2  }
0x2ca: {  	[tilespmem:$0x1E540] =	vst v3  }
0x2cb: {  	v2 =	vld [tilespmem:s22+$0x10];
	_ =	sdelay $0x4  }
0x2cc: {  	v2 =	vmul.f32 v2, v1;
	_ =	sdelay $0x1  }
0x2cd: {  	v2 =	vadd.f32 v6, v2;
	_ =	sdelay $0x1  }
0x2ce: {  	v2 =	vmax.f32 v2, $0.0e+00  }
0x2cf: {  	[tilespmem:s22+$0x10] =	vst v2;
	v3 =	vmul.f32 v2, v2  }
0x2d0: {  	v4 =	vld [tilespmem:$0x1E4D0]  }
0x2d1: {  	v5 =	vld [tilespmem:$0x1E550]  }
0x2d2: {  	v6 =	vld [tilespmem:$0x14160];
	_ =	sdelay $0x2  }
0x2d3: {  	v2 =	vadd.f32 v2, v4  }
0x2d4: {  	v3 =	vadd.f32 v5, v3  }
0x2d5: {  	[tilespmem:$0x1E4D0] =	vst v2  }
0x2d6: {  	[tilespmem:$0x1E550] =	vst v3  }
0x2d7: {  	v2 =	vld [tilespmem:s22+$0x20];
	_ =	sdelay $0x4  }
0x2d8: {  	v2 =	vmul.f32 v2, v1;
	_ =	sdelay $0x1  }
0x2d9: {  	v2 =	vadd.f32 v6, v2;
	_ =	sdelay $0x1  }
0x2da: {  	v2 =	vmax.f32 v2, $0.0e+00  }
0x2db: {  	[tilespmem:s22+$0x20] =	vst v2;
	v3 =	vmul.f32 v2, v2  }
0x2dc: {  	v4 =	vld [tilespmem:$0x1E4E0]  }
0x2dd: {  	v5 =	vld [tilespmem:$0x1E560]  }
0x2de: {  	v6 =	vld [tilespmem:$0x14170];
	_ =	sdelay $0x2  }
0x2df: {  	v2 =	vadd.f32 v2, v4  }
0x2e0: {  	v3 =	vadd.f32 v5, v3  }
0x2e1: {  	[tilespmem:$0x1E4E0] =	vst v2  }
0x2e2: {  	[tilespmem:$0x1E560] =	vst v3  }
0x2e3: {  	v2 =	vld [tilespmem:s22+$0x30];
	_ =	sdelay $0x4  }
0x2e4: {  	v1 =	vmul.f32 v2, v1  }
.Ltmp13:
0x2e5: {  	(pc) =	sbr.rel @p3 .LBB2_20-.Ltmp13, $3  }
0x2e6: {  	v1 =	vadd.f32 v6, v1;
	_ =	sdelay $0x1  }
0x2e7: {  	v1 =	vmax.f32 v1, $0.0e+00  }
0x2e8: {  	[tilespmem:s22+$0x30] =	vst v1;
	v2 =	vmul.f32 v1, v1  }
0x2e9: {  	v3 =	vld [tilespmem:$0x1E4F0]  }
0x2ea: {  	v4 =	vld [tilespmem:$0x1E570];
	_ =	sdelay $0x3  }
0x2eb: {  	v1 =	vadd.f32 v1, v3  }
0x2ec: {  	v2 =	vadd.f32 v4, v2  }
0x2ed: {  	[tilespmem:$0x1E4F0] =	vst v1  }
.Ltmp14:
0x2ee: {  	[tilespmem:$0x1E570] =	vst v2;
	(pc) =	sbr.rel .LBB2_22-.Ltmp14, $4  }
0x2ef: {  	[spmem:s17] =	stream.linear.scatter [tilespmem:s25], [sflag:$0x6], $0x800, $0x38;
	[tilespmem:$0x1E700] =	vst v63  }
0x2f0: {  	_ =	swait.ge [sflag:s23], $0x800  }
0x2f1: {  	[sflag:s23] =	ssyncset.done $0x0  }
0x2f2: {  	[sflag:s23] =	ssyncadd.s32 $0xFFFFF800  }
.LBB2_23:
0x2f3: {  	s1 =	rddreg [dreg:$0x11];
	s4 =	simm.s32 $0x1E480  }
0x2f4: {  	[spmem:s1] =	stream.linear.scatter [tilespmem:s4], [sflag:$0x6], $0x80, $0x38;
	[tilespmem:$0x1E700] =	vst v63  }
0x2f5: {  	_ =	swait.ge [sflag:s23], $0x80  }
0x2f6: {  	[sflag:s23] =	ssyncset.done $0x0  }
0x2f7: {  	s28 =	simm.s32 $0x1E500;
	s22 =	rddreg [dreg:$0x19];
	[sflag:s23] =	ssyncadd.s32 $0xFFFFFF80  }
0x2f8: {  	[spmem:s22] =	stream.linear.scatter [tilespmem:s28], [sflag:$0x6], $0x80, $0x38;
	[tilespmem:$0x1E700] =	vst v63  }
0x2f9: {  	_ =	swait.ge [sflag:s23], $0x80  }
0x2fa: {  	[sflag:s23] =	ssyncset.done $0x0  }
0x2fb: {  	[sflag:s23] =	ssyncadd.s32 $0xFFFFFF80  }
0x2fc: {  	[bflag:$0x0] =	sbarrier.arrive $0xFFFF  }
0x2fd: {  	s29 =	rddreg [dreg:$0x4]  }
0x2fe: {  	[tilespmem:s25], [sflag:$0x6] =	stream.linear.gather [spmem:s29], $0x800, $0x38;
	[tilespmem:$0x1E700] =	vst v63  }
0x2ff: {  	_ =	swait.ge [sflag:s23], $0x800  }
0x300: {  	[sflag:s23] =	ssyncset.done $0x0  }
0x301: {  	[sflag:s23] =	ssyncadd.s32 $0xFFFFF800  }
0x302: {  	v1 =	vld [tilespmem:$0x1D780]  }
0x303: {  	v2 =	vld [tilespmem:$0x1D800]  }
0x304: {  	v3 =	vld [tilespmem:$0x1D880]  }
0x305: {  	v5 =	vld [tilespmem:$0x1D900]  }
0x306: {  	v6 =	vld [tilespmem:$0x1D980]  }
0x307: {  	v11 =	vld [tilespmem:$0x1DA00]  }
0x308: {  	v12 =	vld [tilespmem:$0x1DA80]  }
0x309: {  	v13 =	vld [tilespmem:$0x1DB00]  }
0x30a: {  	v14 =	vld [tilespmem:$0x1DB80]  }
0x30b: {  	v16 =	vld [tilespmem:$0x1DC00]  }
0x30c: {  	v18 =	vld [tilespmem:$0x1DC80]  }
0x30d: {  	v32 =	vld [tilespmem:$0x1DD00]  }
0x30e: {  	v4 =	vld [tilespmem:$0x1DD80]  }
0x30f: {  	v45 =	vld [tilespmem:$0x1DE00]  }
0x310: {  	v46 =	vld [tilespmem:$0x1DE80]  }
0x311: {  	v47 =	vld [tilespmem:$0x1DF00]  }
0x312: {  	v8 =	vld [tilespmem:$0x1D790]  }
0x313: {  	v10 =	vld [tilespmem:$0x1D810]  }
0x314: {  	v19 =	vld [tilespmem:$0x1D890]  }
0x315: {  	v20 =	vld [tilespmem:$0x1D910]  }
0x316: {  	v21 =	vld [tilespmem:$0x1D990]  }
0x317: {  	v22 =	vld [tilespmem:$0x1DA10]  }
0x318: {  	v23 =	vld [tilespmem:$0x1DA90]  }
0x319: {  	v24 =	vld [tilespmem:$0x1DB10]  }
0x31a: {  	v25 =	vld [tilespmem:$0x1DB90]  }
0x31b: {  	v26 =	vld [tilespmem:$0x1DC10]  }
0x31c: {  	v27 =	vld [tilespmem:$0x1DC90]  }
0x31d: {  	v28 =	vld [tilespmem:$0x1DD10]  }
0x31e: {  	v29 =	vld [tilespmem:$0x1DD90]  }
0x31f: {  	v31 =	vld [tilespmem:$0x1DE10]  }
0x320: {  	v48 =	vld [tilespmem:$0x1DE90]  }
0x321: {  	v49 =	vld [tilespmem:$0x1DF10]  }
0x322: {  	v33 =	vld [tilespmem:$0x1D7A0]  }
0x323: {  	v34 =	vld [tilespmem:$0x1D820]  }
0x324: {  	v35 =	vld [tilespmem:$0x1D8A0]  }
0x325: {  	v36 =	vld [tilespmem:$0x1D920]  }
0x326: {  	v37 =	vld [tilespmem:$0x1D9A0]  }
0x327: {  	v38 =	vld [tilespmem:$0x1DA20]  }
0x328: {  	v39 =	vld [tilespmem:$0x1DAA0]  }
0x329: {  	v40 =	vld [tilespmem:$0x1DB20]  }
0x32a: {  	v41 =	vld [tilespmem:$0x1DBA0]  }
0x32b: {  	v42 =	vld [tilespmem:$0x1DC20]  }
0x32c: {  	v43 =	vld [tilespmem:$0x1DCA0]  }
0x32d: {  	v44 =	vld [tilespmem:$0x1DD20]  }
0x32e: {  	v50 =	vld [tilespmem:$0x1D830]  }
0x32f: {  	v51 =	vld [tilespmem:$0x1D8B0]  }
0x330: {  	v52 =	vld [tilespmem:$0x1D930]  }
0x331: {  	v53 =	vld [tilespmem:$0x1D9B0]  }
0x332: {  	v54 =	vld [tilespmem:$0x1DA30]  }
0x333: {  	v55 =	vld [tilespmem:$0x1DAB0]  }
0x334: {  	v56 =	vld [tilespmem:$0x1DB30]  }
0x335: {  	v57 =	vld [tilespmem:$0x1DBB0]  }
0x336: {  	v58 =	vld [tilespmem:$0x1DC30]  }
0x337: {  	v59 =	vld [tilespmem:$0x1DCB0]  }
0x338: {  	v60 =	vld [tilespmem:$0x1DD30]  }
0x339: {  	v61 =	vld [tilespmem:$0x1DDB0]  }
0x33a: {  	v62 =	vld [tilespmem:$0x1DE30]  }
0x33b: {  	v63 =	vld [tilespmem:$0x1DEB0]  }
0x33c: {  	v7 =	vld [tilespmem:$0x1DF30]  }
0x33d: {  	v9 =	vld [tilespmem:$0x1D840]  }
0x33e: {  	v15 =	vld [tilespmem:$0x1D8C0]  }
0x33f: {  	v17 =	vld [tilespmem:$0x1D940]  }
0x340: {  	v30 =	vld [tilespmem:$0x1D9C0]  }
0x341: {  	[tilespmem:$0x1FFB0] =	vst v45;
	v45 =	vld [tilespmem:$0x1DDA0]  }
0x342: {  	[tilespmem:$0x1FFC0] =	vst v46;
	v46 =	vld [tilespmem:$0x1DE20]  }
0x343: {  	[tilespmem:$0x1FFE0] =	vst v47;
	v47 =	vld [tilespmem:$0x1DEA0]  }
0x344: {  	[tilespmem:$0x1FFD0] =	vst v48;
	v48 =	vld [tilespmem:$0x1DF20];
	v1 =	vadd.f32 $0.0e+00, v1  }
0x345: {  	[tilespmem:$0x1FFF0] =	vst v49;
	v49 =	vld [tilespmem:$0x1D7B0];
	v8 =	vadd.f32 $0.0e+00, v8  }
0x346: {  	[tilespmem:$0x1FFA0] =	vst v4;
	v4 =	vld [tilespmem:$0x1D7C0];
	v1 =	vadd.f32 v2, v1;
	v2 =	vadd.f32 $0.0e+00, v33  }
0x347: {  	v33 =	vld [tilespmem:$0x1DA40];
	v8 =	vadd.f32 v10, v8  }
0x348: {  	v2 =	vadd.f32 v34, v2;
	v34 =	vld [tilespmem:$0x1DB40]  }
0x349: {  	v1 =	vadd.f32 v3, v1;
	v3 =	vadd.f32 v19, v8;
	v19 =	vld [tilespmem:$0x1DBC0]  }
0x34a: {  	v8 =	vld [tilespmem:$0x1DCC0]  }
0x34b: {  	v10 =	vadd.f32 $0.0e+00, v49;
	v49 =	vld [tilespmem:$0x1DAC0]  }
0x34c: {  	v1 =	vadd.f32 v5, v1;
	v2 =	vadd.f32 v35, v2;
	v5 =	vld [tilespmem:$0x1DDC0]  }
0x34d: {  	v3 =	vadd.f32 v20, v3;
	v50 =	vadd.f32 v50, v10;
	v10 =	vld [tilespmem:$0x1DC40]  }
0x34e: {  	v4 =	vadd.f32 $0.0e+00, v4;
	v1 =	vadd.f32 v6, v1;
	v6 =	vld [tilespmem:$0x1DD40]  }
0x34f: {  	v2 =	vadd.f32 v36, v2;
	v20 =	vadd.f32 v21, v3;
	v3 =	vld [tilespmem:$0x1DE40]  }
0x350: {  	v36 =	vld [tilespmem:$0x1DF50];
	v35 =	vadd.f32 v51, v50  }
0x351: {  	v4 =	vadd.f32 v9, v4;
	v51 =	vadd.f32 v37, v2;
	v2 =	vld [tilespmem:$0x1DEC0]  }
0x352: {  	v1 =	vadd.f32 v11, v1;
	v50 =	vadd.f32 v52, v35;
	v52 =	vld [tilespmem:$0x1D7D0]  }
0x353: {  	v35 =	vld [tilespmem:$0x1DE50]  }
0x354: {  	v4 =	vadd.f32 v15, v4;
	v12 =	vadd.f32 v12, v1;
	v1 =	vld [tilespmem:$0x1DF40]  }
0x355: {  	v20 =	vadd.f32 v22, v20;
	v11 =	vadd.f32 v38, v51;
	v51 =	vld [tilespmem:$0x1D960]  }
0x356: {  	v4 =	vadd.f32 v17, v4;
	v21 =	vadd.f32 v53, v50;
	v53 =	vld [tilespmem:$0x1D850]  }
0x357: {  	v20 =	vadd.f32 v23, v20;
	v50 =	vld [tilespmem:$0x1D8F0]  }
0x358: {  	v4 =	vadd.f32 v30, v4;
	v30 =	vld [tilespmem:$0x1DCE0]  }
0x359: {  	v20 =	vadd.f32 v24, v20;
	v24 =	vld [tilespmem:$0x1D9D0];
	v21 =	vadd.f32 v54, v21  }
0x35a: {  	v12 =	vadd.f32 v13, v12;
	v11 =	vadd.f32 v39, v11;
	v39 =	vld [tilespmem:$0x1DDE0]  }
0x35b: {  	v54 =	vld [tilespmem:$0x1D8D0];
	v4 =	vadd.f32 v33, v4;
	v21 =	vadd.f32 v55, v21  }
0x35c: {  	v33 =	vld [tilespmem:$0x1DCF0];
	v12 =	vadd.f32 v14, v12;
	v11 =	vadd.f32 v40, v11  }
0x35d: {  	v20 =	vadd.f32 v25, v20;
	v25 =	vld [tilespmem:$0x1DAD0];
	v21 =	vadd.f32 v56, v21  }
0x35e: {  	v55 =	vld [tilespmem:$0x1D950];
	v12 =	vadd.f32 v16, v12  }
0x35f: {  	v11 =	vadd.f32 v41, v11;
	v16 =	vld [tilespmem:$0x1DA50];
	v21 =	vadd.f32 v57, v21  }
0x360: {  	v4 =	vadd.f32 v49, v4;
	v20 =	vadd.f32 v26, v20;
	v26 =	vld [tilespmem:$0x1DBD0]  }
0x361: {  	v56 =	vld [tilespmem:$0x1FFA0];
	v11 =	vadd.f32 v42, v11;
	v21 =	vadd.f32 v58, v21  }
0x362: {  	v4 =	vadd.f32 v34, v4;
	v34 =	vld [tilespmem:$0x1DD60];
	v12 =	vadd.f32 v18, v12  }
0x363: {  	v18 =	vld [tilespmem:$0x1DB50];
	v11 =	vadd.f32 v43, v11;
	v21 =	vadd.f32 v59, v21  }
0x364: {  	v20 =	vadd.f32 v27, v20;
	v27 =	vld [tilespmem:$0x1DC50]  }
0x365: {  	v57 =	vld [tilespmem:$0x1FFB0];
	v11 =	vadd.f32 v44, v11;
	v21 =	vadd.f32 v60, v21  }
0x366: {  	v20 =	vadd.f32 v28, v20;
	v28 =	vld [tilespmem:$0x1DCD0]  }
0x367: {  	v58 =	vld [tilespmem:$0x1FFC0];
	v11 =	vadd.f32 v45, v11;
	v21 =	vadd.f32 v61, v21  }
0x368: {  	v4 =	vadd.f32 v19, v4;
	v12 =	vadd.f32 v32, v12;
	v60 =	vld [tilespmem:$0x1D7E0]  }
0x369: {  	v11 =	vadd.f32 v46, v11;
	v21 =	vadd.f32 v62, v21;
	v62 =	vld [tilespmem:$0x1D7F0]  }
0x36a: {  	v4 =	vadd.f32 v10, v4;
	v12 =	vadd.f32 v56, v12;
	v44 =	vld [tilespmem:$0x1D860]  }
0x36b: {  	v20 =	vadd.f32 v29, v20;
	v45 =	vld [tilespmem:$0x1D870];
	v11 =	vadd.f32 v47, v11  }
0x36c: {  	v4 =	vadd.f32 v8, v4;
	v46 =	vadd.f32 $0.0e+00, v52;
	v47 =	vld [tilespmem:$0x1D8E0]  }
0x36d: {  	v59 =	vld [tilespmem:$0x1FFD0];
	v11 =	vadd.f32 v48, v11;
	v48 =	vadd.f32 $0.0e+00, v60  }
0x36e: {  	v52 =	vld [tilespmem:$0x1D970];
	v13 =	vadd.f32 v53, v46;
	v38 =	vadd.f32 $0.0e+00, v62  }
0x36f: {  	v12 =	vadd.f32 v57, v12;
	v61 =	vld [tilespmem:$0x1FFE0];
	v9 =	vadd.f32 v44, v48  }
0x370: {  	v53 =	vld [tilespmem:$0x1D9E0];
	v13 =	vadd.f32 v54, v13;
	v38 =	vadd.f32 v45, v38  }
0x371: {  	v20 =	vadd.f32 v31, v20;
	v54 =	vld [tilespmem:$0x1D9F0];
	v9 =	vadd.f32 v47, v9  }
0x372: {  	v13 =	vadd.f32 v55, v13;
	v55 =	vld [tilespmem:$0x1DA60];
	v56 =	vadd.f32 v50, v38  }
0x373: {  	v57 =	vld [tilespmem:$0x1DA70];
	v12 =	vadd.f32 v58, v12;
	v9 =	vadd.f32 v51, v9  }
0x374: {  	v58 =	vld [tilespmem:$0x1DAE0];
	v13 =	vadd.f32 v24, v13;
	v15 =	vadd.f32 v52, v56  }
0x375: {  	v20 =	vadd.f32 v59, v20;
	v59 =	vld [tilespmem:$0x1DAF0];
	v9 =	vadd.f32 v53, v9  }
0x376: {  	v60 =	vld [tilespmem:$0x1DB60];
	v13 =	vadd.f32 v16, v13;
	v15 =	vadd.f32 v54, v15  }
0x377: {  	v12 =	vadd.f32 v61, v12;
	v61 =	vld [tilespmem:$0x1DB70];
	v9 =	vadd.f32 v55, v9  }
0x378: {  	v62 =	vld [tilespmem:$0x1DBE0];
	v13 =	vadd.f32 v25, v13;
	v15 =	vadd.f32 v57, v15  }
0x379: {  	v21 =	vadd.f32 v63, v21;
	v63 =	vld [tilespmem:$0x1DBF0];
	v9 =	vadd.f32 v58, v9  }
0x37a: {  	v24 =	vld [tilespmem:$0x1DC60];
	v13 =	vadd.f32 v18, v13;
	v15 =	vadd.f32 v59, v15  }
0x37b: {  	v4 =	vadd.f32 v6, v4;
	v25 =	vld [tilespmem:$0x1DC70];
	v9 =	vadd.f32 v60, v9  }
0x37c: {  	v43 =	vld [tilespmem:$0x1FFF0];
	v13 =	vadd.f32 v26, v13;
	v14 =	vadd.f32 v61, v15  }
0x37d: {  	v32 =	vld [tilespmem:$0x1DD50];
	v4 =	vadd.f32 v5, v4;
	v9 =	vadd.f32 v62, v9  }
0x37e: {  	v29 =	vld [tilespmem:$0x1DDD0];
	v13 =	vadd.f32 v27, v13;
	v14 =	vadd.f32 v63, v14  }
0x37f: {  	v3 =	vadd.f32 v3, v4;
	v38 =	vld [tilespmem:$0x1DD70];
	v37 =	vadd.f32 v24, v9  }
0x380: {  	v41 =	vld [tilespmem:$0x1DDF0];
	v13 =	vadd.f32 v28, v13;
	v14 =	vadd.f32 v25, v14  }
0x381: {  	v42 =	vld [tilespmem:$0x1DE60];
	v20 =	vadd.f32 v43, v20;
	v40 =	vadd.f32 v30, v37  }
0x382: {  	v31 =	vld [tilespmem:$0x1DED0];
	v13 =	vadd.f32 v32, v13;
	v10 =	vadd.f32 v33, v14  }
0x383: {  	v2 =	vadd.f32 v2, v3;
	v44 =	vld [tilespmem:$0x1DE70];
	v43 =	vadd.f32 v34, v40  }
0x384: {  	v45 =	vld [tilespmem:$0x1DEE0];
	v13 =	vadd.f32 v29, v13;
	v9 =	vadd.f32 v38, v10  }
0x385: {  	v1 =	vadd.f32 v1, v2;
	v47 =	vld [tilespmem:$0x1DEF0];
	v46 =	vadd.f32 v39, v43  }
0x386: {  	v49 =	vld [tilespmem:$0x1DF60];
	v48 =	vadd.f32 v35, v13;
	v8 =	vadd.f32 v41, v9  }
0x387: {  	v7 =	vadd.f32 v7, v21;
	v1 =	vmul.f32 $9.999999740e-05, v1;
	v51 =	vld [tilespmem:$0x1DF70];
	v3 =	vadd.f32 v42, v46  }
0x388: {  	v50 =	vmul.f32 $9.999999740e-05, v12;
	v10 =	vadd.f32 v31, v48;
	v6 =	vadd.f32 v44, v8  }
0x389: {  	[tilespmem:$0x1E5C0] =	vst v1;
	v53 =	vmul.f32 $9.999999740e-05, v11;
	v2 =	vadd.f32 v45, v3  }
0x38a: {  	[tilespmem:$0x1E580] =	vst v50;
	v3 =	vmul.f32 $9.999999740e-05, v7;
	v54 =	vadd.f32 v36, v10;
	v5 =	vadd.f32 v47, v6  }
0x38b: {  	v52 =	vmul.f32 $9.999999740e-05, v20;
	[tilespmem:$0x1E5A0] =	vst v53;
	v2 =	vadd.f32 v49, v2  }
0x38c: {  	[tilespmem:$0x1E5B0] =	vst v3;
	v3 =	vmul.f32 $9.999999740e-05, v54;
	v4 =	vadd.f32 v51, v5  }
0x38d: {  	[tilespmem:$0x1E590] =	vst v52;
	v1 =	vmul.f32 $9.999999740e-05, v2  }
0x38e: {  	[tilespmem:$0x1E5D0] =	vst v3;
	v2 =	vmul.f32 $9.999999740e-05, v4  }
0x38f: {  	[tilespmem:$0x1E5E0] =	vst v1  }
0x390: {  	s30 =	rddreg [dreg:$0x1a];
	[tilespmem:$0x1E5F0] =	vst v2  }
0x391: {  	[tilespmem:s25], [sflag:$0x6] =	stream.linear.gather [spmem:s30], $0x800, $0x38;
	[tilespmem:$0x1E700] =	vst v63  }
0x392: {  	_ =	swait.ge [sflag:s23], $0x800  }
0x393: {  	[sflag:s23] =	ssyncset.done $0x0  }
0x394: {  	[sflag:s23] =	ssyncadd.s32 $0xFFFFF800  }
0x395: {  	v1 =	vld [tilespmem:$0x1D780]  }
0x396: {  	v2 =	vld [tilespmem:$0x1D800]  }
0x397: {  	v3 =	vld [tilespmem:$0x1D880]  }
0x398: {  	v7 =	vld [tilespmem:$0x1D900]  }
0x399: {  	v8 =	vld [tilespmem:$0x1D980]  }
0x39a: {  	v9 =	vld [tilespmem:$0x1DA00]  }
0x39b: {  	v10 =	vld [tilespmem:$0x1DA80]  }
0x39c: {  	v11 =	vld [tilespmem:$0x1DB00]  }
0x39d: {  	v12 =	vld [tilespmem:$0x1DB80]  }
0x39e: {  	v13 =	vld [tilespmem:$0x1DC00]  }
0x39f: {  	v14 =	vld [tilespmem:$0x1DC80]  }
0x3a0: {  	v15 =	vld [tilespmem:$0x1DD00]  }
0x3a1: {  	v16 =	vld [tilespmem:$0x1DD80]  }
0x3a2: {  	v17 =	vld [tilespmem:$0x1DE00]  }
0x3a3: {  	v18 =	vld [tilespmem:$0x1DE80]  }
0x3a4: {  	v19 =	vld [tilespmem:$0x1DF00]  }
0x3a5: {  	v20 =	vld [tilespmem:$0x1E580]  }
0x3a6: {  	v55 =	vld [tilespmem:$0x1D790]  }
0x3a7: {  	v22 =	vld [tilespmem:$0x1D810]  }
0x3a8: {  	v56 =	vld [tilespmem:$0x1D890]  }
0x3a9: {  	v57 =	vld [tilespmem:$0x1D910]  }
0x3aa: {  	v58 =	vld [tilespmem:$0x1D990]  }
0x3ab: {  	v59 =	vld [tilespmem:$0x1DA10]  }
0x3ac: {  	v27 =	vld [tilespmem:$0x1DA90]  }
0x3ad: {  	v60 =	vld [tilespmem:$0x1DB10]  }
0x3ae: {  	v61 =	vld [tilespmem:$0x1DB90]  }
0x3af: {  	v30 =	vld [tilespmem:$0x1DC10]  }
0x3b0: {  	v31 =	vld [tilespmem:$0x1DC90]  }
0x3b1: {  	v32 =	vld [tilespmem:$0x1DD10]  }
0x3b2: {  	v33 =	vld [tilespmem:$0x1DD90]  }
0x3b3: {  	v34 =	vld [tilespmem:$0x1DE10]  }
0x3b4: {  	v35 =	vld [tilespmem:$0x1DE90]  }
0x3b5: {  	v36 =	vld [tilespmem:$0x1DF10]  }
0x3b6: {  	v37 =	vld [tilespmem:$0x1E590]  }
0x3b7: {  	v62 =	vld [tilespmem:$0x1D7A0]  }
0x3b8: {  	v39 =	vld [tilespmem:$0x1D820]  }
0x3b9: {  	v40 =	vld [tilespmem:$0x1D8A0]  }
0x3ba: {  	v41 =	vld [tilespmem:$0x1D920]  }
0x3bb: {  	v42 =	vld [tilespmem:$0x1D9A0]  }
0x3bc: {  	v43 =	vld [tilespmem:$0x1DA20]  }
0x3bd: {  	v44 =	vld [tilespmem:$0x1DAA0]  }
0x3be: {  	v45 =	vld [tilespmem:$0x1DB20]  }
0x3bf: {  	v46 =	vld [tilespmem:$0x1DBA0]  }
0x3c0: {  	v47 =	vld [tilespmem:$0x1DC20]  }
0x3c1: {  	v48 =	vld [tilespmem:$0x1DCA0]  }
0x3c2: {  	v49 =	vld [tilespmem:$0x1DD20]  }
0x3c3: {  	v50 =	vld [tilespmem:$0x1DDA0]  }
0x3c4: {  	v51 =	vld [tilespmem:$0x1DE20]  }
0x3c5: {  	v6 =	vld [tilespmem:$0x1DEA0]  }
0x3c6: {  	v5 =	vld [tilespmem:$0x1DF20]  }
0x3c7: {  	v4 =	vld [tilespmem:$0x1E5A0]  }
0x3c8: {  	v21 =	vld [tilespmem:$0x1D7B0]  }
0x3c9: {  	v63 =	vld [tilespmem:$0x1D830]  }
0x3ca: {  	v53 =	vld [tilespmem:$0x1D9B0]  }
0x3cb: {  	v54 =	vld [tilespmem:$0x1DA30];
	v1 =	vadd.f32 $0.0e+00, v1  }
0x3cc: {  	v26 =	vld [tilespmem:$0x1DD30]  }
0x3cd: {  	v28 =	vld [tilespmem:$0x1DF30];
	v1 =	vadd.f32 v2, v1  }
0x3ce: {  	v23 =	vld [tilespmem:$0x1DDC0];
	v2 =	vadd.f32 $0.0e+00, v55  }
0x3cf: {  	v38 =	vld [tilespmem:$0x1DBE0];
	v1 =	vadd.f32 v3, v1  }
0x3d0: {  	v2 =	vadd.f32 v22, v2;
	v3 =	vld [tilespmem:$0x1D8B0]  }
0x3d1: {  	v21 =	vadd.f32 $0.0e+00, v21;
	v55 =	vld [tilespmem:$0x1DAB0];
	v1 =	vadd.f32 v7, v1  }
0x3d2: {  	v22 =	vld [tilespmem:$0x1D930];
	v2 =	vadd.f32 v56, v2  }
0x3d3: {  	v21 =	vadd.f32 v63, v21;
	v63 =	vld [tilespmem:$0x1D9C0];
	v1 =	vadd.f32 v8, v1  }
0x3d4: {  	v56 =	vld [tilespmem:$0x1DB30];
	v2 =	vadd.f32 v57, v2  }
0x3d5: {  	v7 =	vld [tilespmem:$0x1DE40];
	v3 =	vadd.f32 v3, v21;
	v1 =	vadd.f32 v9, v1  }
0x3d6: {  	v57 =	vld [tilespmem:$0x1DBB0];
	v2 =	vadd.f32 v58, v2  }
0x3d7: {  	v21 =	vld [tilespmem:$0x1DAC0];
	v3 =	vadd.f32 v22, v3;
	v1 =	vadd.f32 v10, v1  }
0x3d8: {  	v58 =	vld [tilespmem:$0x1DC30];
	v2 =	vadd.f32 v59, v2  }
0x3d9: {  	v22 =	vld [tilespmem:$0x1DBC0];
	v3 =	vadd.f32 v53, v3;
	v1 =	vadd.f32 v11, v1  }
0x3da: {  	v59 =	vld [tilespmem:$0x1DCB0];
	v2 =	vadd.f32 v27, v2  }
0x3db: {  	v53 =	vld [tilespmem:$0x1D8D0];
	v3 =	vadd.f32 v54, v3;
	v1 =	vadd.f32 v12, v1  }
0x3dc: {  	v11 =	vld [tilespmem:$0x1DDB0];
	v2 =	vadd.f32 v60, v2;
	v60 =	vadd.f32 $0.0e+00, v62  }
0x3dd: {  	v27 =	vld [tilespmem:$0x1DE30];
	v8 =	vadd.f32 v55, v3;
	v1 =	vadd.f32 v13, v1  }
0x3de: {  	v2 =	vadd.f32 v61, v2;
	v61 =	vld [tilespmem:$0x1D7C0];
	v29 =	vadd.f32 v39, v60  }
0x3df: {  	v54 =	vld [tilespmem:$0x1D950];
	v8 =	vadd.f32 v56, v8;
	v1 =	vadd.f32 v14, v1  }
0x3e0: {  	v12 =	vld [tilespmem:$0x1DEB0];
	v2 =	vadd.f32 v30, v2;
	v29 =	vadd.f32 v40, v29  }
0x3e1: {  	v62 =	vld [tilespmem:$0x1D840];
	v8 =	vadd.f32 v57, v8;
	v1 =	vadd.f32 v15, v1  }
0x3e2: {  	v3 =	vld [tilespmem:$0x1DEC0];
	v2 =	vadd.f32 v31, v2;
	v29 =	vadd.f32 v41, v29  }
0x3e3: {  	v30 =	vld [tilespmem:$0x1D8C0];
	v8 =	vadd.f32 v58, v8;
	v56 =	vadd.f32 $0.0e+00, v61  }
0x3e4: {  	v13 =	vld [tilespmem:$0x1E5B0];
	v1 =	vadd.f32 v16, v1;
	v2 =	vadd.f32 v32, v2  }
0x3e5: {  	v60 =	vld [tilespmem:$0x1DAD0];
	v29 =	vadd.f32 v42, v29;
	v8 =	vadd.f32 v59, v8  }
0x3e6: {  	v15 =	vld [tilespmem:$0x1D940];
	v14 =	vadd.f32 v62, v56;
	v1 =	vadd.f32 v17, v1  }
0x3e7: {  	v57 =	vld [tilespmem:$0x1D9D0];
	v2 =	vadd.f32 v33, v2;
	v29 =	vadd.f32 v43, v29  }
0x3e8: {  	v31 =	vld [tilespmem:$0x1DE50];
	v8 =	vadd.f32 v26, v8;
	v14 =	vadd.f32 v30, v14  }
0x3e9: {  	v58 =	vld [tilespmem:$0x1DA50];
	v1 =	vadd.f32 v18, v1;
	v2 =	vadd.f32 v34, v2  }
0x3ea: {  	v16 =	vld [tilespmem:$0x1DA40];
	v29 =	vadd.f32 v44, v29;
	v8 =	vadd.f32 v11, v8  }
0x3eb: {  	v32 =	vld [tilespmem:$0x1DCC0];
	v14 =	vadd.f32 v15, v14;
	v1 =	vadd.f32 v19, v1  }
0x3ec: {  	v62 =	vld [tilespmem:$0x1DB50];
	v2 =	vadd.f32 v35, v2;
	v29 =	vadd.f32 v45, v29  }
0x3ed: {  	v20 =	vmul.f32 v20, v20;
	v56 =	vld [tilespmem:$0x1D970];
	v8 =	vadd.f32 v27, v8;
	v63 =	vadd.f32 v63, v14  }
0x3ee: {  	v1 =	vmul.f32 $9.999999740e-05, v1;
	v2 =	vadd.f32 v36, v2;
	v29 =	vadd.f32 v46, v29;
	v46 =	vld [tilespmem:$0x1D7D0]  }
0x3ef: {  	v17 =	vld [tilespmem:$0x1DB40];
	v44 =	vmul.f32 v37, v37;
	v8 =	vadd.f32 v12, v8;
	v16 =	vadd.f32 v16, v63  }
0x3f0: {  	v30 =	vld [tilespmem:$0x1DBD0];
	v20 =	vsub.f32 v1, v20;
	v43 =	vmul.f32 $9.999999740e-05, v2;
	v29 =	vadd.f32 v47, v29  }
0x3f1: {  	v47 =	vld [tilespmem:$0x1D850];
	v8 =	vadd.f32 v28, v8;
	v16 =	vadd.f32 v21, v16  }
0x3f2: {  	v18 =	vld [tilespmem:$0x1DC40];
	v20 =	vadd.f32 $9.999999740e-06, v20;
	v45 =	vsub.f32 v43, v44  }
0x3f3: {  	v13 =	vmul.f32 v13, v13;
	v34 =	vld [tilespmem:$0x1DB60];
	v29 =	vadd.f32 v48, v29;
	v41 =	vadd.f32 $0.0e+00, v46  }
0x3f4: {  	v11 =	vld [tilespmem:$0x1DC50];
	v8 =	vmul.f32 $9.999999740e-05, v8;
	v16 =	vadd.f32 v17, v16;
	v52 =	vshra.s32 v20, $0x1  }
0x3f5: {  	v46 =	vld [tilespmem:$0x1D7F0];
	v24 =	vadd.f32 $9.999999740e-06, v45;
	v20 =	vmul.f32 $5.000000000e-01, v20;
	v29 =	vadd.f32 v49, v29  }
0x3f6: {  	v45 =	vld [tilespmem:$0x1D7E0];
	v9 =	vsub.s32 $0x5F3759DF, v52;
	v12 =	vadd.f32 v47, v41;
	v8 =	vsub.f32 v8, v13  }
0x3f7: {  	v19 =	vld [tilespmem:$0x1DD40];
	v16 =	vadd.f32 v22, v16;
	v55 =	vshra.s32 v24, $0x1;
	v24 =	vmul.f32 $5.000000000e-01, v24  }
0x3f8: {  	v48 =	vld [tilespmem:$0x1D860];
	v59 =	vmul.f32 v9, v20;
	v29 =	vadd.f32 v50, v29;
	v12 =	vadd.f32 v53, v12  }
0x3f9: {  	v50 =	vld [tilespmem:$0x1D870];
	v36 =	vsub.s32 $0x5F3759DF, v55;
	v16 =	vadd.f32 v18, v16;
	v8 =	vadd.f32 $9.999999740e-06, v8  }
0x3fa: {  	v1 =	vld [tilespmem:$0x1E5C0];
	v39 =	vmul.f32 v9, v59;
	v29 =	vadd.f32 v51, v29;
	v17 =	vadd.f32 $0.0e+00, v46  }
0x3fb: {  	v53 =	vld [tilespmem:$0x1D8F0];
	v61 =	vmul.f32 v36, v24;
	v12 =	vadd.f32 v54, v12;
	v52 =	vadd.f32 $0.0e+00, v45  }
0x3fc: {  	v51 =	vld [tilespmem:$0x1D8E0];
	v16 =	vadd.f32 v32, v16;
	v39 =	vsub.f32 $1.500000000e+00, v39  }
0x3fd: {  	v15 =	vld [tilespmem:$0x1DCD0];
	v40 =	vmul.f32 v36, v61;
	v6 =	vadd.f32 v6, v29;
	v12 =	vadd.f32 v57, v12  }
0x3fe: {  	v4 =	vmul.f32 v4, v4;
	v54 =	vld [tilespmem:$0x1D960];
	v18 =	vadd.f32 v48, v52;
	v17 =	vadd.f32 v50, v17  }
0x3ff: {  	v27 =	vld [tilespmem:$0x1DD50];
	v1 =	vmul.f32 v1, v1;
	v16 =	vadd.f32 v19, v16;
	v40 =	vsub.f32 $1.500000000e+00, v40  }
0x400: {  	v14 =	vld [tilespmem:$0x1DDD0];
	v39 =	vmul.f32 v9, v39;
	v5 =	vadd.f32 v5, v6;
	v10 =	vadd.f32 v58, v12  }
0x401: {  	v63 =	vld [tilespmem:$0x1DA70];
	v45 =	vshra.s32 v8, $0x1;
	v18 =	vadd.f32 v51, v18;
	v17 =	vadd.f32 v53, v17  }
0x402: {  	v58 =	vld [tilespmem:$0x1D9E0];
	v16 =	vadd.f32 v23, v16;
	v40 =	vmul.f32 v36, v40;
	v42 =	vmul.f32 v39, v20  }
0x403: {  	v2 =	vld [tilespmem:$0x1DF40];
	v44 =	vmul.f32 $9.999999740e-05, v5;
	v10 =	vadd.f32 v60, v10;
	v12 =	vadd.f32 v54, v18  }
0x404: {  	v50 =	vsub.s32 $0x5F3759DF, v45;
	v5 =	vld [tilespmem:$0x1E5D0];
	v17 =	vadd.f32 v56, v17;
	v7 =	vadd.f32 v7, v16  }
0x405: {  	v60 =	vld [tilespmem:$0x1D9F0];
	v43 =	vmul.f32 v40, v24;
	v4 =	vsub.f32 v44, v4;
	v33 =	vmul.f32 v42, v39  }
0x406: {  	v10 =	vadd.f32 v62, v10;
	v62 =	vld [tilespmem:$0x1DA60];
	v44 =	vadd.f32 v3, v7;
	v3 =	vmul.f32 $5.000000000e-01, v8  }
0x407: {  	v46 =	vld [tilespmem:$0x1DCF0];
	v47 =	vmul.f32 v43, v40;
	v49 =	vsub.f32 $1.500000000e+00, v33;
	v12 =	vadd.f32 v58, v12  }
0x408: {  	v32 =	vld [tilespmem:$0x1DAE0];
	v4 =	vadd.f32 $9.999999740e-06, v4;
	v10 =	vadd.f32 v30, v10;
	v53 =	vmul.f32 v50, v3  }
0x409: {  	v33 =	vld [tilespmem:$0x1DAF0];
	v2 =	vadd.f32 v2, v44;
	v5 =	vmul.f32 v5, v5;
	v13 =	vsub.f32 $1.500000000e+00, v47  }
0x40a: {  	v48 =	vld [tilespmem:$0x1DD60];
	v28 =	vmul.f32 v49, v39;
	v17 =	vadd.f32 v60, v17;
	v41 =	vshra.s32 v4, $0x1  }
0x40b: {  	v36 =	vld [tilespmem:$0x1DB70];
	v4 =	vmul.f32 $5.000000000e-01, v4;
	v10 =	vadd.f32 v11, v10;
	v12 =	vadd.f32 v62, v12  }
0x40c: {  	v52 =	vld [tilespmem:$0x1DD70];
	v22 =	vsub.s32 $0x5F3759DF, v41;
	v2 =	vmul.f32 $9.999999740e-05, v2;
	v17 =	vadd.f32 v63, v17  }
0x40d: {  	v39 =	vld [tilespmem:$0x1DBF0];
	v13 =	vmul.f32 v13, v40;
	v55 =	vmul.f32 v28, v20;
	v12 =	vadd.f32 v32, v12  }
0x40e: {  	v40 =	vld [tilespmem:$0x1DC60];
	v49 =	vmul.f32 v22, v4;
	v10 =	vadd.f32 v15, v10;
	v17 =	vadd.f32 v33, v17  }
0x40f: {  	v42 =	vld [tilespmem:$0x1DC70];
	v1 =	vsub.f32 v2, v1;
	v59 =	vmul.f32 v55, v28;
	v12 =	vadd.f32 v34, v12  }
0x410: {  	v43 =	vld [tilespmem:$0x1DCE0];
	v57 =	vmul.f32 v13, v24;
	v47 =	vadd.f32 v27, v10;
	v17 =	vadd.f32 v36, v17  }
0x411: {  	v9 =	vld [tilespmem:$0x1DED0];
	v21 =	vmul.f32 v22, v49;
	v19 =	vsub.f32 $1.500000000e+00, v59;
	v12 =	vadd.f32 v38, v12  }
0x412: {  	v6 =	vld [tilespmem:$0x1DF50];
	v1 =	vadd.f32 $9.999999740e-06, v1;
	v61 =	vmul.f32 v57, v13;
	v17 =	vadd.f32 v39, v17  }
0x413: {  	v56 =	vld [tilespmem:$0x1DDF0];
	v59 =	vsub.f32 $1.500000000e+00, v21;
	v19 =	vmul.f32 v19, v28;
	v51 =	vadd.f32 v40, v12  }
0x414: {  	v55 =	vld [tilespmem:$0x1DDE0];
	v57 =	vmul.f32 v50, v53;
	v14 =	vadd.f32 v14, v47;
	v54 =	vadd.f32 v42, v17  }
0x415: {  	v58 =	vld [tilespmem:$0x1DE60];
	v26 =	vsub.f32 $1.500000000e+00, v61;
	v35 =	vmul.f32 v19, v20;
	v20 =	vadd.f32 v43, v51  }
0x416: {  	v30 =	vld [tilespmem:$0x1E5E0];
	v61 =	vsub.f32 $1.500000000e+00, v57;
	v63 =	vmul.f32 v22, v59;
	v15 =	vadd.f32 v46, v54  }
0x417: {  	v60 =	vld [tilespmem:$0x1DE70];
	v38 =	vshra.s32 v1, $0x1;
	v1 =	vmul.f32 $5.000000000e-01, v1;
	v10 =	vadd.f32 v48, v20  }
0x418: {  	v62 =	vld [tilespmem:$0x1DEE0];
	v14 =	vadd.f32 v31, v14;
	v13 =	vmul.f32 v26, v13;
	v12 =	vadd.f32 v52, v15  }
0x419: {  	v39 =	vsub.s32 $0x5F3759DF, v38;
	v26 =	vld [tilespmem:$0x1DEF0];
	v28 =	vmul.f32 v63, v4;
	v10 =	vadd.f32 v55, v10  }
0x41a: {  	v27 =	vld [tilespmem:$0x1DF60];
	v9 =	vadd.f32 v9, v14;
	v37 =	vmul.f32 v13, v24;
	v12 =	vadd.f32 v56, v12  }
0x41b: {  	v29 =	vld [tilespmem:$0x1DF70];
	v16 =	vmul.f32 v35, v19;
	v31 =	vmul.f32 v28, v63;
	v10 =	vadd.f32 v58, v10  }
0x41c: {  	v6 =	vadd.f32 v6, v9;
	v11 =	vmul.f32 v37, v13;
	v12 =	vadd.f32 v60, v12  }
0x41d: {  	v33 =	vld [tilespmem:$0x1E5F0];
	v16 =	vsub.f32 $1.500000000e+00, v16;
	v37 =	vmul.f32 v30, v30;
	v32 =	vadd.f32 v62, v10  }
0x41e: {  	v6 =	vmul.f32 $9.999999740e-05, v6;
	v11 =	vsub.f32 $1.500000000e+00, v11;
	v2 =	vadd.f32 v26, v12  }
0x41f: {  	v7 =	vmul.f32 v16, v19;
	v19 =	vsub.f32 $1.500000000e+00, v31;
	v9 =	vadd.f32 v27, v32  }
0x420: {  	v8 =	vmul.f32 v11, v13;
	v11 =	vmul.f32 v50, v61;
	v2 =	vadd.f32 v29, v2  }
0x421: {  	v5 =	vsub.f32 v6, v5;
	v13 =	vmul.f32 v39, v1;
	v36 =	vmul.f32 $9.999999740e-05, v9  }
0x422: {  	v10 =	vmul.f32 v33, v33;
	v2 =	vmul.f32 $9.999999740e-05, v2  }
0x423: {  	v15 =	vmul.f32 v19, v63;
	v5 =	vadd.f32 $9.999999740e-06, v5;
	v6 =	vsub.f32 v36, v37  }
0x424: {  	v34 =	vmul.f32 v11, v3;
	v13 =	vmul.f32 v39, v13;
	v2 =	vsub.f32 v2, v10  }
0x425: {  	v40 =	vshra.s32 v5, $0x1;
	v5 =	vmul.f32 $5.000000000e-01, v5;
	v6 =	vadd.f32 $9.999999740e-06, v6  }
0x426: {  	v35 =	vmul.f32 v34, v11;
	v10 =	vsub.s32 $0x5F3759DF, v40;
	v2 =	vadd.f32 $9.999999740e-06, v2  }
0x427: {  	v41 =	vmul.f32 v10, v5;
	v42 =	vshra.s32 v6, $0x1;
	v6 =	vmul.f32 $5.000000000e-01, v6  }
0x428: {  	v43 =	vshra.s32 v2, $0x1;
	v2 =	vmul.f32 $5.000000000e-01, v2;
	v16 =	vsub.s32 $0x5F3759DF, v42  }
0x429: {  	v13 =	vsub.f32 $1.500000000e+00, v13;
	v17 =	vsub.s32 $0x5F3759DF, v43;
	v44 =	vmul.f32 v16, v6  }
0x42a: {  	v14 =	vmul.f32 v10, v41;
	v45 =	vmul.f32 v17, v2  }
0x42b: {  	v9 =	vmul.f32 v39, v13;
	v18 =	vmul.f32 v16, v44  }
0x42c: {  	v12 =	vsub.f32 $1.500000000e+00, v35;
	v14 =	vsub.f32 $1.500000000e+00, v14;
	v20 =	vmul.f32 v17, v45  }
0x42d: {  	v19 =	vmul.f32 v15, v4;
	v48 =	vmul.f32 v9, v1;
	v46 =	vsub.f32 $1.500000000e+00, v18  }
0x42e: {  	v11 =	vmul.f32 v12, v11;
	v10 =	vmul.f32 v10, v14;
	v47 =	vsub.f32 $1.500000000e+00, v20  }
0x42f: {  	v14 =	vmul.f32 v48, v9;
	v13 =	vmul.f32 v16, v46  }
0x430: {  	v49 =	vmul.f32 v10, v5;
	v12 =	vmul.f32 v17, v47  }
0x431: {  	v19 =	vmul.f32 v19, v15;
	v14 =	vsub.f32 $1.500000000e+00, v14;
	v50 =	vmul.f32 v13, v6  }
0x432: {  	v16 =	vmul.f32 v49, v10;
	v51 =	vmul.f32 v12, v2  }
0x433: {  	v19 =	vsub.f32 $1.500000000e+00, v19;
	v9 =	vmul.f32 v14, v9;
	v17 =	vmul.f32 v50, v13  }
0x434: {  	v52 =	vmul.f32 v11, v3;
	v16 =	vsub.f32 $1.500000000e+00, v16;
	v18 =	vmul.f32 v51, v12  }
0x435: {  	v15 =	vmul.f32 v19, v15;
	v56 =	vmul.f32 v9, v1;
	v53 =	vsub.f32 $1.500000000e+00, v17  }
0x436: {  	v54 =	vmul.f32 v52, v11;
	v10 =	vmul.f32 v16, v10;
	v55 =	vsub.f32 $1.500000000e+00, v18  }
0x437: {  	v58 =	vmul.f32 v56, v9;
	v13 =	vmul.f32 v53, v13  }
0x438: {  	v57 =	vmul.f32 v10, v5;
	v12 =	vmul.f32 v55, v12  }
0x439: {  	v4 =	vmul.f32 v15, v4;
	v17 =	vsub.f32 $1.500000000e+00, v54;
	v59 =	vmul.f32 v13, v6  }
0x43a: {  	v16 =	vsub.f32 $1.500000000e+00, v58;
	v14 =	vmul.f32 v57, v10;
	v60 =	vmul.f32 v12, v2  }
0x43b: {  	v11 =	vmul.f32 v17, v11;
	v18 =	vmul.f32 v59, v13  }
0x43c: {  	v9 =	vmul.f32 v16, v9;
	v14 =	vsub.f32 $1.500000000e+00, v14;
	v20 =	vmul.f32 v60, v12  }
0x43d: {  	v4 =	vmul.f32 v4, v15;
	v3 =	vmul.f32 v11, v3;
	v61 =	vsub.f32 $1.500000000e+00, v18  }
0x43e: {  	v1 =	vmul.f32 v9, v1;
	v10 =	vmul.f32 v14, v10;
	v62 =	vsub.f32 $1.500000000e+00, v20  }
0x43f: {  	v3 =	vmul.f32 v3, v11;
	v13 =	vmul.f32 v61, v13  }
0x440: {  	v5 =	vmul.f32 v10, v5;
	v12 =	vmul.f32 v62, v12  }
0x441: {  	v4 =	vsub.f32 $1.500000000e+00, v4;
	v1 =	vmul.f32 v1, v9;
	v6 =	vmul.f32 v13, v6  }
0x442: {  	v3 =	vsub.f32 $1.500000000e+00, v3;
	v5 =	vmul.f32 v5, v10;
	v2 =	vmul.f32 v12, v2  }
0x443: {  	[tilespmem:$0x1E600] =	vst v7;
	v4 =	vmul.f32 v4, v15;
	v1 =	vsub.f32 $1.500000000e+00, v1;
	v6 =	vmul.f32 v6, v13  }
0x444: {  	[tilespmem:$0x1E610] =	vst v8;
	v3 =	vmul.f32 v3, v11;
	v5 =	vsub.f32 $1.500000000e+00, v5;
	v2 =	vmul.f32 v2, v12  }
0x445: {  	[tilespmem:$0x1E620] =	vst v4;
	v1 =	vmul.f32 v1, v9;
	v63 =	vsub.f32 $1.500000000e+00, v6  }
.Ltmp15:
0x446: {  	[tilespmem:$0x1E630] =	vst v3;
	v3 =	vmul.f32 v5, v10;
	v2 =	vsub.f32 $1.500000000e+00, v2;
	(pc) =	sbr.rel @!p1 .LBB2_24-.Ltmp15, $4  }
0x447: {  	[tilespmem:$0x1E640] =	vst v1;
	v1 =	vmul.f32 v63, v13  }
0x448: {  	[tilespmem:$0x1E650] =	vst v3;
	v2 =	vmul.f32 v2, v12  }
0x449: {  	[tilespmem:$0x1E660] =	vst v1  }
0x44a: {  	s1 =	simm.s32 $0x0;
	[tilespmem:$0x1E670] =	vst v2  }
.LBB2_29:
.Ltmp16:
0x44b: {  	(pc) =	sbr.rel @!p0 .LBB2_37-.Ltmp16, $2  }
0x44c: {  	_ =	sdelay $0x2  }
0x44d: {  	s4 =	rddreg [dreg:$0x1b]  }
0x44e: {  	v1 =	vld [tilespmem:$0x14180]  }
0x44f: {  	v2 =	vld [tilespmem:$0x14200]  }
0x450: {  	v3 =	vld [tilespmem:$0x14280]  }
0x451: {  	v4 =	vld [tilespmem:$0x1E600]  }
0x452: {  	v5 =	vld [tilespmem:$0x1E580]  }
0x453: {  	v6 =	vld [tilespmem:$0x14190]  }
0x454: {  	v7 =	vld [tilespmem:$0x14210]  }
0x455: {  	v8 =	vld [tilespmem:$0x14290]  }
0x456: {  	v9 =	vld [tilespmem:$0x1E610]  }
0x457: {  	v10 =	vld [tilespmem:$0x1E590]  }
0x458: {  	v11 =	vld [tilespmem:$0x141A0]  }
0x459: {  	v12 =	vld [tilespmem:$0x14220]  }
0x45a: {  	v13 =	vld [tilespmem:$0x142A0]  }
0x45b: {  	v14 =	vld [tilespmem:$0x1E620]  }
0x45c: {  	v15 =	vld [tilespmem:$0x1E5A0]  }
0x45d: {  	v16 =	vld [tilespmem:$0x141B0]  }
0x45e: {  	v17 =	vld [tilespmem:$0x14230]  }
0x45f: {  	v18 =	vld [tilespmem:$0x142B0]  }
0x460: {  	v19 =	vld [tilespmem:$0x1E630]  }
0x461: {  	v20 =	vld [tilespmem:$0x1E5B0]  }
0x462: {  	v21 =	vld [tilespmem:$0x141C0]  }
0x463: {  	v22 =	vld [tilespmem:$0x14240]  }
0x464: {  	v23 =	vld [tilespmem:$0x142C0]  }
0x465: {  	v42 =	vld [tilespmem:$0x1E640]  }
0x466: {  	v24 =	vld [tilespmem:$0x1E5C0]  }
0x467: {  	v43 =	vld [tilespmem:$0x141D0];
	v1 =	vmul.f32 v4, v1  }
0x468: {  	v25 =	vld [tilespmem:$0x14250]  }
0x469: {  	v45 =	vld [tilespmem:$0x142D0];
	v6 =	vmul.f32 v9, v6;
	v5 =	vmul.f32 v5, v1  }
0x46a: {  	v46 =	vld [tilespmem:$0x1E650]  }
0x46b: {  	v47 =	vld [tilespmem:$0x1E5D0];
	v11 =	vmul.f32 v14, v11;
	v44 =	vmul.f32 v10, v6;
	v2 =	vsub.f32 v2, v5  }
0x46c: {  	v48 =	vld [tilespmem:$0x141E0];
	v16 =	vmul.f32 v19, v16  }
0x46d: {  	v26 =	vld [tilespmem:$0x1E660];
	v15 =	vmul.f32 v15, v11;
	v5 =	vsub.f32 v7, v44;
	v2 =	vmul.f32 v2, v3  }
0x46e: {  	v50 =	vld [tilespmem:$0x1E5E0];
	v4 =	vmul.f32 v42, v21;
	v49 =	vmul.f32 v20, v16  }
0x46f: {  	v51 =	vld [tilespmem:$0x141F0];
	v12 =	vsub.f32 v12, v15;
	v5 =	vmul.f32 v5, v8;
	v2 =	vadd.f32 $0.0e+00, v2  }
0x470: {  	v53 =	vld [tilespmem:$0x1E670];
	v9 =	vmul.f32 v46, v43;
	v52 =	vmul.f32 v24, v4  }
0x471: {  	v54 =	vld [tilespmem:$0x14260];
	v15 =	vsub.f32 v17, v49;
	v12 =	vmul.f32 v12, v13;
	v2 =	vadd.f32 v5, v2  }
0x472: {  	v57 =	vld [tilespmem:$0x1E5F0];
	v19 =	vmul.f32 v26, v48;
	v56 =	vsub.f32 v22, v52  }
0x473: {  	v58 =	vld [tilespmem:$0x142E0];
	v7 =	vmul.f32 v47, v9;
	v55 =	vmul.f32 v15, v18;
	v2 =	vadd.f32 v12, v2  }
0x474: {  	v60 =	vld [tilespmem:$0x14270];
	v20 =	vmul.f32 v50, v19;
	v59 =	vmul.f32 v56, v23  }
0x475: {  	v7 =	vsub.f32 v25, v7;
	v5 =	vmul.f32 v53, v51;
	v2 =	vadd.f32 v55, v2  }
0x476: {  	v61 =	vld [tilespmem:$0x142F0];
	v14 =	vsub.f32 v54, v20  }
0x477: {  	v7 =	vmul.f32 v7, v45;
	v17 =	vmul.f32 v57, v5;
	v2 =	vadd.f32 v59, v2;
	_ =	sdelay $0x1  }
0x478: {  	v14 =	vmul.f32 v14, v58;
	v62 =	vsub.f32 v60, v17;
	v2 =	vadd.f32 v7, v2;
	_ =	sdelay $0x1  }
0x479: {  	v7 =	vmul.f32 v62, v61;
	v2 =	vadd.f32 v14, v2;
	_ =	sdelay $0x1  }
0x47a: {  	v2 =	vadd.f32 v7, v2;
	_ =	sdelay $0x1  }
0x47b: {  	(xrf2) =	vadd.scan.msk.f32 $0xffff, v2;
	_ =	sdelay $0x6  }
0x47c: {  	v2 =	vld [tilespmem:$0x14300];
	_ =	sdelay $0x2  }
0x47d: {  	v63, _, _ =	vpop (xrf2)  }
0x47e: {  	(v2sf) =	vpush v63, $0xF  }
0x47f: {  	(v2sf) =	vpush v2, $0x0;
	_ =	sdelay $0x6  }
0x480: {  	v1 =	vmul.f32 v1, v3  }
0x481: {  	v2 =	vmul.f32 v6, v8  }
0x482: {  	[tilespmem:$0x1E680] =	vst v1;
	v1 =	vmul.f32 v11, v13  }
0x483: {  	[tilespmem:$0x1E690] =	vst v2;
	v2 =	vmul.f32 v16, v18  }
0x484: {  	[tilespmem:$0x1E6A0] =	vst v1;
	v1 =	vmul.f32 v4, v23  }
.Ltmp17:
0x485: {  	[tilespmem:$0x1E6B0] =	vst v2;
	v2 =	vmul.f32 v9, v45;
	(pc) =	sbr.rel .LBB2_31-.Ltmp17, $4  }
0x486: {  	[tilespmem:$0x1E6C0] =	vst v1;
	v1 =	vmul.f32 v19, v58  }
0x487: {  	[tilespmem:$0x1E6D0] =	vst v2;
	v2 =	vmul.f32 v5, v61;
	s1 =	spop (v2sf)  }
0x488: {  	[tilespmem:$0x1E6E0] =	vst v1;
	s4 =	spop (v2sf)  }
0x489: {  	s8 =	simm.s32 $0x0;
	s13 =	simm.s32 $0x0;
	[tilespmem:$0x1E6F0] =	vst v2;
	s1 =	sadd.f32 s1, s4  }
.LBB2_28:
0x48a: {  	s1 =	sadd.s32 $0x1, s1  }
0x48b: {  	p3 =	sne.s32 s1, $0x28  }
.Ltmp18:
0x48c: {  	_ = 	snop;
	(pc) =	sbr.rel @!p3 .LBB2_29-.Ltmp18, $1  }
0x48d: {  	_ =	sdelay $0x3  }
.LBB2_24:
0x48e: {  	s4 =	sshll.u32 s1, $0x4  }
0x48f: {  	s8 =	sadd.s32 s11, s4  }
0x490: {  	p3 =	sgt.u32 s8, $0x270F  }
.Ltmp19:
0x491: {  	_ = 	snop;
	(pc) =	sbr.rel @p3 .LBB2_28-.Ltmp19, $1  }
0x492: {  	_ =	sdelay $0x3  }
0x493: {  	s4 =	sshll.u32 s8, $0x7  }
0x494: {  	s4 =	sand.u32 $0x3FFFFF80, s4  }
0x495: {  	s4 =	sadd.s32 s4, s3  }
0x496: {  	[tilespmem:s25], [sflag:$0x7] =	stream.linear.gather [spmem:s4], $0x800, $0x38;
	[tilespmem:$0x1E700] =	vst v63  }
0x497: {  	_ =	swait.ge [sflag:s26], $0x800  }
0x498: {  	[sflag:s26] =	ssyncset.done $0x0  }
0x499: {  	s17 =	simm.s32 $0x0;
	[sflag:s26] =	ssyncadd.s32 $0xFFFFF800  }
0x49a: {  	v1 =	vld [tilespmem:s17+$0x1D780]  }
0x49b: {  	v2 =	vld [tilespmem:$0x1E580];
	_ =	sdelay $0x1  }
0x49c: {  	v3 =	vld [tilespmem:$0x1E600];
	_ =	sdelay $0x1  }
0x49d: {  	v4 =	vld [tilespmem:$0x14180]  }
0x49e: {  	v1 =	vsub.f32 v1, v2  }
0x49f: {  	v2 =	vld [tilespmem:$0x14200]  }
0x4a0: {  	v1 =	vmul.f32 v3, v1;
	_ =	sdelay $0x1  }
0x4a1: {  	v1 =	vmul.f32 v1, v4;
	_ =	sdelay $0x1  }
0x4a2: {  	v1 =	vadd.f32 v1, v2;
	_ =	sdelay $0x1  }
0x4a3: {  	[tilespmem:s17+$0x1D780] =	vst v1;
	v1 =	vld [tilespmem:s17+$0x1D790]  }
0x4a4: {  	v2 =	vld [tilespmem:$0x1E590];
	_ =	sdelay $0x1  }
0x4a5: {  	v3 =	vld [tilespmem:$0x1E610];
	_ =	sdelay $0x1  }
0x4a6: {  	v57 =	vld [tilespmem:$0x14190]  }
0x4a7: {  	v1 =	vsub.f32 v1, v2  }
0x4a8: {  	v2 =	vld [tilespmem:$0x14210]  }
0x4a9: {  	v1 =	vmul.f32 v3, v1;
	_ =	sdelay $0x1  }
0x4aa: {  	v1 =	vmul.f32 v1, v57;
	_ =	sdelay $0x1  }
0x4ab: {  	v1 =	vadd.f32 v1, v2;
	_ =	sdelay $0x1  }
0x4ac: {  	[tilespmem:s17+$0x1D790] =	vst v1;
	v1 =	vld [tilespmem:s17+$0x1D7A0]  }
0x4ad: {  	v2 =	vld [tilespmem:$0x1E5A0];
	_ =	sdelay $0x1  }
0x4ae: {  	v3 =	vld [tilespmem:$0x1E620];
	_ =	sdelay $0x1  }
0x4af: {  	v58 =	vld [tilespmem:$0x141A0]  }
0x4b0: {  	v1 =	vsub.f32 v1, v2  }
0x4b1: {  	v2 =	vld [tilespmem:$0x14220]  }
0x4b2: {  	v1 =	vmul.f32 v3, v1;
	_ =	sdelay $0x1  }
0x4b3: {  	v1 =	vmul.f32 v1, v58;
	_ =	sdelay $0x1  }
0x4b4: {  	v1 =	vadd.f32 v1, v2;
	_ =	sdelay $0x1  }
0x4b5: {  	[tilespmem:s17+$0x1D7A0] =	vst v1;
	v1 =	vld [tilespmem:s17+$0x1D7B0]  }
0x4b6: {  	v2 =	vld [tilespmem:$0x1E5B0];
	_ =	sdelay $0x1  }
0x4b7: {  	v3 =	vld [tilespmem:$0x1E630];
	_ =	sdelay $0x1  }
0x4b8: {  	v59 =	vld [tilespmem:$0x141B0]  }
0x4b9: {  	v1 =	vsub.f32 v1, v2  }
0x4ba: {  	v2 =	vld [tilespmem:$0x14230]  }
0x4bb: {  	v1 =	vmul.f32 v3, v1;
	_ =	sdelay $0x1  }
0x4bc: {  	v1 =	vmul.f32 v1, v59;
	_ =	sdelay $0x1  }
0x4bd: {  	v1 =	vadd.f32 v1, v2;
	_ =	sdelay $0x1  }
0x4be: {  	[tilespmem:s17+$0x1D7B0] =	vst v1;
	v1 =	vld [tilespmem:s17+$0x1D7C0]  }
0x4bf: {  	v2 =	vld [tilespmem:$0x1E5C0];
	_ =	sdelay $0x1  }
0x4c0: {  	v3 =	vld [tilespmem:$0x1E640];
	_ =	sdelay $0x1  }
0x4c1: {  	v60 =	vld [tilespmem:$0x141C0]  }
0x4c2: {  	v1 =	vsub.f32 v1, v2  }
0x4c3: {  	v2 =	vld [tilespmem:$0x14240]  }
0x4c4: {  	v1 =	vmul.f32 v3, v1;
	_ =	sdelay $0x1  }
0x4c5: {  	v1 =	vmul.f32 v1, v60;
	_ =	sdelay $0x1  }
0x4c6: {  	v1 =	vadd.f32 v1, v2;
	_ =	sdelay $0x1  }
0x4c7: {  	[tilespmem:s17+$0x1D7C0] =	vst v1;
	v1 =	vld [tilespmem:s17+$0x1D7D0]  }
0x4c8: {  	v2 =	vld [tilespmem:$0x1E5D0];
	_ =	sdelay $0x1  }
0x4c9: {  	v3 =	vld [tilespmem:$0x1E650];
	_ =	sdelay $0x1  }
0x4ca: {  	v61 =	vld [tilespmem:$0x141D0]  }
0x4cb: {  	v1 =	vsub.f32 v1, v2  }
0x4cc: {  	v2 =	vld [tilespmem:$0x14250]  }
0x4cd: {  	v1 =	vmul.f32 v3, v1;
	_ =	sdelay $0x1  }
0x4ce: {  	v1 =	vmul.f32 v1, v61;
	_ =	sdelay $0x1  }
0x4cf: {  	v1 =	vadd.f32 v1, v2;
	_ =	sdelay $0x1  }
0x4d0: {  	[tilespmem:s17+$0x1D7D0] =	vst v1;
	v1 =	vld [tilespmem:s17+$0x1D7E0]  }
0x4d1: {  	v2 =	vld [tilespmem:$0x1E5E0];
	_ =	sdelay $0x1  }
0x4d2: {  	v3 =	vld [tilespmem:$0x1E660];
	_ =	sdelay $0x1  }
0x4d3: {  	v62 =	vld [tilespmem:$0x141E0]  }
0x4d4: {  	v1 =	vsub.f32 v1, v2  }
0x4d5: {  	v2 =	vld [tilespmem:$0x14260]  }
0x4d6: {  	v1 =	vmul.f32 v3, v1;
	_ =	sdelay $0x1  }
0x4d7: {  	v1 =	vmul.f32 v1, v62;
	_ =	sdelay $0x1  }
0x4d8: {  	v1 =	vadd.f32 v1, v2;
	_ =	sdelay $0x1  }
0x4d9: {  	[tilespmem:s17+$0x1D7E0] =	vst v1;
	v1 =	vld [tilespmem:s17+$0x1D7F0]  }
0x4da: {  	v2 =	vld [tilespmem:$0x1E5F0];
	_ =	sdelay $0x1  }
0x4db: {  	v3 =	vld [tilespmem:$0x1E670];
	_ =	sdelay $0x1  }
0x4dc: {  	v63 =	vld [tilespmem:$0x141F0]  }
0x4dd: {  	v1 =	vsub.f32 v1, v2  }
0x4de: {  	v2 =	vld [tilespmem:$0x14270]  }
0x4df: {  	v1 =	vmul.f32 v3, v1;
	_ =	sdelay $0x1  }
0x4e0: {  	v1 =	vmul.f32 v1, v63;
	_ =	sdelay $0x1  }
0x4e1: {  	s13 =	simm.s32 $0x200;
	s15 =	simm.s32 $0x400;
	v1 =	vadd.f32 v1, v2  }
.LBB2_26:
0x4e2: {  	p3 =	sne.s32 s15, $0x1E00  }
0x4e3: {  	s4 =	sshra.s32 s13, $0x2;
	s13 =	smov.u32 s15;
	s15 =	sadd.s32 $0x200, s15  }
0x4e4: {  	v2 =	vld [tilespmem:s4+$0x1D780];
	[tilespmem:s17+$0x1D7F0] =	vst v1;
	s17 =	smov.u32 s4  }
0x4e5: {  	v1 =	vld [tilespmem:$0x1E580]  }
0x4e6: {  	v3 =	vld [tilespmem:$0x1E600];
	_ =	sdelay $0x1  }
0x4e7: {  	v4 =	vld [tilespmem:$0x14180];
	_ =	sdelay $0x1  }
0x4e8: {  	v5 =	vld [tilespmem:$0x14200];
	v1 =	vsub.f32 v2, v1;
	_ =	sdelay $0x1  }
0x4e9: {  	v1 =	vmul.f32 v3, v1;
	_ =	sdelay $0x1  }
0x4ea: {  	v1 =	vmul.f32 v1, v4;
	_ =	sdelay $0x1  }
0x4eb: {  	v1 =	vadd.f32 v1, v5;
	_ =	sdelay $0x1  }
0x4ec: {  	[tilespmem:s17+$0x1D780] =	vst v1;
	v1 =	vld [tilespmem:s17+$0x1D790]  }
0x4ed: {  	v2 =	vld [tilespmem:$0x1E590]  }
0x4ee: {  	v3 =	vld [tilespmem:$0x1E610];
	_ =	sdelay $0x1  }
0x4ef: {  	v4 =	vld [tilespmem:$0x14190];
	_ =	sdelay $0x1  }
0x4f0: {  	v5 =	vld [tilespmem:$0x14210];
	v1 =	vsub.f32 v1, v2;
	_ =	sdelay $0x1  }
0x4f1: {  	v1 =	vmul.f32 v3, v1;
	_ =	sdelay $0x1  }
0x4f2: {  	v1 =	vmul.f32 v1, v4;
	_ =	sdelay $0x1  }
0x4f3: {  	v1 =	vadd.f32 v1, v5;
	_ =	sdelay $0x1  }
0x4f4: {  	[tilespmem:s17+$0x1D790] =	vst v1;
	v1 =	vld [tilespmem:s17+$0x1D7A0]  }
0x4f5: {  	v2 =	vld [tilespmem:$0x1E5A0]  }
0x4f6: {  	v3 =	vld [tilespmem:$0x1E620];
	_ =	sdelay $0x1  }
0x4f7: {  	v4 =	vld [tilespmem:$0x141A0];
	_ =	sdelay $0x1  }
0x4f8: {  	v5 =	vld [tilespmem:$0x14220];
	v1 =	vsub.f32 v1, v2;
	_ =	sdelay $0x1  }
0x4f9: {  	v1 =	vmul.f32 v3, v1;
	_ =	sdelay $0x1  }
0x4fa: {  	v1 =	vmul.f32 v1, v4;
	_ =	sdelay $0x1  }
0x4fb: {  	v1 =	vadd.f32 v1, v5;
	_ =	sdelay $0x1  }
0x4fc: {  	[tilespmem:s17+$0x1D7A0] =	vst v1;
	v1 =	vld [tilespmem:s17+$0x1D7B0]  }
0x4fd: {  	v2 =	vld [tilespmem:$0x1E5B0]  }
0x4fe: {  	v3 =	vld [tilespmem:$0x1E630];
	_ =	sdelay $0x1  }
0x4ff: {  	v4 =	vld [tilespmem:$0x141B0];
	_ =	sdelay $0x1  }
0x500: {  	v5 =	vld [tilespmem:$0x14230];
	v1 =	vsub.f32 v1, v2;
	_ =	sdelay $0x1  }
0x501: {  	v1 =	vmul.f32 v3, v1;
	_ =	sdelay $0x1  }
0x502: {  	v1 =	vmul.f32 v1, v4;
	_ =	sdelay $0x1  }
0x503: {  	v1 =	vadd.f32 v1, v5;
	_ =	sdelay $0x1  }
0x504: {  	[tilespmem:s17+$0x1D7B0] =	vst v1;
	v1 =	vld [tilespmem:s17+$0x1D7C0]  }
0x505: {  	v2 =	vld [tilespmem:$0x1E5C0]  }
0x506: {  	v3 =	vld [tilespmem:$0x1E640];
	_ =	sdelay $0x1  }
0x507: {  	v4 =	vld [tilespmem:$0x141C0];
	_ =	sdelay $0x1  }
0x508: {  	v5 =	vld [tilespmem:$0x14240];
	v1 =	vsub.f32 v1, v2;
	_ =	sdelay $0x1  }
0x509: {  	v1 =	vmul.f32 v3, v1;
	_ =	sdelay $0x1  }
0x50a: {  	v1 =	vmul.f32 v1, v4;
	_ =	sdelay $0x1  }
0x50b: {  	v1 =	vadd.f32 v1, v5;
	_ =	sdelay $0x1  }
0x50c: {  	[tilespmem:s17+$0x1D7C0] =	vst v1;
	v1 =	vld [tilespmem:s17+$0x1D7D0]  }
0x50d: {  	v2 =	vld [tilespmem:$0x1E5D0]  }
0x50e: {  	v3 =	vld [tilespmem:$0x1E650]  }
0x50f: {  	v4 =	vld [tilespmem:$0x141D0]  }
0x510: {  	v5 =	vld [tilespmem:$0x14250];
	_ =	sdelay $0x1  }
0x511: {  	v1 =	vsub.f32 v1, v2;
	_ =	sdelay $0x1  }
0x512: {  	v1 =	vmul.f32 v3, v1;
	_ =	sdelay $0x1  }
0x513: {  	v1 =	vmul.f32 v1, v4;
	_ =	sdelay $0x1  }
0x514: {  	v1 =	vadd.f32 v1, v5;
	_ =	sdelay $0x1  }
0x515: {  	[tilespmem:s17+$0x1D7D0] =	vst v1;
	v1 =	vld [tilespmem:s17+$0x1D7E0]  }
0x516: {  	v2 =	vld [tilespmem:$0x1E5E0]  }
0x517: {  	v3 =	vld [tilespmem:$0x1E660]  }
0x518: {  	v4 =	vld [tilespmem:$0x141E0]  }
0x519: {  	v5 =	vld [tilespmem:$0x14260];
	_ =	sdelay $0x1  }
0x51a: {  	v1 =	vsub.f32 v1, v2;
	_ =	sdelay $0x1  }
0x51b: {  	v1 =	vmul.f32 v3, v1;
	_ =	sdelay $0x1  }
0x51c: {  	v1 =	vmul.f32 v1, v4;
	_ =	sdelay $0x1  }
0x51d: {  	v1 =	vadd.f32 v1, v5;
	_ =	sdelay $0x1  }
0x51e: {  	[tilespmem:s17+$0x1D7E0] =	vst v1;
	v1 =	vld [tilespmem:s17+$0x1D7F0]  }
0x51f: {  	v2 =	vld [tilespmem:$0x1E5F0]  }
0x520: {  	v3 =	vld [tilespmem:$0x1E670]  }
0x521: {  	v4 =	vld [tilespmem:$0x141F0]  }
0x522: {  	v5 =	vld [tilespmem:$0x14270];
	_ =	sdelay $0x1  }
0x523: {  	v1 =	vsub.f32 v1, v2;
	_ =	sdelay $0x1  }
.Ltmp20:
0x524: {  	v1 =	vmul.f32 v3, v1;
	(pc) =	sbr.rel @p3 .LBB2_26-.Ltmp20, $3  }
0x525: {  	_ = 	snop  }
0x526: {  	v1 =	vmul.f32 v1, v4;
	_ =	sdelay $0x1  }
0x527: {  	v1 =	vadd.f32 v1, v5  }
0x528: {  	s4 =	sshra.s32 s13, $0x2  }
0x529: {  	v2 =	vld [tilespmem:s4+$0x1D780];
	[tilespmem:s17+$0x1D7F0] =	vst v1  }
0x52a: {  	v1 =	vld [tilespmem:$0x1E580];
	_ =	sdelay $0x1  }
0x52b: {  	v3 =	vld [tilespmem:$0x1E600];
	_ =	sdelay $0x1  }
0x52c: {  	v4 =	vld [tilespmem:$0x14180]  }
0x52d: {  	v1 =	vsub.f32 v2, v1  }
0x52e: {  	v2 =	vld [tilespmem:$0x14200]  }
0x52f: {  	v1 =	vmul.f32 v3, v1;
	_ =	sdelay $0x1  }
0x530: {  	v1 =	vmul.f32 v1, v4;
	_ =	sdelay $0x1  }
0x531: {  	v1 =	vadd.f32 v1, v2;
	_ =	sdelay $0x1  }
0x532: {  	[tilespmem:s4+$0x1D780] =	vst v1;
	v1 =	vld [tilespmem:s4+$0x1D790]  }
0x533: {  	v2 =	vld [tilespmem:$0x1E590];
	_ =	sdelay $0x1  }
0x534: {  	v3 =	vld [tilespmem:$0x1E610];
	_ =	sdelay $0x1  }
0x535: {  	v57 =	vld [tilespmem:$0x14190]  }
0x536: {  	v1 =	vsub.f32 v1, v2  }
0x537: {  	v2 =	vld [tilespmem:$0x14210]  }
0x538: {  	v1 =	vmul.f32 v3, v1;
	_ =	sdelay $0x1  }
0x539: {  	v1 =	vmul.f32 v1, v57;
	_ =	sdelay $0x1  }
0x53a: {  	v1 =	vadd.f32 v1, v2;
	_ =	sdelay $0x1  }
0x53b: {  	[tilespmem:s4+$0x1D790] =	vst v1;
	v1 =	vld [tilespmem:s4+$0x1D7A0]  }
0x53c: {  	v2 =	vld [tilespmem:$0x1E5A0];
	_ =	sdelay $0x1  }
0x53d: {  	v3 =	vld [tilespmem:$0x1E620];
	_ =	sdelay $0x1  }
0x53e: {  	v58 =	vld [tilespmem:$0x141A0]  }
0x53f: {  	v1 =	vsub.f32 v1, v2  }
0x540: {  	v2 =	vld [tilespmem:$0x14220]  }
0x541: {  	v1 =	vmul.f32 v3, v1;
	_ =	sdelay $0x1  }
0x542: {  	v1 =	vmul.f32 v1, v58;
	_ =	sdelay $0x1  }
0x543: {  	v1 =	vadd.f32 v1, v2;
	_ =	sdelay $0x1  }
0x544: {  	[tilespmem:s4+$0x1D7A0] =	vst v1;
	v1 =	vld [tilespmem:s4+$0x1D7B0]  }
0x545: {  	v2 =	vld [tilespmem:$0x1E5B0];
	_ =	sdelay $0x1  }
0x546: {  	v3 =	vld [tilespmem:$0x1E630];
	_ =	sdelay $0x1  }
0x547: {  	v59 =	vld [tilespmem:$0x141B0]  }
0x548: {  	v1 =	vsub.f32 v1, v2  }
0x549: {  	v2 =	vld [tilespmem:$0x14230]  }
0x54a: {  	v1 =	vmul.f32 v3, v1;
	_ =	sdelay $0x1  }
0x54b: {  	v1 =	vmul.f32 v1, v59;
	_ =	sdelay $0x1  }
0x54c: {  	v1 =	vadd.f32 v1, v2;
	_ =	sdelay $0x1  }
0x54d: {  	[tilespmem:s4+$0x1D7B0] =	vst v1;
	v1 =	vld [tilespmem:s4+$0x1D7C0]  }
0x54e: {  	v2 =	vld [tilespmem:$0x1E5C0];
	_ =	sdelay $0x1  }
0x54f: {  	v3 =	vld [tilespmem:$0x1E640];
	_ =	sdelay $0x1  }
0x550: {  	v60 =	vld [tilespmem:$0x141C0]  }
0x551: {  	v1 =	vsub.f32 v1, v2  }
0x552: {  	v2 =	vld [tilespmem:$0x14240]  }
0x553: {  	v1 =	vmul.f32 v3, v1;
	_ =	sdelay $0x1  }
0x554: {  	v1 =	vmul.f32 v1, v60;
	_ =	sdelay $0x1  }
0x555: {  	v1 =	vadd.f32 v1, v2;
	_ =	sdelay $0x1  }
0x556: {  	[tilespmem:s4+$0x1D7C0] =	vst v1;
	v1 =	vld [tilespmem:s4+$0x1D7D0]  }
0x557: {  	v2 =	vld [tilespmem:$0x1E5D0];
	_ =	sdelay $0x1  }
0x558: {  	v3 =	vld [tilespmem:$0x1E650];
	_ =	sdelay $0x1  }
0x559: {  	v61 =	vld [tilespmem:$0x141D0]  }
0x55a: {  	v1 =	vsub.f32 v1, v2  }
0x55b: {  	v2 =	vld [tilespmem:$0x14250]  }
0x55c: {  	v1 =	vmul.f32 v3, v1;
	_ =	sdelay $0x1  }
0x55d: {  	v1 =	vmul.f32 v1, v61;
	_ =	sdelay $0x1  }
0x55e: {  	v1 =	vadd.f32 v1, v2;
	_ =	sdelay $0x1  }
0x55f: {  	[tilespmem:s4+$0x1D7D0] =	vst v1;
	v1 =	vld [tilespmem:s4+$0x1D7E0]  }
0x560: {  	v2 =	vld [tilespmem:$0x1E5E0];
	_ =	sdelay $0x1  }
0x561: {  	v3 =	vld [tilespmem:$0x1E660];
	_ =	sdelay $0x1  }
0x562: {  	v62 =	vld [tilespmem:$0x141E0]  }
0x563: {  	v1 =	vsub.f32 v1, v2  }
0x564: {  	v2 =	vld [tilespmem:$0x14260]  }
0x565: {  	v1 =	vmul.f32 v3, v1;
	_ =	sdelay $0x1  }
0x566: {  	v1 =	vmul.f32 v1, v62;
	_ =	sdelay $0x1  }
0x567: {  	v1 =	vadd.f32 v1, v2;
	_ =	sdelay $0x1  }
0x568: {  	[tilespmem:s4+$0x1D7E0] =	vst v1;
	v1 =	vld [tilespmem:s4+$0x1D7F0]  }
0x569: {  	v2 =	vld [tilespmem:$0x1E5F0];
	_ =	sdelay $0x1  }
0x56a: {  	v3 =	vld [tilespmem:$0x1E670];
	_ =	sdelay $0x1  }
0x56b: {  	v63 =	vld [tilespmem:$0x141F0]  }
0x56c: {  	v1 =	vsub.f32 v1, v2  }
0x56d: {  	v2 =	vld [tilespmem:$0x14270]  }
0x56e: {  	v1 =	vmul.f32 v3, v1;
	_ =	sdelay $0x1  }
0x56f: {  	v1 =	vmul.f32 v1, v63;
	_ =	sdelay $0x1  }
0x570: {  	v1 =	vadd.f32 v1, v2  }
0x571: {  	s8 =	sshll.u32 s8, $0x4  }
.Ltmp21:
0x572: {  	s30 =	sadd.s32 s18, s8;
	[tilespmem:s4+$0x1D7F0] =	vst v1;
	(pc) =	sbr.rel .LBB2_28-.Ltmp21, $4  }
0x573: {  	[hbm4b:s30+s19] =	stream.linear.scatter [tilespmem:s25], [sflag:$0x6], $0x800, $0x38;
	[tilespmem:$0x1E700] =	vst v63  }
0x574: {  	_ =	swait.ge [sflag:s23], $0x800  }
0x575: {  	[sflag:s23] =	ssyncset.done $0x0  }
0x576: {  	[sflag:s23] =	ssyncadd.s32 $0xFFFFF800  }
.LBB2_35:
0x577: {  	s13 =	sadd.s32 $0x1, s13  }
0x578: {  	p3 =	sne.s32 s13, $0x28  }
.Ltmp22:
0x579: {  	_ = 	snop;
	(pc) =	sbr.rel @!p3 .LBB2_36-.Ltmp22, $2  }
0x57a: {  	_ =	sdelay $0x2  }
0x57b: {  	s8 =	sadd.s32 $0x10, s8  }
.LBB2_31:
0x57c: {  	s4 =	sshll.u32 s13, $0x4  }
0x57d: {  	s4 =	sadd.s32 s11, s4  }
0x57e: {  	p3 =	sgt.u32 s4, $0x270F  }
.Ltmp23:
0x57f: {  	_ = 	snop;
	(pc) =	sbr.rel @p3 .LBB2_35-.Ltmp23, $1  }
0x580: {  	_ =	sdelay $0x3  }
0x581: {  	s4 =	sshll.u32 s4, $0x7  }
0x582: {  	s4 =	sand.u32 $0x3FFFFF80, s4  }
0x583: {  	s4 =	sadd.s32 s4, s3  }
0x584: {  	[tilespmem:s25], [sflag:$0x6] =	stream.linear.gather [spmem:s4], $0x800, $0x38;
	[tilespmem:$0x1E700] =	vst v63  }
0x585: {  	_ =	swait.ge [sflag:s23], $0x800  }
0x586: {  	[sflag:s23] =	ssyncset.done $0x0  }
0x587: {  	[sflag:s23] =	ssyncadd.s32 $0xFFFFF800  }
0x588: {  	s15 =	simm.s32 $0x1D7C0;
	v1 =	vld [tilespmem:$0x1E680]  }
0x589: {  	s17 =	simm.s32 $0x1;
	s4 =	simm.s32 $0x0;
	v2 =	vld [tilespmem:s15+$0xFFFFFFC0]  }
.LBB2_33:
0x58a: {  	p3 =	sne.s32 s17, $0xF;
	v3 =	vld [tilespmem:s15+$0xFFFFFFD0]  }
0x58b: {  	v4 =	vld [tilespmem:$0x1E690]  }
0x58c: {  	v5 =	vld [tilespmem:s15+$0xFFFFFFE0]  }
0x58d: {  	v6 =	vld [tilespmem:$0x1E6A0]  }
0x58e: {  	v1 =	vmul.f32 v1, v2;
	v2 =	vld [tilespmem:s15+$0xFFFFFFF0]  }
0x58f: {  	v7 =	vld [tilespmem:$0x1E6B0]  }
0x590: {  	v1 =	vadd.f32 $0.0e+00, v1;
	v3 =	vmul.f32 v4, v3;
	v4 =	vld [tilespmem:s15+$0x0]  }
0x591: {  	v8 =	vld [tilespmem:$0x1E6C0]  }
0x592: {  	v1 =	vadd.f32 v3, v1;
	v3 =	vmul.f32 v6, v5;
	v5 =	vld [tilespmem:s15+$0x10]  }
0x593: {  	v6 =	vld [tilespmem:$0x1E6D0]  }
0x594: {  	v1 =	vadd.f32 v3, v1;
	v2 =	vmul.f32 v7, v2;
	v3 =	vld [tilespmem:s15+$0x20]  }
0x595: {  	v7 =	vld [tilespmem:$0x1E6E0]  }
0x596: {  	v1 =	vadd.f32 v2, v1;
	v2 =	vmul.f32 v8, v4;
	v4 =	vld [tilespmem:s15+$0x30]  }
0x597: {  	v8 =	vld [tilespmem:$0x1E6F0]  }
0x598: {  	v1 =	vadd.f32 v2, v1;
	v2 =	vmul.f32 v6, v5;
	_ =	sdelay $0x1  }
0x599: {  	v1 =	vadd.f32 v2, v1;
	v2 =	vmul.f32 v7, v3;
	_ =	sdelay $0x1  }
0x59a: {  	v1 =	vadd.f32 v2, v1;
	v2 =	vmul.f32 v8, v4;
	_ =	sdelay $0x1  }
0x59b: {  	v1 =	vadd.f32 v2, v1;
	_ =	sdelay $0x1  }
0x59c: {  	(xrf2) =	vadd.scan.msk.f32 $0xffff, v1;
	_ =	sdelay $0x9  }
0x59d: {  	v1, _, _ =	vpop (xrf2)  }
0x59e: {  	(v2sf) =	vpush v1, $0xF;
	_ =	sdelay $0xc  }
0x59f: {  	s18 =	sadd.s32 s4, s8;
	s4 =	smov.u32 s17  }
0x5a0: {  	v1 =	vmov s18  }
0x5a1: {  	s18 =	spop (v2sf)  }
0x5a2: {  	s18 =	sadd.f32 s18, s1  }
.Ltmp24:
0x5a3: {  	(pc) =	sbr.rel @p3 .LBB2_33-.Ltmp24, $4  }
0x5a4: {  	v2 =	vmov s18  }
0x5a5: {  	[tilespmem:v1+s0+$0x0] =	vst.idx.msk $0x1, v2  }
0x5a6: {  	s15 =	sadd.s32 $0x80, s15;
	v1 =	vld [tilespmem:$0x1E680]  }
0x5a7: {  	s17 =	sadd.s32 $0x1, s17;
	v2 =	vld [tilespmem:s15+$0xFFFFFFC0]  }
0x5a8: {  	v3 =	vld [tilespmem:s15+$0xFFFFFFD0]  }
0x5a9: {  	v4 =	vld [tilespmem:$0x1E690]  }
0x5aa: {  	v5 =	vld [tilespmem:s15+$0xFFFFFFE0]  }
0x5ab: {  	v6 =	vld [tilespmem:$0x1E6A0]  }
0x5ac: {  	v7 =	vld [tilespmem:$0x1E6B0];
	v1 =	vmul.f32 v1, v2  }
0x5ad: {  	v2 =	vld [tilespmem:s15+$0xFFFFFFF0]  }
0x5ae: {  	v58 =	vld [tilespmem:s15+$0x0];
	v3 =	vmul.f32 v4, v3;
	v1 =	vadd.f32 $0.0e+00, v1  }
0x5af: {  	v8 =	vld [tilespmem:$0x1E6C0]  }
0x5b0: {  	v59 =	vld [tilespmem:s15+$0x10];
	v1 =	vadd.f32 v3, v1;
	v3 =	vmul.f32 v6, v5  }
0x5b1: {  	v60 =	vld [tilespmem:$0x1E6D0]  }
0x5b2: {  	v61 =	vld [tilespmem:$0x1E6E0];
	v2 =	vmul.f32 v7, v2;
	v1 =	vadd.f32 v3, v1  }
0x5b3: {  	v3 =	vld [tilespmem:s15+$0x20]  }
0x5b4: {  	v62 =	vld [tilespmem:s15+$0x30];
	v1 =	vadd.f32 v2, v1;
	v2 =	vmul.f32 v8, v58  }
0x5b5: {  	v63 =	vld [tilespmem:$0x1E6F0]  }
0x5b6: {  	v1 =	vadd.f32 v2, v1;
	v2 =	vmul.f32 v60, v59;
	_ =	sdelay $0x1  }
0x5b7: {  	v1 =	vadd.f32 v2, v1;
	v2 =	vmul.f32 v61, v3;
	_ =	sdelay $0x1  }
0x5b8: {  	v1 =	vadd.f32 v2, v1;
	v2 =	vmul.f32 v63, v62;
	_ =	sdelay $0x1  }
0x5b9: {  	v1 =	vadd.f32 v2, v1;
	_ =	sdelay $0x1  }
0x5ba: {  	(xrf2) =	vadd.scan.msk.f32 $0xffff, v1;
	_ =	sdelay $0x9  }
0x5bb: {  	v1, _, _ =	vpop (xrf2)  }
0x5bc: {  	(v2sf) =	vpush v1, $0xF;
	_ =	sdelay $0xc  }
0x5bd: {  	s4 =	sadd.s32 s4, s8  }
0x5be: {  	v1 =	vmov s4  }
.Ltmp25:
0x5bf: {  	s30 =	spop (v2sf);
	(pc) =	sbr.rel .LBB2_35-.Ltmp25, $3  }
0x5c0: {  	s4 =	sadd.f32 s30, s1;
	_ =	sdelay $0x1  }
0x5c1: {  	v2 =	vmov s4  }
0x5c2: {  	[tilespmem:v1+s0+$0x0] =	vst.idx.msk $0x1, v2  }
.LBB2_38:
0x5c3: {  	_ =	sfence.sel $0x180000  }
0x5c4: {  	[bflag:$0x0] =	sbarrier.arrive $0xFFFF  }
0x5c5: {  	_ =	strace $0x90000047  }
0x5c6: {  	s0 =	stileid.u32;
	[bflag:$0x2] =	sbarrier.arrive $0xFFFF  }
0x5c7: {  	p0 =	sne.s32 s0, $0x0;
	s0 =	rddreg [dreg:$0x8]  }
0x5c8: {  	s0 =	sadd.s32 @!p0 $0x100000, s0  }
0x5c9: {  	[sflag:s0] =	ssyncadd.tile.s32 @!p0 $0x1;
	_ =	shalt  }
.Lfunc_end2:
_tile_overlayer_lowered:
.L_overlay_start_2:
0x5ca: {  	(tag) =	ssettag $0x2  }
0x5cb: {  	s0 =	rddreg [dreg:$0x0];
	s2 =	stileid.u32  }
0x5cc: {  	s1 =	rddreg [dreg:$0x1];
	p0 =	sne.s32 s2, $0x0  }
0x5cd: {  	s3 =	rddreg [dreg:$0x2];
	[bflag:$0x3] =	sbarrier.arrive $0xFFFF;
	s2 =	simm.s32 @!p0 $0x1C06  }
0x5ce: {  	[timem:s3], [sflag:s2] =	dma.local @!p0 [hbm:s0], s1  }
0x5cf: {  	s0 =	simm.s32 @!p0 $0x6  }
0x5d0: {  	_ =	swait.ge @!p0 [sflag:s0], s1  }
0x5d1: {  	s1 =	ssub.s32 @!p0 $0x0, s1;
	[sflag:s0] =	ssyncset.done @!p0 $0x0  }
0x5d2: {  	[sflag:s0] =	ssyncadd.s32 @!p0 s1  }
0x5d3: {  	[bflag:$0x3] =	sbarrier.arrive $0xFFFF  }
0x5d4: {  	_ =	shalt  }

</sc_bundles>
